<compile_context>
chip_gen: v7x
topology: tpu7x:2x2x1
jax: 0.10.2.dev20260603
libtpu: 0.0.44.dev20260713+nightly
codegen_flags: <defaults>
</compile_context>

<pallas_src>
import functools

import jax
import jax.numpy as jnp
from jax import lax
from jax.experimental import pallas as pl
from jax.experimental.pallas import tpu as pltpu
from jax.experimental.pallas import tpu_sc as plsc

T = 200
D = 64
B = 4096
V = 100000

NC = 2
NS = 16
NW = NC * NS
LOOK = B * T
PER_W = LOOK // NW
CHUNK = 128
NCHUNK = PER_W // CHUNK
LANES = 16


def _body(x_hbm, tok_hbm, pos_hbm, out_hbm, idx_v, pos2_v,
          g0, g1, c0, c1, gsa0, gsa1, gsb0, gsb1, ss0, ss1):
    gbufs = (g0, g1)
    cbufs = (c0, c1)
    gsemsa = (gsa0, gsa1)
    gsemsb = (gsb0, gsb1)
    ssems = (ss0, ss1)
    HALF = CHUNK // 2

    wid = lax.axis_index("s") * NC + lax.axis_index("c")
    row_base = wid * PER_W

    pltpu.sync_copy(x_hbm.at[pl.ds(wid * NCHUNK, NCHUNK), :], idx_v)
    pltpu.sync_copy(pos_hbm, pos2_v)

    def g_copy(k, half, j):
        sem = (gsemsa, gsemsb)[half][j]
        return pltpu.make_async_copy(
            tok_hbm.at[idx_v.at[k, pl.ds(half * HALF, HALF)]],
            gbufs[j].at[pl.ds(half * HALF, HALF), :], sem)

    def s_copy(k, j):
        return pltpu.make_async_copy(
            cbufs[j], out_hbm.at[pl.ds(row_base + k * CHUNK, CHUNK), :],
            ssems[j])

    def add_rows(gbuf, cbuf, p0, lo, hi, wrapped):
        @plsc.parallel_loop(lo, hi, unroll=2)
        def _add(r):
            pr = p0 + r - T if wrapped else p0 + r
            for jj in range(D // LANES):
                s = pl.ds(jj * LANES, LANES)
                cbuf[r, s] = gbuf[r, s] + pos2_v[pr, s]

    def step(kk, j, swait, prefetch):
        p0 = lax.rem(kk * CHUNK, T)
        n1 = jnp.minimum(CHUNK, T - p0)
        a = jnp.clip(n1, 0, HALF)
        b = jnp.clip(n1, HALF, CHUNK)
        gbuf = gbufs[j]
        cbuf = cbufs[j]

        g_copy(kk, 0, j).wait()
        if swait:
            s_copy(kk - 2, j).wait()
        add_rows(gbuf, cbuf, p0, 0, a, False)
        add_rows(gbuf, cbuf, p0, a, HALF, True)
        if prefetch:
            g_copy(kk + 2, 0, j).start()
        g_copy(kk, 1, j).wait()
        add_rows(gbuf, cbuf, p0, HALF, b, False)
        add_rows(gbuf, cbuf, p0, b, CHUNK, True)
        if prefetch:
            g_copy(kk + 2, 1, j).start()
        s_copy(kk, j).start()

    for k, j in ((0, 0), (1, 1)):
        g_copy(k, 0, j).start()
        g_copy(k, 1, j).start()
    step(0, 0, False, True)
    step(1, 1, False, True)

    @pl.loop(0, (NCHUNK - 4) // 2)
    def _main(i):
        k0 = 2 + i * 2
        step(k0, 0, True, True)
        step(k0 + 1, 1, True, True)

    step(NCHUNK - 2, 0, True, False)
    step(NCHUNK - 1, 1, True, False)
    s_copy(NCHUNK - 2, 0).wait()
    s_copy(NCHUNK - 1, 1).wait()


@functools.partial(jax.jit, static_argnames=())
def kernel(x, token_table, pos_table):
    x2 = x.astype(jnp.int32).reshape(LOOK // 128, 128)
    tok_p = jnp.pad(token_table, ((0, 0), (0, 128 - D)))
    f = pl.kernel(
        _body,
        out_type=jax.ShapeDtypeStruct((LOOK, D), jnp.float32),
        mesh=plsc.VectorSubcoreMesh(core_axis_name="c", subcore_axis_name="s"),
        compiler_params=pltpu.CompilerParams(use_tc_tiling_on_sc=True),
        scratch_types=[
            pltpu.VMEM((NCHUNK, 128), jnp.int32),
            pltpu.VMEM((T, D), jnp.float32),
        ] + [pltpu.VMEM((CHUNK, 128), jnp.float32)] * 2
          + [pltpu.VMEM((CHUNK, D), jnp.float32)] * 2
          + [pltpu.SemaphoreType.DMA] * 6,
    )
    out = f(x2, tok_p, pos_table)
    return out.reshape(B, T, D)

# --- scband reference (transcript-rebuilt; emitter-appended) ---
"""Pipeline reference for scband-token-and-position-embedding-5411658793604 (READ-ONLY COPY).

The authoritative reference and input builder live on the scoring server;
editing this copy changes nothing except your own understanding.
"""

import jax, jax.numpy as jnp
import numpy as np

VOCAB_SIZE = 100000
MAXLEN = 200
EMBED_DIM = 64
BATCH = 4096

def setup_inputs(seed: int = 0) -> dict:
    key = jax.random.key(seed)
    k1, k2, k3 = jax.random.split(key, 3)
    x = jax.random.randint(k1, (BATCH, MAXLEN), 0, VOCAB_SIZE, dtype=jnp.int64 if jax.config.jax_enable_x64 else jnp.int32)
    token_table = jax.random.normal(k2, (VOCAB_SIZE, EMBED_DIM), dtype=jnp.float32) * 0.02
    pos_table = jax.random.normal(k3, (MAXLEN, EMBED_DIM), dtype=jnp.float32) * 0.02
    return {"x": x, "token_table": token_table, "pos_table": pos_table}

def reference(x, token_table, pos_table):
    # maxlen = tf.shape(x)[-1]; positions = range(maxlen)
    maxlen = x.shape[-1]
    positions = jnp.arange(0, maxlen)
    pos_emb = jnp.take(pos_table, positions, axis=0)  # [maxlen, embed_dim]
    tok_emb = jnp.take(token_table, x, axis=0)        # [B, maxlen, embed_dim]
    return tok_emb + pos_emb

if __name__ == "__main__":
    import jax
    _d = setup_inputs()
    print(jax.jit(kernel)(*tuple(_d.values())))

</pallas_src>

<mosaic_0001>
#map = affine_map<(d0, d1) -> (0, 0)>
module attributes {stable_mosaic.version = 14 : i64} {
  func.func @_body(%arg0: i32, %arg1: i32, %arg2: memref<6400x128xi32, #tpu.memory_space<hbm>>, %arg3: memref<100000x128xf32, #tpu.memory_space<hbm>>, %arg4: memref<200x64xf32, #tpu.memory_space<hbm>>, %arg5: memref<819200x64xf32, #tpu.memory_space<hbm>>, %arg6: memref<200x128xi32, #tpu.memory_space<vmem>>, %arg7: memref<200x64xf32, #tpu.memory_space<vmem>>, %arg8: memref<128x128xf32, #tpu.memory_space<vmem>>, %arg9: memref<128x128xf32, #tpu.memory_space<vmem>>, %arg10: memref<128x64xf32, #tpu.memory_space<vmem>>, %arg11: memref<128x64xf32, #tpu.memory_space<vmem>>, %arg12: memref<!tpu.dma_semaphore, #tpu.memory_space<semaphore_mem>>, %arg13: memref<!tpu.dma_semaphore, #tpu.memory_space<semaphore_mem>>, %arg14: memref<!tpu.dma_semaphore, #tpu.memory_space<semaphore_mem>>, %arg15: memref<!tpu.dma_semaphore, #tpu.memory_space<semaphore_mem>>, %arg16: memref<!tpu.dma_semaphore, #tpu.memory_space<semaphore_mem>>, %arg17: memref<!tpu.dma_semaphore, #tpu.memory_space<semaphore_mem>>) attributes {dimension_semantics = [#tpu.dimension_semantics<core_parallel>, #tpu.dimension_semantics<subcore_parallel>], iteration_bounds = array<i64: 2, 16>, scalar_prefetch = 0 : i64, scratch_operands = 12 : i64, tpu.core_type = #tpu.core_type<sc_vector_subcore>, window_params = [{transform_indices = #map}, {transform_indices = #map}, {transform_indices = #map}, {transform_indices = #map}]} {
    %mul3A = arith.constant 2 : i32
    %mul3A_0 = arith.muli %arg1, %mul3A : i32
    %add3A = arith.addi %mul3A_0, %arg0 : i32
    %mul3A_1 = arith.constant 25600 : i32
    %mul3A_2 = arith.muli %add3A, %mul3A_1 : i32
    %mul3A_3 = arith.constant 200 : i32
    %mul3A_4 = arith.muli %add3A, %mul3A_3 : i32
    "tpu.region"() ({
      %run_scoped3A = tpu.sem_alloc : memref<!tpu.dma_semaphore, #tpu.memory_space<semaphore_mem>>
      %dma_start3A_301 = arith.constant 0 : i32
      %dma_start3A_302 = tpu.memref_slice %arg2[%mul3A_4, %dma_start3A_301] : memref<6400x128xi32, #tpu.memory_space<hbm>> -> memref<200x128xi32, #tpu.memory_space<hbm>>
      %dma_start3A_303 = arith.constant 0 : i32
      %dma_start3A_304 = tpu.memref_slice %arg2[%mul3A_4, %dma_start3A_303] : memref<6400x128xi32, #tpu.memory_space<hbm>> -> memref<200x128xi32, #tpu.memory_space<hbm>>
      tpu.enqueue_dma source(%dma_start3A_304 : memref<200x128xi32, #tpu.memory_space<hbm>>) target(%arg6 : memref<200x128xi32, #tpu.memory_space<vmem>>) target_semaphore(%run_scoped3A : memref<!tpu.dma_semaphore, #tpu.memory_space<semaphore_mem>>)
      %dma_wait3A_305 = arith.constant 0 : i32
      %dma_wait3A_306 = tpu.memref_slice %arg2[%mul3A_4, %dma_wait3A_305] : memref<6400x128xi32, #tpu.memory_space<hbm>> -> memref<200x128xi32, #tpu.memory_space<hbm>>
      %dma_wait3A_307 = arith.constant 0 : i32
      %dma_wait3A_308 = tpu.memref_slice %arg2[%mul3A_4, %dma_wait3A_307] : memref<6400x128xi32, #tpu.memory_space<hbm>> -> memref<200x128xi32, #tpu.memory_space<hbm>>
      tpu.wait_dma2 semaphore(%run_scoped3A : memref<!tpu.dma_semaphore, #tpu.memory_space<semaphore_mem>>) src(%dma_wait3A_308 : memref<200x128xi32, #tpu.memory_space<hbm>>) dst(%arg6 : memref<200x128xi32, #tpu.memory_space<vmem>>)
      tpu.yield
    }) : () -> ()
    "tpu.region"() ({
      %run_scoped3A = tpu.sem_alloc : memref<!tpu.dma_semaphore, #tpu.memory_space<semaphore_mem>>
      tpu.enqueue_dma source(%arg4 : memref<200x64xf32, #tpu.memory_space<hbm>>) target(%arg7 : memref<200x64xf32, #tpu.memory_space<vmem>>) target_semaphore(%run_scoped3A : memref<!tpu.dma_semaphore, #tpu.memory_space<semaphore_mem>>)
      tpu.wait_dma2 semaphore(%run_scoped3A : memref<!tpu.dma_semaphore, #tpu.memory_space<semaphore_mem>>) src(%arg4 : memref<200x64xf32, #tpu.memory_space<hbm>>) dst(%arg7 : memref<200x64xf32, #tpu.memory_space<vmem>>)
      tpu.yield
    }) : () -> ()
    %dma_start3A = arith.constant 0 : i32
    %dma_start3A_5 = arith.constant 0 : i32
    %dma_start3A_6 = arith.constant 0 : i32
    %dma_start3A_7 = tpu.memref_slice %arg8[%dma_start3A_5, %dma_start3A_6] : memref<128x128xf32, #tpu.memory_space<vmem>> -> memref<64x128xf32, #tpu.memory_space<vmem>>
    %dma_start3A_8 = arith.constant 0 : i32
    %dma_start3A_9 = tpu.memref_slice %arg6[%dma_start3A, %dma_start3A_8] : memref<200x128xi32, #tpu.memory_space<vmem>> -> memref<1x64xi32, #tpu.memory_space<vmem>>
    %dma_start3A_10 = tpu.memref_squeeze %dma_start3A_9 : memref<1x64xi32, #tpu.memory_space<vmem>> -> memref<64xi32, #tpu.memory_space<vmem>>
    %dma_start3A_11 = arith.constant 0 : i32
    %dma_start3A_12 = arith.constant 0 : i32
    %dma_start3A_13 = tpu.memref_slice %arg3[%dma_start3A_11, %dma_start3A_12] : memref<100000x128xf32, #tpu.memory_space<hbm>> -> memref<100000x128xf32, #tpu.memory_space<hbm>>
    tpu.enqueue_indirect_dma source(%dma_start3A_13 : memref<100000x128xf32, #tpu.memory_space<hbm>>) target(%dma_start3A_7 : memref<64x128xf32, #tpu.memory_space<vmem>>) offsets(%dma_start3A_10 : memref<64xi32, #tpu.memory_space<vmem>>) semaphore(%arg12 : memref<!tpu.dma_semaphore, #tpu.memory_space<semaphore_mem>>)
    %dma_start3A_14 = arith.constant 0 : i32
    %dma_start3A_15 = arith.constant 64 : i32
    %dma_start3A_16 = arith.constant 0 : i32
    %dma_start3A_17 = tpu.memref_slice %arg8[%dma_start3A_15, %dma_start3A_16] : memref<128x128xf32, #tpu.memory_space<vmem>> -> memref<64x128xf32, #tpu.memory_space<vmem>>
    %dma_start3A_18 = arith.constant 64 : i32
    %dma_start3A_19 = tpu.memref_slice %arg6[%dma_start3A_14, %dma_start3A_18] : memref<200x128xi32, #tpu.memory_space<vmem>> -> memref<1x64xi32, #tpu.memory_space<vmem>>
    %dma_start3A_20 = tpu.memref_squeeze %dma_start3A_19 : memref<1x64xi32, #tpu.memory_space<vmem>> -> memref<64xi32, #tpu.memory_space<vmem>>
    %dma_start3A_21 = arith.constant 0 : i32
    %dma_start3A_22 = arith.constant 0 : i32
    %dma_start3A_23 = tpu.memref_slice %arg3[%dma_start3A_21, %dma_start3A_22] : memref<100000x128xf32, #tpu.memory_space<hbm>> -> memref<100000x128xf32, #tpu.memory_space<hbm>>
    tpu.enqueue_indirect_dma source(%dma_start3A_23 : memref<100000x128xf32, #tpu.memory_space<hbm>>) target(%dma_start3A_17 : memref<64x128xf32, #tpu.memory_space<vmem>>) offsets(%dma_start3A_20 : memref<64xi32, #tpu.memory_space<vmem>>) semaphore(%arg14 : memref<!tpu.dma_semaphore, #tpu.memory_space<semaphore_mem>>)
    %dma_start3A_24 = arith.constant 1 : i32
    %dma_start3A_25 = arith.constant 0 : i32
    %dma_start3A_26 = arith.constant 0 : i32
    %dma_start3A_27 = tpu.memref_slice %arg9[%dma_start3A_25, %dma_start3A_26] : memref<128x128xf32, #tpu.memory_space<vmem>> -> memref<64x128xf32, #tpu.memory_space<vmem>>
    %dma_start3A_28 = arith.constant 0 : i32
    %dma_start3A_29 = tpu.memref_slice %arg6[%dma_start3A_24, %dma_start3A_28] : memref<200x128xi32, #tpu.memory_space<vmem>> -> memref<1x64xi32, #tpu.memory_space<vmem>>
    %dma_start3A_30 = tpu.memref_squeeze %dma_start3A_29 : memref<1x64xi32, #tpu.memory_space<vmem>> -> memref<64xi32, #tpu.memory_space<vmem>>
    %dma_start3A_31 = arith.constant 0 : i32
    %dma_start3A_32 = arith.constant 0 : i32
    %dma_start3A_33 = tpu.memref_slice %arg3[%dma_start3A_31, %dma_start3A_32] : memref<100000x128xf32, #tpu.memory_space<hbm>> -> memref<100000x128xf32, #tpu.memory_space<hbm>>
    tpu.enqueue_indirect_dma source(%dma_start3A_33 : memref<100000x128xf32, #tpu.memory_space<hbm>>) target(%dma_start3A_27 : memref<64x128xf32, #tpu.memory_space<vmem>>) offsets(%dma_start3A_30 : memref<64xi32, #tpu.memory_space<vmem>>) semaphore(%arg13 : memref<!tpu.dma_semaphore, #tpu.memory_space<semaphore_mem>>)
    %dma_start3A_34 = arith.constant 1 : i32
    %dma_start3A_35 = arith.constant 64 : i32
    %dma_start3A_36 = arith.constant 0 : i32
    %dma_start3A_37 = tpu.memref_slice %arg9[%dma_start3A_35, %dma_start3A_36] : memref<128x128xf32, #tpu.memory_space<vmem>> -> memref<64x128xf32, #tpu.memory_space<vmem>>
    %dma_start3A_38 = arith.constant 64 : i32
    %dma_start3A_39 = tpu.memref_slice %arg6[%dma_start3A_34, %dma_start3A_38] : memref<200x128xi32, #tpu.memory_space<vmem>> -> memref<1x64xi32, #tpu.memory_space<vmem>>
    %dma_start3A_40 = tpu.memref_squeeze %dma_start3A_39 : memref<1x64xi32, #tpu.memory_space<vmem>> -> memref<64xi32, #tpu.memory_space<vmem>>
    %dma_start3A_41 = arith.constant 0 : i32
    %dma_start3A_42 = arith.constant 0 : i32
    %dma_start3A_43 = tpu.memref_slice %arg3[%dma_start3A_41, %dma_start3A_42] : memref<100000x128xf32, #tpu.memory_space<hbm>> -> memref<100000x128xf32, #tpu.memory_space<hbm>>
    tpu.enqueue_indirect_dma source(%dma_start3A_43 : memref<100000x128xf32, #tpu.memory_space<hbm>>) target(%dma_start3A_37 : memref<64x128xf32, #tpu.memory_space<vmem>>) offsets(%dma_start3A_40 : memref<64xi32, #tpu.memory_space<vmem>>) semaphore(%arg15 : memref<!tpu.dma_semaphore, #tpu.memory_space<semaphore_mem>>)
    %rem3A = arith.constant 0 : i32
    %rem3A_44 = arith.constant 200 : i32
    %rem3A_45 = arith.remsi %rem3A, %rem3A_44 : i32
    %sub3A = arith.constant 200 : i32
    %sub3A_46 = arith.subi %sub3A, %rem3A_45 : i32
    %min3A = arith.constant 128 : i32
    %min3A_47 = arith.minsi %min3A, %sub3A_46 : i32
    %jit3A = arith.constant 0 : i32
    %jit3A_48 = arith.constant 64 : i32
    %max3A = arith.maxsi %jit3A, %min3A_47 : i32
    %min3A_49 = arith.minsi %jit3A_48, %max3A : i32
    %jit3A_50 = arith.constant 64 : i32
    %jit3A_51 = arith.constant 128 : i32
    %max3A_52 = arith.maxsi %jit3A_50, %min3A_47 : i32
    %min3A_53 = arith.minsi %jit3A_51, %max3A_52 : i32
    %dma_wait3A = arith.constant 0 : i32
    %dma_wait3A_54 = arith.constant 0 : i32
    %dma_wait3A_55 = arith.constant 0 : i32
    %dma_wait3A_56 = tpu.memref_slice %arg8[%dma_wait3A_54, %dma_wait3A_55] : memref<128x128xf32, #tpu.memory_space<vmem>> -> memref<64x128xf32, #tpu.memory_space<vmem>>
    %dma_wait3A_57 = arith.constant 0 : i32
    %dma_wait3A_58 = tpu.memref_slice %arg6[%dma_wait3A, %dma_wait3A_57] : memref<200x128xi32, #tpu.memory_space<vmem>> -> memref<1x64xi32, #tpu.memory_space<vmem>>
    %dma_wait3A_59 = tpu.memref_squeeze %dma_wait3A_58 : memref<1x64xi32, #tpu.memory_space<vmem>> -> memref<64xi32, #tpu.memory_space<vmem>>
    %dma_wait3A_60 = arith.constant 0 : i32
    %dma_wait3A_61 = arith.constant 0 : i32
    %dma_wait3A_62 = tpu.memref_slice %arg3[%dma_wait3A_60, %dma_wait3A_61] : memref<100000x128xf32, #tpu.memory_space<hbm>> -> memref<100000x128xf32, #tpu.memory_space<hbm>>
    tpu.wait_indirect_dma semaphore(%arg12 : memref<!tpu.dma_semaphore, #tpu.memory_space<semaphore_mem>>) src(%dma_wait3A_62 : memref<100000x128xf32, #tpu.memory_space<hbm>>) dst(%dma_wait3A_56 : memref<64x128xf32, #tpu.memory_space<vmem>>)
    %parallel_loop3A = arith.constant 0 : i32
    %parallel_loop3A_63 = arith.constant 1 : i32
    scf.for %parallel_loop3A_301 = %parallel_loop3A to %min3A_49 step %parallel_loop3A_63  : i32 {
      %parallel_loop3A_302 = arith.addi %rem3A_45, %parallel_loop3A_301 : i32
      %parallel_loop3A_303 = arith.index_cast %parallel_loop3A_301 : i32 to index
      %parallel_loop3A_304 = arith.constant 0 : index
      %parallel_loop3A_305 = tpu.vector_load %arg8[%parallel_loop3A_303, %parallel_loop3A_304] {strides = array<i32>} : memref<128x128xf32, #tpu.memory_space<vmem>>, vector<1x16xf32>,
      %parallel_loop3A_306 = vector.shape_cast %parallel_loop3A_305 : vector<1x16xf32> to vector<16xf32>
      %parallel_loop3A_307 = arith.index_cast %parallel_loop3A_302 : i32 to index
      %parallel_loop3A_308 = arith.constant 0 : index
      %parallel_loop3A_309 = tpu.vector_load %arg7[%parallel_loop3A_307, %parallel_loop3A_308] {strides = array<i32>} : memref<200x64xf32, #tpu.memory_space<vmem>>, vector<1x16xf32>,
      %parallel_loop3A_310 = vector.shape_cast %parallel_loop3A_309 : vector<1x16xf32> to vector<16xf32>
      %parallel_loop3A_311 = arith.addf %parallel_loop3A_306, %parallel_loop3A_310 : vector<16xf32>
      %parallel_loop3A_312 = arith.index_cast %parallel_loop3A_301 : i32 to index
      %parallel_loop3A_313 = arith.constant 0 : index
      %parallel_loop3A_314 = tpu.vector_load %arg10[%parallel_loop3A_312, %parallel_loop3A_313] {strides = array<i32>} : memref<128x64xf32, #tpu.memory_space<vmem>>, vector<1x16xf32>,
      %parallel_loop3A_315 = vector.shape_cast %parallel_loop3A_314 : vector<1x16xf32> to vector<16xf32>
      %parallel_loop3A_316 = vector.shape_cast %parallel_loop3A_311 : vector<16xf32> to vector<1x16xf32>
      tpu.vector_store %arg10[%parallel_loop3A_312, %parallel_loop3A_313], %parallel_loop3A_316 {strides = array<i32>} : memref<128x64xf32, #tpu.memory_space<vmem>>, vector<1x16xf32>,
      %parallel_loop3A_317 = arith.index_cast %parallel_loop3A_301 : i32 to index
      %parallel_loop3A_318 = arith.constant 16 : index
      %parallel_loop3A_319 = tpu.vector_load %arg8[%parallel_loop3A_317, %parallel_loop3A_318] {strides = array<i32>} : memref<128x128xf32, #tpu.memory_space<vmem>>, vector<1x16xf32>,
      %parallel_loop3A_320 = vector.shape_cast %parallel_loop3A_319 : vector<1x16xf32> to vector<16xf32>
      %parallel_loop3A_321 = arith.index_cast %parallel_loop3A_302 : i32 to index
      %parallel_loop3A_322 = arith.constant 16 : index
      %parallel_loop3A_323 = tpu.vector_load %arg7[%parallel_loop3A_321, %parallel_loop3A_322] {strides = array<i32>} : memref<200x64xf32, #tpu.memory_space<vmem>>, vector<1x16xf32>,
      %parallel_loop3A_324 = vector.shape_cast %parallel_loop3A_323 : vector<1x16xf32> to vector<16xf32>
      %parallel_loop3A_325 = arith.addf %parallel_loop3A_320, %parallel_loop3A_324 : vector<16xf32>
      %parallel_loop3A_326 = arith.index_cast %parallel_loop3A_301 : i32 to index
      %parallel_loop3A_327 = arith.constant 16 : index
      %parallel_loop3A_328 = tpu.vector_load %arg10[%parallel_loop3A_326, %parallel_loop3A_327] {strides = array<i32>} : memref<128x64xf32, #tpu.memory_space<vmem>>, vector<1x16xf32>,
      %parallel_loop3A_329 = vector.shape_cast %parallel_loop3A_328 : vector<1x16xf32> to vector<16xf32>
      %parallel_loop3A_330 = vector.shape_cast %parallel_loop3A_325 : vector<16xf32> to vector<1x16xf32>
      tpu.vector_store %arg10[%parallel_loop3A_326, %parallel_loop3A_327], %parallel_loop3A_330 {strides = array<i32>} : memref<128x64xf32, #tpu.memory_space<vmem>>, vector<1x16xf32>,
      %parallel_loop3A_331 = arith.index_cast %parallel_loop3A_301 : i32 to index
      %parallel_loop3A_332 = arith.constant 32 : index
      %parallel_loop3A_333 = tpu.vector_load %arg8[%parallel_loop3A_331, %parallel_loop3A_332] {strides = array<i32>} : memref<128x128xf32, #tpu.memory_space<vmem>>, vector<1x16xf32>,
      %parallel_loop3A_334 = vector.shape_cast %parallel_loop3A_333 : vector<1x16xf32> to vector<16xf32>
      %parallel_loop3A_335 = arith.index_cast %parallel_loop3A_302 : i32 to index
      %parallel_loop3A_336 = arith.constant 32 : index
      %parallel_loop3A_337 = tpu.vector_load %arg7[%parallel_loop3A_335, %parallel_loop3A_336] {strides = array<i32>} : memref<200x64xf32, #tpu.memory_space<vmem>>, vector<1x16xf32>,
      %parallel_loop3A_338 = vector.shape_cast %parallel_loop3A_337 : vector<1x16xf32> to vector<16xf32>
      %parallel_loop3A_339 = arith.addf %parallel_loop3A_334, %parallel_loop3A_338 : vector<16xf32>
      %parallel_loop3A_340 = arith.index_cast %parallel_loop3A_301 : i32 to index
      %parallel_loop3A_341 = arith.constant 32 : index
      %parallel_loop3A_342 = tpu.vector_load %arg10[%parallel_loop3A_340, %parallel_loop3A_341] {strides = array<i32>} : memref<128x64xf32, #tpu.memory_space<vmem>>, vector<1x16xf32>,
      %parallel_loop3A_343 = vector.shape_cast %parallel_loop3A_342 : vector<1x16xf32> to vector<16xf32>
      %parallel_loop3A_344 = vector.shape_cast %parallel_loop3A_339 : vector<16xf32> to vector<1x16xf32>
      tpu.vector_store %arg10[%parallel_loop3A_340, %parallel_loop3A_341], %parallel_loop3A_344 {strides = array<i32>} : memref<128x64xf32, #tpu.memory_space<vmem>>, vector<1x16xf32>,
      %parallel_loop3A_345 = arith.index_cast %parallel_loop3A_301 : i32 to index
      %parallel_loop3A_346 = arith.constant 48 : index
      %parallel_loop3A_347 = tpu.vector_load %arg8[%parallel_loop3A_345, %parallel_loop3A_346] {strides = array<i32>} : memref<128x128xf32, #tpu.memory_space<vmem>>, vector<1x16xf32>,
      %parallel_loop3A_348 = vector.shape_cast %parallel_loop3A_347 : vector<1x16xf32> to vector<16xf32>
      %parallel_loop3A_349 = arith.index_cast %parallel_loop3A_302 : i32 to index
      %parallel_loop3A_350 = arith.constant 48 : index
      %parallel_loop3A_351 = tpu.vector_load %arg7[%parallel_loop3A_349, %parallel_loop3A_350] {strides = array<i32>} : memref<200x64xf32, #tpu.memory_space<vmem>>, vector<1x16xf32>,
      %parallel_loop3A_352 = vector.shape_cast %parallel_loop3A_351 : vector<1x16xf32> to vector<16xf32>
      %parallel_loop3A_353 = arith.addf %parallel_loop3A_348, %parallel_loop3A_352 : vector<16xf32>
      %parallel_loop3A_354 = arith.index_cast %parallel_loop3A_301 : i32 to index
      %parallel_loop3A_355 = arith.constant 48 : index
      %parallel_loop3A_356 = tpu.vector_load %arg10[%parallel_loop3A_354, %parallel_loop3A_355] {strides = array<i32>} : memref<128x64xf32, #tpu.memory_space<vmem>>, vector<1x16xf32>,
      %parallel_loop3A_357 = vector.shape_cast %parallel_loop3A_356 : vector<1x16xf32> to vector<16xf32>
      %parallel_loop3A_358 = vector.shape_cast %parallel_loop3A_353 : vector<16xf32> to vector<1x16xf32>
      tpu.vector_store %arg10[%parallel_loop3A_354, %parallel_loop3A_355], %parallel_loop3A_358 {strides = array<i32>} : memref<128x64xf32, #tpu.memory_space<vmem>>, vector<1x16xf32>,
    } {sc.loop_unroll_factor = 2 : i64, sc.parallel_access}
    %parallel_loop3A_64 = arith.constant 64 : i32
    %parallel_loop3A_65 = arith.constant 1 : i32
    scf.for %parallel_loop3A_301 = %min3A_49 to %parallel_loop3A_64 step %parallel_loop3A_65  : i32 {
      %parallel_loop3A_302 = arith.addi %rem3A_45, %parallel_loop3A_301 : i32
      %parallel_loop3A_303 = arith.constant 200 : i32
      %parallel_loop3A_304 = arith.subi %parallel_loop3A_302, %parallel_loop3A_303 : i32
      %parallel_loop3A_305 = arith.index_cast %parallel_loop3A_301 : i32 to index
      %parallel_loop3A_306 = arith.constant 0 : index
      %parallel_loop3A_307 = tpu.vector_load %arg8[%parallel_loop3A_305, %parallel_loop3A_306] {strides = array<i32>} : memref<128x128xf32, #tpu.memory_space<vmem>>, vector<1x16xf32>,
      %parallel_loop3A_308 = vector.shape_cast %parallel_loop3A_307 : vector<1x16xf32> to vector<16xf32>
      %parallel_loop3A_309 = arith.index_cast %parallel_loop3A_304 : i32 to index
      %parallel_loop3A_310 = arith.constant 0 : index
      %parallel_loop3A_311 = tpu.vector_load %arg7[%parallel_loop3A_309, %parallel_loop3A_310] {strides = array<i32>} : memref<200x64xf32, #tpu.memory_space<vmem>>, vector<1x16xf32>,
      %parallel_loop3A_312 = vector.shape_cast %parallel_loop3A_311 : vector<1x16xf32> to vector<16xf32>
      %parallel_loop3A_313 = arith.addf %parallel_loop3A_308, %parallel_loop3A_312 : vector<16xf32>
      %parallel_loop3A_314 = arith.index_cast %parallel_loop3A_301 : i32 to index
      %parallel_loop3A_315 = arith.constant 0 : index
      %parallel_loop3A_316 = tpu.vector_load %arg10[%parallel_loop3A_314, %parallel_loop3A_315] {strides = array<i32>} : memref<128x64xf32, #tpu.memory_space<vmem>>, vector<1x16xf32>,
      %parallel_loop3A_317 = vector.shape_cast %parallel_loop3A_316 : vector<1x16xf32> to vector<16xf32>
      %parallel_loop3A_318 = vector.shape_cast %parallel_loop3A_313 : vector<16xf32> to vector<1x16xf32>
      tpu.vector_store %arg10[%parallel_loop3A_314, %parallel_loop3A_315], %parallel_loop3A_318 {strides = array<i32>} : memref<128x64xf32, #tpu.memory_space<vmem>>, vector<1x16xf32>,
      %parallel_loop3A_319 = arith.index_cast %parallel_loop3A_301 : i32 to index
      %parallel_loop3A_320 = arith.constant 16 : index
      %parallel_loop3A_321 = tpu.vector_load %arg8[%parallel_loop3A_319, %parallel_loop3A_320] {strides = array<i32>} : memref<128x128xf32, #tpu.memory_space<vmem>>, vector<1x16xf32>,
      %parallel_loop3A_322 = vector.shape_cast %parallel_loop3A_321 : vector<1x16xf32> to vector<16xf32>
      %parallel_loop3A_323 = arith.index_cast %parallel_loop3A_304 : i32 to index
      %parallel_loop3A_324 = arith.constant 16 : index
      %parallel_loop3A_325 = tpu.vector_load %arg7[%parallel_loop3A_323, %parallel_loop3A_324] {strides = array<i32>} : memref<200x64xf32, #tpu.memory_space<vmem>>, vector<1x16xf32>,
      %parallel_loop3A_326 = vector.shape_cast %parallel_loop3A_325 : vector<1x16xf32> to vector<16xf32>
      %parallel_loop3A_327 = arith.addf %parallel_loop3A_322, %parallel_loop3A_326 : vector<16xf32>
      %parallel_loop3A_328 = arith.index_cast %parallel_loop3A_301 : i32 to index
      %parallel_loop3A_329 = arith.constant 16 : index
      %parallel_loop3A_330 = tpu.vector_load %arg10[%parallel_loop3A_328, %parallel_loop3A_329] {strides = array<i32>} : memref<128x64xf32, #tpu.memory_space<vmem>>, vector<1x16xf32>,
      %parallel_loop3A_331 = vector.shape_cast %parallel_loop3A_330 : vector<1x16xf32> to vector<16xf32>
      %parallel_loop3A_332 = vector.shape_cast %parallel_loop3A_327 : vector<16xf32> to vector<1x16xf32>
      tpu.vector_store %arg10[%parallel_loop3A_328, %parallel_loop3A_329], %parallel_loop3A_332 {strides = array<i32>} : memref<128x64xf32, #tpu.memory_space<vmem>>, vector<1x16xf32>,
      %parallel_loop3A_333 = arith.index_cast %parallel_loop3A_301 : i32 to index
      %parallel_loop3A_334 = arith.constant 32 : index
      %parallel_loop3A_335 = tpu.vector_load %arg8[%parallel_loop3A_333, %parallel_loop3A_334] {strides = array<i32>} : memref<128x128xf32, #tpu.memory_space<vmem>>, vector<1x16xf32>,
      %parallel_loop3A_336 = vector.shape_cast %parallel_loop3A_335 : vector<1x16xf32> to vector<16xf32>
      %parallel_loop3A_337 = arith.index_cast %parallel_loop3A_304 : i32 to index
      %parallel_loop3A_338 = arith.constant 32 : index
      %parallel_loop3A_339 = tpu.vector_load %arg7[%parallel_loop3A_337, %parallel_loop3A_338] {strides = array<i32>} : memref<200x64xf32, #tpu.memory_space<vmem>>, vector<1x16xf32>,
      %parallel_loop3A_340 = vector.shape_cast %parallel_loop3A_339 : vector<1x16xf32> to vector<16xf32>
      %parallel_loop3A_341 = arith.addf %parallel_loop3A_336, %parallel_loop3A_340 : vector<16xf32>
      %parallel_loop3A_342 = arith.index_cast %parallel_loop3A_301 : i32 to index
      %parallel_loop3A_343 = arith.constant 32 : index
      %parallel_loop3A_344 = tpu.vector_load %arg10[%parallel_loop3A_342, %parallel_loop3A_343] {strides = array<i32>} : memref<128x64xf32, #tpu.memory_space<vmem>>, vector<1x16xf32>,
      %parallel_loop3A_345 = vector.shape_cast %parallel_loop3A_344 : vector<1x16xf32> to vector<16xf32>
      %parallel_loop3A_346 = vector.shape_cast %parallel_loop3A_341 : vector<16xf32> to vector<1x16xf32>
      tpu.vector_store %arg10[%parallel_loop3A_342, %parallel_loop3A_343], %parallel_loop3A_346 {strides = array<i32>} : memref<128x64xf32, #tpu.memory_space<vmem>>, vector<1x16xf32>,
      %parallel_loop3A_347 = arith.index_cast %parallel_loop3A_301 : i32 to index
      %parallel_loop3A_348 = arith.constant 48 : index
      %parallel_loop3A_349 = tpu.vector_load %arg8[%parallel_loop3A_347, %parallel_loop3A_348] {strides = array<i32>} : memref<128x128xf32, #tpu.memory_space<vmem>>, vector<1x16xf32>,
      %parallel_loop3A_350 = vector.shape_cast %parallel_loop3A_349 : vector<1x16xf32> to vector<16xf32>
      %parallel_loop3A_351 = arith.index_cast %parallel_loop3A_304 : i32 to index
      %parallel_loop3A_352 = arith.constant 48 : index
      %parallel_loop3A_353 = tpu.vector_load %arg7[%parallel_loop3A_351, %parallel_loop3A_352] {strides = array<i32>} : memref<200x64xf32, #tpu.memory_space<vmem>>, vector<1x16xf32>,
      %parallel_loop3A_354 = vector.shape_cast %parallel_loop3A_353 : vector<1x16xf32> to vector<16xf32>
      %parallel_loop3A_355 = arith.addf %parallel_loop3A_350, %parallel_loop3A_354 : vector<16xf32>
      %parallel_loop3A_356 = arith.index_cast %parallel_loop3A_301 : i32 to index
      %parallel_loop3A_357 = arith.constant 48 : index
      %parallel_loop3A_358 = tpu.vector_load %arg10[%parallel_loop3A_356, %parallel_loop3A_357] {strides = array<i32>} : memref<128x64xf32, #tpu.memory_space<vmem>>, vector<1x16xf32>,
      %parallel_loop3A_359 = vector.shape_cast %parallel_loop3A_358 : vector<1x16xf32> to vector<16xf32>
      %parallel_loop3A_360 = vector.shape_cast %parallel_loop3A_355 : vector<16xf32> to vector<1x16xf32>
      tpu.vector_store %arg10[%parallel_loop3A_356, %parallel_loop3A_357], %parallel_loop3A_360 {strides = array<i32>} : memref<128x64xf32, #tpu.memory_space<vmem>>, vector<1x16xf32>,
    } {sc.loop_unroll_factor = 2 : i64, sc.parallel_access}
    %dma_start3A_66 = arith.constant 2 : i32
    %dma_start3A_67 = arith.constant 0 : i32
    %dma_start3A_68 = arith.constant 0 : i32
    %dma_start3A_69 = tpu.memref_slice %arg8[%dma_start3A_67, %dma_start3A_68] : memref<128x128xf32, #tpu.memory_space<vmem>> -> memref<64x128xf32, #tpu.memory_space<vmem>>
    %dma_start3A_70 = arith.constant 0 : i32
    %dma_start3A_71 = tpu.memref_slice %arg6[%dma_start3A_66, %dma_start3A_70] : memref<200x128xi32, #tpu.memory_space<vmem>> -> memref<1x64xi32, #tpu.memory_space<vmem>>
    %dma_start3A_72 = tpu.memref_squeeze %dma_start3A_71 : memref<1x64xi32, #tpu.memory_space<vmem>> -> memref<64xi32, #tpu.memory_space<vmem>>
    %dma_start3A_73 = arith.constant 0 : i32
    %dma_start3A_74 = arith.constant 0 : i32
    %dma_start3A_75 = tpu.memref_slice %arg3[%dma_start3A_73, %dma_start3A_74] : memref<100000x128xf32, #tpu.memory_space<hbm>> -> memref<100000x128xf32, #tpu.memory_space<hbm>>
    tpu.enqueue_indirect_dma source(%dma_start3A_75 : memref<100000x128xf32, #tpu.memory_space<hbm>>) target(%dma_start3A_69 : memref<64x128xf32, #tpu.memory_space<vmem>>) offsets(%dma_start3A_72 : memref<64xi32, #tpu.memory_space<vmem>>) semaphore(%arg12 : memref<!tpu.dma_semaphore, #tpu.memory_space<semaphore_mem>>)
    %dma_wait3A_76 = arith.constant 0 : i32
    %dma_wait3A_77 = arith.constant 64 : i32
    %dma_wait3A_78 = arith.constant 0 : i32
    %dma_wait3A_79 = tpu.memref_slice %arg8[%dma_wait3A_77, %dma_wait3A_78] : memref<128x128xf32, #tpu.memory_space<vmem>> -> memref<64x128xf32, #tpu.memory_space<vmem>>
    %dma_wait3A_80 = arith.constant 64 : i32
    %dma_wait3A_81 = tpu.memref_slice %arg6[%dma_wait3A_76, %dma_wait3A_80] : memref<200x128xi32, #tpu.memory_space<vmem>> -> memref<1x64xi32, #tpu.memory_space<vmem>>
    %dma_wait3A_82 = tpu.memref_squeeze %dma_wait3A_81 : memref<1x64xi32, #tpu.memory_space<vmem>> -> memref<64xi32, #tpu.memory_space<vmem>>
    %dma_wait3A_83 = arith.constant 0 : i32
    %dma_wait3A_84 = arith.constant 0 : i32
    %dma_wait3A_85 = tpu.memref_slice %arg3[%dma_wait3A_83, %dma_wait3A_84] : memref<100000x128xf32, #tpu.memory_space<hbm>> -> memref<100000x128xf32, #tpu.memory_space<hbm>>
    tpu.wait_indirect_dma semaphore(%arg14 : memref<!tpu.dma_semaphore, #tpu.memory_space<semaphore_mem>>) src(%dma_wait3A_85 : memref<100000x128xf32, #tpu.memory_space<hbm>>) dst(%dma_wait3A_79 : memref<64x128xf32, #tpu.memory_space<vmem>>)
    %parallel_loop3A_86 = arith.constant 64 : i32
    %parallel_loop3A_87 = arith.constant 1 : i32
    scf.for %parallel_loop3A_301 = %parallel_loop3A_86 to %min3A_53 step %parallel_loop3A_87  : i32 {
      %parallel_loop3A_302 = arith.addi %rem3A_45, %parallel_loop3A_301 : i32
      %parallel_loop3A_303 = arith.index_cast %parallel_loop3A_301 : i32 to index
      %parallel_loop3A_304 = arith.constant 0 : index
      %parallel_loop3A_305 = tpu.vector_load %arg8[%parallel_loop3A_303, %parallel_loop3A_304] {strides = array<i32>} : memref<128x128xf32, #tpu.memory_space<vmem>>, vector<1x16xf32>,
      %parallel_loop3A_306 = vector.shape_cast %parallel_loop3A_305 : vector<1x16xf32> to vector<16xf32>
      %parallel_loop3A_307 = arith.index_cast %parallel_loop3A_302 : i32 to index
      %parallel_loop3A_308 = arith.constant 0 : index
      %parallel_loop3A_309 = tpu.vector_load %arg7[%parallel_loop3A_307, %parallel_loop3A_308] {strides = array<i32>} : memref<200x64xf32, #tpu.memory_space<vmem>>, vector<1x16xf32>,
      %parallel_loop3A_310 = vector.shape_cast %parallel_loop3A_309 : vector<1x16xf32> to vector<16xf32>
      %parallel_loop3A_311 = arith.addf %parallel_loop3A_306, %parallel_loop3A_310 : vector<16xf32>
      %parallel_loop3A_312 = arith.index_cast %parallel_loop3A_301 : i32 to index
      %parallel_loop3A_313 = arith.constant 0 : index
      %parallel_loop3A_314 = tpu.vector_load %arg10[%parallel_loop3A_312, %parallel_loop3A_313] {strides = array<i32>} : memref<128x64xf32, #tpu.memory_space<vmem>>, vector<1x16xf32>,
      %parallel_loop3A_315 = vector.shape_cast %parallel_loop3A_314 : vector<1x16xf32> to vector<16xf32>
      %parallel_loop3A_316 = vector.shape_cast %parallel_loop3A_311 : vector<16xf32> to vector<1x16xf32>
      tpu.vector_store %arg10[%parallel_loop3A_312, %parallel_loop3A_313], %parallel_loop3A_316 {strides = array<i32>} : memref<128x64xf32, #tpu.memory_space<vmem>>, vector<1x16xf32>,
      %parallel_loop3A_317 = arith.index_cast %parallel_loop3A_301 : i32 to index
      %parallel_loop3A_318 = arith.constant 16 : index
      %parallel_loop3A_319 = tpu.vector_load %arg8[%parallel_loop3A_317, %parallel_loop3A_318] {strides = array<i32>} : memref<128x128xf32, #tpu.memory_space<vmem>>, vector<1x16xf32>,
      %parallel_loop3A_320 = vector.shape_cast %parallel_loop3A_319 : vector<1x16xf32> to vector<16xf32>
      %parallel_loop3A_321 = arith.index_cast %parallel_loop3A_302 : i32 to index
      %parallel_loop3A_322 = arith.constant 16 : index
      %parallel_loop3A_323 = tpu.vector_load %arg7[%parallel_loop3A_321, %parallel_loop3A_322] {strides = array<i32>} : memref<200x64xf32, #tpu.memory_space<vmem>>, vector<1x16xf32>,
      %parallel_loop3A_324 = vector.shape_cast %parallel_loop3A_323 : vector<1x16xf32> to vector<16xf32>
      %parallel_loop3A_325 = arith.addf %parallel_loop3A_320, %parallel_loop3A_324 : vector<16xf32>
      %parallel_loop3A_326 = arith.index_cast %parallel_loop3A_301 : i32 to index
      %parallel_loop3A_327 = arith.constant 16 : index
      %parallel_loop3A_328 = tpu.vector_load %arg10[%parallel_loop3A_326, %parallel_loop3A_327] {strides = array<i32>} : memref<128x64xf32, #tpu.memory_space<vmem>>, vector<1x16xf32>,
      %parallel_loop3A_329 = vector.shape_cast %parallel_loop3A_328 : vector<1x16xf32> to vector<16xf32>
      %parallel_loop3A_330 = vector.shape_cast %parallel_loop3A_325 : vector<16xf32> to vector<1x16xf32>
      tpu.vector_store %arg10[%parallel_loop3A_326, %parallel_loop3A_327], %parallel_loop3A_330 {strides = array<i32>} : memref<128x64xf32, #tpu.memory_space<vmem>>, vector<1x16xf32>,
      %parallel_loop3A_331 = arith.index_cast %parallel_loop3A_301 : i32 to index
      %parallel_loop3A_332 = arith.constant 32 : index
      %parallel_loop3A_333 = tpu.vector_load %arg8[%parallel_loop3A_331, %parallel_loop3A_332] {strides = array<i32>} : memref<128x128xf32, #tpu.memory_space<vmem>>, vector<1x16xf32>,
      %parallel_loop3A_334 = vector.shape_cast %parallel_loop3A_333 : vector<1x16xf32> to vector<16xf32>
      %parallel_loop3A_335 = arith.index_cast %parallel_loop3A_302 : i32 to index
      %parallel_loop3A_336 = arith.constant 32 : index
      %parallel_loop3A_337 = tpu.vector_load %arg7[%parallel_loop3A_335, %parallel_loop3A_336] {strides = array<i32>} : memref<200x64xf32, #tpu.memory_space<vmem>>, vector<1x16xf32>,
      %parallel_loop3A_338 = vector.shape_cast %parallel_loop3A_337 : vector<1x16xf32> to vector<16xf32>
      %parallel_loop3A_339 = arith.addf %parallel_loop3A_334, %parallel_loop3A_338 : vector<16xf32>
      %parallel_loop3A_340 = arith.index_cast %parallel_loop3A_301 : i32 to index
      %parallel_loop3A_341 = arith.constant 32 : index
      %parallel_loop3A_342 = tpu.vector_load %arg10[%parallel_loop3A_340, %parallel_loop3A_341] {strides = array<i32>} : memref<128x64xf32, #tpu.memory_space<vmem>>, vector<1x16xf32>,
      %parallel_loop3A_343 = vector.shape_cast %parallel_loop3A_342 : vector<1x16xf32> to vector<16xf32>
      %parallel_loop3A_344 = vector.shape_cast %parallel_loop3A_339 : vector<16xf32> to vector<1x16xf32>
      tpu.vector_store %arg10[%parallel_loop3A_340, %parallel_loop3A_341], %parallel_loop3A_344 {strides = array<i32>} : memref<128x64xf32, #tpu.memory_space<vmem>>, vector<1x16xf32>,
      %parallel_loop3A_345 = arith.index_cast %parallel_loop3A_301 : i32 to index
      %parallel_loop3A_346 = arith.constant 48 : index
      %parallel_loop3A_347 = tpu.vector_load %arg8[%parallel_loop3A_345, %parallel_loop3A_346] {strides = array<i32>} : memref<128x128xf32, #tpu.memory_space<vmem>>, vector<1x16xf32>,
      %parallel_loop3A_348 = vector.shape_cast %parallel_loop3A_347 : vector<1x16xf32> to vector<16xf32>
      %parallel_loop3A_349 = arith.index_cast %parallel_loop3A_302 : i32 to index
      %parallel_loop3A_350 = arith.constant 48 : index
      %parallel_loop3A_351 = tpu.vector_load %arg7[%parallel_loop3A_349, %parallel_loop3A_350] {strides = array<i32>} : memref<200x64xf32, #tpu.memory_space<vmem>>, vector<1x16xf32>,
      %parallel_loop3A_352 = vector.shape_cast %parallel_loop3A_351 : vector<1x16xf32> to vector<16xf32>
      %parallel_loop3A_353 = arith.addf %parallel_loop3A_348, %parallel_loop3A_352 : vector<16xf32>
      %parallel_loop3A_354 = arith.index_cast %parallel_loop3A_301 : i32 to index
      %parallel_loop3A_355 = arith.constant 48 : index
      %parallel_loop3A_356 = tpu.vector_load %arg10[%parallel_loop3A_354, %parallel_loop3A_355] {strides = array<i32>} : memref<128x64xf32, #tpu.memory_space<vmem>>, vector<1x16xf32>,
      %parallel_loop3A_357 = vector.shape_cast %parallel_loop3A_356 : vector<1x16xf32> to vector<16xf32>
      %parallel_loop3A_358 = vector.shape_cast %parallel_loop3A_353 : vector<16xf32> to vector<1x16xf32>
      tpu.vector_store %arg10[%parallel_loop3A_354, %parallel_loop3A_355], %parallel_loop3A_358 {strides = array<i32>} : memref<128x64xf32, #tpu.memory_space<vmem>>, vector<1x16xf32>,
    } {sc.loop_unroll_factor = 2 : i64, sc.parallel_access}
    %parallel_loop3A_88 = arith.constant 128 : i32
    %parallel_loop3A_89 = arith.constant 1 : i32
    scf.for %parallel_loop3A_301 = %min3A_53 to %parallel_loop3A_88 step %parallel_loop3A_89  : i32 {
      %parallel_loop3A_302 = arith.addi %rem3A_45, %parallel_loop3A_301 : i32
      %parallel_loop3A_303 = arith.constant 200 : i32
      %parallel_loop3A_304 = arith.subi %parallel_loop3A_302, %parallel_loop3A_303 : i32
      %parallel_loop3A_305 = arith.index_cast %parallel_loop3A_301 : i32 to index
      %parallel_loop3A_306 = arith.constant 0 : index
      %parallel_loop3A_307 = tpu.vector_load %arg8[%parallel_loop3A_305, %parallel_loop3A_306] {strides = array<i32>} : memref<128x128xf32, #tpu.memory_space<vmem>>, vector<1x16xf32>,
      %parallel_loop3A_308 = vector.shape_cast %parallel_loop3A_307 : vector<1x16xf32> to vector<16xf32>
      %parallel_loop3A_309 = arith.index_cast %parallel_loop3A_304 : i32 to index
      %parallel_loop3A_310 = arith.constant 0 : index
      %parallel_loop3A_311 = tpu.vector_load %arg7[%parallel_loop3A_309, %parallel_loop3A_310] {strides = array<i32>} : memref<200x64xf32, #tpu.memory_space<vmem>>, vector<1x16xf32>,
      %parallel_loop3A_312 = vector.shape_cast %parallel_loop3A_311 : vector<1x16xf32> to vector<16xf32>
      %parallel_loop3A_313 = arith.addf %parallel_loop3A_308, %parallel_loop3A_312 : vector<16xf32>
      %parallel_loop3A_314 = arith.index_cast %parallel_loop3A_301 : i32 to index
      %parallel_loop3A_315 = arith.constant 0 : index
      %parallel_loop3A_316 = tpu.vector_load %arg10[%parallel_loop3A_314, %parallel_loop3A_315] {strides = array<i32>} : memref<128x64xf32, #tpu.memory_space<vmem>>, vector<1x16xf32>,
      %parallel_loop3A_317 = vector.shape_cast %parallel_loop3A_316 : vector<1x16xf32> to vector<16xf32>
      %parallel_loop3A_318 = vector.shape_cast %parallel_loop3A_313 : vector<16xf32> to vector<1x16xf32>
      tpu.vector_store %arg10[%parallel_loop3A_314, %parallel_loop3A_315], %parallel_loop3A_318 {strides = array<i32>} : memref<128x64xf32, #tpu.memory_space<vmem>>, vector<1x16xf32>,
      %parallel_loop3A_319 = arith.index_cast %parallel_loop3A_301 : i32 to index
      %parallel_loop3A_320 = arith.constant 16 : index
      %parallel_loop3A_321 = tpu.vector_load %arg8[%parallel_loop3A_319, %parallel_loop3A_320] {strides = array<i32>} : memref<128x128xf32, #tpu.memory_space<vmem>>, vector<1x16xf32>,
      %parallel_loop3A_322 = vector.shape_cast %parallel_loop3A_321 : vector<1x16xf32> to vector<16xf32>
      %parallel_loop3A_323 = arith.index_cast %parallel_loop3A_304 : i32 to index
      %parallel_loop3A_324 = arith.constant 16 : index
      %parallel_loop3A_325 = tpu.vector_load %arg7[%parallel_loop3A_323, %parallel_loop3A_324] {strides = array<i32>} : memref<200x64xf32, #tpu.memory_space<vmem>>, vector<1x16xf32>,
      %parallel_loop3A_326 = vector.shape_cast %parallel_loop3A_325 : vector<1x16xf32> to vector<16xf32>
      %parallel_loop3A_327 = arith.addf %parallel_loop3A_322, %parallel_loop3A_326 : vector<16xf32>
      %parallel_loop3A_328 = arith.index_cast %parallel_loop3A_301 : i32 to index
      %parallel_loop3A_329 = arith.constant 16 : index
      %parallel_loop3A_330 = tpu.vector_load %arg10[%parallel_loop3A_328, %parallel_loop3A_329] {strides = array<i32>} : memref<128x64xf32, #tpu.memory_space<vmem>>, vector<1x16xf32>,
      %parallel_loop3A_331 = vector.shape_cast %parallel_loop3A_330 : vector<1x16xf32> to vector<16xf32>
      %parallel_loop3A_332 = vector.shape_cast %parallel_loop3A_327 : vector<16xf32> to vector<1x16xf32>
      tpu.vector_store %arg10[%parallel_loop3A_328, %parallel_loop3A_329], %parallel_loop3A_332 {strides = array<i32>} : memref<128x64xf32, #tpu.memory_space<vmem>>, vector<1x16xf32>,
      %parallel_loop3A_333 = arith.index_cast %parallel_loop3A_301 : i32 to index
      %parallel_loop3A_334 = arith.constant 32 : index
      %parallel_loop3A_335 = tpu.vector_load %arg8[%parallel_loop3A_333, %parallel_loop3A_334] {strides = array<i32>} : memref<128x128xf32, #tpu.memory_space<vmem>>, vector<1x16xf32>,
      %parallel_loop3A_336 = vector.shape_cast %parallel_loop3A_335 : vector<1x16xf32> to vector<16xf32>
      %parallel_loop3A_337 = arith.index_cast %parallel_loop3A_304 : i32 to index
      %parallel_loop3A_338 = arith.constant 32 : index
      %parallel_loop3A_339 = tpu.vector_load %arg7[%parallel_loop3A_337, %parallel_loop3A_338] {strides = array<i32>} : memref<200x64xf32, #tpu.memory_space<vmem>>, vector<1x16xf32>,
      %parallel_loop3A_340 = vector.shape_cast %parallel_loop3A_339 : vector<1x16xf32> to vector<16xf32>
      %parallel_loop3A_341 = arith.addf %parallel_loop3A_336, %parallel_loop3A_340 : vector<16xf32>
      %parallel_loop3A_342 = arith.index_cast %parallel_loop3A_301 : i32 to index
      %parallel_loop3A_343 = arith.constant 32 : index
      %parallel_loop3A_344 = tpu.vector_load %arg10[%parallel_loop3A_342, %parallel_loop3A_343] {strides = array<i32>} : memref<128x64xf32, #tpu.memory_space<vmem>>, vector<1x16xf32>,
      %parallel_loop3A_345 = vector.shape_cast %parallel_loop3A_344 : vector<1x16xf32> to vector<16xf32>
      %parallel_loop3A_346 = vector.shape_cast %parallel_loop3A_341 : vector<16xf32> to vector<1x16xf32>
      tpu.vector_store %arg10[%parallel_loop3A_342, %parallel_loop3A_343], %parallel_loop3A_346 {strides = array<i32>} : memref<128x64xf32, #tpu.memory_space<vmem>>, vector<1x16xf32>,
      %parallel_loop3A_347 = arith.index_cast %parallel_loop3A_301 : i32 to index
      %parallel_loop3A_348 = arith.constant 48 : index
      %parallel_loop3A_349 = tpu.vector_load %arg8[%parallel_loop3A_347, %parallel_loop3A_348] {strides = array<i32>} : memref<128x128xf32, #tpu.memory_space<vmem>>, vector<1x16xf32>,
      %parallel_loop3A_350 = vector.shape_cast %parallel_loop3A_349 : vector<1x16xf32> to vector<16xf32>
      %parallel_loop3A_351 = arith.index_cast %parallel_loop3A_304 : i32 to index
      %parallel_loop3A_352 = arith.constant 48 : index
      %parallel_loop3A_353 = tpu.vector_load %arg7[%parallel_loop3A_351, %parallel_loop3A_352] {strides = array<i32>} : memref<200x64xf32, #tpu.memory_space<vmem>>, vector<1x16xf32>,
      %parallel_loop3A_354 = vector.shape_cast %parallel_loop3A_353 : vector<1x16xf32> to vector<16xf32>
      %parallel_loop3A_355 = arith.addf %parallel_loop3A_350, %parallel_loop3A_354 : vector<16xf32>
      %parallel_loop3A_356 = arith.index_cast %parallel_loop3A_301 : i32 to index
      %parallel_loop3A_357 = arith.constant 48 : index
      %parallel_loop3A_358 = tpu.vector_load %arg10[%parallel_loop3A_356, %parallel_loop3A_357] {strides = array<i32>} : memref<128x64xf32, #tpu.memory_space<vmem>>, vector<1x16xf32>,
      %parallel_loop3A_359 = vector.shape_cast %parallel_loop3A_358 : vector<1x16xf32> to vector<16xf32>
      %parallel_loop3A_360 = vector.shape_cast %parallel_loop3A_355 : vector<16xf32> to vector<1x16xf32>
      tpu.vector_store %arg10[%parallel_loop3A_356, %parallel_loop3A_357], %parallel_loop3A_360 {strides = array<i32>} : memref<128x64xf32, #tpu.memory_space<vmem>>, vector<1x16xf32>,
    } {sc.loop_unroll_factor = 2 : i64, sc.parallel_access}
    %dma_start3A_90 = arith.constant 2 : i32
    %dma_start3A_91 = arith.constant 64 : i32
    %dma_start3A_92 = arith.constant 0 : i32
    %dma_start3A_93 = tpu.memref_slice %arg8[%dma_start3A_91, %dma_start3A_92] : memref<128x128xf32, #tpu.memory_space<vmem>> -> memref<64x128xf32, #tpu.memory_space<vmem>>
    %dma_start3A_94 = arith.constant 64 : i32
    %dma_start3A_95 = tpu.memref_slice %arg6[%dma_start3A_90, %dma_start3A_94] : memref<200x128xi32, #tpu.memory_space<vmem>> -> memref<1x64xi32, #tpu.memory_space<vmem>>
    %dma_start3A_96 = tpu.memref_squeeze %dma_start3A_95 : memref<1x64xi32, #tpu.memory_space<vmem>> -> memref<64xi32, #tpu.memory_space<vmem>>
    %dma_start3A_97 = arith.constant 0 : i32
    %dma_start3A_98 = arith.constant 0 : i32
    %dma_start3A_99 = tpu.memref_slice %arg3[%dma_start3A_97, %dma_start3A_98] : memref<100000x128xf32, #tpu.memory_space<hbm>> -> memref<100000x128xf32, #tpu.memory_space<hbm>>
    tpu.enqueue_indirect_dma source(%dma_start3A_99 : memref<100000x128xf32, #tpu.memory_space<hbm>>) target(%dma_start3A_93 : memref<64x128xf32, #tpu.memory_space<vmem>>) offsets(%dma_start3A_96 : memref<64xi32, #tpu.memory_space<vmem>>) semaphore(%arg14 : memref<!tpu.dma_semaphore, #tpu.memory_space<semaphore_mem>>)
    %add3A_100 = arith.constant 0 : i32
    %add3A_101 = arith.addi %mul3A_2, %add3A_100 : i32
    %dma_start3A_102 = arith.constant 0 : i32
    %dma_start3A_103 = tpu.memref_slice %arg5[%add3A_101, %dma_start3A_102] : memref<819200x64xf32, #tpu.memory_space<hbm>> -> memref<128x64xf32, #tpu.memory_space<hbm>>
    %dma_start3A_104 = arith.constant 0 : i32
    %dma_start3A_105 = tpu.memref_slice %arg5[%add3A_101, %dma_start3A_104] : memref<819200x64xf32, #tpu.memory_space<hbm>> -> memref<128x64xf32, #tpu.memory_space<hbm>>
    tpu.enqueue_dma source(%arg10 : memref<128x64xf32, #tpu.memory_space<vmem>>) target(%dma_start3A_105 : memref<128x64xf32, #tpu.memory_space<hbm>>) target_semaphore(%arg16 : memref<!tpu.dma_semaphore, #tpu.memory_space<semaphore_mem>>)
    %rem3A_106 = arith.constant 128 : i32
    %rem3A_107 = arith.constant 200 : i32
    %rem3A_108 = arith.remsi %rem3A_106, %rem3A_107 : i32
    %sub3A_109 = arith.constant 200 : i32
    %sub3A_110 = arith.subi %sub3A_109, %rem3A_108 : i32
    %min3A_111 = arith.constant 128 : i32
    %min3A_112 = arith.minsi %min3A_111, %sub3A_110 : i32
    %jit3A_113 = arith.constant 0 : i32
    %jit3A_114 = arith.constant 64 : i32
    %max3A_115 = arith.maxsi %jit3A_113, %min3A_112 : i32
    %min3A_116 = arith.minsi %jit3A_114, %max3A_115 : i32
    %jit3A_117 = arith.constant 64 : i32
    %jit3A_118 = arith.constant 128 : i32
    %max3A_119 = arith.maxsi %jit3A_117, %min3A_112 : i32
    %min3A_120 = arith.minsi %jit3A_118, %max3A_119 : i32
    %dma_wait3A_121 = arith.constant 1 : i32
    %dma_wait3A_122 = arith.constant 0 : i32
    %dma_wait3A_123 = arith.constant 0 : i32
    %dma_wait3A_124 = tpu.memref_slice %arg9[%dma_wait3A_122, %dma_wait3A_123] : memref<128x128xf32, #tpu.memory_space<vmem>> -> memref<64x128xf32, #tpu.memory_space<vmem>>
    %dma_wait3A_125 = arith.constant 0 : i32
    %dma_wait3A_126 = tpu.memref_slice %arg6[%dma_wait3A_121, %dma_wait3A_125] : memref<200x128xi32, #tpu.memory_space<vmem>> -> memref<1x64xi32, #tpu.memory_space<vmem>>
    %dma_wait3A_127 = tpu.memref_squeeze %dma_wait3A_126 : memref<1x64xi32, #tpu.memory_space<vmem>> -> memref<64xi32, #tpu.memory_space<vmem>>
    %dma_wait3A_128 = arith.constant 0 : i32
    %dma_wait3A_129 = arith.constant 0 : i32
    %dma_wait3A_130 = tpu.memref_slice %arg3[%dma_wait3A_128, %dma_wait3A_129] : memref<100000x128xf32, #tpu.memory_space<hbm>> -> memref<100000x128xf32, #tpu.memory_space<hbm>>
    tpu.wait_indirect_dma semaphore(%arg13 : memref<!tpu.dma_semaphore, #tpu.memory_space<semaphore_mem>>) src(%dma_wait3A_130 : memref<100000x128xf32, #tpu.memory_space<hbm>>) dst(%dma_wait3A_124 : memref<64x128xf32, #tpu.memory_space<vmem>>)
    %parallel_loop3A_131 = arith.constant 0 : i32
    %parallel_loop3A_132 = arith.constant 1 : i32
    scf.for %parallel_loop3A_301 = %parallel_loop3A_131 to %min3A_116 step %parallel_loop3A_132  : i32 {
      %parallel_loop3A_302 = arith.addi %rem3A_108, %parallel_loop3A_301 : i32
      %parallel_loop3A_303 = arith.index_cast %parallel_loop3A_301 : i32 to index
      %parallel_loop3A_304 = arith.constant 0 : index
      %parallel_loop3A_305 = tpu.vector_load %arg9[%parallel_loop3A_303, %parallel_loop3A_304] {strides = array<i32>} : memref<128x128xf32, #tpu.memory_space<vmem>>, vector<1x16xf32>,
      %parallel_loop3A_306 = vector.shape_cast %parallel_loop3A_305 : vector<1x16xf32> to vector<16xf32>
      %parallel_loop3A_307 = arith.index_cast %parallel_loop3A_302 : i32 to index
      %parallel_loop3A_308 = arith.constant 0 : index
      %parallel_loop3A_309 = tpu.vector_load %arg7[%parallel_loop3A_307, %parallel_loop3A_308] {strides = array<i32>} : memref<200x64xf32, #tpu.memory_space<vmem>>, vector<1x16xf32>,
      %parallel_loop3A_310 = vector.shape_cast %parallel_loop3A_309 : vector<1x16xf32> to vector<16xf32>
      %parallel_loop3A_311 = arith.addf %parallel_loop3A_306, %parallel_loop3A_310 : vector<16xf32>
      %parallel_loop3A_312 = arith.index_cast %parallel_loop3A_301 : i32 to index
      %parallel_loop3A_313 = arith.constant 0 : index
      %parallel_loop3A_314 = tpu.vector_load %arg11[%parallel_loop3A_312, %parallel_loop3A_313] {strides = array<i32>} : memref<128x64xf32, #tpu.memory_space<vmem>>, vector<1x16xf32>,
      %parallel_loop3A_315 = vector.shape_cast %parallel_loop3A_314 : vector<1x16xf32> to vector<16xf32>
      %parallel_loop3A_316 = vector.shape_cast %parallel_loop3A_311 : vector<16xf32> to vector<1x16xf32>
      tpu.vector_store %arg11[%parallel_loop3A_312, %parallel_loop3A_313], %parallel_loop3A_316 {strides = array<i32>} : memref<128x64xf32, #tpu.memory_space<vmem>>, vector<1x16xf32>,
      %parallel_loop3A_317 = arith.index_cast %parallel_loop3A_301 : i32 to index
      %parallel_loop3A_318 = arith.constant 16 : index
      %parallel_loop3A_319 = tpu.vector_load %arg9[%parallel_loop3A_317, %parallel_loop3A_318] {strides = array<i32>} : memref<128x128xf32, #tpu.memory_space<vmem>>, vector<1x16xf32>,
      %parallel_loop3A_320 = vector.shape_cast %parallel_loop3A_319 : vector<1x16xf32> to vector<16xf32>
      %parallel_loop3A_321 = arith.index_cast %parallel_loop3A_302 : i32 to index
      %parallel_loop3A_322 = arith.constant 16 : index
      %parallel_loop3A_323 = tpu.vector_load %arg7[%parallel_loop3A_321, %parallel_loop3A_322] {strides = array<i32>} : memref<200x64xf32, #tpu.memory_space<vmem>>, vector<1x16xf32>,
      %parallel_loop3A_324 = vector.shape_cast %parallel_loop3A_323 : vector<1x16xf32> to vector<16xf32>
      %parallel_loop3A_325 = arith.addf %parallel_loop3A_320, %parallel_loop3A_324 : vector<16xf32>
      %parallel_loop3A_326 = arith.index_cast %parallel_loop3A_301 : i32 to index
      %parallel_loop3A_327 = arith.constant 16 : index
      %parallel_loop3A_328 = tpu.vector_load %arg11[%parallel_loop3A_326, %parallel_loop3A_327] {strides = array<i32>} : memref<128x64xf32, #tpu.memory_space<vmem>>, vector<1x16xf32>,
      %parallel_loop3A_329 = vector.shape_cast %parallel_loop3A_328 : vector<1x16xf32> to vector<16xf32>
      %parallel_loop3A_330 = vector.shape_cast %parallel_loop3A_325 : vector<16xf32> to vector<1x16xf32>
      tpu.vector_store %arg11[%parallel_loop3A_326, %parallel_loop3A_327], %parallel_loop3A_330 {strides = array<i32>} : memref<128x64xf32, #tpu.memory_space<vmem>>, vector<1x16xf32>,
      %parallel_loop3A_331 = arith.index_cast %parallel_loop3A_301 : i32 to index
      %parallel_loop3A_332 = arith.constant 32 : index
      %parallel_loop3A_333 = tpu.vector_load %arg9[%parallel_loop3A_331, %parallel_loop3A_332] {strides = array<i32>} : memref<128x128xf32, #tpu.memory_space<vmem>>, vector<1x16xf32>,
      %parallel_loop3A_334 = vector.shape_cast %parallel_loop3A_333 : vector<1x16xf32> to vector<16xf32>
      %parallel_loop3A_335 = arith.index_cast %parallel_loop3A_302 : i32 to index
      %parallel_loop3A_336 = arith.constant 32 : index
      %parallel_loop3A_337 = tpu.vector_load %arg7[%parallel_loop3A_335, %parallel_loop3A_336] {strides = array<i32>} : memref<200x64xf32, #tpu.memory_space<vmem>>, vector<1x16xf32>,
      %parallel_loop3A_338 = vector.shape_cast %parallel_loop3A_337 : vector<1x16xf32> to vector<16xf32>
      %parallel_loop3A_339 = arith.addf %parallel_loop3A_334, %parallel_loop3A_338 : vector<16xf32>
      %parallel_loop3A_340 = arith.index_cast %parallel_loop3A_301 : i32 to index
      %parallel_loop3A_341 = arith.constant 32 : index
      %parallel_loop3A_342 = tpu.vector_load %arg11[%parallel_loop3A_340, %parallel_loop3A_341] {strides = array<i32>} : memref<128x64xf32, #tpu.memory_space<vmem>>, vector<1x16xf32>,
      %parallel_loop3A_343 = vector.shape_cast %parallel_loop3A_342 : vector<1x16xf32> to vector<16xf32>
      %parallel_loop3A_344 = vector.shape_cast %parallel_loop3A_339 : vector<16xf32> to vector<1x16xf32>
      tpu.vector_store %arg11[%parallel_loop3A_340, %parallel_loop3A_341], %parallel_loop3A_344 {strides = array<i32>} : memref<128x64xf32, #tpu.memory_space<vmem>>, vector<1x16xf32>,
      %parallel_loop3A_345 = arith.index_cast %parallel_loop3A_301 : i32 to index
      %parallel_loop3A_346 = arith.constant 48 : index
      %parallel_loop3A_347 = tpu.vector_load %arg9[%parallel_loop3A_345, %parallel_loop3A_346] {strides = array<i32>} : memref<128x128xf32, #tpu.memory_space<vmem>>, vector<1x16xf32>,
      %parallel_loop3A_348 = vector.shape_cast %parallel_loop3A_347 : vector<1x16xf32> to vector<16xf32>
      %parallel_loop3A_349 = arith.index_cast %parallel_loop3A_302 : i32 to index
      %parallel_loop3A_350 = arith.constant 48 : index
      %parallel_loop3A_351 = tpu.vector_load %arg7[%parallel_loop3A_349, %parallel_loop3A_350] {strides = array<i32>} : memref<200x64xf32, #tpu.memory_space<vmem>>, vector<1x16xf32>,
      %parallel_loop3A_352 = vector.shape_cast %parallel_loop3A_351 : vector<1x16xf32> to vector<16xf32>
      %parallel_loop3A_353 = arith.addf %parallel_loop3A_348, %parallel_loop3A_352 : vector<16xf32>
      %parallel_loop3A_354 = arith.index_cast %parallel_loop3A_301 : i32 to index
      %parallel_loop3A_355 = arith.constant 48 : index
      %parallel_loop3A_356 = tpu.vector_load %arg11[%parallel_loop3A_354, %parallel_loop3A_355] {strides = array<i32>} : memref<128x64xf32, #tpu.memory_space<vmem>>, vector<1x16xf32>,
      %parallel_loop3A_357 = vector.shape_cast %parallel_loop3A_356 : vector<1x16xf32> to vector<16xf32>
      %parallel_loop3A_358 = vector.shape_cast %parallel_loop3A_353 : vector<16xf32> to vector<1x16xf32>
      tpu.vector_store %arg11[%parallel_loop3A_354, %parallel_loop3A_355], %parallel_loop3A_358 {strides = array<i32>} : memref<128x64xf32, #tpu.memory_space<vmem>>, vector<1x16xf32>,
    } {sc.loop_unroll_factor = 2 : i64, sc.parallel_access}
    %parallel_loop3A_133 = arith.constant 64 : i32
    %parallel_loop3A_134 = arith.constant 1 : i32
    scf.for %parallel_loop3A_301 = %min3A_116 to %parallel_loop3A_133 step %parallel_loop3A_134  : i32 {
      %parallel_loop3A_302 = arith.addi %rem3A_108, %parallel_loop3A_301 : i32
      %parallel_loop3A_303 = arith.constant 200 : i32
      %parallel_loop3A_304 = arith.subi %parallel_loop3A_302, %parallel_loop3A_303 : i32
      %parallel_loop3A_305 = arith.index_cast %parallel_loop3A_301 : i32 to index
      %parallel_loop3A_306 = arith.constant 0 : index
      %parallel_loop3A_307 = tpu.vector_load %arg9[%parallel_loop3A_305, %parallel_loop3A_306] {strides = array<i32>} : memref<128x128xf32, #tpu.memory_space<vmem>>, vector<1x16xf32>,
      %parallel_loop3A_308 = vector.shape_cast %parallel_loop3A_307 : vector<1x16xf32> to vector<16xf32>
      %parallel_loop3A_309 = arith.index_cast %parallel_loop3A_304 : i32 to index
      %parallel_loop3A_310 = arith.constant 0 : index
      %parallel_loop3A_311 = tpu.vector_load %arg7[%parallel_loop3A_309, %parallel_loop3A_310] {strides = array<i32>} : memref<200x64xf32, #tpu.memory_space<vmem>>, vector<1x16xf32>,
      %parallel_loop3A_312 = vector.shape_cast %parallel_loop3A_311 : vector<1x16xf32> to vector<16xf32>
      %parallel_loop3A_313 = arith.addf %parallel_loop3A_308, %parallel_loop3A_312 : vector<16xf32>
      %parallel_loop3A_314 = arith.index_cast %parallel_loop3A_301 : i32 to index
      %parallel_loop3A_315 = arith.constant 0 : index
      %parallel_loop3A_316 = tpu.vector_load %arg11[%parallel_loop3A_314, %parallel_loop3A_315] {strides = array<i32>} : memref<128x64xf32, #tpu.memory_space<vmem>>, vector<1x16xf32>,
      %parallel_loop3A_317 = vector.shape_cast %parallel_loop3A_316 : vector<1x16xf32> to vector<16xf32>
      %parallel_loop3A_318 = vector.shape_cast %parallel_loop3A_313 : vector<16xf32> to vector<1x16xf32>
      tpu.vector_store %arg11[%parallel_loop3A_314, %parallel_loop3A_315], %parallel_loop3A_318 {strides = array<i32>} : memref<128x64xf32, #tpu.memory_space<vmem>>, vector<1x16xf32>,
      %parallel_loop3A_319 = arith.index_cast %parallel_loop3A_301 : i32 to index
      %parallel_loop3A_320 = arith.constant 16 : index
      %parallel_loop3A_321 = tpu.vector_load %arg9[%parallel_loop3A_319, %parallel_loop3A_320] {strides = array<i32>} : memref<128x128xf32, #tpu.memory_space<vmem>>, vector<1x16xf32>,
      %parallel_loop3A_322 = vector.shape_cast %parallel_loop3A_321 : vector<1x16xf32> to vector<16xf32>
      %parallel_loop3A_323 = arith.index_cast %parallel_loop3A_304 : i32 to index
      %parallel_loop3A_324 = arith.constant 16 : index
      %parallel_loop3A_325 = tpu.vector_load %arg7[%parallel_loop3A_323, %parallel_loop3A_324] {strides = array<i32>} : memref<200x64xf32, #tpu.memory_space<vmem>>, vector<1x16xf32>,
      %parallel_loop3A_326 = vector.shape_cast %parallel_loop3A_325 : vector<1x16xf32> to vector<16xf32>
      %parallel_loop3A_327 = arith.addf %parallel_loop3A_322, %parallel_loop3A_326 : vector<16xf32>
      %parallel_loop3A_328 = arith.index_cast %parallel_loop3A_301 : i32 to index
      %parallel_loop3A_329 = arith.constant 16 : index
      %parallel_loop3A_330 = tpu.vector_load %arg11[%parallel_loop3A_328, %parallel_loop3A_329] {strides = array<i32>} : memref<128x64xf32, #tpu.memory_space<vmem>>, vector<1x16xf32>,
      %parallel_loop3A_331 = vector.shape_cast %parallel_loop3A_330 : vector<1x16xf32> to vector<16xf32>
      %parallel_loop3A_332 = vector.shape_cast %parallel_loop3A_327 : vector<16xf32> to vector<1x16xf32>
      tpu.vector_store %arg11[%parallel_loop3A_328, %parallel_loop3A_329], %parallel_loop3A_332 {strides = array<i32>} : memref<128x64xf32, #tpu.memory_space<vmem>>, vector<1x16xf32>,
      %parallel_loop3A_333 = arith.index_cast %parallel_loop3A_301 : i32 to index
      %parallel_loop3A_334 = arith.constant 32 : index
      %parallel_loop3A_335 = tpu.vector_load %arg9[%parallel_loop3A_333, %parallel_loop3A_334] {strides = array<i32>} : memref<128x128xf32, #tpu.memory_space<vmem>>, vector<1x16xf32>,
      %parallel_loop3A_336 = vector.shape_cast %parallel_loop3A_335 : vector<1x16xf32> to vector<16xf32>
      %parallel_loop3A_337 = arith.index_cast %parallel_loop3A_304 : i32 to index
      %parallel_loop3A_338 = arith.constant 32 : index
      %parallel_loop3A_339 = tpu.vector_load %arg7[%parallel_loop3A_337, %parallel_loop3A_338] {strides = array<i32>} : memref<200x64xf32, #tpu.memory_space<vmem>>, vector<1x16xf32>,
      %parallel_loop3A_340 = vector.shape_cast %parallel_loop3A_339 : vector<1x16xf32> to vector<16xf32>
      %parallel_loop3A_341 = arith.addf %parallel_loop3A_336, %parallel_loop3A_340 : vector<16xf32>
      %parallel_loop3A_342 = arith.index_cast %parallel_loop3A_301 : i32 to index
      %parallel_loop3A_343 = arith.constant 32 : index
      %parallel_loop3A_344 = tpu.vector_load %arg11[%parallel_loop3A_342, %parallel_loop3A_343] {strides = array<i32>} : memref<128x64xf32, #tpu.memory_space<vmem>>, vector<1x16xf32>,
      %parallel_loop3A_345 = vector.shape_cast %parallel_loop3A_344 : vector<1x16xf32> to vector<16xf32>
      %parallel_loop3A_346 = vector.shape_cast %parallel_loop3A_341 : vector<16xf32> to vector<1x16xf32>
      tpu.vector_store %arg11[%parallel_loop3A_342, %parallel_loop3A_343], %parallel_loop3A_346 {strides = array<i32>} : memref<128x64xf32, #tpu.memory_space<vmem>>, vector<1x16xf32>,
      %parallel_loop3A_347 = arith.index_cast %parallel_loop3A_301 : i32 to index
      %parallel_loop3A_348 = arith.constant 48 : index
      %parallel_loop3A_349 = tpu.vector_load %arg9[%parallel_loop3A_347, %parallel_loop3A_348] {strides = array<i32>} : memref<128x128xf32, #tpu.memory_space<vmem>>, vector<1x16xf32>,
      %parallel_loop3A_350 = vector.shape_cast %parallel_loop3A_349 : vector<1x16xf32> to vector<16xf32>
      %parallel_loop3A_351 = arith.index_cast %parallel_loop3A_304 : i32 to index
      %parallel_loop3A_352 = arith.constant 48 : index
      %parallel_loop3A_353 = tpu.vector_load %arg7[%parallel_loop3A_351, %parallel_loop3A_352] {strides = array<i32>} : memref<200x64xf32, #tpu.memory_space<vmem>>, vector<1x16xf32>,
      %parallel_loop3A_354 = vector.shape_cast %parallel_loop3A_353 : vector<1x16xf32> to vector<16xf32>
      %parallel_loop3A_355 = arith.addf %parallel_loop3A_350, %parallel_loop3A_354 : vector<16xf32>
      %parallel_loop3A_356 = arith.index_cast %parallel_loop3A_301 : i32 to index
      %parallel_loop3A_357 = arith.constant 48 : index
      %parallel_loop3A_358 = tpu.vector_load %arg11[%parallel_loop3A_356, %parallel_loop3A_357] {strides = array<i32>} : memref<128x64xf32, #tpu.memory_space<vmem>>, vector<1x16xf32>,
      %parallel_loop3A_359 = vector.shape_cast %parallel_loop3A_358 : vector<1x16xf32> to vector<16xf32>
      %parallel_loop3A_360 = vector.shape_cast %parallel_loop3A_355 : vector<16xf32> to vector<1x16xf32>
      tpu.vector_store %arg11[%parallel_loop3A_356, %parallel_loop3A_357], %parallel_loop3A_360 {strides = array<i32>} : memref<128x64xf32, #tpu.memory_space<vmem>>, vector<1x16xf32>,
    } {sc.loop_unroll_factor = 2 : i64, sc.parallel_access}
    %dma_start3A_135 = arith.constant 3 : i32
    %dma_start3A_136 = arith.constant 0 : i32
    %dma_start3A_137 = arith.constant 0 : i32
    %dma_start3A_138 = tpu.memref_slice %arg9[%dma_start3A_136, %dma_start3A_137] : memref<128x128xf32, #tpu.memory_space<vmem>> -> memref<64x128xf32, #tpu.memory_space<vmem>>
    %dma_start3A_139 = arith.constant 0 : i32
    %dma_start3A_140 = tpu.memref_slice %arg6[%dma_start3A_135, %dma_start3A_139] : memref<200x128xi32, #tpu.memory_space<vmem>> -> memref<1x64xi32, #tpu.memory_space<vmem>>
    %dma_start3A_141 = tpu.memref_squeeze %dma_start3A_140 : memref<1x64xi32, #tpu.memory_space<vmem>> -> memref<64xi32, #tpu.memory_space<vmem>>
    %dma_start3A_142 = arith.constant 0 : i32
    %dma_start3A_143 = arith.constant 0 : i32
    %dma_start3A_144 = tpu.memref_slice %arg3[%dma_start3A_142, %dma_start3A_143] : memref<100000x128xf32, #tpu.memory_space<hbm>> -> memref<100000x128xf32, #tpu.memory_space<hbm>>
    tpu.enqueue_indirect_dma source(%dma_start3A_144 : memref<100000x128xf32, #tpu.memory_space<hbm>>) target(%dma_start3A_138 : memref<64x128xf32, #tpu.memory_space<vmem>>) offsets(%dma_start3A_141 : memref<64xi32, #tpu.memory_space<vmem>>) semaphore(%arg13 : memref<!tpu.dma_semaphore, #tpu.memory_space<semaphore_mem>>)
    %dma_wait3A_145 = arith.constant 1 : i32
    %dma_wait3A_146 = arith.constant 64 : i32
    %dma_wait3A_147 = arith.constant 0 : i32
    %dma_wait3A_148 = tpu.memref_slice %arg9[%dma_wait3A_146, %dma_wait3A_147] : memref<128x128xf32, #tpu.memory_space<vmem>> -> memref<64x128xf32, #tpu.memory_space<vmem>>
    %dma_wait3A_149 = arith.constant 64 : i32
    %dma_wait3A_150 = tpu.memref_slice %arg6[%dma_wait3A_145, %dma_wait3A_149] : memref<200x128xi32, #tpu.memory_space<vmem>> -> memref<1x64xi32, #tpu.memory_space<vmem>>
    %dma_wait3A_151 = tpu.memref_squeeze %dma_wait3A_150 : memref<1x64xi32, #tpu.memory_space<vmem>> -> memref<64xi32, #tpu.memory_space<vmem>>
    %dma_wait3A_152 = arith.constant 0 : i32
    %dma_wait3A_153 = arith.constant 0 : i32
    %dma_wait3A_154 = tpu.memref_slice %arg3[%dma_wait3A_152, %dma_wait3A_153] : memref<100000x128xf32, #tpu.memory_space<hbm>> -> memref<100000x128xf32, #tpu.memory_space<hbm>>
    tpu.wait_indirect_dma semaphore(%arg15 : memref<!tpu.dma_semaphore, #tpu.memory_space<semaphore_mem>>) src(%dma_wait3A_154 : memref<100000x128xf32, #tpu.memory_space<hbm>>) dst(%dma_wait3A_148 : memref<64x128xf32, #tpu.memory_space<vmem>>)
    %parallel_loop3A_155 = arith.constant 64 : i32
    %parallel_loop3A_156 = arith.constant 1 : i32
    scf.for %parallel_loop3A_301 = %parallel_loop3A_155 to %min3A_120 step %parallel_loop3A_156  : i32 {
      %parallel_loop3A_302 = arith.addi %rem3A_108, %parallel_loop3A_301 : i32
      %parallel_loop3A_303 = arith.index_cast %parallel_loop3A_301 : i32 to index
      %parallel_loop3A_304 = arith.constant 0 : index
      %parallel_loop3A_305 = tpu.vector_load %arg9[%parallel_loop3A_303, %parallel_loop3A_304] {strides = array<i32>} : memref<128x128xf32, #tpu.memory_space<vmem>>, vector<1x16xf32>,
      %parallel_loop3A_306 = vector.shape_cast %parallel_loop3A_305 : vector<1x16xf32> to vector<16xf32>
      %parallel_loop3A_307 = arith.index_cast %parallel_loop3A_302 : i32 to index
      %parallel_loop3A_308 = arith.constant 0 : index
      %parallel_loop3A_309 = tpu.vector_load %arg7[%parallel_loop3A_307, %parallel_loop3A_308] {strides = array<i32>} : memref<200x64xf32, #tpu.memory_space<vmem>>, vector<1x16xf32>,
      %parallel_loop3A_310 = vector.shape_cast %parallel_loop3A_309 : vector<1x16xf32> to vector<16xf32>
      %parallel_loop3A_311 = arith.addf %parallel_loop3A_306, %parallel_loop3A_310 : vector<16xf32>
      %parallel_loop3A_312 = arith.index_cast %parallel_loop3A_301 : i32 to index
      %parallel_loop3A_313 = arith.constant 0 : index
      %parallel_loop3A_314 = tpu.vector_load %arg11[%parallel_loop3A_312, %parallel_loop3A_313] {strides = array<i32>} : memref<128x64xf32, #tpu.memory_space<vmem>>, vector<1x16xf32>,
      %parallel_loop3A_315 = vector.shape_cast %parallel_loop3A_314 : vector<1x16xf32> to vector<16xf32>
      %parallel_loop3A_316 = vector.shape_cast %parallel_loop3A_311 : vector<16xf32> to vector<1x16xf32>
      tpu.vector_store %arg11[%parallel_loop3A_312, %parallel_loop3A_313], %parallel_loop3A_316 {strides = array<i32>} : memref<128x64xf32, #tpu.memory_space<vmem>>, vector<1x16xf32>,
      %parallel_loop3A_317 = arith.index_cast %parallel_loop3A_301 : i32 to index
      %parallel_loop3A_318 = arith.constant 16 : index
      %parallel_loop3A_319 = tpu.vector_load %arg9[%parallel_loop3A_317, %parallel_loop3A_318] {strides = array<i32>} : memref<128x128xf32, #tpu.memory_space<vmem>>, vector<1x16xf32>,
      %parallel_loop3A_320 = vector.shape_cast %parallel_loop3A_319 : vector<1x16xf32> to vector<16xf32>
      %parallel_loop3A_321 = arith.index_cast %parallel_loop3A_302 : i32 to index
      %parallel_loop3A_322 = arith.constant 16 : index
      %parallel_loop3A_323 = tpu.vector_load %arg7[%parallel_loop3A_321, %parallel_loop3A_322] {strides = array<i32>} : memref<200x64xf32, #tpu.memory_space<vmem>>, vector<1x16xf32>,
      %parallel_loop3A_324 = vector.shape_cast %parallel_loop3A_323 : vector<1x16xf32> to vector<16xf32>
      %parallel_loop3A_325 = arith.addf %parallel_loop3A_320, %parallel_loop3A_324 : vector<16xf32>
      %parallel_loop3A_326 = arith.index_cast %parallel_loop3A_301 : i32 to index
      %parallel_loop3A_327 = arith.constant 16 : index
      %parallel_loop3A_328 = tpu.vector_load %arg11[%parallel_loop3A_326, %parallel_loop3A_327] {strides = array<i32>} : memref<128x64xf32, #tpu.memory_space<vmem>>, vector<1x16xf32>,
      %parallel_loop3A_329 = vector.shape_cast %parallel_loop3A_328 : vector<1x16xf32> to vector<16xf32>
      %parallel_loop3A_330 = vector.shape_cast %parallel_loop3A_325 : vector<16xf32> to vector<1x16xf32>
      tpu.vector_store %arg11[%parallel_loop3A_326, %parallel_loop3A_327], %parallel_loop3A_330 {strides = array<i32>} : memref<128x64xf32, #tpu.memory_space<vmem>>, vector<1x16xf32>,
      %parallel_loop3A_331 = arith.index_cast %parallel_loop3A_301 : i32 to index
      %parallel_loop3A_332 = arith.constant 32 : index
      %parallel_loop3A_333 = tpu.vector_load %arg9[%parallel_loop3A_331, %parallel_loop3A_332] {strides = array<i32>} : memref<128x128xf32, #tpu.memory_space<vmem>>, vector<1x16xf32>,
      %parallel_loop3A_334 = vector.shape_cast %parallel_loop3A_333 : vector<1x16xf32> to vector<16xf32>
      %parallel_loop3A_335 = arith.index_cast %parallel_loop3A_302 : i32 to index
      %parallel_loop3A_336 = arith.constant 32 : index
      %parallel_loop3A_337 = tpu.vector_load %arg7[%parallel_loop3A_335, %parallel_loop3A_336] {strides = array<i32>} : memref<200x64xf32, #tpu.memory_space<vmem>>, vector<1x16xf32>,
      %parallel_loop3A_338 = vector.shape_cast %parallel_loop3A_337 : vector<1x16xf32> to vector<16xf32>
      %parallel_loop3A_339 = arith.addf %parallel_loop3A_334, %parallel_loop3A_338 : vector<16xf32>
      %parallel_loop3A_340 = arith.index_cast %parallel_loop3A_301 : i32 to index
      %parallel_loop3A_341 = arith.constant 32 : index
      %parallel_loop3A_342 = tpu.vector_load %arg11[%parallel_loop3A_340, %parallel_loop3A_341] {strides = array<i32>} : memref<128x64xf32, #tpu.memory_space<vmem>>, vector<1x16xf32>,
      %parallel_loop3A_343 = vector.shape_cast %parallel_loop3A_342 : vector<1x16xf32> to vector<16xf32>
      %parallel_loop3A_344 = vector.shape_cast %parallel_loop3A_339 : vector<16xf32> to vector<1x16xf32>
      tpu.vector_store %arg11[%parallel_loop3A_340, %parallel_loop3A_341], %parallel_loop3A_344 {strides = array<i32>} : memref<128x64xf32, #tpu.memory_space<vmem>>, vector<1x16xf32>,
      %parallel_loop3A_345 = arith.index_cast %parallel_loop3A_301 : i32 to index
      %parallel_loop3A_346 = arith.constant 48 : index
      %parallel_loop3A_347 = tpu.vector_load %arg9[%parallel_loop3A_345, %parallel_loop3A_346] {strides = array<i32>} : memref<128x128xf32, #tpu.memory_space<vmem>>, vector<1x16xf32>,
      %parallel_loop3A_348 = vector.shape_cast %parallel_loop3A_347 : vector<1x16xf32> to vector<16xf32>
      %parallel_loop3A_349 = arith.index_cast %parallel_loop3A_302 : i32 to index
      %parallel_loop3A_350 = arith.constant 48 : index
      %parallel_loop3A_351 = tpu.vector_load %arg7[%parallel_loop3A_349, %parallel_loop3A_350] {strides = array<i32>} : memref<200x64xf32, #tpu.memory_space<vmem>>, vector<1x16xf32>,
      %parallel_loop3A_352 = vector.shape_cast %parallel_loop3A_351 : vector<1x16xf32> to vector<16xf32>
      %parallel_loop3A_353 = arith.addf %parallel_loop3A_348, %parallel_loop3A_352 : vector<16xf32>
      %parallel_loop3A_354 = arith.index_cast %parallel_loop3A_301 : i32 to index
      %parallel_loop3A_355 = arith.constant 48 : index
      %parallel_loop3A_356 = tpu.vector_load %arg11[%parallel_loop3A_354, %parallel_loop3A_355] {strides = array<i32>} : memref<128x64xf32, #tpu.memory_space<vmem>>, vector<1x16xf32>,
      %parallel_loop3A_357 = vector.shape_cast %parallel_loop3A_356 : vector<1x16xf32> to vector<16xf32>
      %parallel_loop3A_358 = vector.shape_cast %parallel_loop3A_353 : vector<16xf32> to vector<1x16xf32>
      tpu.vector_store %arg11[%parallel_loop3A_354, %parallel_loop3A_355], %parallel_loop3A_358 {strides = array<i32>} : memref<128x64xf32, #tpu.memory_space<vmem>>, vector<1x16xf32>,
    } {sc.loop_unroll_factor = 2 : i64, sc.parallel_access}
    %parallel_loop3A_157 = arith.constant 128 : i32
    %parallel_loop3A_158 = arith.constant 1 : i32
    scf.for %parallel_loop3A_301 = %min3A_120 to %parallel_loop3A_157 step %parallel_loop3A_158  : i32 {
      %parallel_loop3A_302 = arith.addi %rem3A_108, %parallel_loop3A_301 : i32
      %parallel_loop3A_303 = arith.constant 200 : i32
      %parallel_loop3A_304 = arith.subi %parallel_loop3A_302, %parallel_loop3A_303 : i32
      %parallel_loop3A_305 = arith.index_cast %parallel_loop3A_301 : i32 to index
      %parallel_loop3A_306 = arith.constant 0 : index
      %parallel_loop3A_307 = tpu.vector_load %arg9[%parallel_loop3A_305, %parallel_loop3A_306] {strides = array<i32>} : memref<128x128xf32, #tpu.memory_space<vmem>>, vector<1x16xf32>,
      %parallel_loop3A_308 = vector.shape_cast %parallel_loop3A_307 : vector<1x16xf32> to vector<16xf32>
      %parallel_loop3A_309 = arith.index_cast %parallel_loop3A_304 : i32 to index
      %parallel_loop3A_310 = arith.constant 0 : index
      %parallel_loop3A_311 = tpu.vector_load %arg7[%parallel_loop3A_309, %parallel_loop3A_310] {strides = array<i32>} : memref<200x64xf32, #tpu.memory_space<vmem>>, vector<1x16xf32>,
      %parallel_loop3A_312 = vector.shape_cast %parallel_loop3A_311 : vector<1x16xf32> to vector<16xf32>
      %parallel_loop3A_313 = arith.addf %parallel_loop3A_308, %parallel_loop3A_312 : vector<16xf32>
      %parallel_loop3A_314 = arith.index_cast %parallel_loop3A_301 : i32 to index
      %parallel_loop3A_315 = arith.constant 0 : index
      %parallel_loop3A_316 = tpu.vector_load %arg11[%parallel_loop3A_314, %parallel_loop3A_315] {strides = array<i32>} : memref<128x64xf32, #tpu.memory_space<vmem>>, vector<1x16xf32>,
      %parallel_loop3A_317 = vector.shape_cast %parallel_loop3A_316 : vector<1x16xf32> to vector<16xf32>
      %parallel_loop3A_318 = vector.shape_cast %parallel_loop3A_313 : vector<16xf32> to vector<1x16xf32>
      tpu.vector_store %arg11[%parallel_loop3A_314, %parallel_loop3A_315], %parallel_loop3A_318 {strides = array<i32>} : memref<128x64xf32, #tpu.memory_space<vmem>>, vector<1x16xf32>,
      %parallel_loop3A_319 = arith.index_cast %parallel_loop3A_301 : i32 to index
      %parallel_loop3A_320 = arith.constant 16 : index
      %parallel_loop3A_321 = tpu.vector_load %arg9[%parallel_loop3A_319, %parallel_loop3A_320] {strides = array<i32>} : memref<128x128xf32, #tpu.memory_space<vmem>>, vector<1x16xf32>,
      %parallel_loop3A_322 = vector.shape_cast %parallel_loop3A_321 : vector<1x16xf32> to vector<16xf32>
      %parallel_loop3A_323 = arith.index_cast %parallel_loop3A_304 : i32 to index
      %parallel_loop3A_324 = arith.constant 16 : index
      %parallel_loop3A_325 = tpu.vector_load %arg7[%parallel_loop3A_323, %parallel_loop3A_324] {strides = array<i32>} : memref<200x64xf32, #tpu.memory_space<vmem>>, vector<1x16xf32>,
      %parallel_loop3A_326 = vector.shape_cast %parallel_loop3A_325 : vector<1x16xf32> to vector<16xf32>
      %parallel_loop3A_327 = arith.addf %parallel_loop3A_322, %parallel_loop3A_326 : vector<16xf32>
      %parallel_loop3A_328 = arith.index_cast %parallel_loop3A_301 : i32 to index
      %parallel_loop3A_329 = arith.constant 16 : index
      %parallel_loop3A_330 = tpu.vector_load %arg11[%parallel_loop3A_328, %parallel_loop3A_329] {strides = array<i32>} : memref<128x64xf32, #tpu.memory_space<vmem>>, vector<1x16xf32>,
      %parallel_loop3A_331 = vector.shape_cast %parallel_loop3A_330 : vector<1x16xf32> to vector<16xf32>
      %parallel_loop3A_332 = vector.shape_cast %parallel_loop3A_327 : vector<16xf32> to vector<1x16xf32>
      tpu.vector_store %arg11[%parallel_loop3A_328, %parallel_loop3A_329], %parallel_loop3A_332 {strides = array<i32>} : memref<128x64xf32, #tpu.memory_space<vmem>>, vector<1x16xf32>,
      %parallel_loop3A_333 = arith.index_cast %parallel_loop3A_301 : i32 to index
      %parallel_loop3A_334 = arith.constant 32 : index
      %parallel_loop3A_335 = tpu.vector_load %arg9[%parallel_loop3A_333, %parallel_loop3A_334] {strides = array<i32>} : memref<128x128xf32, #tpu.memory_space<vmem>>, vector<1x16xf32>,
      %parallel_loop3A_336 = vector.shape_cast %parallel_loop3A_335 : vector<1x16xf32> to vector<16xf32>
      %parallel_loop3A_337 = arith.index_cast %parallel_loop3A_304 : i32 to index
      %parallel_loop3A_338 = arith.constant 32 : index
      %parallel_loop3A_339 = tpu.vector_load %arg7[%parallel_loop3A_337, %parallel_loop3A_338] {strides = array<i32>} : memref<200x64xf32, #tpu.memory_space<vmem>>, vector<1x16xf32>,
      %parallel_loop3A_340 = vector.shape_cast %parallel_loop3A_339 : vector<1x16xf32> to vector<16xf32>
      %parallel_loop3A_341 = arith.addf %parallel_loop3A_336, %parallel_loop3A_340 : vector<16xf32>
      %parallel_loop3A_342 = arith.index_cast %parallel_loop3A_301 : i32 to index
      %parallel_loop3A_343 = arith.constant 32 : index
      %parallel_loop3A_344 = tpu.vector_load %arg11[%parallel_loop3A_342, %parallel_loop3A_343] {strides = array<i32>} : memref<128x64xf32, #tpu.memory_space<vmem>>, vector<1x16xf32>,
      %parallel_loop3A_345 = vector.shape_cast %parallel_loop3A_344 : vector<1x16xf32> to vector<16xf32>
      %parallel_loop3A_346 = vector.shape_cast %parallel_loop3A_341 : vector<16xf32> to vector<1x16xf32>
      tpu.vector_store %arg11[%parallel_loop3A_342, %parallel_loop3A_343], %parallel_loop3A_346 {strides = array<i32>} : memref<128x64xf32, #tpu.memory_space<vmem>>, vector<1x16xf32>,
      %parallel_loop3A_347 = arith.index_cast %parallel_loop3A_301 : i32 to index
      %parallel_loop3A_348 = arith.constant 48 : index
      %parallel_loop3A_349 = tpu.vector_load %arg9[%parallel_loop3A_347, %parallel_loop3A_348] {strides = array<i32>} : memref<128x128xf32, #tpu.memory_space<vmem>>, vector<1x16xf32>,
      %parallel_loop3A_350 = vector.shape_cast %parallel_loop3A_349 : vector<1x16xf32> to vector<16xf32>
      %parallel_loop3A_351 = arith.index_cast %parallel_loop3A_304 : i32 to index
      %parallel_loop3A_352 = arith.constant 48 : index
      %parallel_loop3A_353 = tpu.vector_load %arg7[%parallel_loop3A_351, %parallel_loop3A_352] {strides = array<i32>} : memref<200x64xf32, #tpu.memory_space<vmem>>, vector<1x16xf32>,
      %parallel_loop3A_354 = vector.shape_cast %parallel_loop3A_353 : vector<1x16xf32> to vector<16xf32>
      %parallel_loop3A_355 = arith.addf %parallel_loop3A_350, %parallel_loop3A_354 : vector<16xf32>
      %parallel_loop3A_356 = arith.index_cast %parallel_loop3A_301 : i32 to index
      %parallel_loop3A_357 = arith.constant 48 : index
      %parallel_loop3A_358 = tpu.vector_load %arg11[%parallel_loop3A_356, %parallel_loop3A_357] {strides = array<i32>} : memref<128x64xf32, #tpu.memory_space<vmem>>, vector<1x16xf32>,
      %parallel_loop3A_359 = vector.shape_cast %parallel_loop3A_358 : vector<1x16xf32> to vector<16xf32>
      %parallel_loop3A_360 = vector.shape_cast %parallel_loop3A_355 : vector<16xf32> to vector<1x16xf32>
      tpu.vector_store %arg11[%parallel_loop3A_356, %parallel_loop3A_357], %parallel_loop3A_360 {strides = array<i32>} : memref<128x64xf32, #tpu.memory_space<vmem>>, vector<1x16xf32>,
    } {sc.loop_unroll_factor = 2 : i64, sc.parallel_access}
    %dma_start3A_159 = arith.constant 3 : i32
    %dma_start3A_160 = arith.constant 64 : i32
    %dma_start3A_161 = arith.constant 0 : i32
    %dma_start3A_162 = tpu.memref_slice %arg9[%dma_start3A_160, %dma_start3A_161] : memref<128x128xf32, #tpu.memory_space<vmem>> -> memref<64x128xf32, #tpu.memory_space<vmem>>
    %dma_start3A_163 = arith.constant 64 : i32
    %dma_start3A_164 = tpu.memref_slice %arg6[%dma_start3A_159, %dma_start3A_163] : memref<200x128xi32, #tpu.memory_space<vmem>> -> memref<1x64xi32, #tpu.memory_space<vmem>>
    %dma_start3A_165 = tpu.memref_squeeze %dma_start3A_164 : memref<1x64xi32, #tpu.memory_space<vmem>> -> memref<64xi32, #tpu.memory_space<vmem>>
    %dma_start3A_166 = arith.constant 0 : i32
    %dma_start3A_167 = arith.constant 0 : i32
    %dma_start3A_168 = tpu.memref_slice %arg3[%dma_start3A_166, %dma_start3A_167] : memref<100000x128xf32, #tpu.memory_space<hbm>> -> memref<100000x128xf32, #tpu.memory_space<hbm>>
    tpu.enqueue_indirect_dma source(%dma_start3A_168 : memref<100000x128xf32, #tpu.memory_space<hbm>>) target(%dma_start3A_162 : memref<64x128xf32, #tpu.memory_space<vmem>>) offsets(%dma_start3A_165 : memref<64xi32, #tpu.memory_space<vmem>>) semaphore(%arg15 : memref<!tpu.dma_semaphore, #tpu.memory_space<semaphore_mem>>)
    %add3A_169 = arith.constant 128 : i32
    %add3A_170 = arith.addi %mul3A_2, %add3A_169 : i32
    %dma_start3A_171 = arith.constant 0 : i32
    %dma_start3A_172 = tpu.memref_slice %arg5[%add3A_170, %dma_start3A_171] : memref<819200x64xf32, #tpu.memory_space<hbm>> -> memref<128x64xf32, #tpu.memory_space<hbm>>
    %dma_start3A_173 = arith.constant 0 : i32
    %dma_start3A_174 = tpu.memref_slice %arg5[%add3A_170, %dma_start3A_173] : memref<819200x64xf32, #tpu.memory_space<hbm>> -> memref<128x64xf32, #tpu.memory_space<hbm>>
    tpu.enqueue_dma source(%arg11 : memref<128x64xf32, #tpu.memory_space<vmem>>) target(%dma_start3A_174 : memref<128x64xf32, #tpu.memory_space<hbm>>) target_semaphore(%arg17 : memref<!tpu.dma_semaphore, #tpu.memory_space<semaphore_mem>>)
    %scan3A = arith.constant 0 : i32
    %scan3A_175 = arith.constant 98 : i32
    %scan3A_176 = arith.addi %scan3A, %scan3A_175 : i32
    %scan3A_177 = arith.constant 1 : i32
    scf.for %scan3A_301 = %scan3A to %scan3A_176 step %scan3A_177  : i32 {
      %mul3A_302 = arith.constant 1 : i32
      %mul3A_303 = arith.muli %scan3A_301, %mul3A_302 : i32
      %add3A_304 = arith.constant 0 : i32
      %add3A_305 = arith.addi %add3A_304, %mul3A_303 : i32
      %mul3A_306 = arith.constant 2 : i32
      %mul3A_307 = arith.muli %add3A_305, %mul3A_306 : i32
      %add3A_308 = arith.constant 2 : i32
      %add3A_309 = arith.addi %add3A_308, %mul3A_307 : i32
      %mul3A_310 = arith.constant 128 : i32
      %mul3A_311 = arith.muli %add3A_309, %mul3A_310 : i32
      %rem3A_312 = arith.constant 200 : i32
      %rem3A_313 = arith.remsi %mul3A_311, %rem3A_312 : i32
      %sub3A_314 = arith.constant 200 : i32
      %sub3A_315 = arith.subi %sub3A_314, %rem3A_313 : i32
      %min3A_316 = arith.constant 128 : i32
      %min3A_317 = arith.minsi %min3A_316, %sub3A_315 : i32
      %jit3A_318 = arith.constant 0 : i32
      %jit3A_319 = arith.constant 64 : i32
      %max3A_320 = arith.maxsi %jit3A_318, %min3A_317 : i32
      %min3A_321 = arith.minsi %jit3A_319, %max3A_320 : i32
      %jit3A_322 = arith.constant 64 : i32
      %jit3A_323 = arith.constant 128 : i32
      %max3A_324 = arith.maxsi %jit3A_322, %min3A_317 : i32
      %min3A_325 = arith.minsi %jit3A_323, %max3A_324 : i32
      %dma_wait3A_326 = arith.constant 0 : i32
      %dma_wait3A_327 = arith.constant 0 : i32
      %dma_wait3A_328 = tpu.memref_slice %arg8[%dma_wait3A_326, %dma_wait3A_327] : memref<128x128xf32, #tpu.memory_space<vmem>> -> memref<64x128xf32, #tpu.memory_space<vmem>>
      %dma_wait3A_329 = arith.constant 0 : i32
      %dma_wait3A_330 = tpu.memref_slice %arg6[%add3A_309, %dma_wait3A_329] : memref<200x128xi32, #tpu.memory_space<vmem>> -> memref<1x64xi32, #tpu.memory_space<vmem>>
      %dma_wait3A_331 = tpu.memref_squeeze %dma_wait3A_330 : memref<1x64xi32, #tpu.memory_space<vmem>> -> memref<64xi32, #tpu.memory_space<vmem>>
      %dma_wait3A_332 = arith.constant 0 : i32
      %dma_wait3A_333 = arith.constant 0 : i32
      %dma_wait3A_334 = tpu.memref_slice %arg3[%dma_wait3A_332, %dma_wait3A_333] : memref<100000x128xf32, #tpu.memory_space<hbm>> -> memref<100000x128xf32, #tpu.memory_space<hbm>>
      tpu.wait_indirect_dma semaphore(%arg12 : memref<!tpu.dma_semaphore, #tpu.memory_space<semaphore_mem>>) src(%dma_wait3A_334 : memref<100000x128xf32, #tpu.memory_space<hbm>>) dst(%dma_wait3A_328 : memref<64x128xf32, #tpu.memory_space<vmem>>)
      %sub3A_335 = arith.constant 2 : i32
      %sub3A_336 = arith.subi %add3A_309, %sub3A_335 : i32
      %mul3A_337 = arith.constant 128 : i32
      %mul3A_338 = arith.muli %sub3A_336, %mul3A_337 : i32
      %add3A_339 = arith.addi %mul3A_2, %mul3A_338 : i32
      %dma_wait3A_340 = arith.constant 0 : i32
      %dma_wait3A_341 = tpu.memref_slice %arg5[%add3A_339, %dma_wait3A_340] : memref<819200x64xf32, #tpu.memory_space<hbm>> -> memref<128x64xf32, #tpu.memory_space<hbm>>
      %dma_wait3A_342 = arith.constant 0 : i32
      %dma_wait3A_343 = tpu.memref_slice %arg5[%add3A_339, %dma_wait3A_342] : memref<819200x64xf32, #tpu.memory_space<hbm>> -> memref<128x64xf32, #tpu.memory_space<hbm>>
      tpu.wait_dma2 semaphore(%arg16 : memref<!tpu.dma_semaphore, #tpu.memory_space<semaphore_mem>>) src(%arg10 : memref<128x64xf32, #tpu.memory_space<vmem>>) dst(%dma_wait3A_343 : memref<128x64xf32, #tpu.memory_space<hbm>>)
      %parallel_loop3A_344 = arith.constant 0 : i32
      %parallel_loop3A_345 = arith.constant 1 : i32
      scf.for %parallel_loop3A_472 = %parallel_loop3A_344 to %min3A_321 step %parallel_loop3A_345  : i32 {
        %parallel_loop3A_473 = arith.addi %rem3A_313, %parallel_loop3A_472 : i32
        %parallel_loop3A_474 = arith.index_cast %parallel_loop3A_472 : i32 to index
        %parallel_loop3A_475 = arith.constant 0 : index
        %parallel_loop3A_476 = tpu.vector_load %arg8[%parallel_loop3A_474, %parallel_loop3A_475] {strides = array<i32>} : memref<128x128xf32, #tpu.memory_space<vmem>>, vector<1x16xf32>,
        %parallel_loop3A_477 = vector.shape_cast %parallel_loop3A_476 : vector<1x16xf32> to vector<16xf32>
        %parallel_loop3A_478 = arith.index_cast %parallel_loop3A_473 : i32 to index
        %parallel_loop3A_479 = arith.constant 0 : index
        %parallel_loop3A_480 = tpu.vector_load %arg7[%parallel_loop3A_478, %parallel_loop3A_479] {strides = array<i32>} : memref<200x64xf32, #tpu.memory_space<vmem>>, vector<1x16xf32>,
        %parallel_loop3A_481 = vector.shape_cast %parallel_loop3A_480 : vector<1x16xf32> to vector<16xf32>
        %parallel_loop3A_482 = arith.addf %parallel_loop3A_477, %parallel_loop3A_481 : vector<16xf32>
        %parallel_loop3A_483 = arith.index_cast %parallel_loop3A_472 : i32 to index
        %parallel_loop3A_484 = arith.constant 0 : index
        %parallel_loop3A_485 = tpu.vector_load %arg10[%parallel_loop3A_483, %parallel_loop3A_484] {strides = array<i32>} : memref<128x64xf32, #tpu.memory_space<vmem>>, vector<1x16xf32>,
        %parallel_loop3A_486 = vector.shape_cast %parallel_loop3A_485 : vector<1x16xf32> to vector<16xf32>
        %parallel_loop3A_487 = vector.shape_cast %parallel_loop3A_482 : vector<16xf32> to vector<1x16xf32>
        tpu.vector_store %arg10[%parallel_loop3A_483, %parallel_loop3A_484], %parallel_loop3A_487 {strides = array<i32>} : memref<128x64xf32, #tpu.memory_space<vmem>>, vector<1x16xf32>,
        %parallel_loop3A_488 = arith.index_cast %parallel_loop3A_472 : i32 to index
        %parallel_loop3A_489 = arith.constant 16 : index
        %parallel_loop3A_490 = tpu.vector_load %arg8[%parallel_loop3A_488, %parallel_loop3A_489] {strides = array<i32>} : memref<128x128xf32, #tpu.memory_space<vmem>>, vector<1x16xf32>,
        %parallel_loop3A_491 = vector.shape_cast %parallel_loop3A_490 : vector<1x16xf32> to vector<16xf32>
        %parallel_loop3A_492 = arith.index_cast %parallel_loop3A_473 : i32 to index
        %parallel_loop3A_493 = arith.constant 16 : index
        %parallel_loop3A_494 = tpu.vector_load %arg7[%parallel_loop3A_492, %parallel_loop3A_493] {strides = array<i32>} : memref<200x64xf32, #tpu.memory_space<vmem>>, vector<1x16xf32>,
        %parallel_loop3A_495 = vector.shape_cast %parallel_loop3A_494 : vector<1x16xf32> to vector<16xf32>
        %parallel_loop3A_496 = arith.addf %parallel_loop3A_491, %parallel_loop3A_495 : vector<16xf32>
        %parallel_loop3A_497 = arith.index_cast %parallel_loop3A_472 : i32 to index
        %parallel_loop3A_498 = arith.constant 16 : index
        %parallel_loop3A_499 = tpu.vector_load %arg10[%parallel_loop3A_497, %parallel_loop3A_498] {strides = array<i32>} : memref<128x64xf32, #tpu.memory_space<vmem>>, vector<1x16xf32>,
        %parallel_loop3A_500 = vector.shape_cast %parallel_loop3A_499 : vector<1x16xf32> to vector<16xf32>
        %parallel_loop3A_501 = vector.shape_cast %parallel_loop3A_496 : vector<16xf32> to vector<1x16xf32>
        tpu.vector_store %arg10[%parallel_loop3A_497, %parallel_loop3A_498], %parallel_loop3A_501 {strides = array<i32>} : memref<128x64xf32, #tpu.memory_space<vmem>>, vector<1x16xf32>,
        %parallel_loop3A_502 = arith.index_cast %parallel_loop3A_472 : i32 to index
        %parallel_loop3A_503 = arith.constant 32 : index
        %parallel_loop3A_504 = tpu.vector_load %arg8[%parallel_loop3A_502, %parallel_loop3A_503] {strides = array<i32>} : memref<128x128xf32, #tpu.memory_space<vmem>>, vector<1x16xf32>,
        %parallel_loop3A_505 = vector.shape_cast %parallel_loop3A_504 : vector<1x16xf32> to vector<16xf32>
        %parallel_loop3A_506 = arith.index_cast %parallel_loop3A_473 : i32 to index
        %parallel_loop3A_507 = arith.constant 32 : index
        %parallel_loop3A_508 = tpu.vector_load %arg7[%parallel_loop3A_506, %parallel_loop3A_507] {strides = array<i32>} : memref<200x64xf32, #tpu.memory_space<vmem>>, vector<1x16xf32>,
        %parallel_loop3A_509 = vector.shape_cast %parallel_loop3A_508 : vector<1x16xf32> to vector<16xf32>
        %parallel_loop3A_510 = arith.addf %parallel_loop3A_505, %parallel_loop3A_509 : vector<16xf32>
        %parallel_loop3A_511 = arith.index_cast %parallel_loop3A_472 : i32 to index
        %parallel_loop3A_512 = arith.constant 32 : index
        %parallel_loop3A_513 = tpu.vector_load %arg10[%parallel_loop3A_511, %parallel_loop3A_512] {strides = array<i32>} : memref<128x64xf32, #tpu.memory_space<vmem>>, vector<1x16xf32>,
        %parallel_loop3A_514 = vector.shape_cast %parallel_loop3A_513 : vector<1x16xf32> to vector<16xf32>
        %parallel_loop3A_515 = vector.shape_cast %parallel_loop3A_510 : vector<16xf32> to vector<1x16xf32>
        tpu.vector_store %arg10[%parallel_loop3A_511, %parallel_loop3A_512], %parallel_loop3A_515 {strides = array<i32>} : memref<128x64xf32, #tpu.memory_space<vmem>>, vector<1x16xf32>,
        %parallel_loop3A_516 = arith.index_cast %parallel_loop3A_472 : i32 to index
        %parallel_loop3A_517 = arith.constant 48 : index
        %parallel_loop3A_518 = tpu.vector_load %arg8[%parallel_loop3A_516, %parallel_loop3A_517] {strides = array<i32>} : memref<128x128xf32, #tpu.memory_space<vmem>>, vector<1x16xf32>,
        %parallel_loop3A_519 = vector.shape_cast %parallel_loop3A_518 : vector<1x16xf32> to vector<16xf32>
        %parallel_loop3A_520 = arith.index_cast %parallel_loop3A_473 : i32 to index
        %parallel_loop3A_521 = arith.constant 48 : index
        %parallel_loop3A_522 = tpu.vector_load %arg7[%parallel_loop3A_520, %parallel_loop3A_521] {strides = array<i32>} : memref<200x64xf32, #tpu.memory_space<vmem>>, vector<1x16xf32>,
        %parallel_loop3A_523 = vector.shape_cast %parallel_loop3A_522 : vector<1x16xf32> to vector<16xf32>
        %parallel_loop3A_524 = arith.addf %parallel_loop3A_519, %parallel_loop3A_523 : vector<16xf32>
        %parallel_loop3A_525 = arith.index_cast %parallel_loop3A_472 : i32 to index
        %parallel_loop3A_526 = arith.constant 48 : index
        %parallel_loop3A_527 = tpu.vector_load %arg10[%parallel_loop3A_525, %parallel_loop3A_526] {strides = array<i32>} : memref<128x64xf32, #tpu.memory_space<vmem>>, vector<1x16xf32>,
        %parallel_loop3A_528 = vector.shape_cast %parallel_loop3A_527 : vector<1x16xf32> to vector<16xf32>
        %parallel_loop3A_529 = vector.shape_cast %parallel_loop3A_524 : vector<16xf32> to vector<1x16xf32>
        tpu.vector_store %arg10[%parallel_loop3A_525, %parallel_loop3A_526], %parallel_loop3A_529 {strides = array<i32>} : memref<128x64xf32, #tpu.memory_space<vmem>>, vector<1x16xf32>,
      } {sc.loop_unroll_factor = 2 : i64, sc.parallel_access}
      %parallel_loop3A_346 = arith.constant 64 : i32
      %parallel_loop3A_347 = arith.constant 1 : i32
      scf.for %parallel_loop3A_472 = %min3A_321 to %parallel_loop3A_346 step %parallel_loop3A_347  : i32 {
        %parallel_loop3A_473 = arith.addi %rem3A_313, %parallel_loop3A_472 : i32
        %parallel_loop3A_474 = arith.constant 200 : i32
        %parallel_loop3A_475 = arith.subi %parallel_loop3A_473, %parallel_loop3A_474 : i32
        %parallel_loop3A_476 = arith.index_cast %parallel_loop3A_472 : i32 to index
        %parallel_loop3A_477 = arith.constant 0 : index
        %parallel_loop3A_478 = tpu.vector_load %arg8[%parallel_loop3A_476, %parallel_loop3A_477] {strides = array<i32>} : memref<128x128xf32, #tpu.memory_space<vmem>>, vector<1x16xf32>,
        %parallel_loop3A_479 = vector.shape_cast %parallel_loop3A_478 : vector<1x16xf32> to vector<16xf32>
        %parallel_loop3A_480 = arith.index_cast %parallel_loop3A_475 : i32 to index
        %parallel_loop3A_481 = arith.constant 0 : index
        %parallel_loop3A_482 = tpu.vector_load %arg7[%parallel_loop3A_480, %parallel_loop3A_481] {strides = array<i32>} : memref<200x64xf32, #tpu.memory_space<vmem>>, vector<1x16xf32>,
        %parallel_loop3A_483 = vector.shape_cast %parallel_loop3A_482 : vector<1x16xf32> to vector<16xf32>
        %parallel_loop3A_484 = arith.addf %parallel_loop3A_479, %parallel_loop3A_483 : vector<16xf32>
        %parallel_loop3A_485 = arith.index_cast %parallel_loop3A_472 : i32 to index
        %parallel_loop3A_486 = arith.constant 0 : index
        %parallel_loop3A_487 = tpu.vector_load %arg10[%parallel_loop3A_485, %parallel_loop3A_486] {strides = array<i32>} : memref<128x64xf32, #tpu.memory_space<vmem>>, vector<1x16xf32>,
        %parallel_loop3A_488 = vector.shape_cast %parallel_loop3A_487 : vector<1x16xf32> to vector<16xf32>
        %parallel_loop3A_489 = vector.shape_cast %parallel_loop3A_484 : vector<16xf32> to vector<1x16xf32>
        tpu.vector_store %arg10[%parallel_loop3A_485, %parallel_loop3A_486], %parallel_loop3A_489 {strides = array<i32>} : memref<128x64xf32, #tpu.memory_space<vmem>>, vector<1x16xf32>,
        %parallel_loop3A_490 = arith.index_cast %parallel_loop3A_472 : i32 to index
        %parallel_loop3A_491 = arith.constant 16 : index
        %parallel_loop3A_492 = tpu.vector_load %arg8[%parallel_loop3A_490, %parallel_loop3A_491] {strides = array<i32>} : memref<128x128xf32, #tpu.memory_space<vmem>>, vector<1x16xf32>,
        %parallel_loop3A_493 = vector.shape_cast %parallel_loop3A_492 : vector<1x16xf32> to vector<16xf32>
        %parallel_loop3A_494 = arith.index_cast %parallel_loop3A_475 : i32 to index
        %parallel_loop3A_495 = arith.constant 16 : index
        %parallel_loop3A_496 = tpu.vector_load %arg7[%parallel_loop3A_494, %parallel_loop3A_495] {strides = array<i32>} : memref<200x64xf32, #tpu.memory_space<vmem>>, vector<1x16xf32>,
        %parallel_loop3A_497 = vector.shape_cast %parallel_loop3A_496 : vector<1x16xf32> to vector<16xf32>
        %parallel_loop3A_498 = arith.addf %parallel_loop3A_493, %parallel_loop3A_497 : vector<16xf32>
        %parallel_loop3A_499 = arith.index_cast %parallel_loop3A_472 : i32 to index
        %parallel_loop3A_500 = arith.constant 16 : index
        %parallel_loop3A_501 = tpu.vector_load %arg10[%parallel_loop3A_499, %parallel_loop3A_500] {strides = array<i32>} : memref<128x64xf32, #tpu.memory_space<vmem>>, vector<1x16xf32>,
        %parallel_loop3A_502 = vector.shape_cast %parallel_loop3A_501 : vector<1x16xf32> to vector<16xf32>
        %parallel_loop3A_503 = vector.shape_cast %parallel_loop3A_498 : vector<16xf32> to vector<1x16xf32>
        tpu.vector_store %arg10[%parallel_loop3A_499, %parallel_loop3A_500], %parallel_loop3A_503 {strides = array<i32>} : memref<128x64xf32, #tpu.memory_space<vmem>>, vector<1x16xf32>,
        %parallel_loop3A_504 = arith.index_cast %parallel_loop3A_472 : i32 to index
        %parallel_loop3A_505 = arith.constant 32 : index
        %parallel_loop3A_506 = tpu.vector_load %arg8[%parallel_loop3A_504, %parallel_loop3A_505] {strides = array<i32>} : memref<128x128xf32, #tpu.memory_space<vmem>>, vector<1x16xf32>,
        %parallel_loop3A_507 = vector.shape_cast %parallel_loop3A_506 : vector<1x16xf32> to vector<16xf32>
        %parallel_loop3A_508 = arith.index_cast %parallel_loop3A_475 : i32 to index
        %parallel_loop3A_509 = arith.constant 32 : index
        %parallel_loop3A_510 = tpu.vector_load %arg7[%parallel_loop3A_508, %parallel_loop3A_509] {strides = array<i32>} : memref<200x64xf32, #tpu.memory_space<vmem>>, vector<1x16xf32>,
        %parallel_loop3A_511 = vector.shape_cast %parallel_loop3A_510 : vector<1x16xf32> to vector<16xf32>
        %parallel_loop3A_512 = arith.addf %parallel_loop3A_507, %parallel_loop3A_511 : vector<16xf32>
        %parallel_loop3A_513 = arith.index_cast %parallel_loop3A_472 : i32 to index
        %parallel_loop3A_514 = arith.constant 32 : index
        %parallel_loop3A_515 = tpu.vector_load %arg10[%parallel_loop3A_513, %parallel_loop3A_514] {strides = array<i32>} : memref<128x64xf32, #tpu.memory_space<vmem>>, vector<1x16xf32>,
        %parallel_loop3A_516 = vector.shape_cast %parallel_loop3A_515 : vector<1x16xf32> to vector<16xf32>
        %parallel_loop3A_517 = vector.shape_cast %parallel_loop3A_512 : vector<16xf32> to vector<1x16xf32>
        tpu.vector_store %arg10[%parallel_loop3A_513, %parallel_loop3A_514], %parallel_loop3A_517 {strides = array<i32>} : memref<128x64xf32, #tpu.memory_space<vmem>>, vector<1x16xf32>,
        %parallel_loop3A_518 = arith.index_cast %parallel_loop3A_472 : i32 to index
        %parallel_loop3A_519 = arith.constant 48 : index
        %parallel_loop3A_520 = tpu.vector_load %arg8[%parallel_loop3A_518, %parallel_loop3A_519] {strides = array<i32>} : memref<128x128xf32, #tpu.memory_space<vmem>>, vector<1x16xf32>,
        %parallel_loop3A_521 = vector.shape_cast %parallel_loop3A_520 : vector<1x16xf32> to vector<16xf32>
        %parallel_loop3A_522 = arith.index_cast %parallel_loop3A_475 : i32 to index
        %parallel_loop3A_523 = arith.constant 48 : index
        %parallel_loop3A_524 = tpu.vector_load %arg7[%parallel_loop3A_522, %parallel_loop3A_523] {strides = array<i32>} : memref<200x64xf32, #tpu.memory_space<vmem>>, vector<1x16xf32>,
        %parallel_loop3A_525 = vector.shape_cast %parallel_loop3A_524 : vector<1x16xf32> to vector<16xf32>
        %parallel_loop3A_526 = arith.addf %parallel_loop3A_521, %parallel_loop3A_525 : vector<16xf32>
        %parallel_loop3A_527 = arith.index_cast %parallel_loop3A_472 : i32 to index
        %parallel_loop3A_528 = arith.constant 48 : index
        %parallel_loop3A_529 = tpu.vector_load %arg10[%parallel_loop3A_527, %parallel_loop3A_528] {strides = array<i32>} : memref<128x64xf32, #tpu.memory_space<vmem>>, vector<1x16xf32>,
        %parallel_loop3A_530 = vector.shape_cast %parallel_loop3A_529 : vector<1x16xf32> to vector<16xf32>
        %parallel_loop3A_531 = vector.shape_cast %parallel_loop3A_526 : vector<16xf32> to vector<1x16xf32>
        tpu.vector_store %arg10[%parallel_loop3A_527, %parallel_loop3A_528], %parallel_loop3A_531 {strides = array<i32>} : memref<128x64xf32, #tpu.memory_space<vmem>>, vector<1x16xf32>,
      } {sc.loop_unroll_factor = 2 : i64, sc.parallel_access}
      %add3A_348 = arith.constant 2 : i32
      %add3A_349 = arith.addi %add3A_309, %add3A_348 : i32
      %dma_start3A_350 = arith.constant 0 : i32
      %dma_start3A_351 = arith.constant 0 : i32
      %dma_start3A_352 = tpu.memref_slice %arg8[%dma_start3A_350, %dma_start3A_351] : memref<128x128xf32, #tpu.memory_space<vmem>> -> memref<64x128xf32, #tpu.memory_space<vmem>>
      %dma_start3A_353 = arith.constant 0 : i32
      %dma_start3A_354 = tpu.memref_slice %arg6[%add3A_349, %dma_start3A_353] : memref<200x128xi32, #tpu.memory_space<vmem>> -> memref<1x64xi32, #tpu.memory_space<vmem>>
      %dma_start3A_355 = tpu.memref_squeeze %dma_start3A_354 : memref<1x64xi32, #tpu.memory_space<vmem>> -> memref<64xi32, #tpu.memory_space<vmem>>
      %dma_start3A_356 = arith.constant 0 : i32
      %dma_start3A_357 = arith.constant 0 : i32
      %dma_start3A_358 = tpu.memref_slice %arg3[%dma_start3A_356, %dma_start3A_357] : memref<100000x128xf32, #tpu.memory_space<hbm>> -> memref<100000x128xf32, #tpu.memory_space<hbm>>
      tpu.enqueue_indirect_dma source(%dma_start3A_358 : memref<100000x128xf32, #tpu.memory_space<hbm>>) target(%dma_start3A_352 : memref<64x128xf32, #tpu.memory_space<vmem>>) offsets(%dma_start3A_355 : memref<64xi32, #tpu.memory_space<vmem>>) semaphore(%arg12 : memref<!tpu.dma_semaphore, #tpu.memory_space<semaphore_mem>>)
      %dma_wait3A_359 = arith.constant 64 : i32
      %dma_wait3A_360 = arith.constant 0 : i32
      %dma_wait3A_361 = tpu.memref_slice %arg8[%dma_wait3A_359, %dma_wait3A_360] : memref<128x128xf32, #tpu.memory_space<vmem>> -> memref<64x128xf32, #tpu.memory_space<vmem>>
      %dma_wait3A_362 = arith.constant 64 : i32
      %dma_wait3A_363 = tpu.memref_slice %arg6[%add3A_309, %dma_wait3A_362] : memref<200x128xi32, #tpu.memory_space<vmem>> -> memref<1x64xi32, #tpu.memory_space<vmem>>
      %dma_wait3A_364 = tpu.memref_squeeze %dma_wait3A_363 : memref<1x64xi32, #tpu.memory_space<vmem>> -> memref<64xi32, #tpu.memory_space<vmem>>
      %dma_wait3A_365 = arith.constant 0 : i32
      %dma_wait3A_366 = arith.constant 0 : i32
      %dma_wait3A_367 = tpu.memref_slice %arg3[%dma_wait3A_365, %dma_wait3A_366] : memref<100000x128xf32, #tpu.memory_space<hbm>> -> memref<100000x128xf32, #tpu.memory_space<hbm>>
      tpu.wait_indirect_dma semaphore(%arg14 : memref<!tpu.dma_semaphore, #tpu.memory_space<semaphore_mem>>) src(%dma_wait3A_367 : memref<100000x128xf32, #tpu.memory_space<hbm>>) dst(%dma_wait3A_361 : memref<64x128xf32, #tpu.memory_space<vmem>>)
      %parallel_loop3A_368 = arith.constant 64 : i32
      %parallel_loop3A_369 = arith.constant 1 : i32
      scf.for %parallel_loop3A_472 = %parallel_loop3A_368 to %min3A_325 step %parallel_loop3A_369  : i32 {
        %parallel_loop3A_473 = arith.addi %rem3A_313, %parallel_loop3A_472 : i32
        %parallel_loop3A_474 = arith.index_cast %parallel_loop3A_472 : i32 to index
        %parallel_loop3A_475 = arith.constant 0 : index
        %parallel_loop3A_476 = tpu.vector_load %arg8[%parallel_loop3A_474, %parallel_loop3A_475] {strides = array<i32>} : memref<128x128xf32, #tpu.memory_space<vmem>>, vector<1x16xf32>,
        %parallel_loop3A_477 = vector.shape_cast %parallel_loop3A_476 : vector<1x16xf32> to vector<16xf32>
        %parallel_loop3A_478 = arith.index_cast %parallel_loop3A_473 : i32 to index
        %parallel_loop3A_479 = arith.constant 0 : index
        %parallel_loop3A_480 = tpu.vector_load %arg7[%parallel_loop3A_478, %parallel_loop3A_479] {strides = array<i32>} : memref<200x64xf32, #tpu.memory_space<vmem>>, vector<1x16xf32>,
        %parallel_loop3A_481 = vector.shape_cast %parallel_loop3A_480 : vector<1x16xf32> to vector<16xf32>
        %parallel_loop3A_482 = arith.addf %parallel_loop3A_477, %parallel_loop3A_481 : vector<16xf32>
        %parallel_loop3A_483 = arith.index_cast %parallel_loop3A_472 : i32 to index
        %parallel_loop3A_484 = arith.constant 0 : index
        %parallel_loop3A_485 = tpu.vector_load %arg10[%parallel_loop3A_483, %parallel_loop3A_484] {strides = array<i32>} : memref<128x64xf32, #tpu.memory_space<vmem>>, vector<1x16xf32>,
        %parallel_loop3A_486 = vector.shape_cast %parallel_loop3A_485 : vector<1x16xf32> to vector<16xf32>
        %parallel_loop3A_487 = vector.shape_cast %parallel_loop3A_482 : vector<16xf32> to vector<1x16xf32>
        tpu.vector_store %arg10[%parallel_loop3A_483, %parallel_loop3A_484], %parallel_loop3A_487 {strides = array<i32>} : memref<128x64xf32, #tpu.memory_space<vmem>>, vector<1x16xf32>,
        %parallel_loop3A_488 = arith.index_cast %parallel_loop3A_472 : i32 to index
        %parallel_loop3A_489 = arith.constant 16 : index
        %parallel_loop3A_490 = tpu.vector_load %arg8[%parallel_loop3A_488, %parallel_loop3A_489] {strides = array<i32>} : memref<128x128xf32, #tpu.memory_space<vmem>>, vector<1x16xf32>,
        %parallel_loop3A_491 = vector.shape_cast %parallel_loop3A_490 : vector<1x16xf32> to vector<16xf32>
        %parallel_loop3A_492 = arith.index_cast %parallel_loop3A_473 : i32 to index
        %parallel_loop3A_493 = arith.constant 16 : index
        %parallel_loop3A_494 = tpu.vector_load %arg7[%parallel_loop3A_492, %parallel_loop3A_493] {strides = array<i32>} : memref<200x64xf32, #tpu.memory_space<vmem>>, vector<1x16xf32>,
        %parallel_loop3A_495 = vector.shape_cast %parallel_loop3A_494 : vector<1x16xf32> to vector<16xf32>
        %parallel_loop3A_496 = arith.addf %parallel_loop3A_491, %parallel_loop3A_495 : vector<16xf32>
        %parallel_loop3A_497 = arith.index_cast %parallel_loop3A_472 : i32 to index
        %parallel_loop3A_498 = arith.constant 16 : index
        %parallel_loop3A_499 = tpu.vector_load %arg10[%parallel_loop3A_497, %parallel_loop3A_498] {strides = array<i32>} : memref<128x64xf32, #tpu.memory_space<vmem>>, vector<1x16xf32>,
        %parallel_loop3A_500 = vector.shape_cast %parallel_loop3A_499 : vector<1x16xf32> to vector<16xf32>
        %parallel_loop3A_501 = vector.shape_cast %parallel_loop3A_496 : vector<16xf32> to vector<1x16xf32>
        tpu.vector_store %arg10[%parallel_loop3A_497, %parallel_loop3A_498], %parallel_loop3A_501 {strides = array<i32>} : memref<128x64xf32, #tpu.memory_space<vmem>>, vector<1x16xf32>,
        %parallel_loop3A_502 = arith.index_cast %parallel_loop3A_472 : i32 to index
        %parallel_loop3A_503 = arith.constant 32 : index
        %parallel_loop3A_504 = tpu.vector_load %arg8[%parallel_loop3A_502, %parallel_loop3A_503] {strides = array<i32>} : memref<128x128xf32, #tpu.memory_space<vmem>>, vector<1x16xf32>,
        %parallel_loop3A_505 = vector.shape_cast %parallel_loop3A_504 : vector<1x16xf32> to vector<16xf32>
        %parallel_loop3A_506 = arith.index_cast %parallel_loop3A_473 : i32 to index
        %parallel_loop3A_507 = arith.constant 32 : index
        %parallel_loop3A_508 = tpu.vector_load %arg7[%parallel_loop3A_506, %parallel_loop3A_507] {strides = array<i32>} : memref<200x64xf32, #tpu.memory_space<vmem>>, vector<1x16xf32>,
        %parallel_loop3A_509 = vector.shape_cast %parallel_loop3A_508 : vector<1x16xf32> to vector<16xf32>
        %parallel_loop3A_510 = arith.addf %parallel_loop3A_505, %parallel_loop3A_509 : vector<16xf32>
        %parallel_loop3A_511 = arith.index_cast %parallel_loop3A_472 : i32 to index
        %parallel_loop3A_512 = arith.constant 32 : index
        %parallel_loop3A_513 = tpu.vector_load %arg10[%parallel_loop3A_511, %parallel_loop3A_512] {strides = array<i32>} : memref<128x64xf32, #tpu.memory_space<vmem>>, vector<1x16xf32>,
        %parallel_loop3A_514 = vector.shape_cast %parallel_loop3A_513 : vector<1x16xf32> to vector<16xf32>
        %parallel_loop3A_515 = vector.shape_cast %parallel_loop3A_510 : vector<16xf32> to vector<1x16xf32>
        tpu.vector_store %arg10[%parallel_loop3A_511, %parallel_loop3A_512], %parallel_loop3A_515 {strides = array<i32>} : memref<128x64xf32, #tpu.memory_space<vmem>>, vector<1x16xf32>,
        %parallel_loop3A_516 = arith.index_cast %parallel_loop3A_472 : i32 to index
        %parallel_loop3A_517 = arith.constant 48 : index
        %parallel_loop3A_518 = tpu.vector_load %arg8[%parallel_loop3A_516, %parallel_loop3A_517] {strides = array<i32>} : memref<128x128xf32, #tpu.memory_space<vmem>>, vector<1x16xf32>,
        %parallel_loop3A_519 = vector.shape_cast %parallel_loop3A_518 : vector<1x16xf32> to vector<16xf32>
        %parallel_loop3A_520 = arith.index_cast %parallel_loop3A_473 : i32 to index
        %parallel_loop3A_521 = arith.constant 48 : index
        %parallel_loop3A_522 = tpu.vector_load %arg7[%parallel_loop3A_520, %parallel_loop3A_521] {strides = array<i32>} : memref<200x64xf32, #tpu.memory_space<vmem>>, vector<1x16xf32>,
        %parallel_loop3A_523 = vector.shape_cast %parallel_loop3A_522 : vector<1x16xf32> to vector<16xf32>
        %parallel_loop3A_524 = arith.addf %parallel_loop3A_519, %parallel_loop3A_523 : vector<16xf32>
        %parallel_loop3A_525 = arith.index_cast %parallel_loop3A_472 : i32 to index
        %parallel_loop3A_526 = arith.constant 48 : index
        %parallel_loop3A_527 = tpu.vector_load %arg10[%parallel_loop3A_525, %parallel_loop3A_526] {strides = array<i32>} : memref<128x64xf32, #tpu.memory_space<vmem>>, vector<1x16xf32>,
        %parallel_loop3A_528 = vector.shape_cast %parallel_loop3A_527 : vector<1x16xf32> to vector<16xf32>
        %parallel_loop3A_529 = vector.shape_cast %parallel_loop3A_524 : vector<16xf32> to vector<1x16xf32>
        tpu.vector_store %arg10[%parallel_loop3A_525, %parallel_loop3A_526], %parallel_loop3A_529 {strides = array<i32>} : memref<128x64xf32, #tpu.memory_space<vmem>>, vector<1x16xf32>,
      } {sc.loop_unroll_factor = 2 : i64, sc.parallel_access}
      %parallel_loop3A_370 = arith.constant 128 : i32
      %parallel_loop3A_371 = arith.constant 1 : i32
      scf.for %parallel_loop3A_472 = %min3A_325 to %parallel_loop3A_370 step %parallel_loop3A_371  : i32 {
        %parallel_loop3A_473 = arith.addi %rem3A_313, %parallel_loop3A_472 : i32
        %parallel_loop3A_474 = arith.constant 200 : i32
        %parallel_loop3A_475 = arith.subi %parallel_loop3A_473, %parallel_loop3A_474 : i32
        %parallel_loop3A_476 = arith.index_cast %parallel_loop3A_472 : i32 to index
        %parallel_loop3A_477 = arith.constant 0 : index
        %parallel_loop3A_478 = tpu.vector_load %arg8[%parallel_loop3A_476, %parallel_loop3A_477] {strides = array<i32>} : memref<128x128xf32, #tpu.memory_space<vmem>>, vector<1x16xf32>,
        %parallel_loop3A_479 = vector.shape_cast %parallel_loop3A_478 : vector<1x16xf32> to vector<16xf32>
        %parallel_loop3A_480 = arith.index_cast %parallel_loop3A_475 : i32 to index
        %parallel_loop3A_481 = arith.constant 0 : index
        %parallel_loop3A_482 = tpu.vector_load %arg7[%parallel_loop3A_480, %parallel_loop3A_481] {strides = array<i32>} : memref<200x64xf32, #tpu.memory_space<vmem>>, vector<1x16xf32>,
        %parallel_loop3A_483 = vector.shape_cast %parallel_loop3A_482 : vector<1x16xf32> to vector<16xf32>
        %parallel_loop3A_484 = arith.addf %parallel_loop3A_479, %parallel_loop3A_483 : vector<16xf32>
        %parallel_loop3A_485 = arith.index_cast %parallel_loop3A_472 : i32 to index
        %parallel_loop3A_486 = arith.constant 0 : index
        %parallel_loop3A_487 = tpu.vector_load %arg10[%parallel_loop3A_485, %parallel_loop3A_486] {strides = array<i32>} : memref<128x64xf32, #tpu.memory_space<vmem>>, vector<1x16xf32>,
        %parallel_loop3A_488 = vector.shape_cast %parallel_loop3A_487 : vector<1x16xf32> to vector<16xf32>
        %parallel_loop3A_489 = vector.shape_cast %parallel_loop3A_484 : vector<16xf32> to vector<1x16xf32>
        tpu.vector_store %arg10[%parallel_loop3A_485, %parallel_loop3A_486], %parallel_loop3A_489 {strides = array<i32>} : memref<128x64xf32, #tpu.memory_space<vmem>>, vector<1x16xf32>,
        %parallel_loop3A_490 = arith.index_cast %parallel_loop3A_472 : i32 to index
        %parallel_loop3A_491 = arith.constant 16 : index
        %parallel_loop3A_492 = tpu.vector_load %arg8[%parallel_loop3A_490, %parallel_loop3A_491] {strides = array<i32>} : memref<128x128xf32, #tpu.memory_space<vmem>>, vector<1x16xf32>,
        %parallel_loop3A_493 = vector.shape_cast %parallel_loop3A_492 : vector<1x16xf32> to vector<16xf32>
        %parallel_loop3A_494 = arith.index_cast %parallel_loop3A_475 : i32 to index
        %parallel_loop3A_495 = arith.constant 16 : index
        %parallel_loop3A_496 = tpu.vector_load %arg7[%parallel_loop3A_494, %parallel_loop3A_495] {strides = array<i32>} : memref<200x64xf32, #tpu.memory_space<vmem>>, vector<1x16xf32>,
        %parallel_loop3A_497 = vector.shape_cast %parallel_loop3A_496 : vector<1x16xf32> to vector<16xf32>
        %parallel_loop3A_498 = arith.addf %parallel_loop3A_493, %parallel_loop3A_497 : vector<16xf32>
        %parallel_loop3A_499 = arith.index_cast %parallel_loop3A_472 : i32 to index
        %parallel_loop3A_500 = arith.constant 16 : index
        %parallel_loop3A_501 = tpu.vector_load %arg10[%parallel_loop3A_499, %parallel_loop3A_500] {strides = array<i32>} : memref<128x64xf32, #tpu.memory_space<vmem>>, vector<1x16xf32>,
        %parallel_loop3A_502 = vector.shape_cast %parallel_loop3A_501 : vector<1x16xf32> to vector<16xf32>
        %parallel_loop3A_503 = vector.shape_cast %parallel_loop3A_498 : vector<16xf32> to vector<1x16xf32>
        tpu.vector_store %arg10[%parallel_loop3A_499, %parallel_loop3A_500], %parallel_loop3A_503 {strides = array<i32>} : memref<128x64xf32, #tpu.memory_space<vmem>>, vector<1x16xf32>,
        %parallel_loop3A_504 = arith.index_cast %parallel_loop3A_472 : i32 to index
        %parallel_loop3A_505 = arith.constant 32 : index
        %parallel_loop3A_506 = tpu.vector_load %arg8[%parallel_loop3A_504, %parallel_loop3A_505] {strides = array<i32>} : memref<128x128xf32, #tpu.memory_space<vmem>>, vector<1x16xf32>,
        %parallel_loop3A_507 = vector.shape_cast %parallel_loop3A_506 : vector<1x16xf32> to vector<16xf32>
        %parallel_loop3A_508 = arith.index_cast %parallel_loop3A_475 : i32 to index
        %parallel_loop3A_509 = arith.constant 32 : index
        %parallel_loop3A_510 = tpu.vector_load %arg7[%parallel_loop3A_508, %parallel_loop3A_509] {strides = array<i32>} : memref<200x64xf32, #tpu.memory_space<vmem>>, vector<1x16xf32>,
        %parallel_loop3A_511 = vector.shape_cast %parallel_loop3A_510 : vector<1x16xf32> to vector<16xf32>
        %parallel_loop3A_512 = arith.addf %parallel_loop3A_507, %parallel_loop3A_511 : vector<16xf32>
        %parallel_loop3A_513 = arith.index_cast %parallel_loop3A_472 : i32 to index
        %parallel_loop3A_514 = arith.constant 32 : index
        %parallel_loop3A_515 = tpu.vector_load %arg10[%parallel_loop3A_513, %parallel_loop3A_514] {strides = array<i32>} : memref<128x64xf32, #tpu.memory_space<vmem>>, vector<1x16xf32>,
        %parallel_loop3A_516 = vector.shape_cast %parallel_loop3A_515 : vector<1x16xf32> to vector<16xf32>
        %parallel_loop3A_517 = vector.shape_cast %parallel_loop3A_512 : vector<16xf32> to vector<1x16xf32>
        tpu.vector_store %arg10[%parallel_loop3A_513, %parallel_loop3A_514], %parallel_loop3A_517 {strides = array<i32>} : memref<128x64xf32, #tpu.memory_space<vmem>>, vector<1x16xf32>,
        %parallel_loop3A_518 = arith.index_cast %parallel_loop3A_472 : i32 to index
        %parallel_loop3A_519 = arith.constant 48 : index
        %parallel_loop3A_520 = tpu.vector_load %arg8[%parallel_loop3A_518, %parallel_loop3A_519] {strides = array<i32>} : memref<128x128xf32, #tpu.memory_space<vmem>>, vector<1x16xf32>,
        %parallel_loop3A_521 = vector.shape_cast %parallel_loop3A_520 : vector<1x16xf32> to vector<16xf32>
        %parallel_loop3A_522 = arith.index_cast %parallel_loop3A_475 : i32 to index
        %parallel_loop3A_523 = arith.constant 48 : index
        %parallel_loop3A_524 = tpu.vector_load %arg7[%parallel_loop3A_522, %parallel_loop3A_523] {strides = array<i32>} : memref<200x64xf32, #tpu.memory_space<vmem>>, vector<1x16xf32>,
        %parallel_loop3A_525 = vector.shape_cast %parallel_loop3A_524 : vector<1x16xf32> to vector<16xf32>
        %parallel_loop3A_526 = arith.addf %parallel_loop3A_521, %parallel_loop3A_525 : vector<16xf32>
        %parallel_loop3A_527 = arith.index_cast %parallel_loop3A_472 : i32 to index
        %parallel_loop3A_528 = arith.constant 48 : index
        %parallel_loop3A_529 = tpu.vector_load %arg10[%parallel_loop3A_527, %parallel_loop3A_528] {strides = array<i32>} : memref<128x64xf32, #tpu.memory_space<vmem>>, vector<1x16xf32>,
        %parallel_loop3A_530 = vector.shape_cast %parallel_loop3A_529 : vector<1x16xf32> to vector<16xf32>
        %parallel_loop3A_531 = vector.shape_cast %parallel_loop3A_526 : vector<16xf32> to vector<1x16xf32>
        tpu.vector_store %arg10[%parallel_loop3A_527, %parallel_loop3A_528], %parallel_loop3A_531 {strides = array<i32>} : memref<128x64xf32, #tpu.memory_space<vmem>>, vector<1x16xf32>,
      } {sc.loop_unroll_factor = 2 : i64, sc.parallel_access}
      %add3A_372 = arith.constant 2 : i32
      %add3A_373 = arith.addi %add3A_309, %add3A_372 : i32
      %dma_start3A_374 = arith.constant 64 : i32
      %dma_start3A_375 = arith.constant 0 : i32
      %dma_start3A_376 = tpu.memref_slice %arg8[%dma_start3A_374, %dma_start3A_375] : memref<128x128xf32, #tpu.memory_space<vmem>> -> memref<64x128xf32, #tpu.memory_space<vmem>>
      %dma_start3A_377 = arith.constant 64 : i32
      %dma_start3A_378 = tpu.memref_slice %arg6[%add3A_373, %dma_start3A_377] : memref<200x128xi32, #tpu.memory_space<vmem>> -> memref<1x64xi32, #tpu.memory_space<vmem>>
      %dma_start3A_379 = tpu.memref_squeeze %dma_start3A_378 : memref<1x64xi32, #tpu.memory_space<vmem>> -> memref<64xi32, #tpu.memory_space<vmem>>
      %dma_start3A_380 = arith.constant 0 : i32
      %dma_start3A_381 = arith.constant 0 : i32
      %dma_start3A_382 = tpu.memref_slice %arg3[%dma_start3A_380, %dma_start3A_381] : memref<100000x128xf32, #tpu.memory_space<hbm>> -> memref<100000x128xf32, #tpu.memory_space<hbm>>
      tpu.enqueue_indirect_dma source(%dma_start3A_382 : memref<100000x128xf32, #tpu.memory_space<hbm>>) target(%dma_start3A_376 : memref<64x128xf32, #tpu.memory_space<vmem>>) offsets(%dma_start3A_379 : memref<64xi32, #tpu.memory_space<vmem>>) semaphore(%arg14 : memref<!tpu.dma_semaphore, #tpu.memory_space<semaphore_mem>>)
      %mul3A_383 = arith.constant 128 : i32
      %mul3A_384 = arith.muli %add3A_309, %mul3A_383 : i32
      %add3A_385 = arith.addi %mul3A_2, %mul3A_384 : i32
      %dma_start3A_386 = arith.constant 0 : i32
      %dma_start3A_387 = tpu.memref_slice %arg5[%add3A_385, %dma_start3A_386] : memref<819200x64xf32, #tpu.memory_space<hbm>> -> memref<128x64xf32, #tpu.memory_space<hbm>>
      %dma_start3A_388 = arith.constant 0 : i32
      %dma_start3A_389 = tpu.memref_slice %arg5[%add3A_385, %dma_start3A_388] : memref<819200x64xf32, #tpu.memory_space<hbm>> -> memref<128x64xf32, #tpu.memory_space<hbm>>
      tpu.enqueue_dma source(%arg10 : memref<128x64xf32, #tpu.memory_space<vmem>>) target(%dma_start3A_389 : memref<128x64xf32, #tpu.memory_space<hbm>>) target_semaphore(%arg16 : memref<!tpu.dma_semaphore, #tpu.memory_space<semaphore_mem>>)
      %add3A_390 = arith.constant 1 : i32
      %add3A_391 = arith.addi %add3A_309, %add3A_390 : i32
      %mul3A_392 = arith.constant 128 : i32
      %mul3A_393 = arith.muli %add3A_391, %mul3A_392 : i32
      %rem3A_394 = arith.constant 200 : i32
      %rem3A_395 = arith.remsi %mul3A_393, %rem3A_394 : i32
      %sub3A_396 = arith.constant 200 : i32
      %sub3A_397 = arith.subi %sub3A_396, %rem3A_395 : i32
      %min3A_398 = arith.constant 128 : i32
      %min3A_399 = arith.minsi %min3A_398, %sub3A_397 : i32
      %jit3A_400 = arith.constant 0 : i32
      %jit3A_401 = arith.constant 64 : i32
      %max3A_402 = arith.maxsi %jit3A_400, %min3A_399 : i32
      %min3A_403 = arith.minsi %jit3A_401, %max3A_402 : i32
      %jit3A_404 = arith.constant 64 : i32
      %jit3A_405 = arith.constant 128 : i32
      %max3A_406 = arith.maxsi %jit3A_404, %min3A_399 : i32
      %min3A_407 = arith.minsi %jit3A_405, %max3A_406 : i32
      %dma_wait3A_408 = arith.constant 0 : i32
      %dma_wait3A_409 = arith.constant 0 : i32
      %dma_wait3A_410 = tpu.memref_slice %arg9[%dma_wait3A_408, %dma_wait3A_409] : memref<128x128xf32, #tpu.memory_space<vmem>> -> memref<64x128xf32, #tpu.memory_space<vmem>>
      %dma_wait3A_411 = arith.constant 0 : i32
      %dma_wait3A_412 = tpu.memref_slice %arg6[%add3A_391, %dma_wait3A_411] : memref<200x128xi32, #tpu.memory_space<vmem>> -> memref<1x64xi32, #tpu.memory_space<vmem>>
      %dma_wait3A_413 = tpu.memref_squeeze %dma_wait3A_412 : memref<1x64xi32, #tpu.memory_space<vmem>> -> memref<64xi32, #tpu.memory_space<vmem>>
      %dma_wait3A_414 = arith.constant 0 : i32
      %dma_wait3A_415 = arith.constant 0 : i32
      %dma_wait3A_416 = tpu.memref_slice %arg3[%dma_wait3A_414, %dma_wait3A_415] : memref<100000x128xf32, #tpu.memory_space<hbm>> -> memref<100000x128xf32, #tpu.memory_space<hbm>>
      tpu.wait_indirect_dma semaphore(%arg13 : memref<!tpu.dma_semaphore, #tpu.memory_space<semaphore_mem>>) src(%dma_wait3A_416 : memref<100000x128xf32, #tpu.memory_space<hbm>>) dst(%dma_wait3A_410 : memref<64x128xf32, #tpu.memory_space<vmem>>)
      %sub3A_417 = arith.constant 2 : i32
      %sub3A_418 = arith.subi %add3A_391, %sub3A_417 : i32
      %mul3A_419 = arith.constant 128 : i32
      %mul3A_420 = arith.muli %sub3A_418, %mul3A_419 : i32
      %add3A_421 = arith.addi %mul3A_2, %mul3A_420 : i32
      %dma_wait3A_422 = arith.constant 0 : i32
      %dma_wait3A_423 = tpu.memref_slice %arg5[%add3A_421, %dma_wait3A_422] : memref<819200x64xf32, #tpu.memory_space<hbm>> -> memref<128x64xf32, #tpu.memory_space<hbm>>
      %dma_wait3A_424 = arith.constant 0 : i32
      %dma_wait3A_425 = tpu.memref_slice %arg5[%add3A_421, %dma_wait3A_424] : memref<819200x64xf32, #tpu.memory_space<hbm>> -> memref<128x64xf32, #tpu.memory_space<hbm>>
      tpu.wait_dma2 semaphore(%arg17 : memref<!tpu.dma_semaphore, #tpu.memory_space<semaphore_mem>>) src(%arg11 : memref<128x64xf32, #tpu.memory_space<vmem>>) dst(%dma_wait3A_425 : memref<128x64xf32, #tpu.memory_space<hbm>>)
      %parallel_loop3A_426 = arith.constant 0 : i32
      %parallel_loop3A_427 = arith.constant 1 : i32
      scf.for %parallel_loop3A_472 = %parallel_loop3A_426 to %min3A_403 step %parallel_loop3A_427  : i32 {
        %parallel_loop3A_473 = arith.addi %rem3A_395, %parallel_loop3A_472 : i32
        %parallel_loop3A_474 = arith.index_cast %parallel_loop3A_472 : i32 to index
        %parallel_loop3A_475 = arith.constant 0 : index
        %parallel_loop3A_476 = tpu.vector_load %arg9[%parallel_loop3A_474, %parallel_loop3A_475] {strides = array<i32>} : memref<128x128xf32, #tpu.memory_space<vmem>>, vector<1x16xf32>,
        %parallel_loop3A_477 = vector.shape_cast %parallel_loop3A_476 : vector<1x16xf32> to vector<16xf32>
        %parallel_loop3A_478 = arith.index_cast %parallel_loop3A_473 : i32 to index
        %parallel_loop3A_479 = arith.constant 0 : index
        %parallel_loop3A_480 = tpu.vector_load %arg7[%parallel_loop3A_478, %parallel_loop3A_479] {strides = array<i32>} : memref<200x64xf32, #tpu.memory_space<vmem>>, vector<1x16xf32>,
        %parallel_loop3A_481 = vector.shape_cast %parallel_loop3A_480 : vector<1x16xf32> to vector<16xf32>
        %parallel_loop3A_482 = arith.addf %parallel_loop3A_477, %parallel_loop3A_481 : vector<16xf32>
        %parallel_loop3A_483 = arith.index_cast %parallel_loop3A_472 : i32 to index
        %parallel_loop3A_484 = arith.constant 0 : index
        %parallel_loop3A_485 = tpu.vector_load %arg11[%parallel_loop3A_483, %parallel_loop3A_484] {strides = array<i32>} : memref<128x64xf32, #tpu.memory_space<vmem>>, vector<1x16xf32>,
        %parallel_loop3A_486 = vector.shape_cast %parallel_loop3A_485 : vector<1x16xf32> to vector<16xf32>
        %parallel_loop3A_487 = vector.shape_cast %parallel_loop3A_482 : vector<16xf32> to vector<1x16xf32>
        tpu.vector_store %arg11[%parallel_loop3A_483, %parallel_loop3A_484], %parallel_loop3A_487 {strides = array<i32>} : memref<128x64xf32, #tpu.memory_space<vmem>>, vector<1x16xf32>,
        %parallel_loop3A_488 = arith.index_cast %parallel_loop3A_472 : i32 to index
        %parallel_loop3A_489 = arith.constant 16 : index
        %parallel_loop3A_490 = tpu.vector_load %arg9[%parallel_loop3A_488, %parallel_loop3A_489] {strides = array<i32>} : memref<128x128xf32, #tpu.memory_space<vmem>>, vector<1x16xf32>,
        %parallel_loop3A_491 = vector.shape_cast %parallel_loop3A_490 : vector<1x16xf32> to vector<16xf32>
        %parallel_loop3A_492 = arith.index_cast %parallel_loop3A_473 : i32 to index
        %parallel_loop3A_493 = arith.constant 16 : index
        %parallel_loop3A_494 = tpu.vector_load %arg7[%parallel_loop3A_492, %parallel_loop3A_493] {strides = array<i32>} : memref<200x64xf32, #tpu.memory_space<vmem>>, vector<1x16xf32>,
        %parallel_loop3A_495 = vector.shape_cast %parallel_loop3A_494 : vector<1x16xf32> to vector<16xf32>
        %parallel_loop3A_496 = arith.addf %parallel_loop3A_491, %parallel_loop3A_495 : vector<16xf32>
        %parallel_loop3A_497 = arith.index_cast %parallel_loop3A_472 : i32 to index
        %parallel_loop3A_498 = arith.constant 16 : index
        %parallel_loop3A_499 = tpu.vector_load %arg11[%parallel_loop3A_497, %parallel_loop3A_498] {strides = array<i32>} : memref<128x64xf32, #tpu.memory_space<vmem>>, vector<1x16xf32>,
        %parallel_loop3A_500 = vector.shape_cast %parallel_loop3A_499 : vector<1x16xf32> to vector<16xf32>
        %parallel_loop3A_501 = vector.shape_cast %parallel_loop3A_496 : vector<16xf32> to vector<1x16xf32>
        tpu.vector_store %arg11[%parallel_loop3A_497, %parallel_loop3A_498], %parallel_loop3A_501 {strides = array<i32>} : memref<128x64xf32, #tpu.memory_space<vmem>>, vector<1x16xf32>,
        %parallel_loop3A_502 = arith.index_cast %parallel_loop3A_472 : i32 to index
        %parallel_loop3A_503 = arith.constant 32 : index
        %parallel_loop3A_504 = tpu.vector_load %arg9[%parallel_loop3A_502, %parallel_loop3A_503] {strides = array<i32>} : memref<128x128xf32, #tpu.memory_space<vmem>>, vector<1x16xf32>,
        %parallel_loop3A_505 = vector.shape_cast %parallel_loop3A_504 : vector<1x16xf32> to vector<16xf32>
        %parallel_loop3A_506 = arith.index_cast %parallel_loop3A_473 : i32 to index
        %parallel_loop3A_507 = arith.constant 32 : index
        %parallel_loop3A_508 = tpu.vector_load %arg7[%parallel_loop3A_506, %parallel_loop3A_507] {strides = array<i32>} : memref<200x64xf32, #tpu.memory_space<vmem>>, vector<1x16xf32>,
        %parallel_loop3A_509 = vector.shape_cast %parallel_loop3A_508 : vector<1x16xf32> to vector<16xf32>
        %parallel_loop3A_510 = arith.addf %parallel_loop3A_505, %parallel_loop3A_509 : vector<16xf32>
        %parallel_loop3A_511 = arith.index_cast %parallel_loop3A_472 : i32 to index
        %parallel_loop3A_512 = arith.constant 32 : index
        %parallel_loop3A_513 = tpu.vector_load %arg11[%parallel_loop3A_511, %parallel_loop3A_512] {strides = array<i32>} : memref<128x64xf32, #tpu.memory_space<vmem>>, vector<1x16xf32>,
        %parallel_loop3A_514 = vector.shape_cast %parallel_loop3A_513 : vector<1x16xf32> to vector<16xf32>
        %parallel_loop3A_515 = vector.shape_cast %parallel_loop3A_510 : vector<16xf32> to vector<1x16xf32>
        tpu.vector_store %arg11[%parallel_loop3A_511, %parallel_loop3A_512], %parallel_loop3A_515 {strides = array<i32>} : memref<128x64xf32, #tpu.memory_space<vmem>>, vector<1x16xf32>,
        %parallel_loop3A_516 = arith.index_cast %parallel_loop3A_472 : i32 to index
        %parallel_loop3A_517 = arith.constant 48 : index
        %parallel_loop3A_518 = tpu.vector_load %arg9[%parallel_loop3A_516, %parallel_loop3A_517] {strides = array<i32>} : memref<128x128xf32, #tpu.memory_space<vmem>>, vector<1x16xf32>,
        %parallel_loop3A_519 = vector.shape_cast %parallel_loop3A_518 : vector<1x16xf32> to vector<16xf32>
        %parallel_loop3A_520 = arith.index_cast %parallel_loop3A_473 : i32 to index
        %parallel_loop3A_521 = arith.constant 48 : index
        %parallel_loop3A_522 = tpu.vector_load %arg7[%parallel_loop3A_520, %parallel_loop3A_521] {strides = array<i32>} : memref<200x64xf32, #tpu.memory_space<vmem>>, vector<1x16xf32>,
        %parallel_loop3A_523 = vector.shape_cast %parallel_loop3A_522 : vector<1x16xf32> to vector<16xf32>
        %parallel_loop3A_524 = arith.addf %parallel_loop3A_519, %parallel_loop3A_523 : vector<16xf32>
        %parallel_loop3A_525 = arith.index_cast %parallel_loop3A_472 : i32 to index
        %parallel_loop3A_526 = arith.constant 48 : index
        %parallel_loop3A_527 = tpu.vector_load %arg11[%parallel_loop3A_525, %parallel_loop3A_526] {strides = array<i32>} : memref<128x64xf32, #tpu.memory_space<vmem>>, vector<1x16xf32>,
        %parallel_loop3A_528 = vector.shape_cast %parallel_loop3A_527 : vector<1x16xf32> to vector<16xf32>
        %parallel_loop3A_529 = vector.shape_cast %parallel_loop3A_524 : vector<16xf32> to vector<1x16xf32>
        tpu.vector_store %arg11[%parallel_loop3A_525, %parallel_loop3A_526], %parallel_loop3A_529 {strides = array<i32>} : memref<128x64xf32, #tpu.memory_space<vmem>>, vector<1x16xf32>,
      } {sc.loop_unroll_factor = 2 : i64, sc.parallel_access}
      %parallel_loop3A_428 = arith.constant 64 : i32
      %parallel_loop3A_429 = arith.constant 1 : i32
      scf.for %parallel_loop3A_472 = %min3A_403 to %parallel_loop3A_428 step %parallel_loop3A_429  : i32 {
        %parallel_loop3A_473 = arith.addi %rem3A_395, %parallel_loop3A_472 : i32
        %parallel_loop3A_474 = arith.constant 200 : i32
        %parallel_loop3A_475 = arith.subi %parallel_loop3A_473, %parallel_loop3A_474 : i32
        %parallel_loop3A_476 = arith.index_cast %parallel_loop3A_472 : i32 to index
        %parallel_loop3A_477 = arith.constant 0 : index
        %parallel_loop3A_478 = tpu.vector_load %arg9[%parallel_loop3A_476, %parallel_loop3A_477] {strides = array<i32>} : memref<128x128xf32, #tpu.memory_space<vmem>>, vector<1x16xf32>,
        %parallel_loop3A_479 = vector.shape_cast %parallel_loop3A_478 : vector<1x16xf32> to vector<16xf32>
        %parallel_loop3A_480 = arith.index_cast %parallel_loop3A_475 : i32 to index
        %parallel_loop3A_481 = arith.constant 0 : index
        %parallel_loop3A_482 = tpu.vector_load %arg7[%parallel_loop3A_480, %parallel_loop3A_481] {strides = array<i32>} : memref<200x64xf32, #tpu.memory_space<vmem>>, vector<1x16xf32>,
        %parallel_loop3A_483 = vector.shape_cast %parallel_loop3A_482 : vector<1x16xf32> to vector<16xf32>
        %parallel_loop3A_484 = arith.addf %parallel_loop3A_479, %parallel_loop3A_483 : vector<16xf32>
        %parallel_loop3A_485 = arith.index_cast %parallel_loop3A_472 : i32 to index
        %parallel_loop3A_486 = arith.constant 0 : index
        %parallel_loop3A_487 = tpu.vector_load %arg11[%parallel_loop3A_485, %parallel_loop3A_486] {strides = array<i32>} : memref<128x64xf32, #tpu.memory_space<vmem>>, vector<1x16xf32>,
        %parallel_loop3A_488 = vector.shape_cast %parallel_loop3A_487 : vector<1x16xf32> to vector<16xf32>
        %parallel_loop3A_489 = vector.shape_cast %parallel_loop3A_484 : vector<16xf32> to vector<1x16xf32>
        tpu.vector_store %arg11[%parallel_loop3A_485, %parallel_loop3A_486], %parallel_loop3A_489 {strides = array<i32>} : memref<128x64xf32, #tpu.memory_space<vmem>>, vector<1x16xf32>,
        %parallel_loop3A_490 = arith.index_cast %parallel_loop3A_472 : i32 to index
        %parallel_loop3A_491 = arith.constant 16 : index
        %parallel_loop3A_492 = tpu.vector_load %arg9[%parallel_loop3A_490, %parallel_loop3A_491] {strides = array<i32>} : memref<128x128xf32, #tpu.memory_space<vmem>>, vector<1x16xf32>,
        %parallel_loop3A_493 = vector.shape_cast %parallel_loop3A_492 : vector<1x16xf32> to vector<16xf32>
        %parallel_loop3A_494 = arith.index_cast %parallel_loop3A_475 : i32 to index
        %parallel_loop3A_495 = arith.constant 16 : index
        %parallel_loop3A_496 = tpu.vector_load %arg7[%parallel_loop3A_494, %parallel_loop3A_495] {strides = array<i32>} : memref<200x64xf32, #tpu.memory_space<vmem>>, vector<1x16xf32>,
        %parallel_loop3A_497 = vector.shape_cast %parallel_loop3A_496 : vector<1x16xf32> to vector<16xf32>
        %parallel_loop3A_498 = arith.addf %parallel_loop3A_493, %parallel_loop3A_497 : vector<16xf32>
        %parallel_loop3A_499 = arith.index_cast %parallel_loop3A_472 : i32 to index
        %parallel_loop3A_500 = arith.constant 16 : index
        %parallel_loop3A_501 = tpu.vector_load %arg11[%parallel_loop3A_499, %parallel_loop3A_500] {strides = array<i32>} : memref<128x64xf32, #tpu.memory_space<vmem>>, vector<1x16xf32>,
        %parallel_loop3A_502 = vector.shape_cast %parallel_loop3A_501 : vector<1x16xf32> to vector<16xf32>
        %parallel_loop3A_503 = vector.shape_cast %parallel_loop3A_498 : vector<16xf32> to vector<1x16xf32>
        tpu.vector_store %arg11[%parallel_loop3A_499, %parallel_loop3A_500], %parallel_loop3A_503 {strides = array<i32>} : memref<128x64xf32, #tpu.memory_space<vmem>>, vector<1x16xf32>,
        %parallel_loop3A_504 = arith.index_cast %parallel_loop3A_472 : i32 to index
        %parallel_loop3A_505 = arith.constant 32 : index
        %parallel_loop3A_506 = tpu.vector_load %arg9[%parallel_loop3A_504, %parallel_loop3A_505] {strides = array<i32>} : memref<128x128xf32, #tpu.memory_space<vmem>>, vector<1x16xf32>,
        %parallel_loop3A_507 = vector.shape_cast %parallel_loop3A_506 : vector<1x16xf32> to vector<16xf32>
        %parallel_loop3A_508 = arith.index_cast %parallel_loop3A_475 : i32 to index
        %parallel_loop3A_509 = arith.constant 32 : index
        %parallel_loop3A_510 = tpu.vector_load %arg7[%parallel_loop3A_508, %parallel_loop3A_509] {strides = array<i32>} : memref<200x64xf32, #tpu.memory_space<vmem>>, vector<1x16xf32>,
        %parallel_loop3A_511 = vector.shape_cast %parallel_loop3A_510 : vector<1x16xf32> to vector<16xf32>
        %parallel_loop3A_512 = arith.addf %parallel_loop3A_507, %parallel_loop3A_511 : vector<16xf32>
        %parallel_loop3A_513 = arith.index_cast %parallel_loop3A_472 : i32 to index
        %parallel_loop3A_514 = arith.constant 32 : index
        %parallel_loop3A_515 = tpu.vector_load %arg11[%parallel_loop3A_513, %parallel_loop3A_514] {strides = array<i32>} : memref<128x64xf32, #tpu.memory_space<vmem>>, vector<1x16xf32>,
        %parallel_loop3A_516 = vector.shape_cast %parallel_loop3A_515 : vector<1x16xf32> to vector<16xf32>
        %parallel_loop3A_517 = vector.shape_cast %parallel_loop3A_512 : vector<16xf32> to vector<1x16xf32>
        tpu.vector_store %arg11[%parallel_loop3A_513, %parallel_loop3A_514], %parallel_loop3A_517 {strides = array<i32>} : memref<128x64xf32, #tpu.memory_space<vmem>>, vector<1x16xf32>,
        %parallel_loop3A_518 = arith.index_cast %parallel_loop3A_472 : i32 to index
        %parallel_loop3A_519 = arith.constant 48 : index
        %parallel_loop3A_520 = tpu.vector_load %arg9[%parallel_loop3A_518, %parallel_loop3A_519] {strides = array<i32>} : memref<128x128xf32, #tpu.memory_space<vmem>>, vector<1x16xf32>,
        %parallel_loop3A_521 = vector.shape_cast %parallel_loop3A_520 : vector<1x16xf32> to vector<16xf32>
        %parallel_loop3A_522 = arith.index_cast %parallel_loop3A_475 : i32 to index
        %parallel_loop3A_523 = arith.constant 48 : index
        %parallel_loop3A_524 = tpu.vector_load %arg7[%parallel_loop3A_522, %parallel_loop3A_523] {strides = array<i32>} : memref<200x64xf32, #tpu.memory_space<vmem>>, vector<1x16xf32>,
        %parallel_loop3A_525 = vector.shape_cast %parallel_loop3A_524 : vector<1x16xf32> to vector<16xf32>
        %parallel_loop3A_526 = arith.addf %parallel_loop3A_521, %parallel_loop3A_525 : vector<16xf32>
        %parallel_loop3A_527 = arith.index_cast %parallel_loop3A_472 : i32 to index
        %parallel_loop3A_528 = arith.constant 48 : index
        %parallel_loop3A_529 = tpu.vector_load %arg11[%parallel_loop3A_527, %parallel_loop3A_528] {strides = array<i32>} : memref<128x64xf32, #tpu.memory_space<vmem>>, vector<1x16xf32>,
        %parallel_loop3A_530 = vector.shape_cast %parallel_loop3A_529 : vector<1x16xf32> to vector<16xf32>
        %parallel_loop3A_531 = vector.shape_cast %parallel_loop3A_526 : vector<16xf32> to vector<1x16xf32>
        tpu.vector_store %arg11[%parallel_loop3A_527, %parallel_loop3A_528], %parallel_loop3A_531 {strides = array<i32>} : memref<128x64xf32, #tpu.memory_space<vmem>>, vector<1x16xf32>,
      } {sc.loop_unroll_factor = 2 : i64, sc.parallel_access}
      %add3A_430 = arith.constant 2 : i32
      %add3A_431 = arith.addi %add3A_391, %add3A_430 : i32
      %dma_start3A_432 = arith.constant 0 : i32
      %dma_start3A_433 = arith.constant 0 : i32
      %dma_start3A_434 = tpu.memref_slice %arg9[%dma_start3A_432, %dma_start3A_433] : memref<128x128xf32, #tpu.memory_space<vmem>> -> memref<64x128xf32, #tpu.memory_space<vmem>>
      %dma_start3A_435 = arith.constant 0 : i32
      %dma_start3A_436 = tpu.memref_slice %arg6[%add3A_431, %dma_start3A_435] : memref<200x128xi32, #tpu.memory_space<vmem>> -> memref<1x64xi32, #tpu.memory_space<vmem>>
      %dma_start3A_437 = tpu.memref_squeeze %dma_start3A_436 : memref<1x64xi32, #tpu.memory_space<vmem>> -> memref<64xi32, #tpu.memory_space<vmem>>
      %dma_start3A_438 = arith.constant 0 : i32
      %dma_start3A_439 = arith.constant 0 : i32
      %dma_start3A_440 = tpu.memref_slice %arg3[%dma_start3A_438, %dma_start3A_439] : memref<100000x128xf32, #tpu.memory_space<hbm>> -> memref<100000x128xf32, #tpu.memory_space<hbm>>
      tpu.enqueue_indirect_dma source(%dma_start3A_440 : memref<100000x128xf32, #tpu.memory_space<hbm>>) target(%dma_start3A_434 : memref<64x128xf32, #tpu.memory_space<vmem>>) offsets(%dma_start3A_437 : memref<64xi32, #tpu.memory_space<vmem>>) semaphore(%arg13 : memref<!tpu.dma_semaphore, #tpu.memory_space<semaphore_mem>>)
      %dma_wait3A_441 = arith.constant 64 : i32
      %dma_wait3A_442 = arith.constant 0 : i32
      %dma_wait3A_443 = tpu.memref_slice %arg9[%dma_wait3A_441, %dma_wait3A_442] : memref<128x128xf32, #tpu.memory_space<vmem>> -> memref<64x128xf32, #tpu.memory_space<vmem>>
      %dma_wait3A_444 = arith.constant 64 : i32
      %dma_wait3A_445 = tpu.memref_slice %arg6[%add3A_391, %dma_wait3A_444] : memref<200x128xi32, #tpu.memory_space<vmem>> -> memref<1x64xi32, #tpu.memory_space<vmem>>
      %dma_wait3A_446 = tpu.memref_squeeze %dma_wait3A_445 : memref<1x64xi32, #tpu.memory_space<vmem>> -> memref<64xi32, #tpu.memory_space<vmem>>
      %dma_wait3A_447 = arith.constant 0 : i32
      %dma_wait3A_448 = arith.constant 0 : i32
      %dma_wait3A_449 = tpu.memref_slice %arg3[%dma_wait3A_447, %dma_wait3A_448] : memref<100000x128xf32, #tpu.memory_space<hbm>> -> memref<100000x128xf32, #tpu.memory_space<hbm>>
      tpu.wait_indirect_dma semaphore(%arg15 : memref<!tpu.dma_semaphore, #tpu.memory_space<semaphore_mem>>) src(%dma_wait3A_449 : memref<100000x128xf32, #tpu.memory_space<hbm>>) dst(%dma_wait3A_443 : memref<64x128xf32, #tpu.memory_space<vmem>>)
      %parallel_loop3A_450 = arith.constant 64 : i32
      %parallel_loop3A_451 = arith.constant 1 : i32
      scf.for %parallel_loop3A_472 = %parallel_loop3A_450 to %min3A_407 step %parallel_loop3A_451  : i32 {
        %parallel_loop3A_473 = arith.addi %rem3A_395, %parallel_loop3A_472 : i32
        %parallel_loop3A_474 = arith.index_cast %parallel_loop3A_472 : i32 to index
        %parallel_loop3A_475 = arith.constant 0 : index
        %parallel_loop3A_476 = tpu.vector_load %arg9[%parallel_loop3A_474, %parallel_loop3A_475] {strides = array<i32>} : memref<128x128xf32, #tpu.memory_space<vmem>>, vector<1x16xf32>,
        %parallel_loop3A_477 = vector.shape_cast %parallel_loop3A_476 : vector<1x16xf32> to vector<16xf32>
        %parallel_loop3A_478 = arith.index_cast %parallel_loop3A_473 : i32 to index
        %parallel_loop3A_479 = arith.constant 0 : index
        %parallel_loop3A_480 = tpu.vector_load %arg7[%parallel_loop3A_478, %parallel_loop3A_479] {strides = array<i32>} : memref<200x64xf32, #tpu.memory_space<vmem>>, vector<1x16xf32>,
        %parallel_loop3A_481 = vector.shape_cast %parallel_loop3A_480 : vector<1x16xf32> to vector<16xf32>
        %parallel_loop3A_482 = arith.addf %parallel_loop3A_477, %parallel_loop3A_481 : vector<16xf32>
        %parallel_loop3A_483 = arith.index_cast %parallel_loop3A_472 : i32 to index
        %parallel_loop3A_484 = arith.constant 0 : index
        %parallel_loop3A_485 = tpu.vector_load %arg11[%parallel_loop3A_483, %parallel_loop3A_484] {strides = array<i32>} : memref<128x64xf32, #tpu.memory_space<vmem>>, vector<1x16xf32>,
        %parallel_loop3A_486 = vector.shape_cast %parallel_loop3A_485 : vector<1x16xf32> to vector<16xf32>
        %parallel_loop3A_487 = vector.shape_cast %parallel_loop3A_482 : vector<16xf32> to vector<1x16xf32>
        tpu.vector_store %arg11[%parallel_loop3A_483, %parallel_loop3A_484], %parallel_loop3A_487 {strides = array<i32>} : memref<128x64xf32, #tpu.memory_space<vmem>>, vector<1x16xf32>,
        %parallel_loop3A_488 = arith.index_cast %parallel_loop3A_472 : i32 to index
        %parallel_loop3A_489 = arith.constant 16 : index
        %parallel_loop3A_490 = tpu.vector_load %arg9[%parallel_loop3A_488, %parallel_loop3A_489] {strides = array<i32>} : memref<128x128xf32, #tpu.memory_space<vmem>>, vector<1x16xf32>,
        %parallel_loop3A_491 = vector.shape_cast %parallel_loop3A_490 : vector<1x16xf32> to vector<16xf32>
        %parallel_loop3A_492 = arith.index_cast %parallel_loop3A_473 : i32 to index
        %parallel_loop3A_493 = arith.constant 16 : index
        %parallel_loop3A_494 = tpu.vector_load %arg7[%parallel_loop3A_492, %parallel_loop3A_493] {strides = array<i32>} : memref<200x64xf32, #tpu.memory_space<vmem>>, vector<1x16xf32>,
        %parallel_loop3A_495 = vector.shape_cast %parallel_loop3A_494 : vector<1x16xf32> to vector<16xf32>
        %parallel_loop3A_496 = arith.addf %parallel_loop3A_491, %parallel_loop3A_495 : vector<16xf32>
        %parallel_loop3A_497 = arith.index_cast %parallel_loop3A_472 : i32 to index
        %parallel_loop3A_498 = arith.constant 16 : index
        %parallel_loop3A_499 = tpu.vector_load %arg11[%parallel_loop3A_497, %parallel_loop3A_498] {strides = array<i32>} : memref<128x64xf32, #tpu.memory_space<vmem>>, vector<1x16xf32>,
        %parallel_loop3A_500 = vector.shape_cast %parallel_loop3A_499 : vector<1x16xf32> to vector<16xf32>
        %parallel_loop3A_501 = vector.shape_cast %parallel_loop3A_496 : vector<16xf32> to vector<1x16xf32>
        tpu.vector_store %arg11[%parallel_loop3A_497, %parallel_loop3A_498], %parallel_loop3A_501 {strides = array<i32>} : memref<128x64xf32, #tpu.memory_space<vmem>>, vector<1x16xf32>,
        %parallel_loop3A_502 = arith.index_cast %parallel_loop3A_472 : i32 to index
        %parallel_loop3A_503 = arith.constant 32 : index
        %parallel_loop3A_504 = tpu.vector_load %arg9[%parallel_loop3A_502, %parallel_loop3A_503] {strides = array<i32>} : memref<128x128xf32, #tpu.memory_space<vmem>>, vector<1x16xf32>,
        %parallel_loop3A_505 = vector.shape_cast %parallel_loop3A_504 : vector<1x16xf32> to vector<16xf32>
        %parallel_loop3A_506 = arith.index_cast %parallel_loop3A_473 : i32 to index
        %parallel_loop3A_507 = arith.constant 32 : index
        %parallel_loop3A_508 = tpu.vector_load %arg7[%parallel_loop3A_506, %parallel_loop3A_507] {strides = array<i32>} : memref<200x64xf32, #tpu.memory_space<vmem>>, vector<1x16xf32>,
        %parallel_loop3A_509 = vector.shape_cast %parallel_loop3A_508 : vector<1x16xf32> to vector<16xf32>
        %parallel_loop3A_510 = arith.addf %parallel_loop3A_505, %parallel_loop3A_509 : vector<16xf32>
        %parallel_loop3A_511 = arith.index_cast %parallel_loop3A_472 : i32 to index
        %parallel_loop3A_512 = arith.constant 32 : index
        %parallel_loop3A_513 = tpu.vector_load %arg11[%parallel_loop3A_511, %parallel_loop3A_512] {strides = array<i32>} : memref<128x64xf32, #tpu.memory_space<vmem>>, vector<1x16xf32>,
        %parallel_loop3A_514 = vector.shape_cast %parallel_loop3A_513 : vector<1x16xf32> to vector<16xf32>
        %parallel_loop3A_515 = vector.shape_cast %parallel_loop3A_510 : vector<16xf32> to vector<1x16xf32>
        tpu.vector_store %arg11[%parallel_loop3A_511, %parallel_loop3A_512], %parallel_loop3A_515 {strides = array<i32>} : memref<128x64xf32, #tpu.memory_space<vmem>>, vector<1x16xf32>,
        %parallel_loop3A_516 = arith.index_cast %parallel_loop3A_472 : i32 to index
        %parallel_loop3A_517 = arith.constant 48 : index
        %parallel_loop3A_518 = tpu.vector_load %arg9[%parallel_loop3A_516, %parallel_loop3A_517] {strides = array<i32>} : memref<128x128xf32, #tpu.memory_space<vmem>>, vector<1x16xf32>,
        %parallel_loop3A_519 = vector.shape_cast %parallel_loop3A_518 : vector<1x16xf32> to vector<16xf32>
        %parallel_loop3A_520 = arith.index_cast %parallel_loop3A_473 : i32 to index
        %parallel_loop3A_521 = arith.constant 48 : index
        %parallel_loop3A_522 = tpu.vector_load %arg7[%parallel_loop3A_520, %parallel_loop3A_521] {strides = array<i32>} : memref<200x64xf32, #tpu.memory_space<vmem>>, vector<1x16xf32>,
        %parallel_loop3A_523 = vector.shape_cast %parallel_loop3A_522 : vector<1x16xf32> to vector<16xf32>
        %parallel_loop3A_524 = arith.addf %parallel_loop3A_519, %parallel_loop3A_523 : vector<16xf32>
        %parallel_loop3A_525 = arith.index_cast %parallel_loop3A_472 : i32 to index
        %parallel_loop3A_526 = arith.constant 48 : index
        %parallel_loop3A_527 = tpu.vector_load %arg11[%parallel_loop3A_525, %parallel_loop3A_526] {strides = array<i32>} : memref<128x64xf32, #tpu.memory_space<vmem>>, vector<1x16xf32>,
        %parallel_loop3A_528 = vector.shape_cast %parallel_loop3A_527 : vector<1x16xf32> to vector<16xf32>
        %parallel_loop3A_529 = vector.shape_cast %parallel_loop3A_524 : vector<16xf32> to vector<1x16xf32>
        tpu.vector_store %arg11[%parallel_loop3A_525, %parallel_loop3A_526], %parallel_loop3A_529 {strides = array<i32>} : memref<128x64xf32, #tpu.memory_space<vmem>>, vector<1x16xf32>,
      } {sc.loop_unroll_factor = 2 : i64, sc.parallel_access}
      %parallel_loop3A_452 = arith.constant 128 : i32
      %parallel_loop3A_453 = arith.constant 1 : i32
      scf.for %parallel_loop3A_472 = %min3A_407 to %parallel_loop3A_452 step %parallel_loop3A_453  : i32 {
        %parallel_loop3A_473 = arith.addi %rem3A_395, %parallel_loop3A_472 : i32
        %parallel_loop3A_474 = arith.constant 200 : i32
        %parallel_loop3A_475 = arith.subi %parallel_loop3A_473, %parallel_loop3A_474 : i32
        %parallel_loop3A_476 = arith.index_cast %parallel_loop3A_472 : i32 to index
        %parallel_loop3A_477 = arith.constant 0 : index
        %parallel_loop3A_478 = tpu.vector_load %arg9[%parallel_loop3A_476, %parallel_loop3A_477] {strides = array<i32>} : memref<128x128xf32, #tpu.memory_space<vmem>>, vector<1x16xf32>,
        %parallel_loop3A_479 = vector.shape_cast %parallel_loop3A_478 : vector<1x16xf32> to vector<16xf32>
        %parallel_loop3A_480 = arith.index_cast %parallel_loop3A_475 : i32 to index
        %parallel_loop3A_481 = arith.constant 0 : index
        %parallel_loop3A_482 = tpu.vector_load %arg7[%parallel_loop3A_480, %parallel_loop3A_481] {strides = array<i32>} : memref<200x64xf32, #tpu.memory_space<vmem>>, vector<1x16xf32>,
        %parallel_loop3A_483 = vector.shape_cast %parallel_loop3A_482 : vector<1x16xf32> to vector<16xf32>
        %parallel_loop3A_484 = arith.addf %parallel_loop3A_479, %parallel_loop3A_483 : vector<16xf32>
        %parallel_loop3A_485 = arith.index_cast %parallel_loop3A_472 : i32 to index
        %parallel_loop3A_486 = arith.constant 0 : index
        %parallel_loop3A_487 = tpu.vector_load %arg11[%parallel_loop3A_485, %parallel_loop3A_486] {strides = array<i32>} : memref<128x64xf32, #tpu.memory_space<vmem>>, vector<1x16xf32>,
        %parallel_loop3A_488 = vector.shape_cast %parallel_loop3A_487 : vector<1x16xf32> to vector<16xf32>
        %parallel_loop3A_489 = vector.shape_cast %parallel_loop3A_484 : vector<16xf32> to vector<1x16xf32>
        tpu.vector_store %arg11[%parallel_loop3A_485, %parallel_loop3A_486], %parallel_loop3A_489 {strides = array<i32>} : memref<128x64xf32, #tpu.memory_space<vmem>>, vector<1x16xf32>,
        %parallel_loop3A_490 = arith.index_cast %parallel_loop3A_472 : i32 to index
        %parallel_loop3A_491 = arith.constant 16 : index
        %parallel_loop3A_492 = tpu.vector_load %arg9[%parallel_loop3A_490, %parallel_loop3A_491] {strides = array<i32>} : memref<128x128xf32, #tpu.memory_space<vmem>>, vector<1x16xf32>,
        %parallel_loop3A_493 = vector.shape_cast %parallel_loop3A_492 : vector<1x16xf32> to vector<16xf32>
        %parallel_loop3A_494 = arith.index_cast %parallel_loop3A_475 : i32 to index
        %parallel_loop3A_495 = arith.constant 16 : index
        %parallel_loop3A_496 = tpu.vector_load %arg7[%parallel_loop3A_494, %parallel_loop3A_495] {strides = array<i32>} : memref<200x64xf32, #tpu.memory_space<vmem>>, vector<1x16xf32>,
        %parallel_loop3A_497 = vector.shape_cast %parallel_loop3A_496 : vector<1x16xf32> to vector<16xf32>
        %parallel_loop3A_498 = arith.addf %parallel_loop3A_493, %parallel_loop3A_497 : vector<16xf32>
        %parallel_loop3A_499 = arith.index_cast %parallel_loop3A_472 : i32 to index
        %parallel_loop3A_500 = arith.constant 16 : index
        %parallel_loop3A_501 = tpu.vector_load %arg11[%parallel_loop3A_499, %parallel_loop3A_500] {strides = array<i32>} : memref<128x64xf32, #tpu.memory_space<vmem>>, vector<1x16xf32>,
        %parallel_loop3A_502 = vector.shape_cast %parallel_loop3A_501 : vector<1x16xf32> to vector<16xf32>
        %parallel_loop3A_503 = vector.shape_cast %parallel_loop3A_498 : vector<16xf32> to vector<1x16xf32>
        tpu.vector_store %arg11[%parallel_loop3A_499, %parallel_loop3A_500], %parallel_loop3A_503 {strides = array<i32>} : memref<128x64xf32, #tpu.memory_space<vmem>>, vector<1x16xf32>,
        %parallel_loop3A_504 = arith.index_cast %parallel_loop3A_472 : i32 to index
        %parallel_loop3A_505 = arith.constant 32 : index
        %parallel_loop3A_506 = tpu.vector_load %arg9[%parallel_loop3A_504, %parallel_loop3A_505] {strides = array<i32>} : memref<128x128xf32, #tpu.memory_space<vmem>>, vector<1x16xf32>,
        %parallel_loop3A_507 = vector.shape_cast %parallel_loop3A_506 : vector<1x16xf32> to vector<16xf32>
        %parallel_loop3A_508 = arith.index_cast %parallel_loop3A_475 : i32 to index
        %parallel_loop3A_509 = arith.constant 32 : index
        %parallel_loop3A_510 = tpu.vector_load %arg7[%parallel_loop3A_508, %parallel_loop3A_509] {strides = array<i32>} : memref<200x64xf32, #tpu.memory_space<vmem>>, vector<1x16xf32>,
        %parallel_loop3A_511 = vector.shape_cast %parallel_loop3A_510 : vector<1x16xf32> to vector<16xf32>
        %parallel_loop3A_512 = arith.addf %parallel_loop3A_507, %parallel_loop3A_511 : vector<16xf32>
        %parallel_loop3A_513 = arith.index_cast %parallel_loop3A_472 : i32 to index
        %parallel_loop3A_514 = arith.constant 32 : index
        %parallel_loop3A_515 = tpu.vector_load %arg11[%parallel_loop3A_513, %parallel_loop3A_514] {strides = array<i32>} : memref<128x64xf32, #tpu.memory_space<vmem>>, vector<1x16xf32>,
        %parallel_loop3A_516 = vector.shape_cast %parallel_loop3A_515 : vector<1x16xf32> to vector<16xf32>
        %parallel_loop3A_517 = vector.shape_cast %parallel_loop3A_512 : vector<16xf32> to vector<1x16xf32>
        tpu.vector_store %arg11[%parallel_loop3A_513, %parallel_loop3A_514], %parallel_loop3A_517 {strides = array<i32>} : memref<128x64xf32, #tpu.memory_space<vmem>>, vector<1x16xf32>,
        %parallel_loop3A_518 = arith.index_cast %parallel_loop3A_472 : i32 to index
        %parallel_loop3A_519 = arith.constant 48 : index
        %parallel_loop3A_520 = tpu.vector_load %arg9[%parallel_loop3A_518, %parallel_loop3A_519] {strides = array<i32>} : memref<128x128xf32, #tpu.memory_space<vmem>>, vector<1x16xf32>,
        %parallel_loop3A_521 = vector.shape_cast %parallel_loop3A_520 : vector<1x16xf32> to vector<16xf32>
        %parallel_loop3A_522 = arith.index_cast %parallel_loop3A_475 : i32 to index
        %parallel_loop3A_523 = arith.constant 48 : index
        %parallel_loop3A_524 = tpu.vector_load %arg7[%parallel_loop3A_522, %parallel_loop3A_523] {strides = array<i32>} : memref<200x64xf32, #tpu.memory_space<vmem>>, vector<1x16xf32>,
        %parallel_loop3A_525 = vector.shape_cast %parallel_loop3A_524 : vector<1x16xf32> to vector<16xf32>
        %parallel_loop3A_526 = arith.addf %parallel_loop3A_521, %parallel_loop3A_525 : vector<16xf32>
        %parallel_loop3A_527 = arith.index_cast %parallel_loop3A_472 : i32 to index
        %parallel_loop3A_528 = arith.constant 48 : index
        %parallel_loop3A_529 = tpu.vector_load %arg11[%parallel_loop3A_527, %parallel_loop3A_528] {strides = array<i32>} : memref<128x64xf32, #tpu.memory_space<vmem>>, vector<1x16xf32>,
        %parallel_loop3A_530 = vector.shape_cast %parallel_loop3A_529 : vector<1x16xf32> to vector<16xf32>
        %parallel_loop3A_531 = vector.shape_cast %parallel_loop3A_526 : vector<16xf32> to vector<1x16xf32>
        tpu.vector_store %arg11[%parallel_loop3A_527, %parallel_loop3A_528], %parallel_loop3A_531 {strides = array<i32>} : memref<128x64xf32, #tpu.memory_space<vmem>>, vector<1x16xf32>,
      } {sc.loop_unroll_factor = 2 : i64, sc.parallel_access}
      %add3A_454 = arith.constant 2 : i32
      %add3A_455 = arith.addi %add3A_391, %add3A_454 : i32
      %dma_start3A_456 = arith.constant 64 : i32
      %dma_start3A_457 = arith.constant 0 : i32
      %dma_start3A_458 = tpu.memref_slice %arg9[%dma_start3A_456, %dma_start3A_457] : memref<128x128xf32, #tpu.memory_space<vmem>> -> memref<64x128xf32, #tpu.memory_space<vmem>>
      %dma_start3A_459 = arith.constant 64 : i32
      %dma_start3A_460 = tpu.memref_slice %arg6[%add3A_455, %dma_start3A_459] : memref<200x128xi32, #tpu.memory_space<vmem>> -> memref<1x64xi32, #tpu.memory_space<vmem>>
      %dma_start3A_461 = tpu.memref_squeeze %dma_start3A_460 : memref<1x64xi32, #tpu.memory_space<vmem>> -> memref<64xi32, #tpu.memory_space<vmem>>
      %dma_start3A_462 = arith.constant 0 : i32
      %dma_start3A_463 = arith.constant 0 : i32
      %dma_start3A_464 = tpu.memref_slice %arg3[%dma_start3A_462, %dma_start3A_463] : memref<100000x128xf32, #tpu.memory_space<hbm>> -> memref<100000x128xf32, #tpu.memory_space<hbm>>
      tpu.enqueue_indirect_dma source(%dma_start3A_464 : memref<100000x128xf32, #tpu.memory_space<hbm>>) target(%dma_start3A_458 : memref<64x128xf32, #tpu.memory_space<vmem>>) offsets(%dma_start3A_461 : memref<64xi32, #tpu.memory_space<vmem>>) semaphore(%arg15 : memref<!tpu.dma_semaphore, #tpu.memory_space<semaphore_mem>>)
      %mul3A_465 = arith.constant 128 : i32
      %mul3A_466 = arith.muli %add3A_391, %mul3A_465 : i32
      %add3A_467 = arith.addi %mul3A_2, %mul3A_466 : i32
      %dma_start3A_468 = arith.constant 0 : i32
      %dma_start3A_469 = tpu.memref_slice %arg5[%add3A_467, %dma_start3A_468] : memref<819200x64xf32, #tpu.memory_space<hbm>> -> memref<128x64xf32, #tpu.memory_space<hbm>>
      %dma_start3A_470 = arith.constant 0 : i32
      %dma_start3A_471 = tpu.memref_slice %arg5[%add3A_467, %dma_start3A_470] : memref<819200x64xf32, #tpu.memory_space<hbm>> -> memref<128x64xf32, #tpu.memory_space<hbm>>
      tpu.enqueue_dma source(%arg11 : memref<128x64xf32, #tpu.memory_space<vmem>>) target(%dma_start3A_471 : memref<128x64xf32, #tpu.memory_space<hbm>>) target_semaphore(%arg17 : memref<!tpu.dma_semaphore, #tpu.memory_space<semaphore_mem>>)
    }
    %scan3A_178 = arith.constant 98 : i32
    %rem3A_179 = arith.constant 25344 : i32
    %rem3A_180 = arith.constant 200 : i32
    %rem3A_181 = arith.remsi %rem3A_179, %rem3A_180 : i32
    %sub3A_182 = arith.constant 200 : i32
    %sub3A_183 = arith.subi %sub3A_182, %rem3A_181 : i32
    %min3A_184 = arith.constant 128 : i32
    %min3A_185 = arith.minsi %min3A_184, %sub3A_183 : i32
    %jit3A_186 = arith.constant 0 : i32
    %jit3A_187 = arith.constant 64 : i32
    %max3A_188 = arith.maxsi %jit3A_186, %min3A_185 : i32
    %min3A_189 = arith.minsi %jit3A_187, %max3A_188 : i32
    %jit3A_190 = arith.constant 64 : i32
    %jit3A_191 = arith.constant 128 : i32
    %max3A_192 = arith.maxsi %jit3A_190, %min3A_185 : i32
    %min3A_193 = arith.minsi %jit3A_191, %max3A_192 : i32
    %dma_wait3A_194 = arith.constant 198 : i32
    %dma_wait3A_195 = arith.constant 0 : i32
    %dma_wait3A_196 = arith.constant 0 : i32
    %dma_wait3A_197 = tpu.memref_slice %arg8[%dma_wait3A_195, %dma_wait3A_196] : memref<128x128xf32, #tpu.memory_space<vmem>> -> memref<64x128xf32, #tpu.memory_space<vmem>>
    %dma_wait3A_198 = arith.constant 0 : i32
    %dma_wait3A_199 = tpu.memref_slice %arg6[%dma_wait3A_194, %dma_wait3A_198] : memref<200x128xi32, #tpu.memory_space<vmem>> -> memref<1x64xi32, #tpu.memory_space<vmem>>
    %dma_wait3A_200 = tpu.memref_squeeze %dma_wait3A_199 : memref<1x64xi32, #tpu.memory_space<vmem>> -> memref<64xi32, #tpu.memory_space<vmem>>
    %dma_wait3A_201 = arith.constant 0 : i32
    %dma_wait3A_202 = arith.constant 0 : i32
    %dma_wait3A_203 = tpu.memref_slice %arg3[%dma_wait3A_201, %dma_wait3A_202] : memref<100000x128xf32, #tpu.memory_space<hbm>> -> memref<100000x128xf32, #tpu.memory_space<hbm>>
    tpu.wait_indirect_dma semaphore(%arg12 : memref<!tpu.dma_semaphore, #tpu.memory_space<semaphore_mem>>) src(%dma_wait3A_203 : memref<100000x128xf32, #tpu.memory_space<hbm>>) dst(%dma_wait3A_197 : memref<64x128xf32, #tpu.memory_space<vmem>>)
    %add3A_204 = arith.constant 25088 : i32
    %add3A_205 = arith.addi %mul3A_2, %add3A_204 : i32
    %dma_wait3A_206 = arith.constant 0 : i32
    %dma_wait3A_207 = tpu.memref_slice %arg5[%add3A_205, %dma_wait3A_206] : memref<819200x64xf32, #tpu.memory_space<hbm>> -> memref<128x64xf32, #tpu.memory_space<hbm>>
    %dma_wait3A_208 = arith.constant 0 : i32
    %dma_wait3A_209 = tpu.memref_slice %arg5[%add3A_205, %dma_wait3A_208] : memref<819200x64xf32, #tpu.memory_space<hbm>> -> memref<128x64xf32, #tpu.memory_space<hbm>>
    tpu.wait_dma2 semaphore(%arg16 : memref<!tpu.dma_semaphore, #tpu.memory_space<semaphore_mem>>) src(%arg10 : memref<128x64xf32, #tpu.memory_space<vmem>>) dst(%dma_wait3A_209 : memref<128x64xf32, #tpu.memory_space<hbm>>)
    %parallel_loop3A_210 = arith.constant 0 : i32
    %parallel_loop3A_211 = arith.constant 1 : i32
    scf.for %parallel_loop3A_301 = %parallel_loop3A_210 to %min3A_189 step %parallel_loop3A_211  : i32 {
      %parallel_loop3A_302 = arith.addi %rem3A_181, %parallel_loop3A_301 : i32
      %parallel_loop3A_303 = arith.index_cast %parallel_loop3A_301 : i32 to index
      %parallel_loop3A_304 = arith.constant 0 : index
      %parallel_loop3A_305 = tpu.vector_load %arg8[%parallel_loop3A_303, %parallel_loop3A_304] {strides = array<i32>} : memref<128x128xf32, #tpu.memory_space<vmem>>, vector<1x16xf32>,
      %parallel_loop3A_306 = vector.shape_cast %parallel_loop3A_305 : vector<1x16xf32> to vector<16xf32>
      %parallel_loop3A_307 = arith.index_cast %parallel_loop3A_302 : i32 to index
      %parallel_loop3A_308 = arith.constant 0 : index
      %parallel_loop3A_309 = tpu.vector_load %arg7[%parallel_loop3A_307, %parallel_loop3A_308] {strides = array<i32>} : memref<200x64xf32, #tpu.memory_space<vmem>>, vector<1x16xf32>,
      %parallel_loop3A_310 = vector.shape_cast %parallel_loop3A_309 : vector<1x16xf32> to vector<16xf32>
      %parallel_loop3A_311 = arith.addf %parallel_loop3A_306, %parallel_loop3A_310 : vector<16xf32>
      %parallel_loop3A_312 = arith.index_cast %parallel_loop3A_301 : i32 to index
      %parallel_loop3A_313 = arith.constant 0 : index
      %parallel_loop3A_314 = tpu.vector_load %arg10[%parallel_loop3A_312, %parallel_loop3A_313] {strides = array<i32>} : memref<128x64xf32, #tpu.memory_space<vmem>>, vector<1x16xf32>,
      %parallel_loop3A_315 = vector.shape_cast %parallel_loop3A_314 : vector<1x16xf32> to vector<16xf32>
      %parallel_loop3A_316 = vector.shape_cast %parallel_loop3A_311 : vector<16xf32> to vector<1x16xf32>
      tpu.vector_store %arg10[%parallel_loop3A_312, %parallel_loop3A_313], %parallel_loop3A_316 {strides = array<i32>} : memref<128x64xf32, #tpu.memory_space<vmem>>, vector<1x16xf32>,
      %parallel_loop3A_317 = arith.index_cast %parallel_loop3A_301 : i32 to index
      %parallel_loop3A_318 = arith.constant 16 : index
      %parallel_loop3A_319 = tpu.vector_load %arg8[%parallel_loop3A_317, %parallel_loop3A_318] {strides = array<i32>} : memref<128x128xf32, #tpu.memory_space<vmem>>, vector<1x16xf32>,
      %parallel_loop3A_320 = vector.shape_cast %parallel_loop3A_319 : vector<1x16xf32> to vector<16xf32>
      %parallel_loop3A_321 = arith.index_cast %parallel_loop3A_302 : i32 to index
      %parallel_loop3A_322 = arith.constant 16 : index
      %parallel_loop3A_323 = tpu.vector_load %arg7[%parallel_loop3A_321, %parallel_loop3A_322] {strides = array<i32>} : memref<200x64xf32, #tpu.memory_space<vmem>>, vector<1x16xf32>,
      %parallel_loop3A_324 = vector.shape_cast %parallel_loop3A_323 : vector<1x16xf32> to vector<16xf32>
      %parallel_loop3A_325 = arith.addf %parallel_loop3A_320, %parallel_loop3A_324 : vector<16xf32>
      %parallel_loop3A_326 = arith.index_cast %parallel_loop3A_301 : i32 to index
      %parallel_loop3A_327 = arith.constant 16 : index
      %parallel_loop3A_328 = tpu.vector_load %arg10[%parallel_loop3A_326, %parallel_loop3A_327] {strides = array<i32>} : memref<128x64xf32, #tpu.memory_space<vmem>>, vector<1x16xf32>,
      %parallel_loop3A_329 = vector.shape_cast %parallel_loop3A_328 : vector<1x16xf32> to vector<16xf32>
      %parallel_loop3A_330 = vector.shape_cast %parallel_loop3A_325 : vector<16xf32> to vector<1x16xf32>
      tpu.vector_store %arg10[%parallel_loop3A_326, %parallel_loop3A_327], %parallel_loop3A_330 {strides = array<i32>} : memref<128x64xf32, #tpu.memory_space<vmem>>, vector<1x16xf32>,
      %parallel_loop3A_331 = arith.index_cast %parallel_loop3A_301 : i32 to index
      %parallel_loop3A_332 = arith.constant 32 : index
      %parallel_loop3A_333 = tpu.vector_load %arg8[%parallel_loop3A_331, %parallel_loop3A_332] {strides = array<i32>} : memref<128x128xf32, #tpu.memory_space<vmem>>, vector<1x16xf32>,
      %parallel_loop3A_334 = vector.shape_cast %parallel_loop3A_333 : vector<1x16xf32> to vector<16xf32>
      %parallel_loop3A_335 = arith.index_cast %parallel_loop3A_302 : i32 to index
      %parallel_loop3A_336 = arith.constant 32 : index
      %parallel_loop3A_337 = tpu.vector_load %arg7[%parallel_loop3A_335, %parallel_loop3A_336] {strides = array<i32>} : memref<200x64xf32, #tpu.memory_space<vmem>>, vector<1x16xf32>,
      %parallel_loop3A_338 = vector.shape_cast %parallel_loop3A_337 : vector<1x16xf32> to vector<16xf32>
      %parallel_loop3A_339 = arith.addf %parallel_loop3A_334, %parallel_loop3A_338 : vector<16xf32>
      %parallel_loop3A_340 = arith.index_cast %parallel_loop3A_301 : i32 to index
      %parallel_loop3A_341 = arith.constant 32 : index
      %parallel_loop3A_342 = tpu.vector_load %arg10[%parallel_loop3A_340, %parallel_loop3A_341] {strides = array<i32>} : memref<128x64xf32, #tpu.memory_space<vmem>>, vector<1x16xf32>,
      %parallel_loop3A_343 = vector.shape_cast %parallel_loop3A_342 : vector<1x16xf32> to vector<16xf32>
      %parallel_loop3A_344 = vector.shape_cast %parallel_loop3A_339 : vector<16xf32> to vector<1x16xf32>
      tpu.vector_store %arg10[%parallel_loop3A_340, %parallel_loop3A_341], %parallel_loop3A_344 {strides = array<i32>} : memref<128x64xf32, #tpu.memory_space<vmem>>, vector<1x16xf32>,
      %parallel_loop3A_345 = arith.index_cast %parallel_loop3A_301 : i32 to index
      %parallel_loop3A_346 = arith.constant 48 : index
      %parallel_loop3A_347 = tpu.vector_load %arg8[%parallel_loop3A_345, %parallel_loop3A_346] {strides = array<i32>} : memref<128x128xf32, #tpu.memory_space<vmem>>, vector<1x16xf32>,
      %parallel_loop3A_348 = vector.shape_cast %parallel_loop3A_347 : vector<1x16xf32> to vector<16xf32>
      %parallel_loop3A_349 = arith.index_cast %parallel_loop3A_302 : i32 to index
      %parallel_loop3A_350 = arith.constant 48 : index
      %parallel_loop3A_351 = tpu.vector_load %arg7[%parallel_loop3A_349, %parallel_loop3A_350] {strides = array<i32>} : memref<200x64xf32, #tpu.memory_space<vmem>>, vector<1x16xf32>,
      %parallel_loop3A_352 = vector.shape_cast %parallel_loop3A_351 : vector<1x16xf32> to vector<16xf32>
      %parallel_loop3A_353 = arith.addf %parallel_loop3A_348, %parallel_loop3A_352 : vector<16xf32>
      %parallel_loop3A_354 = arith.index_cast %parallel_loop3A_301 : i32 to index
      %parallel_loop3A_355 = arith.constant 48 : index
      %parallel_loop3A_356 = tpu.vector_load %arg10[%parallel_loop3A_354, %parallel_loop3A_355] {strides = array<i32>} : memref<128x64xf32, #tpu.memory_space<vmem>>, vector<1x16xf32>,
      %parallel_loop3A_357 = vector.shape_cast %parallel_loop3A_356 : vector<1x16xf32> to vector<16xf32>
      %parallel_loop3A_358 = vector.shape_cast %parallel_loop3A_353 : vector<16xf32> to vector<1x16xf32>
      tpu.vector_store %arg10[%parallel_loop3A_354, %parallel_loop3A_355], %parallel_loop3A_358 {strides = array<i32>} : memref<128x64xf32, #tpu.memory_space<vmem>>, vector<1x16xf32>,
    } {sc.loop_unroll_factor = 2 : i64, sc.parallel_access}
    %parallel_loop3A_212 = arith.constant 64 : i32
    %parallel_loop3A_213 = arith.constant 1 : i32
    scf.for %parallel_loop3A_301 = %min3A_189 to %parallel_loop3A_212 step %parallel_loop3A_213  : i32 {
      %parallel_loop3A_302 = arith.addi %rem3A_181, %parallel_loop3A_301 : i32
      %parallel_loop3A_303 = arith.constant 200 : i32
      %parallel_loop3A_304 = arith.subi %parallel_loop3A_302, %parallel_loop3A_303 : i32
      %parallel_loop3A_305 = arith.index_cast %parallel_loop3A_301 : i32 to index
      %parallel_loop3A_306 = arith.constant 0 : index
      %parallel_loop3A_307 = tpu.vector_load %arg8[%parallel_loop3A_305, %parallel_loop3A_306] {strides = array<i32>} : memref<128x128xf32, #tpu.memory_space<vmem>>, vector<1x16xf32>,
      %parallel_loop3A_308 = vector.shape_cast %parallel_loop3A_307 : vector<1x16xf32> to vector<16xf32>
      %parallel_loop3A_309 = arith.index_cast %parallel_loop3A_304 : i32 to index
      %parallel_loop3A_310 = arith.constant 0 : index
      %parallel_loop3A_311 = tpu.vector_load %arg7[%parallel_loop3A_309, %parallel_loop3A_310] {strides = array<i32>} : memref<200x64xf32, #tpu.memory_space<vmem>>, vector<1x16xf32>,
      %parallel_loop3A_312 = vector.shape_cast %parallel_loop3A_311 : vector<1x16xf32> to vector<16xf32>
      %parallel_loop3A_313 = arith.addf %parallel_loop3A_308, %parallel_loop3A_312 : vector<16xf32>
      %parallel_loop3A_314 = arith.index_cast %parallel_loop3A_301 : i32 to index
      %parallel_loop3A_315 = arith.constant 0 : index
      %parallel_loop3A_316 = tpu.vector_load %arg10[%parallel_loop3A_314, %parallel_loop3A_315] {strides = array<i32>} : memref<128x64xf32, #tpu.memory_space<vmem>>, vector<1x16xf32>,
      %parallel_loop3A_317 = vector.shape_cast %parallel_loop3A_316 : vector<1x16xf32> to vector<16xf32>
      %parallel_loop3A_318 = vector.shape_cast %parallel_loop3A_313 : vector<16xf32> to vector<1x16xf32>
      tpu.vector_store %arg10[%parallel_loop3A_314, %parallel_loop3A_315], %parallel_loop3A_318 {strides = array<i32>} : memref<128x64xf32, #tpu.memory_space<vmem>>, vector<1x16xf32>,
      %parallel_loop3A_319 = arith.index_cast %parallel_loop3A_301 : i32 to index
      %parallel_loop3A_320 = arith.constant 16 : index
      %parallel_loop3A_321 = tpu.vector_load %arg8[%parallel_loop3A_319, %parallel_loop3A_320] {strides = array<i32>} : memref<128x128xf32, #tpu.memory_space<vmem>>, vector<1x16xf32>,
      %parallel_loop3A_322 = vector.shape_cast %parallel_loop3A_321 : vector<1x16xf32> to vector<16xf32>
      %parallel_loop3A_323 = arith.index_cast %parallel_loop3A_304 : i32 to index
      %parallel_loop3A_324 = arith.constant 16 : index
      %parallel_loop3A_325 = tpu.vector_load %arg7[%parallel_loop3A_323, %parallel_loop3A_324] {strides = array<i32>} : memref<200x64xf32, #tpu.memory_space<vmem>>, vector<1x16xf32>,
      %parallel_loop3A_326 = vector.shape_cast %parallel_loop3A_325 : vector<1x16xf32> to vector<16xf32>
      %parallel_loop3A_327 = arith.addf %parallel_loop3A_322, %parallel_loop3A_326 : vector<16xf32>
      %parallel_loop3A_328 = arith.index_cast %parallel_loop3A_301 : i32 to index
      %parallel_loop3A_329 = arith.constant 16 : index
      %parallel_loop3A_330 = tpu.vector_load %arg10[%parallel_loop3A_328, %parallel_loop3A_329] {strides = array<i32>} : memref<128x64xf32, #tpu.memory_space<vmem>>, vector<1x16xf32>,
      %parallel_loop3A_331 = vector.shape_cast %parallel_loop3A_330 : vector<1x16xf32> to vector<16xf32>
      %parallel_loop3A_332 = vector.shape_cast %parallel_loop3A_327 : vector<16xf32> to vector<1x16xf32>
      tpu.vector_store %arg10[%parallel_loop3A_328, %parallel_loop3A_329], %parallel_loop3A_332 {strides = array<i32>} : memref<128x64xf32, #tpu.memory_space<vmem>>, vector<1x16xf32>,
      %parallel_loop3A_333 = arith.index_cast %parallel_loop3A_301 : i32 to index
      %parallel_loop3A_334 = arith.constant 32 : index
      %parallel_loop3A_335 = tpu.vector_load %arg8[%parallel_loop3A_333, %parallel_loop3A_334] {strides = array<i32>} : memref<128x128xf32, #tpu.memory_space<vmem>>, vector<1x16xf32>,
      %parallel_loop3A_336 = vector.shape_cast %parallel_loop3A_335 : vector<1x16xf32> to vector<16xf32>
      %parallel_loop3A_337 = arith.index_cast %parallel_loop3A_304 : i32 to index
      %parallel_loop3A_338 = arith.constant 32 : index
      %parallel_loop3A_339 = tpu.vector_load %arg7[%parallel_loop3A_337, %parallel_loop3A_338] {strides = array<i32>} : memref<200x64xf32, #tpu.memory_space<vmem>>, vector<1x16xf32>,
      %parallel_loop3A_340 = vector.shape_cast %parallel_loop3A_339 : vector<1x16xf32> to vector<16xf32>
      %parallel_loop3A_341 = arith.addf %parallel_loop3A_336, %parallel_loop3A_340 : vector<16xf32>
      %parallel_loop3A_342 = arith.index_cast %parallel_loop3A_301 : i32 to index
      %parallel_loop3A_343 = arith.constant 32 : index
      %parallel_loop3A_344 = tpu.vector_load %arg10[%parallel_loop3A_342, %parallel_loop3A_343] {strides = array<i32>} : memref<128x64xf32, #tpu.memory_space<vmem>>, vector<1x16xf32>,
      %parallel_loop3A_345 = vector.shape_cast %parallel_loop3A_344 : vector<1x16xf32> to vector<16xf32>
      %parallel_loop3A_346 = vector.shape_cast %parallel_loop3A_341 : vector<16xf32> to vector<1x16xf32>
      tpu.vector_store %arg10[%parallel_loop3A_342, %parallel_loop3A_343], %parallel_loop3A_346 {strides = array<i32>} : memref<128x64xf32, #tpu.memory_space<vmem>>, vector<1x16xf32>,
      %parallel_loop3A_347 = arith.index_cast %parallel_loop3A_301 : i32 to index
      %parallel_loop3A_348 = arith.constant 48 : index
      %parallel_loop3A_349 = tpu.vector_load %arg8[%parallel_loop3A_347, %parallel_loop3A_348] {strides = array<i32>} : memref<128x128xf32, #tpu.memory_space<vmem>>, vector<1x16xf32>,
      %parallel_loop3A_350 = vector.shape_cast %parallel_loop3A_349 : vector<1x16xf32> to vector<16xf32>
      %parallel_loop3A_351 = arith.index_cast %parallel_loop3A_304 : i32 to index
      %parallel_loop3A_352 = arith.constant 48 : index
      %parallel_loop3A_353 = tpu.vector_load %arg7[%parallel_loop3A_351, %parallel_loop3A_352] {strides = array<i32>} : memref<200x64xf32, #tpu.memory_space<vmem>>, vector<1x16xf32>,
      %parallel_loop3A_354 = vector.shape_cast %parallel_loop3A_353 : vector<1x16xf32> to vector<16xf32>
      %parallel_loop3A_355 = arith.addf %parallel_loop3A_350, %parallel_loop3A_354 : vector<16xf32>
      %parallel_loop3A_356 = arith.index_cast %parallel_loop3A_301 : i32 to index
      %parallel_loop3A_357 = arith.constant 48 : index
      %parallel_loop3A_358 = tpu.vector_load %arg10[%parallel_loop3A_356, %parallel_loop3A_357] {strides = array<i32>} : memref<128x64xf32, #tpu.memory_space<vmem>>, vector<1x16xf32>,
      %parallel_loop3A_359 = vector.shape_cast %parallel_loop3A_358 : vector<1x16xf32> to vector<16xf32>
      %parallel_loop3A_360 = vector.shape_cast %parallel_loop3A_355 : vector<16xf32> to vector<1x16xf32>
      tpu.vector_store %arg10[%parallel_loop3A_356, %parallel_loop3A_357], %parallel_loop3A_360 {strides = array<i32>} : memref<128x64xf32, #tpu.memory_space<vmem>>, vector<1x16xf32>,
    } {sc.loop_unroll_factor = 2 : i64, sc.parallel_access}
    %dma_wait3A_214 = arith.constant 198 : i32
    %dma_wait3A_215 = arith.constant 64 : i32
    %dma_wait3A_216 = arith.constant 0 : i32
    %dma_wait3A_217 = tpu.memref_slice %arg8[%dma_wait3A_215, %dma_wait3A_216] : memref<128x128xf32, #tpu.memory_space<vmem>> -> memref<64x128xf32, #tpu.memory_space<vmem>>
    %dma_wait3A_218 = arith.constant 64 : i32
    %dma_wait3A_219 = tpu.memref_slice %arg6[%dma_wait3A_214, %dma_wait3A_218] : memref<200x128xi32, #tpu.memory_space<vmem>> -> memref<1x64xi32, #tpu.memory_space<vmem>>
    %dma_wait3A_220 = tpu.memref_squeeze %dma_wait3A_219 : memref<1x64xi32, #tpu.memory_space<vmem>> -> memref<64xi32, #tpu.memory_space<vmem>>
    %dma_wait3A_221 = arith.constant 0 : i32
    %dma_wait3A_222 = arith.constant 0 : i32
    %dma_wait3A_223 = tpu.memref_slice %arg3[%dma_wait3A_221, %dma_wait3A_222] : memref<100000x128xf32, #tpu.memory_space<hbm>> -> memref<100000x128xf32, #tpu.memory_space<hbm>>
    tpu.wait_indirect_dma semaphore(%arg14 : memref<!tpu.dma_semaphore, #tpu.memory_space<semaphore_mem>>) src(%dma_wait3A_223 : memref<100000x128xf32, #tpu.memory_space<hbm>>) dst(%dma_wait3A_217 : memref<64x128xf32, #tpu.memory_space<vmem>>)
    %parallel_loop3A_224 = arith.constant 64 : i32
    %parallel_loop3A_225 = arith.constant 1 : i32
    scf.for %parallel_loop3A_301 = %parallel_loop3A_224 to %min3A_193 step %parallel_loop3A_225  : i32 {
      %parallel_loop3A_302 = arith.addi %rem3A_181, %parallel_loop3A_301 : i32
      %parallel_loop3A_303 = arith.index_cast %parallel_loop3A_301 : i32 to index
      %parallel_loop3A_304 = arith.constant 0 : index
      %parallel_loop3A_305 = tpu.vector_load %arg8[%parallel_loop3A_303, %parallel_loop3A_304] {strides = array<i32>} : memref<128x128xf32, #tpu.memory_space<vmem>>, vector<1x16xf32>,
      %parallel_loop3A_306 = vector.shape_cast %parallel_loop3A_305 : vector<1x16xf32> to vector<16xf32>
      %parallel_loop3A_307 = arith.index_cast %parallel_loop3A_302 : i32 to index
      %parallel_loop3A_308 = arith.constant 0 : index
      %parallel_loop3A_309 = tpu.vector_load %arg7[%parallel_loop3A_307, %parallel_loop3A_308] {strides = array<i32>} : memref<200x64xf32, #tpu.memory_space<vmem>>, vector<1x16xf32>,
      %parallel_loop3A_310 = vector.shape_cast %parallel_loop3A_309 : vector<1x16xf32> to vector<16xf32>
      %parallel_loop3A_311 = arith.addf %parallel_loop3A_306, %parallel_loop3A_310 : vector<16xf32>
      %parallel_loop3A_312 = arith.index_cast %parallel_loop3A_301 : i32 to index
      %parallel_loop3A_313 = arith.constant 0 : index
      %parallel_loop3A_314 = tpu.vector_load %arg10[%parallel_loop3A_312, %parallel_loop3A_313] {strides = array<i32>} : memref<128x64xf32, #tpu.memory_space<vmem>>, vector<1x16xf32>,
      %parallel_loop3A_315 = vector.shape_cast %parallel_loop3A_314 : vector<1x16xf32> to vector<16xf32>
      %parallel_loop3A_316 = vector.shape_cast %parallel_loop3A_311 : vector<16xf32> to vector<1x16xf32>
      tpu.vector_store %arg10[%parallel_loop3A_312, %parallel_loop3A_313], %parallel_loop3A_316 {strides = array<i32>} : memref<128x64xf32, #tpu.memory_space<vmem>>, vector<1x16xf32>,
      %parallel_loop3A_317 = arith.index_cast %parallel_loop3A_301 : i32 to index
      %parallel_loop3A_318 = arith.constant 16 : index
      %parallel_loop3A_319 = tpu.vector_load %arg8[%parallel_loop3A_317, %parallel_loop3A_318] {strides = array<i32>} : memref<128x128xf32, #tpu.memory_space<vmem>>, vector<1x16xf32>,
      %parallel_loop3A_320 = vector.shape_cast %parallel_loop3A_319 : vector<1x16xf32> to vector<16xf32>
      %parallel_loop3A_321 = arith.index_cast %parallel_loop3A_302 : i32 to index
      %parallel_loop3A_322 = arith.constant 16 : index
      %parallel_loop3A_323 = tpu.vector_load %arg7[%parallel_loop3A_321, %parallel_loop3A_322] {strides = array<i32>} : memref<200x64xf32, #tpu.memory_space<vmem>>, vector<1x16xf32>,
      %parallel_loop3A_324 = vector.shape_cast %parallel_loop3A_323 : vector<1x16xf32> to vector<16xf32>
      %parallel_loop3A_325 = arith.addf %parallel_loop3A_320, %parallel_loop3A_324 : vector<16xf32>
      %parallel_loop3A_326 = arith.index_cast %parallel_loop3A_301 : i32 to index
      %parallel_loop3A_327 = arith.constant 16 : index
      %parallel_loop3A_328 = tpu.vector_load %arg10[%parallel_loop3A_326, %parallel_loop3A_327] {strides = array<i32>} : memref<128x64xf32, #tpu.memory_space<vmem>>, vector<1x16xf32>,
      %parallel_loop3A_329 = vector.shape_cast %parallel_loop3A_328 : vector<1x16xf32> to vector<16xf32>
      %parallel_loop3A_330 = vector.shape_cast %parallel_loop3A_325 : vector<16xf32> to vector<1x16xf32>
      tpu.vector_store %arg10[%parallel_loop3A_326, %parallel_loop3A_327], %parallel_loop3A_330 {strides = array<i32>} : memref<128x64xf32, #tpu.memory_space<vmem>>, vector<1x16xf32>,
      %parallel_loop3A_331 = arith.index_cast %parallel_loop3A_301 : i32 to index
      %parallel_loop3A_332 = arith.constant 32 : index
      %parallel_loop3A_333 = tpu.vector_load %arg8[%parallel_loop3A_331, %parallel_loop3A_332] {strides = array<i32>} : memref<128x128xf32, #tpu.memory_space<vmem>>, vector<1x16xf32>,
      %parallel_loop3A_334 = vector.shape_cast %parallel_loop3A_333 : vector<1x16xf32> to vector<16xf32>
      %parallel_loop3A_335 = arith.index_cast %parallel_loop3A_302 : i32 to index
      %parallel_loop3A_336 = arith.constant 32 : index
      %parallel_loop3A_337 = tpu.vector_load %arg7[%parallel_loop3A_335, %parallel_loop3A_336] {strides = array<i32>} : memref<200x64xf32, #tpu.memory_space<vmem>>, vector<1x16xf32>,
      %parallel_loop3A_338 = vector.shape_cast %parallel_loop3A_337 : vector<1x16xf32> to vector<16xf32>
      %parallel_loop3A_339 = arith.addf %parallel_loop3A_334, %parallel_loop3A_338 : vector<16xf32>
      %parallel_loop3A_340 = arith.index_cast %parallel_loop3A_301 : i32 to index
      %parallel_loop3A_341 = arith.constant 32 : index
      %parallel_loop3A_342 = tpu.vector_load %arg10[%parallel_loop3A_340, %parallel_loop3A_341] {strides = array<i32>} : memref<128x64xf32, #tpu.memory_space<vmem>>, vector<1x16xf32>,
      %parallel_loop3A_343 = vector.shape_cast %parallel_loop3A_342 : vector<1x16xf32> to vector<16xf32>
      %parallel_loop3A_344 = vector.shape_cast %parallel_loop3A_339 : vector<16xf32> to vector<1x16xf32>
      tpu.vector_store %arg10[%parallel_loop3A_340, %parallel_loop3A_341], %parallel_loop3A_344 {strides = array<i32>} : memref<128x64xf32, #tpu.memory_space<vmem>>, vector<1x16xf32>,
      %parallel_loop3A_345 = arith.index_cast %parallel_loop3A_301 : i32 to index
      %parallel_loop3A_346 = arith.constant 48 : index
      %parallel_loop3A_347 = tpu.vector_load %arg8[%parallel_loop3A_345, %parallel_loop3A_346] {strides = array<i32>} : memref<128x128xf32, #tpu.memory_space<vmem>>, vector<1x16xf32>,
      %parallel_loop3A_348 = vector.shape_cast %parallel_loop3A_347 : vector<1x16xf32> to vector<16xf32>
      %parallel_loop3A_349 = arith.index_cast %parallel_loop3A_302 : i32 to index
      %parallel_loop3A_350 = arith.constant 48 : index
      %parallel_loop3A_351 = tpu.vector_load %arg7[%parallel_loop3A_349, %parallel_loop3A_350] {strides = array<i32>} : memref<200x64xf32, #tpu.memory_space<vmem>>, vector<1x16xf32>,
      %parallel_loop3A_352 = vector.shape_cast %parallel_loop3A_351 : vector<1x16xf32> to vector<16xf32>
      %parallel_loop3A_353 = arith.addf %parallel_loop3A_348, %parallel_loop3A_352 : vector<16xf32>
      %parallel_loop3A_354 = arith.index_cast %parallel_loop3A_301 : i32 to index
      %parallel_loop3A_355 = arith.constant 48 : index
      %parallel_loop3A_356 = tpu.vector_load %arg10[%parallel_loop3A_354, %parallel_loop3A_355] {strides = array<i32>} : memref<128x64xf32, #tpu.memory_space<vmem>>, vector<1x16xf32>,
      %parallel_loop3A_357 = vector.shape_cast %parallel_loop3A_356 : vector<1x16xf32> to vector<16xf32>
      %parallel_loop3A_358 = vector.shape_cast %parallel_loop3A_353 : vector<16xf32> to vector<1x16xf32>
      tpu.vector_store %arg10[%parallel_loop3A_354, %parallel_loop3A_355], %parallel_loop3A_358 {strides = array<i32>} : memref<128x64xf32, #tpu.memory_space<vmem>>, vector<1x16xf32>,
    } {sc.loop_unroll_factor = 2 : i64, sc.parallel_access}
    %parallel_loop3A_226 = arith.constant 128 : i32
    %parallel_loop3A_227 = arith.constant 1 : i32
    scf.for %parallel_loop3A_301 = %min3A_193 to %parallel_loop3A_226 step %parallel_loop3A_227  : i32 {
      %parallel_loop3A_302 = arith.addi %rem3A_181, %parallel_loop3A_301 : i32
      %parallel_loop3A_303 = arith.constant 200 : i32
      %parallel_loop3A_304 = arith.subi %parallel_loop3A_302, %parallel_loop3A_303 : i32
      %parallel_loop3A_305 = arith.index_cast %parallel_loop3A_301 : i32 to index
      %parallel_loop3A_306 = arith.constant 0 : index
      %parallel_loop3A_307 = tpu.vector_load %arg8[%parallel_loop3A_305, %parallel_loop3A_306] {strides = array<i32>} : memref<128x128xf32, #tpu.memory_space<vmem>>, vector<1x16xf32>,
      %parallel_loop3A_308 = vector.shape_cast %parallel_loop3A_307 : vector<1x16xf32> to vector<16xf32>
      %parallel_loop3A_309 = arith.index_cast %parallel_loop3A_304 : i32 to index
      %parallel_loop3A_310 = arith.constant 0 : index
      %parallel_loop3A_311 = tpu.vector_load %arg7[%parallel_loop3A_309, %parallel_loop3A_310] {strides = array<i32>} : memref<200x64xf32, #tpu.memory_space<vmem>>, vector<1x16xf32>,
      %parallel_loop3A_312 = vector.shape_cast %parallel_loop3A_311 : vector<1x16xf32> to vector<16xf32>
      %parallel_loop3A_313 = arith.addf %parallel_loop3A_308, %parallel_loop3A_312 : vector<16xf32>
      %parallel_loop3A_314 = arith.index_cast %parallel_loop3A_301 : i32 to index
      %parallel_loop3A_315 = arith.constant 0 : index
      %parallel_loop3A_316 = tpu.vector_load %arg10[%parallel_loop3A_314, %parallel_loop3A_315] {strides = array<i32>} : memref<128x64xf32, #tpu.memory_space<vmem>>, vector<1x16xf32>,
      %parallel_loop3A_317 = vector.shape_cast %parallel_loop3A_316 : vector<1x16xf32> to vector<16xf32>
      %parallel_loop3A_318 = vector.shape_cast %parallel_loop3A_313 : vector<16xf32> to vector<1x16xf32>
      tpu.vector_store %arg10[%parallel_loop3A_314, %parallel_loop3A_315], %parallel_loop3A_318 {strides = array<i32>} : memref<128x64xf32, #tpu.memory_space<vmem>>, vector<1x16xf32>,
      %parallel_loop3A_319 = arith.index_cast %parallel_loop3A_301 : i32 to index
      %parallel_loop3A_320 = arith.constant 16 : index
      %parallel_loop3A_321 = tpu.vector_load %arg8[%parallel_loop3A_319, %parallel_loop3A_320] {strides = array<i32>} : memref<128x128xf32, #tpu.memory_space<vmem>>, vector<1x16xf32>,
      %parallel_loop3A_322 = vector.shape_cast %parallel_loop3A_321 : vector<1x16xf32> to vector<16xf32>
      %parallel_loop3A_323 = arith.index_cast %parallel_loop3A_304 : i32 to index
      %parallel_loop3A_324 = arith.constant 16 : index
      %parallel_loop3A_325 = tpu.vector_load %arg7[%parallel_loop3A_323, %parallel_loop3A_324] {strides = array<i32>} : memref<200x64xf32, #tpu.memory_space<vmem>>, vector<1x16xf32>,
      %parallel_loop3A_326 = vector.shape_cast %parallel_loop3A_325 : vector<1x16xf32> to vector<16xf32>
      %parallel_loop3A_327 = arith.addf %parallel_loop3A_322, %parallel_loop3A_326 : vector<16xf32>
      %parallel_loop3A_328 = arith.index_cast %parallel_loop3A_301 : i32 to index
      %parallel_loop3A_329 = arith.constant 16 : index
      %parallel_loop3A_330 = tpu.vector_load %arg10[%parallel_loop3A_328, %parallel_loop3A_329] {strides = array<i32>} : memref<128x64xf32, #tpu.memory_space<vmem>>, vector<1x16xf32>,
      %parallel_loop3A_331 = vector.shape_cast %parallel_loop3A_330 : vector<1x16xf32> to vector<16xf32>
      %parallel_loop3A_332 = vector.shape_cast %parallel_loop3A_327 : vector<16xf32> to vector<1x16xf32>
      tpu.vector_store %arg10[%parallel_loop3A_328, %parallel_loop3A_329], %parallel_loop3A_332 {strides = array<i32>} : memref<128x64xf32, #tpu.memory_space<vmem>>, vector<1x16xf32>,
      %parallel_loop3A_333 = arith.index_cast %parallel_loop3A_301 : i32 to index
      %parallel_loop3A_334 = arith.constant 32 : index
      %parallel_loop3A_335 = tpu.vector_load %arg8[%parallel_loop3A_333, %parallel_loop3A_334] {strides = array<i32>} : memref<128x128xf32, #tpu.memory_space<vmem>>, vector<1x16xf32>,
      %parallel_loop3A_336 = vector.shape_cast %parallel_loop3A_335 : vector<1x16xf32> to vector<16xf32>
      %parallel_loop3A_337 = arith.index_cast %parallel_loop3A_304 : i32 to index
      %parallel_loop3A_338 = arith.constant 32 : index
      %parallel_loop3A_339 = tpu.vector_load %arg7[%parallel_loop3A_337, %parallel_loop3A_338] {strides = array<i32>} : memref<200x64xf32, #tpu.memory_space<vmem>>, vector<1x16xf32>,
      %parallel_loop3A_340 = vector.shape_cast %parallel_loop3A_339 : vector<1x16xf32> to vector<16xf32>
      %parallel_loop3A_341 = arith.addf %parallel_loop3A_336, %parallel_loop3A_340 : vector<16xf32>
      %parallel_loop3A_342 = arith.index_cast %parallel_loop3A_301 : i32 to index
      %parallel_loop3A_343 = arith.constant 32 : index
      %parallel_loop3A_344 = tpu.vector_load %arg10[%parallel_loop3A_342, %parallel_loop3A_343] {strides = array<i32>} : memref<128x64xf32, #tpu.memory_space<vmem>>, vector<1x16xf32>,
      %parallel_loop3A_345 = vector.shape_cast %parallel_loop3A_344 : vector<1x16xf32> to vector<16xf32>
      %parallel_loop3A_346 = vector.shape_cast %parallel_loop3A_341 : vector<16xf32> to vector<1x16xf32>
      tpu.vector_store %arg10[%parallel_loop3A_342, %parallel_loop3A_343], %parallel_loop3A_346 {strides = array<i32>} : memref<128x64xf32, #tpu.memory_space<vmem>>, vector<1x16xf32>,
      %parallel_loop3A_347 = arith.index_cast %parallel_loop3A_301 : i32 to index
      %parallel_loop3A_348 = arith.constant 48 : index
      %parallel_loop3A_349 = tpu.vector_load %arg8[%parallel_loop3A_347, %parallel_loop3A_348] {strides = array<i32>} : memref<128x128xf32, #tpu.memory_space<vmem>>, vector<1x16xf32>,
      %parallel_loop3A_350 = vector.shape_cast %parallel_loop3A_349 : vector<1x16xf32> to vector<16xf32>
      %parallel_loop3A_351 = arith.index_cast %parallel_loop3A_304 : i32 to index
      %parallel_loop3A_352 = arith.constant 48 : index
      %parallel_loop3A_353 = tpu.vector_load %arg7[%parallel_loop3A_351, %parallel_loop3A_352] {strides = array<i32>} : memref<200x64xf32, #tpu.memory_space<vmem>>, vector<1x16xf32>,
      %parallel_loop3A_354 = vector.shape_cast %parallel_loop3A_353 : vector<1x16xf32> to vector<16xf32>
      %parallel_loop3A_355 = arith.addf %parallel_loop3A_350, %parallel_loop3A_354 : vector<16xf32>
      %parallel_loop3A_356 = arith.index_cast %parallel_loop3A_301 : i32 to index
      %parallel_loop3A_357 = arith.constant 48 : index
      %parallel_loop3A_358 = tpu.vector_load %arg10[%parallel_loop3A_356, %parallel_loop3A_357] {strides = array<i32>} : memref<128x64xf32, #tpu.memory_space<vmem>>, vector<1x16xf32>,
      %parallel_loop3A_359 = vector.shape_cast %parallel_loop3A_358 : vector<1x16xf32> to vector<16xf32>
      %parallel_loop3A_360 = vector.shape_cast %parallel_loop3A_355 : vector<16xf32> to vector<1x16xf32>
      tpu.vector_store %arg10[%parallel_loop3A_356, %parallel_loop3A_357], %parallel_loop3A_360 {strides = array<i32>} : memref<128x64xf32, #tpu.memory_space<vmem>>, vector<1x16xf32>,
    } {sc.loop_unroll_factor = 2 : i64, sc.parallel_access}
    %add3A_228 = arith.constant 25344 : i32
    %add3A_229 = arith.addi %mul3A_2, %add3A_228 : i32
    %dma_start3A_230 = arith.constant 0 : i32
    %dma_start3A_231 = tpu.memref_slice %arg5[%add3A_229, %dma_start3A_230] : memref<819200x64xf32, #tpu.memory_space<hbm>> -> memref<128x64xf32, #tpu.memory_space<hbm>>
    %dma_start3A_232 = arith.constant 0 : i32
    %dma_start3A_233 = tpu.memref_slice %arg5[%add3A_229, %dma_start3A_232] : memref<819200x64xf32, #tpu.memory_space<hbm>> -> memref<128x64xf32, #tpu.memory_space<hbm>>
    tpu.enqueue_dma source(%arg10 : memref<128x64xf32, #tpu.memory_space<vmem>>) target(%dma_start3A_233 : memref<128x64xf32, #tpu.memory_space<hbm>>) target_semaphore(%arg16 : memref<!tpu.dma_semaphore, #tpu.memory_space<semaphore_mem>>)
    %rem3A_234 = arith.constant 25472 : i32
    %rem3A_235 = arith.constant 200 : i32
    %rem3A_236 = arith.remsi %rem3A_234, %rem3A_235 : i32
    %sub3A_237 = arith.constant 200 : i32
    %sub3A_238 = arith.subi %sub3A_237, %rem3A_236 : i32
    %min3A_239 = arith.constant 128 : i32
    %min3A_240 = arith.minsi %min3A_239, %sub3A_238 : i32
    %jit3A_241 = arith.constant 0 : i32
    %jit3A_242 = arith.constant 64 : i32
    %max3A_243 = arith.maxsi %jit3A_241, %min3A_240 : i32
    %min3A_244 = arith.minsi %jit3A_242, %max3A_243 : i32
    %jit3A_245 = arith.constant 64 : i32
    %jit3A_246 = arith.constant 128 : i32
    %max3A_247 = arith.maxsi %jit3A_245, %min3A_240 : i32
    %min3A_248 = arith.minsi %jit3A_246, %max3A_247 : i32
    %dma_wait3A_249 = arith.constant 199 : i32
    %dma_wait3A_250 = arith.constant 0 : i32
    %dma_wait3A_251 = arith.constant 0 : i32
    %dma_wait3A_252 = tpu.memref_slice %arg9[%dma_wait3A_250, %dma_wait3A_251] : memref<128x128xf32, #tpu.memory_space<vmem>> -> memref<64x128xf32, #tpu.memory_space<vmem>>
    %dma_wait3A_253 = arith.constant 0 : i32
    %dma_wait3A_254 = tpu.memref_slice %arg6[%dma_wait3A_249, %dma_wait3A_253] : memref<200x128xi32, #tpu.memory_space<vmem>> -> memref<1x64xi32, #tpu.memory_space<vmem>>
    %dma_wait3A_255 = tpu.memref_squeeze %dma_wait3A_254 : memref<1x64xi32, #tpu.memory_space<vmem>> -> memref<64xi32, #tpu.memory_space<vmem>>
    %dma_wait3A_256 = arith.constant 0 : i32
    %dma_wait3A_257 = arith.constant 0 : i32
    %dma_wait3A_258 = tpu.memref_slice %arg3[%dma_wait3A_256, %dma_wait3A_257] : memref<100000x128xf32, #tpu.memory_space<hbm>> -> memref<100000x128xf32, #tpu.memory_space<hbm>>
    tpu.wait_indirect_dma semaphore(%arg13 : memref<!tpu.dma_semaphore, #tpu.memory_space<semaphore_mem>>) src(%dma_wait3A_258 : memref<100000x128xf32, #tpu.memory_space<hbm>>) dst(%dma_wait3A_252 : memref<64x128xf32, #tpu.memory_space<vmem>>)
    %add3A_259 = arith.constant 25216 : i32
    %add3A_260 = arith.addi %mul3A_2, %add3A_259 : i32
    %dma_wait3A_261 = arith.constant 0 : i32
    %dma_wait3A_262 = tpu.memref_slice %arg5[%add3A_260, %dma_wait3A_261] : memref<819200x64xf32, #tpu.memory_space<hbm>> -> memref<128x64xf32, #tpu.memory_space<hbm>>
    %dma_wait3A_263 = arith.constant 0 : i32
    %dma_wait3A_264 = tpu.memref_slice %arg5[%add3A_260, %dma_wait3A_263] : memref<819200x64xf32, #tpu.memory_space<hbm>> -> memref<128x64xf32, #tpu.memory_space<hbm>>
    tpu.wait_dma2 semaphore(%arg17 : memref<!tpu.dma_semaphore, #tpu.memory_space<semaphore_mem>>) src(%arg11 : memref<128x64xf32, #tpu.memory_space<vmem>>) dst(%dma_wait3A_264 : memref<128x64xf32, #tpu.memory_space<hbm>>)
    %parallel_loop3A_265 = arith.constant 0 : i32
    %parallel_loop3A_266 = arith.constant 1 : i32
    scf.for %parallel_loop3A_301 = %parallel_loop3A_265 to %min3A_244 step %parallel_loop3A_266  : i32 {
      %parallel_loop3A_302 = arith.addi %rem3A_236, %parallel_loop3A_301 : i32
      %parallel_loop3A_303 = arith.index_cast %parallel_loop3A_301 : i32 to index
      %parallel_loop3A_304 = arith.constant 0 : index
      %parallel_loop3A_305 = tpu.vector_load %arg9[%parallel_loop3A_303, %parallel_loop3A_304] {strides = array<i32>} : memref<128x128xf32, #tpu.memory_space<vmem>>, vector<1x16xf32>,
      %parallel_loop3A_306 = vector.shape_cast %parallel_loop3A_305 : vector<1x16xf32> to vector<16xf32>
      %parallel_loop3A_307 = arith.index_cast %parallel_loop3A_302 : i32 to index
      %parallel_loop3A_308 = arith.constant 0 : index
      %parallel_loop3A_309 = tpu.vector_load %arg7[%parallel_loop3A_307, %parallel_loop3A_308] {strides = array<i32>} : memref<200x64xf32, #tpu.memory_space<vmem>>, vector<1x16xf32>,
      %parallel_loop3A_310 = vector.shape_cast %parallel_loop3A_309 : vector<1x16xf32> to vector<16xf32>
      %parallel_loop3A_311 = arith.addf %parallel_loop3A_306, %parallel_loop3A_310 : vector<16xf32>
      %parallel_loop3A_312 = arith.index_cast %parallel_loop3A_301 : i32 to index
      %parallel_loop3A_313 = arith.constant 0 : index
      %parallel_loop3A_314 = tpu.vector_load %arg11[%parallel_loop3A_312, %parallel_loop3A_313] {strides = array<i32>} : memref<128x64xf32, #tpu.memory_space<vmem>>, vector<1x16xf32>,
      %parallel_loop3A_315 = vector.shape_cast %parallel_loop3A_314 : vector<1x16xf32> to vector<16xf32>
      %parallel_loop3A_316 = vector.shape_cast %parallel_loop3A_311 : vector<16xf32> to vector<1x16xf32>
      tpu.vector_store %arg11[%parallel_loop3A_312, %parallel_loop3A_313], %parallel_loop3A_316 {strides = array<i32>} : memref<128x64xf32, #tpu.memory_space<vmem>>, vector<1x16xf32>,
      %parallel_loop3A_317 = arith.index_cast %parallel_loop3A_301 : i32 to index
      %parallel_loop3A_318 = arith.constant 16 : index
      %parallel_loop3A_319 = tpu.vector_load %arg9[%parallel_loop3A_317, %parallel_loop3A_318] {strides = array<i32>} : memref<128x128xf32, #tpu.memory_space<vmem>>, vector<1x16xf32>,
      %parallel_loop3A_320 = vector.shape_cast %parallel_loop3A_319 : vector<1x16xf32> to vector<16xf32>
      %parallel_loop3A_321 = arith.index_cast %parallel_loop3A_302 : i32 to index
      %parallel_loop3A_322 = arith.constant 16 : index
      %parallel_loop3A_323 = tpu.vector_load %arg7[%parallel_loop3A_321, %parallel_loop3A_322] {strides = array<i32>} : memref<200x64xf32, #tpu.memory_space<vmem>>, vector<1x16xf32>,
      %parallel_loop3A_324 = vector.shape_cast %parallel_loop3A_323 : vector<1x16xf32> to vector<16xf32>
      %parallel_loop3A_325 = arith.addf %parallel_loop3A_320, %parallel_loop3A_324 : vector<16xf32>
      %parallel_loop3A_326 = arith.index_cast %parallel_loop3A_301 : i32 to index
      %parallel_loop3A_327 = arith.constant 16 : index
      %parallel_loop3A_328 = tpu.vector_load %arg11[%parallel_loop3A_326, %parallel_loop3A_327] {strides = array<i32>} : memref<128x64xf32, #tpu.memory_space<vmem>>, vector<1x16xf32>,
      %parallel_loop3A_329 = vector.shape_cast %parallel_loop3A_328 : vector<1x16xf32> to vector<16xf32>
      %parallel_loop3A_330 = vector.shape_cast %parallel_loop3A_325 : vector<16xf32> to vector<1x16xf32>
      tpu.vector_store %arg11[%parallel_loop3A_326, %parallel_loop3A_327], %parallel_loop3A_330 {strides = array<i32>} : memref<128x64xf32, #tpu.memory_space<vmem>>, vector<1x16xf32>,
      %parallel_loop3A_331 = arith.index_cast %parallel_loop3A_301 : i32 to index
      %parallel_loop3A_332 = arith.constant 32 : index
      %parallel_loop3A_333 = tpu.vector_load %arg9[%parallel_loop3A_331, %parallel_loop3A_332] {strides = array<i32>} : memref<128x128xf32, #tpu.memory_space<vmem>>, vector<1x16xf32>,
      %parallel_loop3A_334 = vector.shape_cast %parallel_loop3A_333 : vector<1x16xf32> to vector<16xf32>
      %parallel_loop3A_335 = arith.index_cast %parallel_loop3A_302 : i32 to index
      %parallel_loop3A_336 = arith.constant 32 : index
      %parallel_loop3A_337 = tpu.vector_load %arg7[%parallel_loop3A_335, %parallel_loop3A_336] {strides = array<i32>} : memref<200x64xf32, #tpu.memory_space<vmem>>, vector<1x16xf32>,
      %parallel_loop3A_338 = vector.shape_cast %parallel_loop3A_337 : vector<1x16xf32> to vector<16xf32>
      %parallel_loop3A_339 = arith.addf %parallel_loop3A_334, %parallel_loop3A_338 : vector<16xf32>
      %parallel_loop3A_340 = arith.index_cast %parallel_loop3A_301 : i32 to index
      %parallel_loop3A_341 = arith.constant 32 : index
      %parallel_loop3A_342 = tpu.vector_load %arg11[%parallel_loop3A_340, %parallel_loop3A_341] {strides = array<i32>} : memref<128x64xf32, #tpu.memory_space<vmem>>, vector<1x16xf32>,
      %parallel_loop3A_343 = vector.shape_cast %parallel_loop3A_342 : vector<1x16xf32> to vector<16xf32>
      %parallel_loop3A_344 = vector.shape_cast %parallel_loop3A_339 : vector<16xf32> to vector<1x16xf32>
      tpu.vector_store %arg11[%parallel_loop3A_340, %parallel_loop3A_341], %parallel_loop3A_344 {strides = array<i32>} : memref<128x64xf32, #tpu.memory_space<vmem>>, vector<1x16xf32>,
      %parallel_loop3A_345 = arith.index_cast %parallel_loop3A_301 : i32 to index
      %parallel_loop3A_346 = arith.constant 48 : index
      %parallel_loop3A_347 = tpu.vector_load %arg9[%parallel_loop3A_345, %parallel_loop3A_346] {strides = array<i32>} : memref<128x128xf32, #tpu.memory_space<vmem>>, vector<1x16xf32>,
      %parallel_loop3A_348 = vector.shape_cast %parallel_loop3A_347 : vector<1x16xf32> to vector<16xf32>
      %parallel_loop3A_349 = arith.index_cast %parallel_loop3A_302 : i32 to index
      %parallel_loop3A_350 = arith.constant 48 : index
      %parallel_loop3A_351 = tpu.vector_load %arg7[%parallel_loop3A_349, %parallel_loop3A_350] {strides = array<i32>} : memref<200x64xf32, #tpu.memory_space<vmem>>, vector<1x16xf32>,
      %parallel_loop3A_352 = vector.shape_cast %parallel_loop3A_351 : vector<1x16xf32> to vector<16xf32>
      %parallel_loop3A_353 = arith.addf %parallel_loop3A_348, %parallel_loop3A_352 : vector<16xf32>
      %parallel_loop3A_354 = arith.index_cast %parallel_loop3A_301 : i32 to index
      %parallel_loop3A_355 = arith.constant 48 : index
      %parallel_loop3A_356 = tpu.vector_load %arg11[%parallel_loop3A_354, %parallel_loop3A_355] {strides = array<i32>} : memref<128x64xf32, #tpu.memory_space<vmem>>, vector<1x16xf32>,
      %parallel_loop3A_357 = vector.shape_cast %parallel_loop3A_356 : vector<1x16xf32> to vector<16xf32>
      %parallel_loop3A_358 = vector.shape_cast %parallel_loop3A_353 : vector<16xf32> to vector<1x16xf32>
      tpu.vector_store %arg11[%parallel_loop3A_354, %parallel_loop3A_355], %parallel_loop3A_358 {strides = array<i32>} : memref<128x64xf32, #tpu.memory_space<vmem>>, vector<1x16xf32>,
    } {sc.loop_unroll_factor = 2 : i64, sc.parallel_access}
    %parallel_loop3A_267 = arith.constant 64 : i32
    %parallel_loop3A_268 = arith.constant 1 : i32
    scf.for %parallel_loop3A_301 = %min3A_244 to %parallel_loop3A_267 step %parallel_loop3A_268  : i32 {
      %parallel_loop3A_302 = arith.addi %rem3A_236, %parallel_loop3A_301 : i32
      %parallel_loop3A_303 = arith.constant 200 : i32
      %parallel_loop3A_304 = arith.subi %parallel_loop3A_302, %parallel_loop3A_303 : i32
      %parallel_loop3A_305 = arith.index_cast %parallel_loop3A_301 : i32 to index
      %parallel_loop3A_306 = arith.constant 0 : index
      %parallel_loop3A_307 = tpu.vector_load %arg9[%parallel_loop3A_305, %parallel_loop3A_306] {strides = array<i32>} : memref<128x128xf32, #tpu.memory_space<vmem>>, vector<1x16xf32>,
      %parallel_loop3A_308 = vector.shape_cast %parallel_loop3A_307 : vector<1x16xf32> to vector<16xf32>
      %parallel_loop3A_309 = arith.index_cast %parallel_loop3A_304 : i32 to index
      %parallel_loop3A_310 = arith.constant 0 : index
      %parallel_loop3A_311 = tpu.vector_load %arg7[%parallel_loop3A_309, %parallel_loop3A_310] {strides = array<i32>} : memref<200x64xf32, #tpu.memory_space<vmem>>, vector<1x16xf32>,
      %parallel_loop3A_312 = vector.shape_cast %parallel_loop3A_311 : vector<1x16xf32> to vector<16xf32>
      %parallel_loop3A_313 = arith.addf %parallel_loop3A_308, %parallel_loop3A_312 : vector<16xf32>
      %parallel_loop3A_314 = arith.index_cast %parallel_loop3A_301 : i32 to index
      %parallel_loop3A_315 = arith.constant 0 : index
      %parallel_loop3A_316 = tpu.vector_load %arg11[%parallel_loop3A_314, %parallel_loop3A_315] {strides = array<i32>} : memref<128x64xf32, #tpu.memory_space<vmem>>, vector<1x16xf32>,
      %parallel_loop3A_317 = vector.shape_cast %parallel_loop3A_316 : vector<1x16xf32> to vector<16xf32>
      %parallel_loop3A_318 = vector.shape_cast %parallel_loop3A_313 : vector<16xf32> to vector<1x16xf32>
      tpu.vector_store %arg11[%parallel_loop3A_314, %parallel_loop3A_315], %parallel_loop3A_318 {strides = array<i32>} : memref<128x64xf32, #tpu.memory_space<vmem>>, vector<1x16xf32>,
      %parallel_loop3A_319 = arith.index_cast %parallel_loop3A_301 : i32 to index
      %parallel_loop3A_320 = arith.constant 16 : index
      %parallel_loop3A_321 = tpu.vector_load %arg9[%parallel_loop3A_319, %parallel_loop3A_320] {strides = array<i32>} : memref<128x128xf32, #tpu.memory_space<vmem>>, vector<1x16xf32>,
      %parallel_loop3A_322 = vector.shape_cast %parallel_loop3A_321 : vector<1x16xf32> to vector<16xf32>
      %parallel_loop3A_323 = arith.index_cast %parallel_loop3A_304 : i32 to index
      %parallel_loop3A_324 = arith.constant 16 : index
      %parallel_loop3A_325 = tpu.vector_load %arg7[%parallel_loop3A_323, %parallel_loop3A_324] {strides = array<i32>} : memref<200x64xf32, #tpu.memory_space<vmem>>, vector<1x16xf32>,
      %parallel_loop3A_326 = vector.shape_cast %parallel_loop3A_325 : vector<1x16xf32> to vector<16xf32>
      %parallel_loop3A_327 = arith.addf %parallel_loop3A_322, %parallel_loop3A_326 : vector<16xf32>
      %parallel_loop3A_328 = arith.index_cast %parallel_loop3A_301 : i32 to index
      %parallel_loop3A_329 = arith.constant 16 : index
      %parallel_loop3A_330 = tpu.vector_load %arg11[%parallel_loop3A_328, %parallel_loop3A_329] {strides = array<i32>} : memref<128x64xf32, #tpu.memory_space<vmem>>, vector<1x16xf32>,
      %parallel_loop3A_331 = vector.shape_cast %parallel_loop3A_330 : vector<1x16xf32> to vector<16xf32>
      %parallel_loop3A_332 = vector.shape_cast %parallel_loop3A_327 : vector<16xf32> to vector<1x16xf32>
      tpu.vector_store %arg11[%parallel_loop3A_328, %parallel_loop3A_329], %parallel_loop3A_332 {strides = array<i32>} : memref<128x64xf32, #tpu.memory_space<vmem>>, vector<1x16xf32>,
      %parallel_loop3A_333 = arith.index_cast %parallel_loop3A_301 : i32 to index
      %parallel_loop3A_334 = arith.constant 32 : index
      %parallel_loop3A_335 = tpu.vector_load %arg9[%parallel_loop3A_333, %parallel_loop3A_334] {strides = array<i32>} : memref<128x128xf32, #tpu.memory_space<vmem>>, vector<1x16xf32>,
      %parallel_loop3A_336 = vector.shape_cast %parallel_loop3A_335 : vector<1x16xf32> to vector<16xf32>
      %parallel_loop3A_337 = arith.index_cast %parallel_loop3A_304 : i32 to index
      %parallel_loop3A_338 = arith.constant 32 : index
      %parallel_loop3A_339 = tpu.vector_load %arg7[%parallel_loop3A_337, %parallel_loop3A_338] {strides = array<i32>} : memref<200x64xf32, #tpu.memory_space<vmem>>, vector<1x16xf32>,
      %parallel_loop3A_340 = vector.shape_cast %parallel_loop3A_339 : vector<1x16xf32> to vector<16xf32>
      %parallel_loop3A_341 = arith.addf %parallel_loop3A_336, %parallel_loop3A_340 : vector<16xf32>
      %parallel_loop3A_342 = arith.index_cast %parallel_loop3A_301 : i32 to index
      %parallel_loop3A_343 = arith.constant 32 : index
      %parallel_loop3A_344 = tpu.vector_load %arg11[%parallel_loop3A_342, %parallel_loop3A_343] {strides = array<i32>} : memref<128x64xf32, #tpu.memory_space<vmem>>, vector<1x16xf32>,
      %parallel_loop3A_345 = vector.shape_cast %parallel_loop3A_344 : vector<1x16xf32> to vector<16xf32>
      %parallel_loop3A_346 = vector.shape_cast %parallel_loop3A_341 : vector<16xf32> to vector<1x16xf32>
      tpu.vector_store %arg11[%parallel_loop3A_342, %parallel_loop3A_343], %parallel_loop3A_346 {strides = array<i32>} : memref<128x64xf32, #tpu.memory_space<vmem>>, vector<1x16xf32>,
      %parallel_loop3A_347 = arith.index_cast %parallel_loop3A_301 : i32 to index
      %parallel_loop3A_348 = arith.constant 48 : index
      %parallel_loop3A_349 = tpu.vector_load %arg9[%parallel_loop3A_347, %parallel_loop3A_348] {strides = array<i32>} : memref<128x128xf32, #tpu.memory_space<vmem>>, vector<1x16xf32>,
      %parallel_loop3A_350 = vector.shape_cast %parallel_loop3A_349 : vector<1x16xf32> to vector<16xf32>
      %parallel_loop3A_351 = arith.index_cast %parallel_loop3A_304 : i32 to index
      %parallel_loop3A_352 = arith.constant 48 : index
      %parallel_loop3A_353 = tpu.vector_load %arg7[%parallel_loop3A_351, %parallel_loop3A_352] {strides = array<i32>} : memref<200x64xf32, #tpu.memory_space<vmem>>, vector<1x16xf32>,
      %parallel_loop3A_354 = vector.shape_cast %parallel_loop3A_353 : vector<1x16xf32> to vector<16xf32>
      %parallel_loop3A_355 = arith.addf %parallel_loop3A_350, %parallel_loop3A_354 : vector<16xf32>
      %parallel_loop3A_356 = arith.index_cast %parallel_loop3A_301 : i32 to index
      %parallel_loop3A_357 = arith.constant 48 : index
      %parallel_loop3A_358 = tpu.vector_load %arg11[%parallel_loop3A_356, %parallel_loop3A_357] {strides = array<i32>} : memref<128x64xf32, #tpu.memory_space<vmem>>, vector<1x16xf32>,
      %parallel_loop3A_359 = vector.shape_cast %parallel_loop3A_358 : vector<1x16xf32> to vector<16xf32>
      %parallel_loop3A_360 = vector.shape_cast %parallel_loop3A_355 : vector<16xf32> to vector<1x16xf32>
      tpu.vector_store %arg11[%parallel_loop3A_356, %parallel_loop3A_357], %parallel_loop3A_360 {strides = array<i32>} : memref<128x64xf32, #tpu.memory_space<vmem>>, vector<1x16xf32>,
    } {sc.loop_unroll_factor = 2 : i64, sc.parallel_access}
    %dma_wait3A_269 = arith.constant 199 : i32
    %dma_wait3A_270 = arith.constant 64 : i32
    %dma_wait3A_271 = arith.constant 0 : i32
    %dma_wait3A_272 = tpu.memref_slice %arg9[%dma_wait3A_270, %dma_wait3A_271] : memref<128x128xf32, #tpu.memory_space<vmem>> -> memref<64x128xf32, #tpu.memory_space<vmem>>
    %dma_wait3A_273 = arith.constant 64 : i32
    %dma_wait3A_274 = tpu.memref_slice %arg6[%dma_wait3A_269, %dma_wait3A_273] : memref<200x128xi32, #tpu.memory_space<vmem>> -> memref<1x64xi32, #tpu.memory_space<vmem>>
    %dma_wait3A_275 = tpu.memref_squeeze %dma_wait3A_274 : memref<1x64xi32, #tpu.memory_space<vmem>> -> memref<64xi32, #tpu.memory_space<vmem>>
    %dma_wait3A_276 = arith.constant 0 : i32
    %dma_wait3A_277 = arith.constant 0 : i32
    %dma_wait3A_278 = tpu.memref_slice %arg3[%dma_wait3A_276, %dma_wait3A_277] : memref<100000x128xf32, #tpu.memory_space<hbm>> -> memref<100000x128xf32, #tpu.memory_space<hbm>>
    tpu.wait_indirect_dma semaphore(%arg15 : memref<!tpu.dma_semaphore, #tpu.memory_space<semaphore_mem>>) src(%dma_wait3A_278 : memref<100000x128xf32, #tpu.memory_space<hbm>>) dst(%dma_wait3A_272 : memref<64x128xf32, #tpu.memory_space<vmem>>)
    %parallel_loop3A_279 = arith.constant 64 : i32
    %parallel_loop3A_280 = arith.constant 1 : i32
    scf.for %parallel_loop3A_301 = %parallel_loop3A_279 to %min3A_248 step %parallel_loop3A_280  : i32 {
      %parallel_loop3A_302 = arith.addi %rem3A_236, %parallel_loop3A_301 : i32
      %parallel_loop3A_303 = arith.index_cast %parallel_loop3A_301 : i32 to index
      %parallel_loop3A_304 = arith.constant 0 : index
      %parallel_loop3A_305 = tpu.vector_load %arg9[%parallel_loop3A_303, %parallel_loop3A_304] {strides = array<i32>} : memref<128x128xf32, #tpu.memory_space<vmem>>, vector<1x16xf32>,
      %parallel_loop3A_306 = vector.shape_cast %parallel_loop3A_305 : vector<1x16xf32> to vector<16xf32>
      %parallel_loop3A_307 = arith.index_cast %parallel_loop3A_302 : i32 to index
      %parallel_loop3A_308 = arith.constant 0 : index
      %parallel_loop3A_309 = tpu.vector_load %arg7[%parallel_loop3A_307, %parallel_loop3A_308] {strides = array<i32>} : memref<200x64xf32, #tpu.memory_space<vmem>>, vector<1x16xf32>,
      %parallel_loop3A_310 = vector.shape_cast %parallel_loop3A_309 : vector<1x16xf32> to vector<16xf32>
      %parallel_loop3A_311 = arith.addf %parallel_loop3A_306, %parallel_loop3A_310 : vector<16xf32>
      %parallel_loop3A_312 = arith.index_cast %parallel_loop3A_301 : i32 to index
      %parallel_loop3A_313 = arith.constant 0 : index
      %parallel_loop3A_314 = tpu.vector_load %arg11[%parallel_loop3A_312, %parallel_loop3A_313] {strides = array<i32>} : memref<128x64xf32, #tpu.memory_space<vmem>>, vector<1x16xf32>,
      %parallel_loop3A_315 = vector.shape_cast %parallel_loop3A_314 : vector<1x16xf32> to vector<16xf32>
      %parallel_loop3A_316 = vector.shape_cast %parallel_loop3A_311 : vector<16xf32> to vector<1x16xf32>
      tpu.vector_store %arg11[%parallel_loop3A_312, %parallel_loop3A_313], %parallel_loop3A_316 {strides = array<i32>} : memref<128x64xf32, #tpu.memory_space<vmem>>, vector<1x16xf32>,
      %parallel_loop3A_317 = arith.index_cast %parallel_loop3A_301 : i32 to index
      %parallel_loop3A_318 = arith.constant 16 : index
      %parallel_loop3A_319 = tpu.vector_load %arg9[%parallel_loop3A_317, %parallel_loop3A_318] {strides = array<i32>} : memref<128x128xf32, #tpu.memory_space<vmem>>, vector<1x16xf32>,
      %parallel_loop3A_320 = vector.shape_cast %parallel_loop3A_319 : vector<1x16xf32> to vector<16xf32>
      %parallel_loop3A_321 = arith.index_cast %parallel_loop3A_302 : i32 to index
      %parallel_loop3A_322 = arith.constant 16 : index
      %parallel_loop3A_323 = tpu.vector_load %arg7[%parallel_loop3A_321, %parallel_loop3A_322] {strides = array<i32>} : memref<200x64xf32, #tpu.memory_space<vmem>>, vector<1x16xf32>,
      %parallel_loop3A_324 = vector.shape_cast %parallel_loop3A_323 : vector<1x16xf32> to vector<16xf32>
      %parallel_loop3A_325 = arith.addf %parallel_loop3A_320, %parallel_loop3A_324 : vector<16xf32>
      %parallel_loop3A_326 = arith.index_cast %parallel_loop3A_301 : i32 to index
      %parallel_loop3A_327 = arith.constant 16 : index
      %parallel_loop3A_328 = tpu.vector_load %arg11[%parallel_loop3A_326, %parallel_loop3A_327] {strides = array<i32>} : memref<128x64xf32, #tpu.memory_space<vmem>>, vector<1x16xf32>,
      %parallel_loop3A_329 = vector.shape_cast %parallel_loop3A_328 : vector<1x16xf32> to vector<16xf32>
      %parallel_loop3A_330 = vector.shape_cast %parallel_loop3A_325 : vector<16xf32> to vector<1x16xf32>
      tpu.vector_store %arg11[%parallel_loop3A_326, %parallel_loop3A_327], %parallel_loop3A_330 {strides = array<i32>} : memref<128x64xf32, #tpu.memory_space<vmem>>, vector<1x16xf32>,
      %parallel_loop3A_331 = arith.index_cast %parallel_loop3A_301 : i32 to index
      %parallel_loop3A_332 = arith.constant 32 : index
      %parallel_loop3A_333 = tpu.vector_load %arg9[%parallel_loop3A_331, %parallel_loop3A_332] {strides = array<i32>} : memref<128x128xf32, #tpu.memory_space<vmem>>, vector<1x16xf32>,
      %parallel_loop3A_334 = vector.shape_cast %parallel_loop3A_333 : vector<1x16xf32> to vector<16xf32>
      %parallel_loop3A_335 = arith.index_cast %parallel_loop3A_302 : i32 to index
      %parallel_loop3A_336 = arith.constant 32 : index
      %parallel_loop3A_337 = tpu.vector_load %arg7[%parallel_loop3A_335, %parallel_loop3A_336] {strides = array<i32>} : memref<200x64xf32, #tpu.memory_space<vmem>>, vector<1x16xf32>,
      %parallel_loop3A_338 = vector.shape_cast %parallel_loop3A_337 : vector<1x16xf32> to vector<16xf32>
      %parallel_loop3A_339 = arith.addf %parallel_loop3A_334, %parallel_loop3A_338 : vector<16xf32>
      %parallel_loop3A_340 = arith.index_cast %parallel_loop3A_301 : i32 to index
      %parallel_loop3A_341 = arith.constant 32 : index
      %parallel_loop3A_342 = tpu.vector_load %arg11[%parallel_loop3A_340, %parallel_loop3A_341] {strides = array<i32>} : memref<128x64xf32, #tpu.memory_space<vmem>>, vector<1x16xf32>,
      %parallel_loop3A_343 = vector.shape_cast %parallel_loop3A_342 : vector<1x16xf32> to vector<16xf32>
      %parallel_loop3A_344 = vector.shape_cast %parallel_loop3A_339 : vector<16xf32> to vector<1x16xf32>
      tpu.vector_store %arg11[%parallel_loop3A_340, %parallel_loop3A_341], %parallel_loop3A_344 {strides = array<i32>} : memref<128x64xf32, #tpu.memory_space<vmem>>, vector<1x16xf32>,
      %parallel_loop3A_345 = arith.index_cast %parallel_loop3A_301 : i32 to index
      %parallel_loop3A_346 = arith.constant 48 : index
      %parallel_loop3A_347 = tpu.vector_load %arg9[%parallel_loop3A_345, %parallel_loop3A_346] {strides = array<i32>} : memref<128x128xf32, #tpu.memory_space<vmem>>, vector<1x16xf32>,
      %parallel_loop3A_348 = vector.shape_cast %parallel_loop3A_347 : vector<1x16xf32> to vector<16xf32>
      %parallel_loop3A_349 = arith.index_cast %parallel_loop3A_302 : i32 to index
      %parallel_loop3A_350 = arith.constant 48 : index
      %parallel_loop3A_351 = tpu.vector_load %arg7[%parallel_loop3A_349, %parallel_loop3A_350] {strides = array<i32>} : memref<200x64xf32, #tpu.memory_space<vmem>>, vector<1x16xf32>,
      %parallel_loop3A_352 = vector.shape_cast %parallel_loop3A_351 : vector<1x16xf32> to vector<16xf32>
      %parallel_loop3A_353 = arith.addf %parallel_loop3A_348, %parallel_loop3A_352 : vector<16xf32>
      %parallel_loop3A_354 = arith.index_cast %parallel_loop3A_301 : i32 to index
      %parallel_loop3A_355 = arith.constant 48 : index
      %parallel_loop3A_356 = tpu.vector_load %arg11[%parallel_loop3A_354, %parallel_loop3A_355] {strides = array<i32>} : memref<128x64xf32, #tpu.memory_space<vmem>>, vector<1x16xf32>,
      %parallel_loop3A_357 = vector.shape_cast %parallel_loop3A_356 : vector<1x16xf32> to vector<16xf32>
      %parallel_loop3A_358 = vector.shape_cast %parallel_loop3A_353 : vector<16xf32> to vector<1x16xf32>
      tpu.vector_store %arg11[%parallel_loop3A_354, %parallel_loop3A_355], %parallel_loop3A_358 {strides = array<i32>} : memref<128x64xf32, #tpu.memory_space<vmem>>, vector<1x16xf32>,
    } {sc.loop_unroll_factor = 2 : i64, sc.parallel_access}
    %parallel_loop3A_281 = arith.constant 128 : i32
    %parallel_loop3A_282 = arith.constant 1 : i32
    scf.for %parallel_loop3A_301 = %min3A_248 to %parallel_loop3A_281 step %parallel_loop3A_282  : i32 {
      %parallel_loop3A_302 = arith.addi %rem3A_236, %parallel_loop3A_301 : i32
      %parallel_loop3A_303 = arith.constant 200 : i32
      %parallel_loop3A_304 = arith.subi %parallel_loop3A_302, %parallel_loop3A_303 : i32
      %parallel_loop3A_305 = arith.index_cast %parallel_loop3A_301 : i32 to index
      %parallel_loop3A_306 = arith.constant 0 : index
      %parallel_loop3A_307 = tpu.vector_load %arg9[%parallel_loop3A_305, %parallel_loop3A_306] {strides = array<i32>} : memref<128x128xf32, #tpu.memory_space<vmem>>, vector<1x16xf32>,
      %parallel_loop3A_308 = vector.shape_cast %parallel_loop3A_307 : vector<1x16xf32> to vector<16xf32>
      %parallel_loop3A_309 = arith.index_cast %parallel_loop3A_304 : i32 to index
      %parallel_loop3A_310 = arith.constant 0 : index
      %parallel_loop3A_311 = tpu.vector_load %arg7[%parallel_loop3A_309, %parallel_loop3A_310] {strides = array<i32>} : memref<200x64xf32, #tpu.memory_space<vmem>>, vector<1x16xf32>,
      %parallel_loop3A_312 = vector.shape_cast %parallel_loop3A_311 : vector<1x16xf32> to vector<16xf32>
      %parallel_loop3A_313 = arith.addf %parallel_loop3A_308, %parallel_loop3A_312 : vector<16xf32>
      %parallel_loop3A_314 = arith.index_cast %parallel_loop3A_301 : i32 to index
      %parallel_loop3A_315 = arith.constant 0 : index
      %parallel_loop3A_316 = tpu.vector_load %arg11[%parallel_loop3A_314, %parallel_loop3A_315] {strides = array<i32>} : memref<128x64xf32, #tpu.memory_space<vmem>>, vector<1x16xf32>,
      %parallel_loop3A_317 = vector.shape_cast %parallel_loop3A_316 : vector<1x16xf32> to vector<16xf32>
      %parallel_loop3A_318 = vector.shape_cast %parallel_loop3A_313 : vector<16xf32> to vector<1x16xf32>
      tpu.vector_store %arg11[%parallel_loop3A_314, %parallel_loop3A_315], %parallel_loop3A_318 {strides = array<i32>} : memref<128x64xf32, #tpu.memory_space<vmem>>, vector<1x16xf32>,
      %parallel_loop3A_319 = arith.index_cast %parallel_loop3A_301 : i32 to index
      %parallel_loop3A_320 = arith.constant 16 : index
      %parallel_loop3A_321 = tpu.vector_load %arg9[%parallel_loop3A_319, %parallel_loop3A_320] {strides = array<i32>} : memref<128x128xf32, #tpu.memory_space<vmem>>, vector<1x16xf32>,
      %parallel_loop3A_322 = vector.shape_cast %parallel_loop3A_321 : vector<1x16xf32> to vector<16xf32>
      %parallel_loop3A_323 = arith.index_cast %parallel_loop3A_304 : i32 to index
      %parallel_loop3A_324 = arith.constant 16 : index
      %parallel_loop3A_325 = tpu.vector_load %arg7[%parallel_loop3A_323, %parallel_loop3A_324] {strides = array<i32>} : memref<200x64xf32, #tpu.memory_space<vmem>>, vector<1x16xf32>,
      %parallel_loop3A_326 = vector.shape_cast %parallel_loop3A_325 : vector<1x16xf32> to vector<16xf32>
      %parallel_loop3A_327 = arith.addf %parallel_loop3A_322, %parallel_loop3A_326 : vector<16xf32>
      %parallel_loop3A_328 = arith.index_cast %parallel_loop3A_301 : i32 to index
      %parallel_loop3A_329 = arith.constant 16 : index
      %parallel_loop3A_330 = tpu.vector_load %arg11[%parallel_loop3A_328, %parallel_loop3A_329] {strides = array<i32>} : memref<128x64xf32, #tpu.memory_space<vmem>>, vector<1x16xf32>,
      %parallel_loop3A_331 = vector.shape_cast %parallel_loop3A_330 : vector<1x16xf32> to vector<16xf32>
      %parallel_loop3A_332 = vector.shape_cast %parallel_loop3A_327 : vector<16xf32> to vector<1x16xf32>
      tpu.vector_store %arg11[%parallel_loop3A_328, %parallel_loop3A_329], %parallel_loop3A_332 {strides = array<i32>} : memref<128x64xf32, #tpu.memory_space<vmem>>, vector<1x16xf32>,
      %parallel_loop3A_333 = arith.index_cast %parallel_loop3A_301 : i32 to index
      %parallel_loop3A_334 = arith.constant 32 : index
      %parallel_loop3A_335 = tpu.vector_load %arg9[%parallel_loop3A_333, %parallel_loop3A_334] {strides = array<i32>} : memref<128x128xf32, #tpu.memory_space<vmem>>, vector<1x16xf32>,
      %parallel_loop3A_336 = vector.shape_cast %parallel_loop3A_335 : vector<1x16xf32> to vector<16xf32>
      %parallel_loop3A_337 = arith.index_cast %parallel_loop3A_304 : i32 to index
      %parallel_loop3A_338 = arith.constant 32 : index
      %parallel_loop3A_339 = tpu.vector_load %arg7[%parallel_loop3A_337, %parallel_loop3A_338] {strides = array<i32>} : memref<200x64xf32, #tpu.memory_space<vmem>>, vector<1x16xf32>,
      %parallel_loop3A_340 = vector.shape_cast %parallel_loop3A_339 : vector<1x16xf32> to vector<16xf32>
      %parallel_loop3A_341 = arith.addf %parallel_loop3A_336, %parallel_loop3A_340 : vector<16xf32>
      %parallel_loop3A_342 = arith.index_cast %parallel_loop3A_301 : i32 to index
      %parallel_loop3A_343 = arith.constant 32 : index
      %parallel_loop3A_344 = tpu.vector_load %arg11[%parallel_loop3A_342, %parallel_loop3A_343] {strides = array<i32>} : memref<128x64xf32, #tpu.memory_space<vmem>>, vector<1x16xf32>,
      %parallel_loop3A_345 = vector.shape_cast %parallel_loop3A_344 : vector<1x16xf32> to vector<16xf32>
      %parallel_loop3A_346 = vector.shape_cast %parallel_loop3A_341 : vector<16xf32> to vector<1x16xf32>
      tpu.vector_store %arg11[%parallel_loop3A_342, %parallel_loop3A_343], %parallel_loop3A_346 {strides = array<i32>} : memref<128x64xf32, #tpu.memory_space<vmem>>, vector<1x16xf32>,
      %parallel_loop3A_347 = arith.index_cast %parallel_loop3A_301 : i32 to index
      %parallel_loop3A_348 = arith.constant 48 : index
      %parallel_loop3A_349 = tpu.vector_load %arg9[%parallel_loop3A_347, %parallel_loop3A_348] {strides = array<i32>} : memref<128x128xf32, #tpu.memory_space<vmem>>, vector<1x16xf32>,
      %parallel_loop3A_350 = vector.shape_cast %parallel_loop3A_349 : vector<1x16xf32> to vector<16xf32>
      %parallel_loop3A_351 = arith.index_cast %parallel_loop3A_304 : i32 to index
      %parallel_loop3A_352 = arith.constant 48 : index
      %parallel_loop3A_353 = tpu.vector_load %arg7[%parallel_loop3A_351, %parallel_loop3A_352] {strides = array<i32>} : memref<200x64xf32, #tpu.memory_space<vmem>>, vector<1x16xf32>,
      %parallel_loop3A_354 = vector.shape_cast %parallel_loop3A_353 : vector<1x16xf32> to vector<16xf32>
      %parallel_loop3A_355 = arith.addf %parallel_loop3A_350, %parallel_loop3A_354 : vector<16xf32>
      %parallel_loop3A_356 = arith.index_cast %parallel_loop3A_301 : i32 to index
      %parallel_loop3A_357 = arith.constant 48 : index
      %parallel_loop3A_358 = tpu.vector_load %arg11[%parallel_loop3A_356, %parallel_loop3A_357] {strides = array<i32>} : memref<128x64xf32, #tpu.memory_space<vmem>>, vector<1x16xf32>,
      %parallel_loop3A_359 = vector.shape_cast %parallel_loop3A_358 : vector<1x16xf32> to vector<16xf32>
      %parallel_loop3A_360 = vector.shape_cast %parallel_loop3A_355 : vector<16xf32> to vector<1x16xf32>
      tpu.vector_store %arg11[%parallel_loop3A_356, %parallel_loop3A_357], %parallel_loop3A_360 {strides = array<i32>} : memref<128x64xf32, #tpu.memory_space<vmem>>, vector<1x16xf32>,
    } {sc.loop_unroll_factor = 2 : i64, sc.parallel_access}
    %add3A_283 = arith.constant 25472 : i32
    %add3A_284 = arith.addi %mul3A_2, %add3A_283 : i32
    %dma_start3A_285 = arith.constant 0 : i32
    %dma_start3A_286 = tpu.memref_slice %arg5[%add3A_284, %dma_start3A_285] : memref<819200x64xf32, #tpu.memory_space<hbm>> -> memref<128x64xf32, #tpu.memory_space<hbm>>
    %dma_start3A_287 = arith.constant 0 : i32
    %dma_start3A_288 = tpu.memref_slice %arg5[%add3A_284, %dma_start3A_287] : memref<819200x64xf32, #tpu.memory_space<hbm>> -> memref<128x64xf32, #tpu.memory_space<hbm>>
    tpu.enqueue_dma source(%arg11 : memref<128x64xf32, #tpu.memory_space<vmem>>) target(%dma_start3A_288 : memref<128x64xf32, #tpu.memory_space<hbm>>) target_semaphore(%arg17 : memref<!tpu.dma_semaphore, #tpu.memory_space<semaphore_mem>>)
    %add3A_289 = arith.constant 25344 : i32
    %add3A_290 = arith.addi %mul3A_2, %add3A_289 : i32
    %dma_wait3A_291 = arith.constant 0 : i32
    %dma_wait3A_292 = tpu.memref_slice %arg5[%add3A_290, %dma_wait3A_291] : memref<819200x64xf32, #tpu.memory_space<hbm>> -> memref<128x64xf32, #tpu.memory_space<hbm>>
    %dma_wait3A_293 = arith.constant 0 : i32
    %dma_wait3A_294 = tpu.memref_slice %arg5[%add3A_290, %dma_wait3A_293] : memref<819200x64xf32, #tpu.memory_space<hbm>> -> memref<128x64xf32, #tpu.memory_space<hbm>>
    tpu.wait_dma2 semaphore(%arg16 : memref<!tpu.dma_semaphore, #tpu.memory_space<semaphore_mem>>) src(%arg10 : memref<128x64xf32, #tpu.memory_space<vmem>>) dst(%dma_wait3A_294 : memref<128x64xf32, #tpu.memory_space<hbm>>)
    %add3A_295 = arith.constant 25472 : i32
    %add3A_296 = arith.addi %mul3A_2, %add3A_295 : i32
    %dma_wait3A_297 = arith.constant 0 : i32
    %dma_wait3A_298 = tpu.memref_slice %arg5[%add3A_296, %dma_wait3A_297] : memref<819200x64xf32, #tpu.memory_space<hbm>> -> memref<128x64xf32, #tpu.memory_space<hbm>>
    %dma_wait3A_299 = arith.constant 0 : i32
    %dma_wait3A_300 = tpu.memref_slice %arg5[%add3A_296, %dma_wait3A_299] : memref<819200x64xf32, #tpu.memory_space<hbm>> -> memref<128x64xf32, #tpu.memory_space<hbm>>
    tpu.wait_dma2 semaphore(%arg17 : memref<!tpu.dma_semaphore, #tpu.memory_space<semaphore_mem>>) src(%arg11 : memref<128x64xf32, #tpu.memory_space<vmem>>) dst(%dma_wait3A_300 : memref<128x64xf32, #tpu.memory_space<hbm>>)
    return
  }
}

</mosaic_0001>

<sc_bundles>
// kernel: kernel.3.cloned.1.call-start
scs
__scs_entry_jumppad:
0x0: {  	(pc) =	sbr.rel $0x88, $3  }
0x1: {  	(tag) =	ssettag $0x0;
	lr =	simm.s32 $0x1  }
0x2: {  	[smem:$0x3F9E] =	sst lr;
	_ =	strace $0xD0000000  }
0x3: {  	_ = 	snop  }
0x4: {  	_ = 	snop  }
0x5: {  	_ = 	snop  }
0x6: {  	_ = 	snop  }
0x7: {  	_ = 	snop  }
__scs_overlays_trampoline_lowered:
0x8: {  	[smem:$0x3FAD] =	sst s0  }
0x9: {  	[smem:$0x3FAE] =	sst s1  }
0xa: {  	[smem:$0x3FAF] =	sst s2  }
0xb: {  	[smem:$0x3FB0] =	sst s3  }
0xc: {  	[smem:$0x3FB1] =	sst s4  }
0xd: {  	[smem:$0x3FB2] =	sst s5  }
0xe: {  	[smem:$0x3FB3] =	sst s6  }
0xf: {  	[smem:$0x3FB4] =	sst s7  }
0x10: {  	[smem:$0x3FB5] =	sst s8  }
0x11: {  	[smem:$0x3FB6] =	sst s9;
	s0 =	simm.s32 @!p0 $0x0  }
0x12: {  	s1 =	sld [smem:$0x3F9C];
	s0 =	simm.s32 @p0 $0x1  }
0x13: {  	[smem:$0x3FB7] =	sst s0;
	s0 =	simm.s32 @!p1 $0x0  }
0x14: {  	s2 =	sld [smem:$0x3F9B];
	s0 =	simm.s32 @p1 $0x1  }
0x15: {  	[smem:$0x3FB8] =	sst s0;
	s0 =	simm.s32 @!p2 $0x0  }
0x16: {  	s3 =	sld [smem:$0x3FDB];
	s0 =	simm.s32 @p2 $0x1  }
0x17: {  	s4 =	simm.s32 $0x1BF5;
	[smem:$0x3FBA] =	sst s0  }
0x18: {  	s0 =	sld [smem:$0x3F9D];
	_ =	swait.ge [sflag:s4], $0x0  }
0x19: {  	s7 =	sld [smem:$0x3F9E]  }
0x1a: {  	s8 =	sadd.s32 $0xFFFFE003, lr  }
0x1b: {  	s9 =	sadd.s32 $0xFFFFFEF7, lr;
	s5 =	simm.s32 $0xFFFFFFFF;
	p2 =	slt.u32 s8, $0xFFFFF086  }
0x1c: {  	p1 =	slt.u32 s9, $0xF7A;
	s5 =	simm.s32 @!p2 $0x0  }
0x1d: {  	s5 =	simm.s32 @p1 $0x1;
	p0 =	seq.s32 s7, s2  }
0x1e: {  	s7 =	smul.u32 @!p0 $0xF7A, s2;
	p2 =	seq.s32 @!p0 s5, $0x0  }
0x1f: {  	s9 =	smul.u32 $0xF7A, s1;
	s8 =	simm.s32 @!p0 $0x1BF5;
	p2 =	por !p2, p0  }
0x20: {  	[sflag:s8] =	ssyncset.s32 @!p0 $0xFFFFF086;
	s6 =	sadd.s32 @!p0 s3, s7;
	s7 =	simm.s32 @!p0 $0x108  }
0x21: {  	s3 =	sadd.s32 s3, s9;
	s6 =	sadd.s32 @!p0 $0x88, s6;
	s7 =	simm.s32 @p2 $0x1082  }
0x22: {  	[simem:s7], [sflag:s8] =	dma.local @!p0 [hbm:s6], $0xF7A  }
0x23: {  	s9 =	sor.u32 $0xD0000000, s2;
	s6 =	simm.s32 $0x108;
	_ =	swait.ge @!p0 [sflag:s8], $0x0  }
0x24: {  	s3 =	sadd.s32 $0x88, s3;
	s6 =	simm.s32 @!p1 $0x1082;
	[sflag:s4] =	ssyncset.s32 $0xFFFFF086  }
0x25: {  	[simem:s6], [sflag:s4] =	dma.local [hbm:s3], $0xF7A  }
0x26: {  	[smem:$0x3F9E] =	sst s1;
	(tag) =	ssettag s2;
	_ =	strace s9  }
0x27: {  	s1 =	sld [smem:$0x3FAE]  }
0x28: {  	s2 =	sld [smem:$0x3FAF]  }
0x29: {  	s4 =	sld [smem:$0x3FB1]  }
0x2a: {  	p0 =	seq.s32 s5, $0x0;
	s5 =	sld [smem:$0x3FB2]  }
0x2b: {  	s6 =	sld [smem:$0x3FB3]  }
0x2c: {  	s7 =	sld [smem:$0x3FB4]  }
0x2d: {  	s3 =	simm.s32 $0x108;
	s8 =	sld [smem:$0x3FB5]  }
0x2e: {  	s3 =	simm.s32 @!p0 $0x1082;
	s9 =	sld [smem:$0x3FB6]  }
0x2f: {  	lr =	sadd.s32 s0, s3;
	s0 =	sld [smem:$0x3FAD]  }
0x30: {  	s3 =	sld [smem:$0x3FB0]  }
0x31: {  	[smem:$0x3FB9] =	sst s10  }
0x32: {  	s10 =	sld [smem:$0x3FB7];
	_ =	sdelay $0x3  }
0x33: {  	p0 =	seq.s32 s10, $0x1;
	s10 =	sld [smem:$0x3FB9];
	_ =	sdelay $0x3  }
0x34: {  	[smem:$0x3FB9] =	sst s10  }
0x35: {  	s10 =	sld [smem:$0x3FB8];
	_ =	sdelay $0x3  }
0x36: {  	p1 =	seq.s32 s10, $0x1;
	s10 =	sld [smem:$0x3FB9];
	_ =	sdelay $0x3  }
0x37: {  	[smem:$0x3FB9] =	sst s10  }
0x38: {  	s10 =	sld [smem:$0x3FBA]  }
0x39: {  	_ = 	snop;
	(pc) =	sbr.ind lr, $3  }
0x3a: {  	_ = 	snop  }
0x3b: {  	_ = 	snop  }
0x3c: {  	p2 =	seq.s32 s10, $0x1;
	s10 =	sld [smem:$0x3FB9]  }
0x3d: {  	_ =	shalt  }
0x3e: {  	_ =	shalt  }
0x3f: {  	_ =	shalt  }
0x40: {  	_ =	shalt  }
0x41: {  	_ =	shalt  }
0x42: {  	_ =	shalt  }
0x43: {  	_ =	shalt  }
0x44: {  	_ =	shalt  }
0x45: {  	_ =	shalt  }
0x46: {  	_ =	shalt  }
0x47: {  	_ =	shalt  }
0x48: {  	_ =	shalt  }
0x49: {  	_ =	shalt  }
0x4a: {  	_ =	shalt  }
0x4b: {  	_ =	shalt  }
0x4c: {  	_ =	shalt  }
0x4d: {  	_ =	shalt  }
0x4e: {  	_ =	shalt  }
0x4f: {  	_ =	shalt  }
0x50: {  	_ =	shalt  }
0x51: {  	_ =	shalt  }
0x52: {  	_ =	shalt  }
0x53: {  	_ =	shalt  }
0x54: {  	_ =	shalt  }
0x55: {  	_ =	shalt  }
0x56: {  	_ =	shalt  }
0x57: {  	_ =	shalt  }
0x58: {  	_ =	shalt  }
0x59: {  	_ =	shalt  }
0x5a: {  	_ =	shalt  }
0x5b: {  	_ =	shalt  }
0x5c: {  	_ =	shalt  }
0x5d: {  	_ =	shalt  }
0x5e: {  	_ =	shalt  }
0x5f: {  	_ =	shalt  }
0x60: {  	_ =	shalt  }
0x61: {  	_ =	shalt  }
0x62: {  	_ =	shalt  }
0x63: {  	_ =	shalt  }
0x64: {  	_ =	shalt  }
0x65: {  	_ =	shalt  }
0x66: {  	_ =	shalt  }
0x67: {  	_ =	shalt  }
0x68: {  	_ =	shalt  }
0x69: {  	_ =	shalt  }
0x6a: {  	_ =	shalt  }
0x6b: {  	_ =	shalt  }
0x6c: {  	_ =	shalt  }
0x6d: {  	_ =	shalt  }
0x6e: {  	_ =	shalt  }
0x6f: {  	_ =	shalt  }
0x70: {  	_ =	shalt  }
0x71: {  	_ =	shalt  }
0x72: {  	_ =	shalt  }
0x73: {  	_ =	shalt  }
0x74: {  	_ =	shalt  }
0x75: {  	_ =	shalt  }
0x76: {  	_ =	shalt  }
0x77: {  	_ =	shalt  }
0x78: {  	_ =	shalt  }
0x79: {  	_ =	shalt  }
0x7a: {  	_ =	shalt  }
0x7b: {  	_ =	shalt  }
0x7c: {  	_ =	shalt  }
0x7d: {  	_ =	shalt  }
0x7e: {  	_ =	shalt  }
0x7f: {  	_ =	shalt  }
0x80: {  	_ =	shalt  }
0x81: {  	_ =	shalt  }
0x82: {  	_ =	shalt  }
0x83: {  	_ =	shalt  }
0x84: {  	_ =	shalt  }
0x85: {  	_ =	shalt  }
0x86: {  	_ =	shalt  }
0x87: {  	_ =	shalt  }
.Lfunc_end0:
.L_simem_size_0:
called_computation.1_lowered:
.L_overlay_start_0:
0x88: {  	s2 =	sld [smem:$0x3FD9]  }
0x89: {  	s3 =	sld [smem:$0x3FFE];
	_ =	sdelay $0x1  }
0x8a: {  	s1 =	srdreg.scid  }
0x8b: {  	s0 =	sand.u32 $0x1, s1  }
0x8c: {  	s16 =	sshll.u32 s0, $0xA;
	s2 =	sadd.s32 s3, s2  }
0x8d: {  	s2 =	sadd.s32 s2, s16  }
0x8e: {  	[smem:$0x3FC5] =	sst s2  }
0x8f: {  	_ = 	snop  }
0x90: {  	(tm) =	ssettm $0x1  }
0x91: {  	s17 =	sld [smem:$0x3FFB];
	_ =	sdelay $0x3  }
0x92: {  	_ =	strace s17  }
0x93: {  	s2 =	sld [smem:$0x3FFC];
	_ =	sdelay $0x3  }
0x94: {  	_ =	strace s2  }
0x95: {  	s2 =	sld [smem:$0x3FFD];
	_ =	sdelay $0x3  }
0x96: {  	_ =	strace s2  }
0x97: {  	_ =	strace $0x8FFFFFFF  }
0x98: {  	s18 =	sld [smem:$0x3FDB];
	_ =	sdelay $0x1  }
0x99: {  	s19 =	simm.s32 $_scs_section_size  }
0x9a: {  	s4 =	simm.s32 $_size__tile_overlayer_lowered;
	s5 =	simm.s32 $_tile_overlayer_lowered  }
0x9b: {  	s22 =	simm.s32 $0x1BFF;
	s21 =	sshll.u32 s5, $0x1;
	s2 =	sadd.s32 s19, s18  }
0x9c: {  	s6 =	simm.s32 $0x0;
	s20 =	sshll.u32 s4, $0x1;
	s4 =	sadd.s32 s21, s2  }
0x9d: {  	[timem:s6], [sflag:s22] =	dma.local [hbm:s4], s20  }
0x9e: {  	_ =	swait.ge [sflag:s22], s20  }
0x9f: {  	s3 =	ssub.s32 $0x0, s20;
	[sflag:s22] =	ssyncset.done $0x0  }
0xa0: {  	[sflag:s22] =	ssyncadd.s32 s3;
	_ =	sdelay $0x1  }
0xa1: {  	s23 =	simm.s32 $0x1B8B  }
0xa2: {  	_ =	swait.ge [sflag:s23], $0x1  }
0xa3: {  	[sflag:s23] =	ssyncset.done $0x0  }
0xa4: {  	s25 =	simm.s32 $0x1B8E;
	s24 =	sld [smem:$0x3FFE];
	[sflag:s23] =	ssyncadd.s32 $0xFFFFFFFF  }
0xa5: {  	s26 =	simm.s32 $execute0_lowered;
	[smem:$0x3FD2] =	sst s25  }
0xa6: {  	s4 =	sshll.u32 s26, $0x1;
	_ =	strace $0x80000046;
	[dreg:$0x1] =	wrdreg $0xFFFFFFFF  }
0xa7: {  	s28 =	simm.s32 $_size_execute0_lowered;
	s2 =	sadd.s32 s2, s4;
	[dreg:$0x0] =	wrdreg $0x0  }
0xa8: {  	s4 =	sshll.u32 s28, $0x1;
	[dreg:$0x2] =	wrdreg s2  }
0xa9: {  	[dreg:$0x3] =	wrdreg s4  }
0xaa: {  	[dreg:$0x4] =	wrdreg $0xC0  }
0xab: {  	_ =	task [dreg:s6], $0x5FFFF  }
0xac: {  	[dreg:$0x1] =	wrdreg $0xFFFFFFFF  }
0xad: {  	[dreg:$0x0] =	wrdreg $0x60  }
0xae: {  	[dreg:$0x2] =	wrdreg s24  }
0xaf: {  	[dreg:$0x3] =	wrdreg $0x9  }
0xb0: {  	_ =	task.clear_ibuf [dreg:s6], $0x4FFFF;
	_ =	strace $0x90000046  }
0xb1: {  	s29 =	simm.s32 $0x9;
	_ =	strace $0x80000048  }
0xb2: {  	_ =	swait.ge [sflag:s29], $0x1  }
0xb3: {  	[sflag:s29] =	ssyncadd.s32 $0xFFFFFFFF  }
0xb4: {  	_ =	strace $0x90000048  }
0xb5: {  	_ =	sfence  }
0xb6: {  	s30 =	sld [smem:$0x0];
	_ =	sdelay $0x2  }
0xb7: {  	s31 =	sshll.u32 s1, $0xD;
	s1 =	sshrl.u32 s1, $0x2  }
0xb8: {  	s3 =	sand.u32 $0x4000, s31;
	s1 =	sadd.s32 s1, s30  }
0xb9: {  	s0 =	sor.u32 s3, s0;
	s1 =	sshll.u32 s1, $0x11  }
0xba: {  	s0 =	sor.u32 s1, s0  }
0xbb: {  	s0 =	sadd.s32 $0x8F2B, s0  }
0xbc: {  	[sflag:s0] =	ssyncadd.remote.s32 $0x1  }
0xbd: {  	_ =	sfence.sel $0xFFFF  }
0xbe: {  	[dreg:$0x0] =	wrdreg $0xFFFFFFFF;
	(pc) =	sbr.abs _section_cstart, $3  }
0xbf: {  	[dreg:$0x1] =	wrdreg $0xFFFFFFFF  }
0xc0: {  	_ =	task.clear_ibuf [dreg:s6], $0x2FFFF;
	_ =	strace $0x9FFFFFFF  }
0xc1: {  	(tm) =	ssettm $0x7FFFFFFF  }
tec
execute0_lowered:
.L_overlay_start_1:
0x0: {  	(tag) =	ssettag $0x1  }
0x1: {  	s0 =	srdreg.scid  }
0x2: {  	s1 =	stileid.u32;
	s2 =	rddreg [dreg:$0x0];
	s24 =	simm.s32 $0x0  }
0x3: {  	s0 =	sand.u32 $0x1, s0;
	s1 =	sshll.u32 s1, $0x1;
	[smem:$0x7FF] =	sst s24  }
0x4: {  	s18 =	sadd.s32 $0x1A600, s2;
	s5 =	sadd.s32 $0x800, s2;
	s20 =	sadd.s32 $0x1A1000, s2  }
0x5: {  	s1 =	sor.u32 s0, s1;
	_ =	strace $0x80000047;
	[dreg:$0x3] =	wrdreg s5  }
0x6: {  	s0 =	ssub.s32 $0x2, s0;
	[dreg:$0x2] =	wrdreg s18;
	s6 =	smul.u32 $0x64000, s1  }
0x7: {  	[dreg:$0x4] =	wrdreg s20;
	s3 =	smul.u32 $0xC80, s1;
	s23 =	sshrl.u32 s0, $0x1  }
0x8: {  	s4 =	smul.u32 $0x320000, s1;
	s0 =	ssub.s32 s0, s23;
	s26 =	sadd.s32 s20, s6  }
0x9: {  	s23 =	smul.u32 $0x6400, s1;
	s0 =	smax.u32 s0, $0x1;
	[dreg:$0x6] =	wrdreg s26  }
0xa: {  	s3 =	sadd.s32 s3, s2;
	[dreg:$0xb] =	wrdreg s0  }
0xb: {  	s25 =	sshrl.u32 s4, $0x3;
	s29 =	sadd.s32 $0x1600, s3;
	[dreg:$0x5] =	wrdreg s23  }
0xc: {  	s28 =	sadd.s32 s20, s25;
	s30 =	sadd.s32 $0x800, s26;
	[dreg:$0x7] =	wrdreg s29  }
0xd: {  	[dreg:$0x8] =	wrdreg s30;
	s31 =	sadd.s32 $0x63000, s28  }
0xe: {  	s1 =	sadd.s32 $0x63800, s28;
	[dreg:$0x9] =	wrdreg s31  }
0xf: {  	s2 =	simm.s32 $0x0;
	s25 =	simm.s32 $0x40;
	[dreg:$0xa] =	wrdreg s1  }
.LBB2_1:
0x10: {  	[dreg:$0xc] =	wrdreg s2  }
0x11: {  	s0 =	rddreg [dreg:$0x7];
	s1 =	simm.s32 $0x7  }
0x12: {  	[tilespmem:s24], [sflag:$0x7] =	stream.linear.gather [hbm4b:s0+s24], $0x6400, $0x38;
	[tilespmem:$0x1C800] =	vst v63  }
0x13: {  	_ =	swait.ge [sflag:s1], $0x6400  }
0x14: {  	[sflag:s1] =	ssyncset.done $0x0  }
0x15: {  	s21 =	simm.s32 $0x6400;
	s20 =	rddreg [dreg:$0x3];
	[sflag:s1] =	ssyncadd.s32 $0xFFFF9C00  }
0x16: {  	[tilespmem:s21], [sflag:$0x7] =	stream.linear.gather [hbm4b:s20+s24], $0x6400, $0x38;
	[tilespmem:$0x1C800] =	vst v63  }
0x17: {  	_ =	swait.ge [sflag:s1], $0x6400  }
0x18: {  	[sflag:s1] =	ssyncset.done $0x0  }
0x19: {  	s22 =	simm.s32 $0xC800;
	[sflag:s1] =	ssyncadd.s32 $0xFFFF9C00  }
0x1a: {  	[tilespmem:s22], [sflag:$0x1] =	stream.indirect.gather [hbm4b:s18+s25], $0x80, s24, s25, $0xb8;
	[tilespmem:$0x1C800] =	vst v63  }
0x1b: {  	s23 =	simm.s32 $0xE800  }
0x1c: {  	[tilespmem:s23], [sflag:$0x3] =	stream.indirect.gather [hbm4b:s18+s25], $0x80, s25, s25, $0xb8;
	[tilespmem:$0x1C800] =	vst v63  }
0x1d: {  	s26 =	simm.s32 $0x80;
	s28 =	simm.s32 $0x10800  }
0x1e: {  	[tilespmem:s28], [sflag:$0x2] =	stream.indirect.gather [hbm4b:s18+s25], $0x80, s26, s25, $0xb8;
	[tilespmem:$0x1C800] =	vst v63  }
0x1f: {  	s29 =	simm.s32 $0xC0;
	s30 =	simm.s32 $0x12800;
	s31 =	simm.s32 $0x1  }
0x20: {  	[tilespmem:s30], [sflag:$0x4] =	stream.indirect.gather [hbm4b:s18+s25], $0x80, s29, s25, $0xb8;
	[tilespmem:$0x1C800] =	vst v63  }
0x21: {  	_ =	swait.ge [sflag:s31], $0x2000  }
0x22: {  	[sflag:s31] =	ssyncset.done $0x0  }
0x23: {  	s5 =	simm.s32 $0xC880;
	[sflag:s31] =	ssyncadd.s32 $0xFFFFE000  }
0x24: {  	s1 =	simm.s32 $0x6480;
	v0 =	vld [tilespmem:s5+$0x0]  }
0x25: {  	v1 =	vld [tilespmem:s1+$0x0];
	_ =	sdelay $0x2  }
0x26: {  	v2 =	vld [tilespmem:s1+$0xFFFFFF80]  }
0x27: {  	v3 =	vld [tilespmem:s5+$0xFFFFFF80]  }
0x28: {  	v0 =	vadd.f32 v1, v0  }
0x29: {  	s0 =	simm.s32 $0x14880  }
0x2a: {  	[tilespmem:s0+$0x0] =	vst v0  }
0x2b: {  	v0 =	vld [tilespmem:s5+$0x10]  }
0x2c: {  	v1 =	vadd.f32 v2, v3;
	v2 =	vld [tilespmem:s1+$0x10];
	_ =	sdelay $0x1  }
0x2d: {  	[tilespmem:s0+$0xFFFFFF80] =	vst v1  }
0x2e: {  	v1 =	vld [tilespmem:s5+$0xFFFFFF90]  }
0x2f: {  	v3 =	vld [tilespmem:s1+$0xFFFFFF90]  }
0x30: {  	s3 =	simm.s32 $0x6580;
	v0 =	vadd.f32 v2, v0  }
0x31: {  	s2 =	simm.s32 $0xC980;
	v4 =	vld [tilespmem:s3+$0x0]  }
0x32: {  	v2 =	vld [tilespmem:s2+$0x0];
	[tilespmem:s0+$0x10] =	vst v0  }
0x33: {  	v0 =	vld [tilespmem:s5+$0x20]  }
0x34: {  	v1 =	vadd.f32 v3, v1;
	v3 =	vld [tilespmem:s1+$0x20]  }
0x35: {  	v5 =	vld [tilespmem:s3+$0xFFFFFF80]  }
0x36: {  	v6 =	vld [tilespmem:s2+$0xFFFFFF80];
	[tilespmem:s0+$0xFFFFFF90] =	vst v1  }
0x37: {  	v1 =	vadd.f32 v4, v2;
	v2 =	vld [tilespmem:s5+$0xFFFFFFA0]  }
0x38: {  	s4 =	simm.s32 $0x14980;
	v4 =	vld [tilespmem:s1+$0xFFFFFFA0]  }
0x39: {  	[tilespmem:s4+$0x0] =	vst v1;
	v0 =	vadd.f32 v3, v0  }
0x3a: {  	v7 =	vld [tilespmem:s2+$0x10]  }
0x3b: {  	v3 =	vadd.f32 v5, v6;
	v5 =	vld [tilespmem:s3+$0x10];
	[tilespmem:s0+$0x20] =	vst v0  }
0x3c: {  	v1 =	vld [tilespmem:s5+$0x30]  }
0x3d: {  	[tilespmem:s4+$0xFFFFFF80] =	vst v3;
	v0 =	vadd.f32 v4, v2;
	v2 =	vld [tilespmem:s1+$0x30]  }
0x3e: {  	v3 =	vld [tilespmem:s2+$0xFFFFFF90]  }
0x3f: {  	s7 =	simm.s32 $0x2;
	v4 =	vld [tilespmem:s3+$0xFFFFFF90];
	[tilespmem:s0+$0xFFFFFFA0] =	vst v0  }
0x40: {  	s8 =	simm.s32 $0xCA80;
	s6 =	simm.s32 $0x6580;
	v5 =	vadd.f32 v5, v7;
	v0 =	vld [tilespmem:s5+$0xFFFFFFB0];
	s5 =	simm.s32 $0x14980  }
.LBB2_2:
0x41: {  	v6 =	vld [tilespmem:s8+$0x0];
	s3 =	sadd.s32 $0x100, s3;
	s9 =	smov.u32 s2;
	s2 =	smov.u32 s8  }
0x42: {  	v7 =	vld [tilespmem:s3+$0x0];
	[tilespmem:s4+$0x10] =	vst v5;
	v1 =	vadd.f32 v2, v1  }
0x43: {  	v2 =	vld [tilespmem:s9+$0x20]  }
0x44: {  	v3 =	vadd.f32 v4, v3;
	v4 =	vld [tilespmem:s6+$0x20];
	[tilespmem:s0+$0x30] =	vst v1  }
0x45: {  	s7 =	sadd.s32 $0x2, s7;
	v1 =	vld [tilespmem:s3+$0xFFFFFF80]  }
0x46: {  	p0 =	slt.u32 s7, $0x3E;
	v5 =	vld [tilespmem:s8+$0xFFFFFF80];
	[tilespmem:s4+$0xFFFFFF90] =	vst v3  }
0x47: {  	v3 =	vadd.f32 v7, v6;
	v6 =	vld [tilespmem:s9+$0xFFFFFFA0]  }
0x48: {  	s4 =	sadd.s32 $0x100, s4;
	v7 =	vld [tilespmem:s6+$0xFFFFFFA0]  }
0x49: {  	[tilespmem:s4+$0x0] =	vst v3;
	v2 =	vadd.f32 v4, v2;
	v4 =	vld [tilespmem:s1+$0xFFFFFFB0];
	s1 =	smov.u32 s6;
	s6 =	smov.u32 s3  }
0x4a: {  	v8 =	vld [tilespmem:s8+$0x10]  }
0x4b: {  	v3 =	vadd.f32 v1, v5;
	v5 =	vld [tilespmem:s3+$0x10];
	[tilespmem:s5+$0x20] =	vst v2  }
.Ltmp0:
0x4c: {  	v1 =	vld [tilespmem:s9+$0x30];
	(pc) =	sbr.rel @p0 .LBB2_2-.Ltmp0, $4  }
0x4d: {  	[tilespmem:s4+$0xFFFFFF80] =	vst v3;
	v6 =	vadd.f32 v7, v6;
	v2 =	vld [tilespmem:s1+$0x30]  }
0x4e: {  	v3 =	vld [tilespmem:s8+$0xFFFFFF90];
	v7 =	vadd.f32 v4, v0  }
0x4f: {  	v4 =	vld [tilespmem:s3+$0xFFFFFF90];
	[tilespmem:s5+$0xFFFFFFA0] =	vst v6  }
0x50: {  	s8 =	sadd.s32 $0x100, s8;
	v5 =	vadd.f32 v5, v8;
	v0 =	vld [tilespmem:s9+$0xFFFFFFB0];
	[tilespmem:s0+$0xFFFFFFB0] =	vst v7;
	s0 =	smov.u32 s5;
	s5 =	smov.u32 s4  }
0x51: {  	_ =	sdelay $0x2  }
0x52: {  	[tilespmem:s4+$0x10] =	vst v5;
	v3 =	vadd.f32 v4, v3  }
0x53: {  	v5 =	vld [tilespmem:s6+$0x20]  }
0x54: {  	v4 =	vld [tilespmem:s2+$0x20];
	[tilespmem:s4+$0xFFFFFF90] =	vst v3  }
0x55: {  	v3 =	vld [tilespmem:s2+$0xFFFFFFA0]  }
0x56: {  	v6 =	vld [tilespmem:s6+$0xFFFFFFA0];
	_ =	sdelay $0x2  }
0x57: {  	v4 =	vadd.f32 v5, v4;
	_ =	sdelay $0x1  }
0x58: {  	v5 =	vld [tilespmem:s1+$0xFFFFFFB0];
	[tilespmem:s5+$0x20] =	vst v4;
	v3 =	vadd.f32 v6, v3  }
0x59: {  	v4 =	vld [tilespmem:s2+$0x30]  }
0x5a: {  	v6 =	vld [tilespmem:s6+$0x30];
	[tilespmem:s5+$0xFFFFFFA0] =	vst v3  }
0x5b: {  	v3 =	vld [tilespmem:s2+$0xFFFFFFB0]  }
0x5c: {  	v7 =	vld [tilespmem:s6+$0xFFFFFFB0];
	_ =	sdelay $0x1  }
0x5d: {  	v1 =	vadd.f32 v2, v1  }
0x5e: {  	v0 =	vadd.f32 v5, v0  }
0x5f: {  	[tilespmem:s0+$0x30] =	vst v1;
	v1 =	vadd.f32 v6, v4  }
0x60: {  	[tilespmem:s0+$0xFFFFFFB0] =	vst v0;
	v0 =	vadd.f32 v7, v3  }
0x61: {  	[tilespmem:s5+$0x30] =	vst v1  }
0x62: {  	s28 =	simm.s32 $0xC800;
	s29 =	simm.s32 $0x100;
	s30 =	simm.s32 $0x3;
	[tilespmem:s5+$0xFFFFFFB0] =	vst v0  }
0x63: {  	[tilespmem:s28], [sflag:$0x1] =	stream.indirect.gather [hbm4b:s18+s25], $0x80, s29, s25, $0xb8;
	[tilespmem:$0x1C800] =	vst v63  }
0x64: {  	_ =	swait.ge [sflag:s30], $0x2000  }
0x65: {  	[sflag:s30] =	ssyncset.done $0x0  }
0x66: {  	s31 =	simm.s32 $0xE8B0;
	[sflag:s30] =	ssyncadd.s32 $0xFFFFE000  }
0x67: {  	s1 =	simm.s32 $0x84B0;
	v0 =	vld [tilespmem:s31+$0xFFFFFFD0]  }
0x68: {  	v1 =	vld [tilespmem:s1+$0xFFFFFFD0];
	_ =	sdelay $0x2  }
0x69: {  	v2 =	vld [tilespmem:s1+$0xFFFFFF50]  }
0x6a: {  	v3 =	vld [tilespmem:s31+$0xFFFFFF50]  }
0x6b: {  	v0 =	vadd.f32 v1, v0  }
0x6c: {  	s0 =	simm.s32 $0x168B0  }
0x6d: {  	[tilespmem:s0+$0xFFFFFFD0] =	vst v0  }
0x6e: {  	v0 =	vld [tilespmem:s31+$0xFFFFFFE0]  }
0x6f: {  	v1 =	vadd.f32 v2, v3;
	v2 =	vld [tilespmem:s1+$0xFFFFFFE0];
	_ =	sdelay $0x1  }
0x70: {  	[tilespmem:s0+$0xFFFFFF50] =	vst v1  }
0x71: {  	v1 =	vld [tilespmem:s31+$0xFFFFFF60]  }
0x72: {  	v3 =	vld [tilespmem:s1+$0xFFFFFF60]  }
0x73: {  	s3 =	simm.s32 $0x85B0;
	v0 =	vadd.f32 v2, v0  }
0x74: {  	s2 =	simm.s32 $0xE9B0;
	v4 =	vld [tilespmem:s3+$0xFFFFFFD0]  }
0x75: {  	v2 =	vld [tilespmem:s2+$0xFFFFFFD0];
	[tilespmem:s0+$0xFFFFFFE0] =	vst v0  }
0x76: {  	v0 =	vld [tilespmem:s31+$0xFFFFFFF0]  }
0x77: {  	v1 =	vadd.f32 v3, v1;
	v3 =	vld [tilespmem:s1+$0xFFFFFFF0]  }
0x78: {  	v5 =	vld [tilespmem:s3+$0xFFFFFF50]  }
0x79: {  	v6 =	vld [tilespmem:s2+$0xFFFFFF50];
	[tilespmem:s0+$0xFFFFFF60] =	vst v1  }
0x7a: {  	v1 =	vadd.f32 v4, v2;
	v2 =	vld [tilespmem:s31+$0xFFFFFF70]  }
0x7b: {  	s4 =	simm.s32 $0x169B0;
	v4 =	vld [tilespmem:s1+$0xFFFFFF70]  }
0x7c: {  	[tilespmem:s4+$0xFFFFFFD0] =	vst v1;
	v0 =	vadd.f32 v3, v0  }
0x7d: {  	v7 =	vld [tilespmem:s2+$0xFFFFFFE0]  }
0x7e: {  	v3 =	vadd.f32 v5, v6;
	v5 =	vld [tilespmem:s3+$0xFFFFFFE0];
	[tilespmem:s0+$0xFFFFFFF0] =	vst v0  }
0x7f: {  	v1 =	vld [tilespmem:s31+$0x0]  }
0x80: {  	[tilespmem:s4+$0xFFFFFF50] =	vst v3;
	v0 =	vadd.f32 v4, v2;
	v2 =	vld [tilespmem:s1+$0x0]  }
0x81: {  	v3 =	vld [tilespmem:s2+$0xFFFFFF60]  }
0x82: {  	s7 =	simm.s32 $0x42;
	v4 =	vld [tilespmem:s3+$0xFFFFFF60];
	[tilespmem:s0+$0xFFFFFF70] =	vst v0  }
0x83: {  	s8 =	simm.s32 $0xEAB0;
	s6 =	simm.s32 $0x85B0;
	s5 =	simm.s32 $0x169B0;
	v5 =	vadd.f32 v5, v7;
	v0 =	vld [tilespmem:s31+$0xFFFFFF80]  }
.LBB2_4:
0x84: {  	v6 =	vld [tilespmem:s8+$0xFFFFFFD0];
	s3 =	sadd.s32 $0x100, s3;
	s9 =	smov.u32 s2;
	s2 =	smov.u32 s8  }
0x85: {  	v7 =	vld [tilespmem:s3+$0xFFFFFFD0];
	[tilespmem:s4+$0xFFFFFFE0] =	vst v5;
	v1 =	vadd.f32 v2, v1  }
0x86: {  	v2 =	vld [tilespmem:s9+$0xFFFFFFF0]  }
0x87: {  	v3 =	vadd.f32 v4, v3;
	v4 =	vld [tilespmem:s6+$0xFFFFFFF0];
	[tilespmem:s0+$0x0] =	vst v1  }
0x88: {  	s7 =	sadd.s32 $0x2, s7;
	v1 =	vld [tilespmem:s3+$0xFFFFFF50]  }
0x89: {  	p0 =	slt.u32 s7, $0x7E;
	v5 =	vld [tilespmem:s8+$0xFFFFFF50];
	[tilespmem:s4+$0xFFFFFF60] =	vst v3  }
0x8a: {  	v3 =	vadd.f32 v7, v6;
	v6 =	vld [tilespmem:s9+$0xFFFFFF70]  }
0x8b: {  	s4 =	sadd.s32 $0x100, s4;
	v7 =	vld [tilespmem:s6+$0xFFFFFF70]  }
0x8c: {  	[tilespmem:s4+$0xFFFFFFD0] =	vst v3;
	v2 =	vadd.f32 v4, v2;
	v4 =	vld [tilespmem:s1+$0xFFFFFF80];
	s1 =	smov.u32 s6;
	s6 =	smov.u32 s3  }
0x8d: {  	v8 =	vld [tilespmem:s8+$0xFFFFFFE0]  }
0x8e: {  	v3 =	vadd.f32 v1, v5;
	v5 =	vld [tilespmem:s3+$0xFFFFFFE0];
	[tilespmem:s5+$0xFFFFFFF0] =	vst v2  }
.Ltmp1:
0x8f: {  	v1 =	vld [tilespmem:s9+$0x0];
	(pc) =	sbr.rel @p0 .LBB2_4-.Ltmp1, $4  }
0x90: {  	[tilespmem:s4+$0xFFFFFF50] =	vst v3;
	v6 =	vadd.f32 v7, v6;
	v2 =	vld [tilespmem:s1+$0x0]  }
0x91: {  	v3 =	vld [tilespmem:s8+$0xFFFFFF60];
	v7 =	vadd.f32 v4, v0  }
0x92: {  	v4 =	vld [tilespmem:s3+$0xFFFFFF60];
	[tilespmem:s5+$0xFFFFFF70] =	vst v6  }
0x93: {  	s8 =	sadd.s32 $0x100, s8;
	v5 =	vadd.f32 v5, v8;
	v0 =	vld [tilespmem:s9+$0xFFFFFF80];
	[tilespmem:s0+$0xFFFFFF80] =	vst v7;
	s0 =	smov.u32 s5;
	s5 =	smov.u32 s4  }
0x94: {  	_ =	sdelay $0x2  }
0x95: {  	[tilespmem:s4+$0xFFFFFFE0] =	vst v5;
	v3 =	vadd.f32 v4, v3  }
0x96: {  	v5 =	vld [tilespmem:s6+$0xFFFFFFF0]  }
0x97: {  	v4 =	vld [tilespmem:s2+$0xFFFFFFF0];
	[tilespmem:s4+$0xFFFFFF60] =	vst v3  }
0x98: {  	v3 =	vld [tilespmem:s2+$0xFFFFFF70]  }
0x99: {  	v6 =	vld [tilespmem:s6+$0xFFFFFF70];
	_ =	sdelay $0x2  }
0x9a: {  	v4 =	vadd.f32 v5, v4;
	_ =	sdelay $0x1  }
0x9b: {  	v5 =	vld [tilespmem:s1+$0xFFFFFF80];
	[tilespmem:s5+$0xFFFFFFF0] =	vst v4;
	v3 =	vadd.f32 v6, v3  }
0x9c: {  	v4 =	vld [tilespmem:s2+$0x0]  }
0x9d: {  	v6 =	vld [tilespmem:s6+$0x0];
	[tilespmem:s5+$0xFFFFFF70] =	vst v3  }
0x9e: {  	v3 =	vld [tilespmem:s2+$0xFFFFFF80]  }
0x9f: {  	v7 =	vld [tilespmem:s6+$0xFFFFFF80];
	_ =	sdelay $0x1  }
0xa0: {  	v1 =	vadd.f32 v2, v1  }
0xa1: {  	v0 =	vadd.f32 v5, v0  }
0xa2: {  	[tilespmem:s0+$0x0] =	vst v1;
	v1 =	vadd.f32 v6, v4  }
0xa3: {  	[tilespmem:s0+$0xFFFFFF80] =	vst v0;
	v0 =	vadd.f32 v7, v3  }
0xa4: {  	[tilespmem:s5+$0x0] =	vst v1  }
0xa5: {  	s23 =	simm.s32 $0xE800;
	s26 =	simm.s32 $0x140;
	s28 =	simm.s32 $0x0;
	[tilespmem:s5+$0xFFFFFF80] =	vst v0  }
0xa6: {  	[tilespmem:s23], [sflag:$0x3] =	stream.indirect.gather [hbm4b:s18+s25], $0x80, s26, s25, $0xb8;
	[tilespmem:$0x1C800] =	vst v63  }
0xa7: {  	s30 =	simm.s32 $0x14800;
	s31 =	simm.s32 $0x2;
	s29 =	rddreg [dreg:$0x6]  }
0xa8: {  	[hbm4b:s29+s28] =	stream.linear.scatter [tilespmem:s30], [sflag:$0x5], $0x4000, $0x38;
	[tilespmem:$0x1C800] =	vst v63  }
0xa9: {  	_ =	swait.ge [sflag:s31], $0x2000  }
0xaa: {  	[sflag:s31] =	ssyncset.done $0x0  }
0xab: {  	s0 =	simm.s32 $0x0;
	[sflag:s31] =	ssyncadd.s32 $0xFFFFE000  }
0xac: {  	v0 =	vld [tilespmem:s0+$0x108B0]  }
0xad: {  	v1 =	vld [tilespmem:s0+$0xA4B0]  }
0xae: {  	v2 =	vld [tilespmem:s0+$0x10800]  }
0xaf: {  	v3 =	vld [tilespmem:s0+$0xA400]  }
0xb0: {  	v4 =	vld [tilespmem:s0+$0x10810]  }
0xb1: {  	v5 =	vld [tilespmem:s0+$0xA410]  }
0xb2: {  	v6 =	vld [tilespmem:s0+$0x10820]  }
0xb3: {  	v0 =	vadd.f32 v1, v0;
	v1 =	vld [tilespmem:s0+$0xA420]  }
0xb4: {  	v7 =	vld [tilespmem:s0+$0x10830]  }
0xb5: {  	v8 =	vld [tilespmem:s0+$0xA430]  }
0xb6: {  	v3 =	vadd.f32 v3, v2;
	v2 =	vld [tilespmem:s0+$0xA480]  }
0xb7: {  	v4 =	vadd.f32 v5, v4;
	[tilespmem:s0+$0x188B0] =	vst v0;
	v0 =	vld [tilespmem:s0+$0x10880]  }
0xb8: {  	[tilespmem:s0+$0x18800] =	vst v3;
	v3 =	vld [tilespmem:s0+$0xA490];
	v5 =	vadd.f32 v1, v6  }
0xb9: {  	[tilespmem:s0+$0x18810] =	vst v4;
	v1 =	vld [tilespmem:s0+$0x10890]  }
0xba: {  	s1 =	simm.s32 $0x0;
	s2 =	simm.s32 $0x400;
	v4 =	vld [tilespmem:s0+$0x108A0];
	[tilespmem:s0+$0x18820] =	vst v5;
	v5 =	vadd.f32 v8, v7  }
.LBB2_6:
0xbb: {  	s3 =	sshra.s32 s2, $0x2;
	v6 =	vld [tilespmem:s0+$0xA4A0]  }
0xbc: {  	s1 =	sadd.s32 $0x2, s1;
	v7 =	vld [tilespmem:s3+$0x108B0];
	[tilespmem:s0+$0x18830] =	vst v5;
	v0 =	vadd.f32 v2, v0  }
0xbd: {  	p0 =	slt.u32 s1, $0x3E;
	v2 =	vld [tilespmem:s3+$0xA4B0]  }
0xbe: {  	v5 =	vld [tilespmem:s3+$0x10800];
	[tilespmem:s0+$0x18880] =	vst v0;
	v0 =	vadd.f32 v3, v1  }
0xbf: {  	v1 =	vld [tilespmem:s3+$0xA400]  }
0xc0: {  	v3 =	vld [tilespmem:s3+$0x10810];
	[tilespmem:s0+$0x18890] =	vst v0;
	v0 =	vadd.f32 v6, v4  }
0xc1: {  	v4 =	vld [tilespmem:s3+$0xA410]  }
0xc2: {  	v6 =	vld [tilespmem:s3+$0x10820];
	v2 =	vadd.f32 v2, v7;
	[tilespmem:s0+$0x188A0] =	vst v0;
	s0 =	smov.u32 s3  }
0xc3: {  	v7 =	vld [tilespmem:s0+$0xA420]  }
0xc4: {  	v0 =	vadd.f32 v1, v5;
	v5 =	vld [tilespmem:s0+$0x10830];
	[tilespmem:s0+$0x188B0] =	vst v2  }
0xc5: {  	v8 =	vld [tilespmem:s0+$0xA430]  }
.Ltmp2:
0xc6: {  	[tilespmem:s0+$0x18800] =	vst v0;
	v1 =	vadd.f32 v4, v3;
	v0 =	vld [tilespmem:s0+$0x10880];
	(pc) =	sbr.rel @p0 .LBB2_6-.Ltmp2, $4  }
0xc7: {  	v2 =	vld [tilespmem:s0+$0xA480]  }
0xc8: {  	[tilespmem:s0+$0x18810] =	vst v1;
	v4 =	vadd.f32 v7, v6;
	v1 =	vld [tilespmem:s0+$0x10890]  }
0xc9: {  	v3 =	vld [tilespmem:s0+$0xA490]  }
0xca: {  	s2 =	sadd.s32 $0x400, s2;
	[tilespmem:s0+$0x18820] =	vst v4;
	v5 =	vadd.f32 v8, v5;
	v4 =	vld [tilespmem:s0+$0x108A0]  }
0xcb: {  	v6 =	vld [tilespmem:s0+$0xA4A0];
	_ =	sdelay $0x2  }
0xcc: {  	v0 =	vadd.f32 v2, v0  }
0xcd: {  	[tilespmem:s0+$0x18830] =	vst v5;
	v1 =	vadd.f32 v3, v1  }
0xce: {  	[tilespmem:s0+$0x18880] =	vst v0;
	v0 =	vadd.f32 v6, v4  }
0xcf: {  	[tilespmem:s0+$0x18890] =	vst v1  }
0xd0: {  	s30 =	simm.s32 $0x10800;
	s1 =	simm.s32 $0x180;
	s31 =	simm.s32 $0x4;
	[tilespmem:s0+$0x188A0] =	vst v0  }
0xd1: {  	[tilespmem:s30], [sflag:$0x2] =	stream.indirect.gather [hbm4b:s18+s25], $0x80, s1, s25, $0xb8;
	[tilespmem:$0x1C800] =	vst v63  }
0xd2: {  	_ =	swait.ge [sflag:s31], $0x2000  }
0xd3: {  	[sflag:s31] =	ssyncset.done $0x0  }
0xd4: {  	s3 =	simm.s32 $0x0;
	[sflag:s31] =	ssyncadd.s32 $0xFFFFE000  }
0xd5: {  	v0 =	vld [tilespmem:s3+$0x128B0]  }
0xd6: {  	v1 =	vld [tilespmem:s3+$0xC4B0]  }
0xd7: {  	v2 =	vld [tilespmem:s3+$0x12800]  }
0xd8: {  	v3 =	vld [tilespmem:s3+$0xC400]  }
0xd9: {  	v4 =	vld [tilespmem:s3+$0x12810]  }
0xda: {  	v5 =	vld [tilespmem:s3+$0xC410]  }
0xdb: {  	v6 =	vld [tilespmem:s3+$0x12820]  }
0xdc: {  	v0 =	vadd.f32 v1, v0;
	v1 =	vld [tilespmem:s3+$0xC420]  }
0xdd: {  	v7 =	vld [tilespmem:s3+$0x12830]  }
0xde: {  	v8 =	vld [tilespmem:s3+$0xC430]  }
0xdf: {  	v3 =	vadd.f32 v3, v2;
	v2 =	vld [tilespmem:s3+$0xC480]  }
0xe0: {  	v4 =	vadd.f32 v5, v4;
	[tilespmem:s3+$0x1A8B0] =	vst v0;
	v0 =	vld [tilespmem:s3+$0x12880]  }
0xe1: {  	[tilespmem:s3+$0x1A800] =	vst v3;
	v3 =	vld [tilespmem:s3+$0xC490];
	v5 =	vadd.f32 v1, v6  }
0xe2: {  	s4 =	simm.s32 $0x40;
	[tilespmem:s3+$0x1A810] =	vst v4;
	v1 =	vld [tilespmem:s3+$0x12890]  }
0xe3: {  	s2 =	simm.s32 $0x12CB0;
	s5 =	simm.s32 $0x400;
	s0 =	simm.s32 $0x1ACB0;
	v4 =	vld [tilespmem:s3+$0x128A0];
	[tilespmem:s3+$0x1A820] =	vst v5;
	v5 =	vadd.f32 v8, v7  }
.LBB2_8:
0xe4: {  	s1 =	sshra.s32 s5, $0x2;
	v6 =	vld [tilespmem:s3+$0xC4A0]  }
0xe5: {  	s4 =	sadd.s32 $0x2, s4;
	v7 =	vld [tilespmem:s1+$0x128B0];
	[tilespmem:s3+$0x1A830] =	vst v5;
	v0 =	vadd.f32 v2, v0  }
0xe6: {  	p0 =	slt.u32 s4, $0x46;
	v2 =	vld [tilespmem:s1+$0xC4B0]  }
0xe7: {  	v5 =	vld [tilespmem:s1+$0x12800];
	[tilespmem:s3+$0x1A880] =	vst v0;
	v0 =	vadd.f32 v3, v1  }
0xe8: {  	v1 =	vld [tilespmem:s1+$0xC400]  }
0xe9: {  	v3 =	vld [tilespmem:s1+$0x12810];
	[tilespmem:s3+$0x1A890] =	vst v0;
	v0 =	vadd.f32 v6, v4  }
0xea: {  	v4 =	vld [tilespmem:s1+$0xC410]  }
0xeb: {  	v6 =	vld [tilespmem:s1+$0x12820];
	v2 =	vadd.f32 v2, v7;
	[tilespmem:s3+$0x1A8A0] =	vst v0;
	s3 =	smov.u32 s1  }
0xec: {  	v7 =	vld [tilespmem:s3+$0xC420]  }
0xed: {  	s1 =	simm.s32 $0x6480;
	v0 =	vadd.f32 v1, v5;
	v5 =	vld [tilespmem:s3+$0x12830];
	[tilespmem:s3+$0x1A8B0] =	vst v2  }
0xee: {  	v8 =	vld [tilespmem:s3+$0xC430]  }
.Ltmp3:
0xef: {  	[tilespmem:s3+$0x1A800] =	vst v0;
	v1 =	vadd.f32 v4, v3;
	v0 =	vld [tilespmem:s3+$0x12880];
	(pc) =	sbr.rel @p0 .LBB2_8-.Ltmp3, $4  }
0xf0: {  	v2 =	vld [tilespmem:s3+$0xC480]  }
0xf1: {  	[tilespmem:s3+$0x1A810] =	vst v1;
	v4 =	vadd.f32 v7, v6;
	v1 =	vld [tilespmem:s3+$0x12890]  }
0xf2: {  	v3 =	vld [tilespmem:s3+$0xC490]  }
0xf3: {  	s5 =	sadd.s32 $0x400, s5;
	[tilespmem:s3+$0x1A820] =	vst v4;
	v5 =	vadd.f32 v8, v5;
	v4 =	vld [tilespmem:s3+$0x128A0]  }
0xf4: {  	v6 =	vld [tilespmem:s3+$0xC4A0];
	_ =	sdelay $0x2  }
0xf5: {  	v0 =	vadd.f32 v2, v0  }
0xf6: {  	[tilespmem:s3+$0x1A830] =	vst v5;
	v1 =	vadd.f32 v3, v1  }
0xf7: {  	[tilespmem:s3+$0x1A880] =	vst v0;
	v0 =	vadd.f32 v6, v4  }
0xf8: {  	[tilespmem:s3+$0x1A890] =	vst v1  }
0xf9: {  	[tilespmem:s3+$0x1A8A0] =	vst v0  }
0xfa: {  	v0 =	vld [tilespmem:s2+$0xFFFFFFD0]  }
0xfb: {  	v1 =	vld [tilespmem:s1+$0x0];
	_ =	sdelay $0x2  }
0xfc: {  	v2 =	vld [tilespmem:s1+$0xFFFFFF80]  }
0xfd: {  	v3 =	vld [tilespmem:s2+$0xFFFFFF50]  }
0xfe: {  	v0 =	vadd.f32 v1, v0;
	_ =	sdelay $0x1  }
0xff: {  	[tilespmem:s0+$0xFFFFFFD0] =	vst v0  }
0x100: {  	v0 =	vld [tilespmem:s2+$0xFFFFFFE0]  }
0x101: {  	v1 =	vadd.f32 v2, v3;
	v2 =	vld [tilespmem:s1+$0x10];
	_ =	sdelay $0x1  }
0x102: {  	[tilespmem:s0+$0xFFFFFF50] =	vst v1  }
0x103: {  	v1 =	vld [tilespmem:s2+$0xFFFFFF60]  }
0x104: {  	v3 =	vld [tilespmem:s1+$0xFFFFFF90]  }
0x105: {  	s4 =	simm.s32 $0x6580;
	v0 =	vadd.f32 v2, v0  }
0x106: {  	s3 =	simm.s32 $0x12DB0;
	v4 =	vld [tilespmem:s4+$0x0]  }
0x107: {  	v2 =	vld [tilespmem:s3+$0xFFFFFFD0];
	[tilespmem:s0+$0xFFFFFFE0] =	vst v0  }
0x108: {  	v0 =	vld [tilespmem:s2+$0xFFFFFFF0]  }
0x109: {  	v1 =	vadd.f32 v3, v1;
	v3 =	vld [tilespmem:s1+$0x20]  }
0x10a: {  	v5 =	vld [tilespmem:s4+$0xFFFFFF80]  }
0x10b: {  	v6 =	vld [tilespmem:s3+$0xFFFFFF50];
	[tilespmem:s0+$0xFFFFFF60] =	vst v1  }
0x10c: {  	v1 =	vadd.f32 v4, v2;
	v2 =	vld [tilespmem:s2+$0xFFFFFF70]  }
0x10d: {  	s5 =	simm.s32 $0x1ADB0;
	v4 =	vld [tilespmem:s1+$0xFFFFFFA0]  }
0x10e: {  	[tilespmem:s5+$0xFFFFFFD0] =	vst v1;
	v0 =	vadd.f32 v3, v0  }
0x10f: {  	v7 =	vld [tilespmem:s3+$0xFFFFFFE0]  }
0x110: {  	v3 =	vadd.f32 v5, v6;
	v5 =	vld [tilespmem:s4+$0x10];
	[tilespmem:s0+$0xFFFFFFF0] =	vst v0  }
0x111: {  	v1 =	vld [tilespmem:s2+$0x0]  }
0x112: {  	[tilespmem:s5+$0xFFFFFF50] =	vst v3;
	v0 =	vadd.f32 v4, v2;
	v2 =	vld [tilespmem:s1+$0x30]  }
0x113: {  	v3 =	vld [tilespmem:s3+$0xFFFFFF60]  }
0x114: {  	s7 =	simm.s32 $0x4A;
	v4 =	vld [tilespmem:s4+$0xFFFFFF90];
	[tilespmem:s0+$0xFFFFFF70] =	vst v0  }
0x115: {  	s8 =	simm.s32 $0x12EB0;
	s6 =	simm.s32 $0x6580;
	v5 =	vadd.f32 v5, v7;
	v0 =	vld [tilespmem:s2+$0xFFFFFF80];
	s2 =	simm.s32 $0x1ADB0  }
.LBB2_10:
0x116: {  	v6 =	vld [tilespmem:s8+$0xFFFFFFD0];
	s4 =	sadd.s32 $0x100, s4;
	s9 =	smov.u32 s3;
	s3 =	smov.u32 s8  }
0x117: {  	v7 =	vld [tilespmem:s4+$0x0];
	[tilespmem:s5+$0xFFFFFFE0] =	vst v5;
	v1 =	vadd.f32 v2, v1  }
0x118: {  	v2 =	vld [tilespmem:s9+$0xFFFFFFF0]  }
0x119: {  	v3 =	vadd.f32 v4, v3;
	v4 =	vld [tilespmem:s6+$0x20];
	[tilespmem:s0+$0x0] =	vst v1  }
0x11a: {  	s7 =	sadd.s32 $0x2, s7;
	v1 =	vld [tilespmem:s4+$0xFFFFFF80]  }
0x11b: {  	p0 =	slt.u32 s7, $0x7E;
	v5 =	vld [tilespmem:s8+$0xFFFFFF50];
	[tilespmem:s5+$0xFFFFFF60] =	vst v3  }
0x11c: {  	v3 =	vadd.f32 v7, v6;
	v6 =	vld [tilespmem:s9+$0xFFFFFF70]  }
0x11d: {  	s5 =	sadd.s32 $0x100, s5;
	v7 =	vld [tilespmem:s6+$0xFFFFFFA0]  }
0x11e: {  	[tilespmem:s5+$0xFFFFFFD0] =	vst v3;
	v2 =	vadd.f32 v4, v2;
	v4 =	vld [tilespmem:s1+$0xFFFFFFB0];
	s1 =	smov.u32 s6;
	s6 =	smov.u32 s4  }
0x11f: {  	v8 =	vld [tilespmem:s8+$0xFFFFFFE0]  }
0x120: {  	v3 =	vadd.f32 v1, v5;
	v5 =	vld [tilespmem:s4+$0x10];
	[tilespmem:s2+$0xFFFFFFF0] =	vst v2  }
.Ltmp4:
0x121: {  	v1 =	vld [tilespmem:s9+$0x0];
	(pc) =	sbr.rel @p0 .LBB2_10-.Ltmp4, $4  }
0x122: {  	[tilespmem:s5+$0xFFFFFF50] =	vst v3;
	v6 =	vadd.f32 v7, v6;
	v2 =	vld [tilespmem:s1+$0x30]  }
0x123: {  	v3 =	vld [tilespmem:s8+$0xFFFFFF60];
	v7 =	vadd.f32 v4, v0  }
0x124: {  	v4 =	vld [tilespmem:s4+$0xFFFFFF90];
	[tilespmem:s2+$0xFFFFFF70] =	vst v6  }
0x125: {  	s8 =	sadd.s32 $0x100, s8;
	v5 =	vadd.f32 v5, v8;
	v0 =	vld [tilespmem:s9+$0xFFFFFF80];
	[tilespmem:s0+$0xFFFFFF80] =	vst v7;
	s0 =	smov.u32 s2;
	s2 =	smov.u32 s5  }
0x126: {  	_ =	sdelay $0x2  }
0x127: {  	[tilespmem:s5+$0xFFFFFFE0] =	vst v5;
	v3 =	vadd.f32 v4, v3  }
0x128: {  	v59 =	vld [tilespmem:s3+$0xFFFFFFF0]  }
0x129: {  	v5 =	vld [tilespmem:s6+$0x20];
	[tilespmem:s5+$0xFFFFFF60] =	vst v3  }
0x12a: {  	v3 =	vld [tilespmem:s3+$0xFFFFFF70]  }
0x12b: {  	v6 =	vld [tilespmem:s6+$0xFFFFFFA0];
	_ =	sdelay $0x2  }
0x12c: {  	v4 =	vadd.f32 v5, v59;
	_ =	sdelay $0x1  }
0x12d: {  	v60 =	vld [tilespmem:s1+$0xFFFFFFB0];
	[tilespmem:s2+$0xFFFFFFF0] =	vst v4;
	v3 =	vadd.f32 v6, v3  }
0x12e: {  	v4 =	vld [tilespmem:s3+$0x0]  }
0x12f: {  	v61 =	vld [tilespmem:s6+$0x30];
	[tilespmem:s2+$0xFFFFFF70] =	vst v3  }
0x130: {  	v3 =	vld [tilespmem:s3+$0xFFFFFF80]  }
0x131: {  	v7 =	vld [tilespmem:s6+$0xFFFFFFB0];
	_ =	sdelay $0x1  }
0x132: {  	v1 =	vadd.f32 v2, v1  }
0x133: {  	s23 =	simm.s32 $0x12800;
	v0 =	vadd.f32 v60, v0  }
0x134: {  	s26 =	simm.s32 $0x1C0;
	s29 =	simm.s32 $0x0;
	s31 =	simm.s32 $0x18800;
	[tilespmem:s0+$0x0] =	vst v1;
	v62 =	vadd.f32 v61, v4  }
0x135: {  	s15 =	simm.s32 $0xE4B0;
	s11 =	simm.s32 $0x100;
	s14 =	simm.s32 $0xFFFFFFC8;
	[tilespmem:s0+$0xFFFFFF80] =	vst v0;
	v63 =	vadd.f32 v7, v3  }
.Ltmp5:
0x136: {  	s16 =	simm.s32 $0x104B0;
	s28 =	simm.s32 $0x101;
	[tilespmem:s2+$0x0] =	vst v62;
	(pc) =	sbr.rel .LBB2_12-.Ltmp5, $4  }
0x137: {  	s10 =	simm.s32 $0x124B0;
	s12 =	simm.s32 $0x180;
	s1 =	simm.s32 $0xFFFFFF48;
	[tilespmem:s2+$0xFFFFFF80] =	vst v63  }
0x138: {  	[tilespmem:s23], [sflag:$0x4] =	stream.indirect.gather [hbm4b:s18+s25], $0x80, s26, s25, $0xb8;
	[tilespmem:$0x1C800] =	vst v63  }
0x139: {  	s17 =	simm.s32 $0x144B0;
	s4 =	simm.s32 $0x181;
	s30 =	rddreg [dreg:$0x8]  }
0x13a: {  	[hbm4b:s30+s29] =	stream.linear.scatter [tilespmem:s31], [sflag:$0x6], $0x4000, $0x38;
	[tilespmem:$0x1C800] =	vst v63  }
.LBB2_83:
0x13b: {  	s2 =	smov.u32 s13;
	s3 =	smov.u32 s7  }
.LBB2_88:
0x13c: {  	_ =	sdelay $0x1  }
0x13d: {  	[tilespmem:s3+$0x10] =	vst v5;
	v2 =	vadd.f32 v4, v2  }
0x13e: {  	v60 =	vld [tilespmem:s15+$0x20]  }
0x13f: {  	v5 =	vld [tilespmem:s2+$0x20];
	[tilespmem:s3+$0xFFFFFF90] =	vst v2  }
0x140: {  	v2 =	vld [tilespmem:s15+$0xFFFFFFA0]  }
0x141: {  	v6 =	vld [tilespmem:s2+$0xFFFFFFA0];
	_ =	sdelay $0x2  }
0x142: {  	v4 =	vadd.f32 v5, v60;
	_ =	sdelay $0x1  }
0x143: {  	v5 =	vld @p0 [tilespmem:s13+$0xFFFFFFB0];
	[tilespmem:s7+$0x20] =	vst v4;
	v2 =	vadd.f32 v6, v2  }
0x144: {  	v4 =	vld [tilespmem:s15+$0x30]  }
0x145: {  	v61 =	vld [tilespmem:s2+$0x30];
	[tilespmem:s7+$0xFFFFFFA0] =	vst v2  }
0x146: {  	v2 =	vld [tilespmem:s15+$0xFFFFFFB0]  }
0x147: {  	v7 =	vld [tilespmem:s2+$0xFFFFFFB0];
	_ =	sdelay $0x1  }
0x148: {  	v1 =	vadd.f32 @p0 v3, v1  }
0x149: {  	v0 =	vadd.f32 @p0 v5, v0  }
0x14a: {  	[tilespmem:s5+$0x30] =	vst @p0 v1;
	v62 =	vadd.f32 v61, v4  }
0x14b: {  	[tilespmem:s5+$0xFFFFFFB0] =	vst @p0 v0;
	v63 =	vadd.f32 v7, v2  }
0x14c: {  	[tilespmem:s7+$0x30] =	vst v62  }
0x14d: {  	[tilespmem:s7+$0xFFFFFFB0] =	vst v63  }
.LBB2_69:
0x14e: {  	p0 =	sgt.u32 s1, $0x7F  }
0x14f: {  	s0 =	sadd.s32 @!p0 s0, s1  }
0x150: {  	s1 =	sshll.u32 @!p0 s1, $0x7;
	s0 =	sshll.u32 @!p0 s0, $0x7  }
0x151: {  	v0 =	vld @!p0 [tilespmem:s1+$0x10800];
	s0 =	sand.u32 @!p0 $0x3FFFFF80, s0  }
0x152: {  	v1 =	vld @!p0 [tilespmem:s0+$0x0];
	_ =	sdelay $0x4  }
0x153: {  	v0 =	vadd.f32 @!p0 v1, v0;
	_ =	sdelay $0x1  }
0x154: {  	[tilespmem:s1+$0x18800] =	vst @!p0 v0;
	v0 =	vld @!p0 [tilespmem:s1+$0x10810]  }
0x155: {  	v1 =	vld @!p0 [tilespmem:s0+$0x10];
	_ =	sdelay $0x4  }
0x156: {  	v0 =	vadd.f32 @!p0 v1, v0;
	_ =	sdelay $0x1  }
0x157: {  	[tilespmem:s1+$0x18810] =	vst @!p0 v0;
	v0 =	vld @!p0 [tilespmem:s1+$0x10820]  }
0x158: {  	v1 =	vld @!p0 [tilespmem:s0+$0x20];
	_ =	sdelay $0x4  }
0x159: {  	v0 =	vadd.f32 @!p0 v1, v0;
	_ =	sdelay $0x1  }
0x15a: {  	[tilespmem:s1+$0x18820] =	vst @!p0 v0;
	v0 =	vld @!p0 [tilespmem:s1+$0x10830]  }
0x15b: {  	v1 =	vld @!p0 [tilespmem:s0+$0x30];
	_ =	sdelay $0x1  }
0x15c: {  	s15 =	rddreg [dreg:$0xe]  }
0x15d: {  	s21 =	sadd.s32 $0x2C0, s31;
	s22 =	simm.s32 $0x12800;
	s11 =	rddreg [dreg:$0xf]  }
0x15e: {  	s26 =	sadd.s32 s23, s30;
	s30 =	simm.s32 $0x18800;
	s16 =	rddreg [dreg:$0x11]  }
0x15f: {  	s29 =	sadd.s32 $0x1, s29;
	s14 =	sadd.s32 $0xFFFFFF00, s14;
	s10 =	rddreg [dreg:$0x13];
	v0 =	vadd.f32 @!p0 v1, v0  }
0x160: {  	s28 =	sadd.s32 $0x100, s28;
	s12 =	sadd.s32 $0x100, s12;
	s31 =	rddreg [dreg:$0x15]  }
0x161: {  	s17 =	sadd.s32 $0x8000, s17;
	s4 =	rddreg [dreg:$0x17];
	[tilespmem:s1+$0x18830] =	vst @!p0 v0;
	p0 =	sne.s32 s29, $0x62  }
.Ltmp6:
0x162: {  	s15 =	sadd.s32 $0x8000, s15;
	s11 =	sadd.s32 $0x100, s11;
	(pc) =	sbr.rel @!p0 .LBB2_70-.Ltmp6, $4  }
0x163: {  	s16 =	sadd.s32 $0x8000, s16;
	s10 =	sadd.s32 $0x8000, s10;
	s0 =	sshll.u32 s26, $0x4  }
0x164: {  	[tilespmem:s22], [sflag:$0x4] =	stream.indirect.gather [hbm4b:s18+s25], $0x80, s21, s25, $0xb8;
	[tilespmem:$0x1C800] =	vst v63  }
0x165: {  	s4 =	sadd.s32 $0x100, s4;
	s0 =	sadd.s32 s20, s0;
	s1 =	sadd.s32 $0xFFFFFF00, s31  }
0x166: {  	[hbm4b:s0+s24] =	stream.linear.scatter [tilespmem:s30], [sflag:$0x6], $0x4000, $0x38;
	[tilespmem:$0x1C800] =	vst v63  }
.LBB2_12:
0x167: {  	[dreg:$0x15] =	wrdreg s1  }
0x168: {  	[dreg:$0x17] =	wrdreg s4  }
0x169: {  	[dreg:$0x14] =	wrdreg s12  }
0x16a: {  	s0 =	smulhi.u32 $0x51EB851F, s12;
	[dreg:$0x16] =	wrdreg s17  }
0x16b: {  	[dreg:$0x10] =	wrdreg s14  }
0x16c: {  	s6 =	smulhi.u32 $0x51EB851F, s11;
	[dreg:$0x12] =	wrdreg s28;
	s0 =	sshrl.u32 s0, $0x6  }
0x16d: {  	[dreg:$0x13] =	wrdreg s10;
	s2 =	smul.u32 $0xC8, s0  }
0x16e: {  	[dreg:$0xf] =	wrdreg s11;
	s0 =	smul.u32 $0xFFFE7000, s0  }
0x16f: {  	[dreg:$0xd] =	wrdreg s29;
	s6 =	sshrl.u32 s6, $0x6;
	s20 =	sadd.s32 s2, s1  }
0x170: {  	s0 =	sshra.s32 s0, $0x2;
	s3 =	smax.u32 s20, $0x40;
	s1 =	smin.u32 s20, $0x40  }
0x171: {  	s17 =	sadd.s32 s0, s17;
	s3 =	smin.u32 s3, $0x80;
	s5 =	ssub.s32 $0x40, s1  }
0x172: {  	s25 =	sadd.s32 s12, s1;
	s9 =	sshll.u32 s1, $0x9;
	s21 =	sadd.s32 s4, s3  }
0x173: {  	s3 =	sshll.u32 s3, $0x7;
	s22 =	sshrl.u32 s5, $0x1;
	s20 =	sshrl.u32 s9, $0x2  }
0x174: {  	s4 =	ssub.s32 s21, s2;
	s7 =	sadd.s32 $0x18880, s3;
	s3 =	sadd.s32 $0x10880, s3  }
0x175: {  	s23 =	sand.u32 $0x3F, s22;
	s5 =	sadd.s32 $0x10880, s20;
	[dreg:$0x19] =	wrdreg s3  }
0x176: {  	s4 =	sshll.u32 s4, $0x9;
	s3 =	sshll.u32 s23, $0xA;
	[dreg:$0x1a] =	wrdreg s5  }
0x177: {  	s13 =	sshra.s32 s4, $0x2;
	s4 =	sshll.u32 s23, $0x1;
	s3 =	sadd.s32 s9, s3  }
0x178: {  	s8 =	sadd.s32 s4, s1;
	s4 =	sadd.s32 s4, s25;
	s3 =	sshrl.u32 s3, $0x2  }
0x179: {  	s12 =	ssub.s32 s4, s2;
	s4 =	smul.u32 $0xC8, s6;
	s19 =	sadd.s32 $0xFFFFFFFF, s8  }
0x17a: {  	s26 =	sadd.s32 $0x18820, s3;
	s2 =	ssub.s32 s25, s2;
	s1 =	sshll.u32 s12, $0x9  }
0x17b: {  	s2 =	sshll.u32 s2, $0x9;
	s12 =	smul.u32 $0xFFFE7000, s6;
	s21 =	sshra.s32 s1, $0x2  }
0x17c: {  	s14 =	sadd.s32 s4, s14;
	s1 =	sadd.s32 $0x10820, s3;
	s22 =	sshra.s32 s2, $0x2  }
0x17d: {  	s2 =	sadd.s32 $0x18880, s20;
	s20 =	sshll.u32 s29, $0x8;
	s18 =	smax.u32 s14, $0x40  }
0x17e: {  	s8 =	smin.u32 s14, $0x40;
	[dreg:$0x18] =	wrdreg s20;
	s6 =	sadd.s32 $0x100, s20  }
0x17f: {  	s3 =	smin.u32 s18, $0x80;
	s11 =	sadd.s32 s11, s8;
	[dreg:$0x1b] =	wrdreg s6  }
0x180: {  	s23 =	sadd.s32 s28, s3;
	s28 =	sadd.s32 s0, s10;
	s10 =	ssub.s32 $0x40, s8  }
0x181: {  	s3 =	sshll.u32 s3, $0x7;
	s25 =	ssub.s32 s23, s4;
	s5 =	sshrl.u32 s10, $0x1  }
0x182: {  	s0 =	sadd.s32 $0x14880, s3;
	s3 =	sadd.s32 $0xC880, s3;
	s9 =	sshll.u32 s25, $0x9  }
0x183: {  	s5 =	sand.u32 $0x3F, s5;
	[dreg:$0x1d] =	wrdreg s3;
	s25 =	sand.u32 $0xFF00, s6  }
0x184: {  	s14 =	sshra.s32 s9, $0x2;
	s18 =	sshll.u32 s5, $0x1;
	s9 =	sshra.s32 s12, $0x2  }
0x185: {  	s12 =	sshrl.u32 s25, $0x3;
	s5 =	sshll.u32 s5, $0xA;
	s23 =	sadd.s32 s18, s11  }
0x186: {  	s10 =	sadd.s32 s18, s8;
	s8 =	sshll.u32 s8, $0x9;
	s12 =	smul.u32 $0x147B, s12  }
0x187: {  	s3 =	ssub.s32 s23, s4;
	s23 =	sadd.s32 $0xFFFFFFFF, s10;
	s18 =	sadd.s32 s8, s5  }
0x188: {  	s4 =	ssub.s32 s11, s4;
	s3 =	sshll.u32 s3, $0x9;
	s20 =	sshrl.u32 s12, $0x11  }
0x189: {  	s12 =	simm.s32 $0x1;
	s29 =	sshra.s32 s3, $0x2;
	s3 =	sshrl.u32 s18, $0x2  }
0x18a: {  	s5 =	smul.u32 $0xC8, s20;
	_ =	swait.ge [sflag:s12], $0x2000;
	[dreg:$0x11] =	wrdreg s16  }
0x18b: {  	s25 =	sshll.u32 s4, $0x9;
	[dreg:$0xe] =	wrdreg s15;
	s31 =	sadd.s32 $0x14820, s3  }
0x18c: {  	s4 =	sadd.s32 $0xC820, s3;
	[sflag:s12] =	ssyncset.done $0x0;
	s5 =	ssub.s32 s6, s5  }
0x18d: {  	s3 =	sadd.s32 s9, s16;
	s16 =	simm.s32 $0x5;
	s5 =	sand.u32 $0xFFF8, s5  }
0x18e: {  	[sflag:s12] =	ssyncadd.s32 $0xFFFFE000;
	[dreg:$0x1c] =	wrdreg s5;
	s5 =	ssub.s32 $0xC8, s5  }
0x18f: {  	s10 =	sshra.s32 s25, $0x2;
	_ =	swait.ge [sflag:s16], $0x4000;
	s18 =	smax.u32 s5, $0x40  }
0x190: {  	s12 =	smin.u32 s5, $0x40;
	s25 =	smin.u32 s18, $0x80;
	[sflag:s16] =	ssyncset.done $0x0  }
0x191: {  	s5 =	simm.s32 $0xC880;
	[dreg:$0x1e] =	wrdreg s25;
	[sflag:s16] =	ssyncadd.s32 $0xFFFFC000  }
0x192: {  	s20 =	sadd.s32 s9, s15;
	v0 =	vld [tilespmem:s5+$0x0]  }
0x193: {  	v1 =	vld [tilespmem:s20+$0xFFFFFFD0];
	_ =	sdelay $0x3  }
0x194: {  	v2 =	vld [tilespmem:s20+$0xFFFFFF50]  }
0x195: {  	v3 =	vld [tilespmem:s5+$0xFFFFFF80];
	v0 =	vadd.f32 v1, v0  }
0x196: {  	s15 =	simm.s32 $0x14880  }
0x197: {  	[tilespmem:s15+$0x0] =	vst v0  }
0x198: {  	v0 =	vld [tilespmem:s5+$0x10]  }
0x199: {  	p1 =	sgt.u32 s12, $0x2;
	v1 =	vld [tilespmem:s20+$0xFFFFFFE0]  }
.Ltmp7:
0x19a: {  	v2 =	vadd.f32 v2, v3;
	(pc) =	sbr.rel @!p1 .LBB2_13-.Ltmp7, $4  }
0x19b: {  	_ = 	snop  }
0x19c: {  	[tilespmem:s15+$0xFFFFFF80] =	vst v2  }
0x19d: {  	s30 =	simm.s32 $0xC980;
	s11 =	sshrl.u32 s8, $0x2;
	v2 =	vld [tilespmem:s5+$0xFFFFFF90]  }
0x19e: {  	p0 =	por $0x0, $0x0;
	s8 =	sadd.s32 $0x14880, s11;
	s11 =	sadd.s32 $0xC880, s11;
	v4 =	vld [tilespmem:s20+$0xFFFFFF60];
	v5 =	vadd.f32 v1, v0  }
0x19f: {  	_ = 	snop  }
0x1a0: {  	v0 =	vld [tilespmem:s30+$0x0];
	s25 =	sadd.s32 $0x100, s20  }
0x1a1: {  	v1 =	vld [tilespmem:s25+$0xFFFFFFD0];
	[tilespmem:s15+$0x10] =	vst v5  }
0x1a2: {  	v3 =	vld [tilespmem:s5+$0x20]  }
0x1a3: {  	v2 =	vadd.f32 v4, v2;
	v4 =	vld [tilespmem:s20+$0xFFFFFFF0]  }
0x1a4: {  	v6 =	vld [tilespmem:s30+$0xFFFFFF80]  }
0x1a5: {  	v5 =	vld [tilespmem:s25+$0xFFFFFF50];
	[tilespmem:s15+$0xFFFFFF90] =	vst v2  }
0x1a6: {  	v0 =	vadd.f32 v1, v0;
	v2 =	vld [tilespmem:s5+$0xFFFFFFA0]  }
0x1a7: {  	s9 =	simm.s32 $0x14980;
	v7 =	vld [tilespmem:s20+$0xFFFFFF70]  }
0x1a8: {  	[tilespmem:s9+$0x0] =	vst v0;
	v0 =	vadd.f32 v4, v3  }
0x1a9: {  	v8 =	vld [tilespmem:s30+$0x10]  }
0x1aa: {  	p1 =	sgt.u32 s12, $0x4;
	v3 =	vadd.f32 v5, v6;
	v5 =	vld [tilespmem:s25+$0xFFFFFFE0];
	[tilespmem:s15+$0x20] =	vst v0  }
.Ltmp8:
0x1ab: {  	v1 =	vld [tilespmem:s5+$0x30];
	(pc) =	sbr.rel @!p1 .LBB2_15-.Ltmp8, $4  }
0x1ac: {  	[tilespmem:s9+$0xFFFFFF80] =	vst v3;
	v0 =	vadd.f32 v7, v2;
	v3 =	vld [tilespmem:s20+$0x0]  }
0x1ad: {  	v2 =	vld [tilespmem:s30+$0xFFFFFF90]  }
0x1ae: {  	s16 =	simm.s32 $0x4;
	s24 =	simm.s32 $0xCA80;
	v4 =	vld [tilespmem:s25+$0xFFFFFF60];
	[tilespmem:s15+$0xFFFFFFA0] =	vst v0  }
0x1af: {  	p0 =	por $0x1, $0x1;
	s18 =	simm.s32 $0x14980;
	v5 =	vadd.f32 v5, v8;
	v0 =	vld [tilespmem:s5+$0xFFFFFFB0];
	s5 =	smov.u32 s25  }
.LBB2_16:
0x1b0: {  	v6 =	vld [tilespmem:s24+$0x0];
	s5 =	sadd.s32 $0x100, s5;
	s6 =	smov.u32 s30;
	s30 =	smov.u32 s24  }
0x1b1: {  	v7 =	vld [tilespmem:s5+$0xFFFFFFD0];
	[tilespmem:s9+$0x10] =	vst v5;
	v1 =	vadd.f32 v3, v1  }
0x1b2: {  	v3 =	vld [tilespmem:s6+$0x20]  }
0x1b3: {  	v2 =	vadd.f32 v4, v2;
	v4 =	vld [tilespmem:s25+$0xFFFFFFF0];
	[tilespmem:s15+$0x30] =	vst v1  }
0x1b4: {  	s16 =	sadd.s32 $0x2, s16;
	v1 =	vld [tilespmem:s5+$0xFFFFFF50]  }
0x1b5: {  	p1 =	slt.u32 s16, s12;
	v5 =	vld [tilespmem:s24+$0xFFFFFF80];
	[tilespmem:s9+$0xFFFFFF90] =	vst v2  }
0x1b6: {  	v2 =	vadd.f32 v7, v6;
	v6 =	vld [tilespmem:s6+$0xFFFFFFA0]  }
0x1b7: {  	s9 =	sadd.s32 $0x100, s9;
	v7 =	vld [tilespmem:s25+$0xFFFFFF70]  }
0x1b8: {  	[tilespmem:s9+$0x0] =	vst v2;
	v2 =	vadd.f32 v4, v3;
	v4 =	vld [tilespmem:s20+$0xFFFFFF80];
	s20 =	smov.u32 s25;
	s25 =	smov.u32 s5  }
0x1b9: {  	v8 =	vld [tilespmem:s24+$0x10]  }
0x1ba: {  	v3 =	vadd.f32 v1, v5;
	v5 =	vld [tilespmem:s5+$0xFFFFFFE0];
	[tilespmem:s18+$0x20] =	vst v2  }
.Ltmp9:
0x1bb: {  	v1 =	vld [tilespmem:s6+$0x30];
	(pc) =	sbr.rel @p1 .LBB2_16-.Ltmp9, $4  }
0x1bc: {  	[tilespmem:s9+$0xFFFFFF80] =	vst v3;
	v6 =	vadd.f32 v7, v6;
	v3 =	vld [tilespmem:s20+$0x0]  }
0x1bd: {  	v2 =	vld [tilespmem:s24+$0xFFFFFF90];
	v7 =	vadd.f32 v4, v0  }
0x1be: {  	v4 =	vld [tilespmem:s5+$0xFFFFFF60];
	[tilespmem:s18+$0xFFFFFFA0] =	vst v6  }
0x1bf: {  	s24 =	sadd.s32 $0x100, s24;
	v5 =	vadd.f32 v5, v8;
	v0 =	vld [tilespmem:s6+$0xFFFFFFB0];
	[tilespmem:s15+$0xFFFFFFB0] =	vst v7;
	s15 =	smov.u32 s18;
	s18 =	smov.u32 s9  }
0x1c0: {  	s16 =	smov.u32 s15;
	s5 =	smov.u32 s30  }
0x1c1: {  	s15 =	smov.u32 s18;
	s24 =	simm.s32 $0x0;
	s30 =	rddreg [dreg:$0x1b]  }
.LBB2_18:
0x1c2: {  	_ = 	snop  }
0x1c3: {  	[tilespmem:s9+$0x10] =	vst v5;
	v2 =	vadd.f32 v4, v2  }
0x1c4: {  	v60 =	vld [tilespmem:s5+$0x20]  }
0x1c5: {  	v5 =	vld [tilespmem:s25+$0xFFFFFFF0];
	[tilespmem:s9+$0xFFFFFF90] =	vst v2  }
0x1c6: {  	v2 =	vld [tilespmem:s5+$0xFFFFFFA0]  }
0x1c7: {  	v6 =	vld [tilespmem:s25+$0xFFFFFF70];
	_ =	sdelay $0x2  }
0x1c8: {  	v4 =	vadd.f32 v5, v60  }
0x1c9: {  	v5 =	vld @p0 [tilespmem:s20+$0xFFFFFF80]  }
0x1ca: {  	[tilespmem:s15+$0x20] =	vst v4;
	v2 =	vadd.f32 v6, v2  }
0x1cb: {  	v4 =	vld [tilespmem:s5+$0x30]  }
0x1cc: {  	v61 =	vld [tilespmem:s25+$0x0];
	[tilespmem:s15+$0xFFFFFFA0] =	vst v2  }
0x1cd: {  	v1 =	vadd.f32 @p0 v3, v1;
	v2 =	vld [tilespmem:s5+$0xFFFFFFB0]  }
0x1ce: {  	v0 =	vadd.f32 @p0 v5, v0;
	v7 =	vld [tilespmem:s25+$0xFFFFFF80];
	s25 =	ssub.s32 $0x40, s12  }
0x1cf: {  	[tilespmem:s16+$0x30] =	vst @p0 v1;
	s5 =	sand.u32 $0x7E, s25  }
0x1d0: {  	[tilespmem:s16+$0xFFFFFFB0] =	vst @p0 v0;
	p0 =	seq.s32 s5, $0x0  }
.Ltmp10:
0x1d1: {  	_ = 	snop;
	(pc) =	sbr.rel @p0 .LBB2_19-.Ltmp10, $4  }
0x1d2: {  	v62 =	vadd.f32 v61, v4  }
0x1d3: {  	v63 =	vadd.f32 v7, v2  }
0x1d4: {  	[tilespmem:s15+$0x30] =	vst v62  }
0x1d5: {  	s25 =	simm.s32 $0x40;
	s18 =	sadd.s32 s12, s5;
	[tilespmem:s15+$0xFFFFFFB0] =	vst v63  }
0x1d6: {  	v0 =	vld [tilespmem:s11+$0x0]  }
0x1d7: {  	v1 =	vld [tilespmem:s10+$0x80];
	_ =	sdelay $0x3  }
0x1d8: {  	v2 =	vld [tilespmem:s10+$0x0]  }
0x1d9: {  	v3 =	vld [tilespmem:s11+$0xFFFFFF80];
	v0 =	vadd.f32 v1, v0;
	_ =	sdelay $0x1  }
0x1da: {  	[tilespmem:s8+$0x0] =	vst v0  }
0x1db: {  	s5 =	sadd.s32 $0x2, s12;
	v0 =	vld [tilespmem:s11+$0x10]  }
0x1dc: {  	p1 =	slt.u32 s5, s18;
	v1 =	vld [tilespmem:s10+$0x90]  }
.Ltmp11:
0x1dd: {  	v2 =	vadd.f32 v2, v3;
	(pc) =	sbr.rel @!p1 .LBB2_25-.Ltmp11, $4  }
0x1de: {  	_ = 	snop  }
0x1df: {  	[tilespmem:s8+$0xFFFFFF80] =	vst v2  }
0x1e0: {  	v2 =	vld [tilespmem:s11+$0xFFFFFF90]  }
0x1e1: {  	s20 =	sadd.s32 $0x100, s11;
	p0 =	por $0x0, $0x0;
	v4 =	vld [tilespmem:s10+$0x10];
	v5 =	vadd.f32 v1, v0  }
0x1e2: {  	_ = 	snop  }
0x1e3: {  	v0 =	vld [tilespmem:s20+$0x0];
	s12 =	sadd.s32 $0x100, s10  }
0x1e4: {  	v1 =	vld [tilespmem:s12+$0x80];
	[tilespmem:s8+$0x10] =	vst v5  }
0x1e5: {  	v3 =	vld [tilespmem:s11+$0x20]  }
0x1e6: {  	v2 =	vadd.f32 v4, v2;
	v4 =	vld [tilespmem:s10+$0xA0]  }
0x1e7: {  	v6 =	vld [tilespmem:s20+$0xFFFFFF80]  }
0x1e8: {  	v5 =	vld [tilespmem:s12+$0x0];
	[tilespmem:s8+$0xFFFFFF90] =	vst v2  }
0x1e9: {  	v0 =	vadd.f32 v1, v0;
	v2 =	vld [tilespmem:s11+$0xFFFFFFA0]  }
0x1ea: {  	s9 =	sadd.s32 $0x100, s8;
	v7 =	vld [tilespmem:s10+$0x20]  }
0x1eb: {  	[tilespmem:s9+$0x0] =	vst v0;
	v0 =	vadd.f32 v4, v3  }
0x1ec: {  	s5 =	sadd.s32 $0x2, s5;
	v8 =	vld [tilespmem:s20+$0x10]  }
0x1ed: {  	p1 =	slt.u32 s5, s18;
	v3 =	vadd.f32 v5, v6;
	v5 =	vld [tilespmem:s12+$0x90];
	[tilespmem:s8+$0x20] =	vst v0  }
.Ltmp12:
0x1ee: {  	v1 =	vld [tilespmem:s11+$0x30];
	(pc) =	sbr.rel @!p1 .LBB2_27-.Ltmp12, $4  }
0x1ef: {  	[tilespmem:s9+$0xFFFFFF80] =	vst v3;
	v0 =	vadd.f32 v7, v2;
	v3 =	vld [tilespmem:s10+$0xB0]  }
0x1f0: {  	v2 =	vld [tilespmem:s20+$0xFFFFFF90]  }
0x1f1: {  	s16 =	sadd.s32 $0x100, s20;
	v4 =	vld [tilespmem:s12+$0x10];
	[tilespmem:s8+$0xFFFFFFA0] =	vst v0  }
0x1f2: {  	p0 =	por $0x1, $0x1;
	s15 =	smov.u32 s9;
	v5 =	vadd.f32 v5, v8;
	v0 =	vld [tilespmem:s11+$0xFFFFFFB0];
	s11 =	smov.u32 s12  }
.LBB2_28:
0x1f3: {  	v6 =	vld [tilespmem:s16+$0x0];
	s11 =	sadd.s32 $0x100, s11;
	s6 =	smov.u32 s20;
	s20 =	smov.u32 s16  }
0x1f4: {  	v7 =	vld [tilespmem:s11+$0x80];
	[tilespmem:s9+$0x10] =	vst v5;
	v1 =	vadd.f32 v3, v1  }
0x1f5: {  	v3 =	vld [tilespmem:s6+$0x20]  }
0x1f6: {  	v2 =	vadd.f32 v4, v2;
	v4 =	vld [tilespmem:s12+$0xA0];
	[tilespmem:s8+$0x30] =	vst v1  }
0x1f7: {  	s5 =	sadd.s32 $0x2, s5;
	v1 =	vld [tilespmem:s11+$0x0]  }
0x1f8: {  	p1 =	slt.u32 s5, s18;
	v5 =	vld [tilespmem:s16+$0xFFFFFF80];
	[tilespmem:s9+$0xFFFFFF90] =	vst v2  }
0x1f9: {  	v2 =	vadd.f32 v7, v6;
	v6 =	vld [tilespmem:s6+$0xFFFFFFA0]  }
0x1fa: {  	s9 =	sadd.s32 $0x100, s9;
	v7 =	vld [tilespmem:s12+$0x20]  }
0x1fb: {  	[tilespmem:s9+$0x0] =	vst v2;
	v2 =	vadd.f32 v4, v3;
	v4 =	vld [tilespmem:s10+$0x30];
	s10 =	smov.u32 s12;
	s12 =	smov.u32 s11  }
0x1fc: {  	v8 =	vld [tilespmem:s16+$0x10]  }
0x1fd: {  	v3 =	vadd.f32 v1, v5;
	v5 =	vld [tilespmem:s11+$0x90];
	[tilespmem:s15+$0x20] =	vst v2  }
.Ltmp13:
0x1fe: {  	v1 =	vld [tilespmem:s6+$0x30];
	(pc) =	sbr.rel @p1 .LBB2_28-.Ltmp13, $4  }
0x1ff: {  	[tilespmem:s9+$0xFFFFFF80] =	vst v3;
	v6 =	vadd.f32 v7, v6;
	v3 =	vld [tilespmem:s10+$0xB0]  }
0x200: {  	v2 =	vld [tilespmem:s16+$0xFFFFFF90];
	v7 =	vadd.f32 v4, v0  }
0x201: {  	v4 =	vld [tilespmem:s11+$0x10];
	[tilespmem:s15+$0xFFFFFFA0] =	vst v6  }
0x202: {  	s16 =	sadd.s32 $0x100, s16;
	v5 =	vadd.f32 v5, v8;
	v0 =	vld [tilespmem:s6+$0xFFFFFFB0];
	[tilespmem:s8+$0xFFFFFFB0] =	vst v7;
	s8 =	smov.u32 s15;
	s15 =	smov.u32 s9  }
0x203: {  	s5 =	smov.u32 s8;
	s11 =	smov.u32 s20;
	s8 =	smov.u32 s15  }
.LBB2_30:
0x204: {  	_ =	sdelay $0x1  }
0x205: {  	[tilespmem:s9+$0x10] =	vst v5;
	v2 =	vadd.f32 v4, v2  }
0x206: {  	v60 =	vld [tilespmem:s11+$0x20]  }
0x207: {  	v5 =	vld [tilespmem:s12+$0xA0];
	[tilespmem:s9+$0xFFFFFF90] =	vst v2  }
0x208: {  	v2 =	vld [tilespmem:s11+$0xFFFFFFA0]  }
0x209: {  	v6 =	vld [tilespmem:s12+$0x20];
	_ =	sdelay $0x2  }
0x20a: {  	v4 =	vadd.f32 v5, v60;
	_ =	sdelay $0x1  }
0x20b: {  	v5 =	vld @p0 [tilespmem:s10+$0x30];
	[tilespmem:s8+$0x20] =	vst v4;
	v2 =	vadd.f32 v6, v2  }
0x20c: {  	v4 =	vld [tilespmem:s11+$0x30]  }
0x20d: {  	v61 =	vld [tilespmem:s12+$0xB0];
	[tilespmem:s8+$0xFFFFFFA0] =	vst v2  }
0x20e: {  	v2 =	vld [tilespmem:s11+$0xFFFFFFB0]  }
0x20f: {  	v7 =	vld [tilespmem:s12+$0x30];
	_ =	sdelay $0x1  }
0x210: {  	v1 =	vadd.f32 @p0 v3, v1  }
0x211: {  	v0 =	vadd.f32 @p0 v5, v0  }
0x212: {  	[tilespmem:s5+$0x30] =	vst @p0 v1;
	v62 =	vadd.f32 v61, v4  }
0x213: {  	[tilespmem:s5+$0xFFFFFFB0] =	vst @p0 v0;
	v63 =	vadd.f32 v7, v2  }
0x214: {  	[tilespmem:s8+$0x30] =	vst v62  }
0x215: {  	[tilespmem:s8+$0xFFFFFFB0] =	vst v63  }
.LBB2_19:
0x216: {  	p0 =	sgt.u32 s18, $0x3F  }
.Ltmp14:
0x217: {  	_ = 	snop;
	(pc) =	sbr.rel @p0 .LBB2_21-.Ltmp14, $1  }
0x218: {  	_ =	sdelay $0x3  }
.LBB2_20:
0x219: {  	v0 =	vld [tilespmem:s4+$0xFFFFFFE0]  }
0x21a: {  	v1 =	vld [tilespmem:s29+$0x0];
	_ =	sdelay $0x4  }
0x21b: {  	v0 =	vadd.f32 v1, v0;
	_ =	sdelay $0x1  }
0x21c: {  	[tilespmem:s31+$0xFFFFFFE0] =	vst v0  }
0x21d: {  	v0 =	vld [tilespmem:s4+$0xFFFFFFF0]  }
0x21e: {  	v61 =	vld [tilespmem:s29+$0x10];
	_ =	sdelay $0x4  }
0x21f: {  	v0 =	vadd.f32 v61, v0;
	_ =	sdelay $0x1  }
0x220: {  	[tilespmem:s31+$0xFFFFFFF0] =	vst v0  }
0x221: {  	v0 =	vld [tilespmem:s4+$0x0]  }
0x222: {  	v62 =	vld [tilespmem:s29+$0x20];
	_ =	sdelay $0x4  }
0x223: {  	v0 =	vadd.f32 v62, v0;
	_ =	sdelay $0x1  }
0x224: {  	[tilespmem:s31+$0x0] =	vst v0  }
0x225: {  	v0 =	vld [tilespmem:s4+$0x10]  }
0x226: {  	v63 =	vld [tilespmem:s29+$0x30]  }
0x227: {  	s23 =	sadd.s32 $0x1, s23  }
0x228: {  	p0 =	slt.u32 s23, $0x3F  }
.Ltmp15:
0x229: {  	_ = 	snop;
	(pc) =	sbr.rel @p0 .LBB2_20-.Ltmp15, $3  }
0x22a: {  	_ = 	snop  }
0x22b: {  	v0 =	vadd.f32 v63, v0;
	_ =	sdelay $0x1  }
0x22c: {  	s29 =	sadd.s32 $0x80, s29;
	s4 =	sadd.s32 $0x80, s4;
	[tilespmem:s31+$0x10] =	vst v0;
	s31 =	sadd.s32 $0x80, s31  }
.LBB2_21:
0x22d: {  	s31 =	rddreg [dreg:$0x18]  }
0x22e: {  	s18 =	rddreg [dreg:$0x2]  }
0x22f: {  	s5 =	simm.s32 $0xC800;
	s23 =	simm.s32 $0x3;
	s4 =	sadd.s32 $0x200, s31  }
0x230: {  	[tilespmem:s5], [sflag:$0x1] =	stream.indirect.gather [hbm4b:s18+s25], $0x80, s4, s25, $0xb8;
	[tilespmem:$0x1C800] =	vst v63  }
0x231: {  	_ =	swait.ge [sflag:s23], $0x2000  }
0x232: {  	s11 =	rddreg [dreg:$0x1e]  }
0x233: {  	s4 =	sand.u32 $0xFE, s11  }
0x234: {  	p0 =	slt.u32 s4, $0x41  }
.Ltmp16:
0x235: {  	_ = 	snop;
	(pc) =	sbr.rel @p0 .LBB2_36-.Ltmp16, $4  }
0x236: {  	_ = 	snop  }
0x237: {  	s20 =	rddreg [dreg:$0x4]  }
0x238: {  	[sflag:s23] =	ssyncset.done $0x0;
	s29 =	rddreg [dreg:$0xd]  }
0x239: {  	[sflag:s23] =	ssyncadd.s32 $0xFFFFE000;
	s23 =	rddreg [dreg:$0x5]  }
0x23a: {  	s12 =	simm.s32 $0xE8B0;
	v1 =	vld [tilespmem:s3+$0xFFFFFFD0]  }
0x23b: {  	v0 =	vld [tilespmem:s12+$0xFFFFFFD0];
	_ =	sdelay $0x3  }
0x23c: {  	v2 =	vld [tilespmem:s3+$0xFFFFFF50]  }
0x23d: {  	v3 =	vld [tilespmem:s12+$0xFFFFFF50];
	v0 =	vadd.f32 v1, v0  }
0x23e: {  	s8 =	simm.s32 $0x168B0  }
0x23f: {  	[tilespmem:s8+$0xFFFFFFD0] =	vst v0  }
0x240: {  	v0 =	vld [tilespmem:s12+$0xFFFFFFE0]  }
0x241: {  	p1 =	sgt.u32 s4, $0x42;
	v1 =	vld [tilespmem:s3+$0xFFFFFFE0]  }
.Ltmp17:
0x242: {  	v2 =	vadd.f32 v2, v3;
	(pc) =	sbr.rel @!p1 .LBB2_23-.Ltmp17, $4  }
0x243: {  	_ = 	snop  }
0x244: {  	[tilespmem:s8+$0xFFFFFF50] =	vst v2  }
0x245: {  	v2 =	vld [tilespmem:s12+$0xFFFFFF60]  }
0x246: {  	s11 =	simm.s32 $0xE9B0;
	p0 =	por $0x0, $0x0;
	v4 =	vld [tilespmem:s3+$0xFFFFFF60];
	v5 =	vadd.f32 v1, v0  }
0x247: {  	_ = 	snop  }
0x248: {  	v0 =	vld [tilespmem:s11+$0xFFFFFFD0];
	s10 =	sadd.s32 $0x100, s3  }
0x249: {  	v1 =	vld [tilespmem:s10+$0xFFFFFFD0];
	[tilespmem:s8+$0xFFFFFFE0] =	vst v5  }
0x24a: {  	v3 =	vld [tilespmem:s12+$0xFFFFFFF0]  }
0x24b: {  	v2 =	vadd.f32 v4, v2;
	v4 =	vld [tilespmem:s3+$0xFFFFFFF0]  }
0x24c: {  	v6 =	vld [tilespmem:s11+$0xFFFFFF50]  }
0x24d: {  	v5 =	vld [tilespmem:s10+$0xFFFFFF50];
	[tilespmem:s8+$0xFFFFFF60] =	vst v2  }
0x24e: {  	v0 =	vadd.f32 v1, v0;
	v2 =	vld [tilespmem:s12+$0xFFFFFF70]  }
0x24f: {  	s9 =	simm.s32 $0x169B0;
	v7 =	vld [tilespmem:s3+$0xFFFFFF70]  }
0x250: {  	[tilespmem:s9+$0xFFFFFFD0] =	vst v0;
	v0 =	vadd.f32 v4, v3  }
0x251: {  	v8 =	vld [tilespmem:s11+$0xFFFFFFE0]  }
0x252: {  	p1 =	sgt.u32 s4, $0x44;
	v3 =	vadd.f32 v5, v6;
	v5 =	vld [tilespmem:s10+$0xFFFFFFE0];
	[tilespmem:s8+$0xFFFFFFF0] =	vst v0  }
.Ltmp18:
0x253: {  	v1 =	vld [tilespmem:s12+$0x0];
	(pc) =	sbr.rel @!p1 .LBB2_32-.Ltmp18, $4  }
0x254: {  	[tilespmem:s9+$0xFFFFFF50] =	vst v3;
	v0 =	vadd.f32 v7, v2;
	v3 =	vld [tilespmem:s3+$0x0]  }
0x255: {  	v2 =	vld [tilespmem:s11+$0xFFFFFF60]  }
0x256: {  	s5 =	simm.s32 $0x44;
	s16 =	simm.s32 $0xEAB0;
	v4 =	vld [tilespmem:s10+$0xFFFFFF60];
	[tilespmem:s8+$0xFFFFFF70] =	vst v0  }
0x257: {  	p0 =	por $0x1, $0x1;
	s15 =	simm.s32 $0x169B0;
	v5 =	vadd.f32 v5, v8;
	v0 =	vld [tilespmem:s12+$0xFFFFFF80];
	s12 =	smov.u32 s10  }
.LBB2_33:
0x258: {  	v6 =	vld [tilespmem:s16+$0xFFFFFFD0];
	s12 =	sadd.s32 $0x100, s12;
	s6 =	smov.u32 s11;
	s11 =	smov.u32 s16  }
0x259: {  	v7 =	vld [tilespmem:s12+$0xFFFFFFD0];
	[tilespmem:s9+$0xFFFFFFE0] =	vst v5;
	v1 =	vadd.f32 v3, v1  }
0x25a: {  	v3 =	vld [tilespmem:s6+$0xFFFFFFF0]  }
0x25b: {  	v2 =	vadd.f32 v4, v2;
	v4 =	vld [tilespmem:s10+$0xFFFFFFF0];
	[tilespmem:s8+$0x0] =	vst v1  }
0x25c: {  	s5 =	sadd.s32 $0x2, s5;
	v1 =	vld [tilespmem:s12+$0xFFFFFF50]  }
0x25d: {  	p1 =	slt.u32 s5, s4;
	v5 =	vld [tilespmem:s16+$0xFFFFFF50];
	[tilespmem:s9+$0xFFFFFF60] =	vst v2  }
0x25e: {  	v2 =	vadd.f32 v7, v6;
	v6 =	vld [tilespmem:s6+$0xFFFFFF70]  }
0x25f: {  	s9 =	sadd.s32 $0x100, s9;
	v7 =	vld [tilespmem:s10+$0xFFFFFF70]  }
0x260: {  	[tilespmem:s9+$0xFFFFFFD0] =	vst v2;
	v2 =	vadd.f32 v4, v3;
	v4 =	vld [tilespmem:s3+$0xFFFFFF80];
	s3 =	smov.u32 s10;
	s10 =	smov.u32 s12  }
0x261: {  	v8 =	vld [tilespmem:s16+$0xFFFFFFE0]  }
0x262: {  	v3 =	vadd.f32 v1, v5;
	v5 =	vld [tilespmem:s12+$0xFFFFFFE0];
	[tilespmem:s15+$0xFFFFFFF0] =	vst v2  }
.Ltmp19:
0x263: {  	v1 =	vld [tilespmem:s6+$0x0];
	(pc) =	sbr.rel @p1 .LBB2_33-.Ltmp19, $4  }
0x264: {  	[tilespmem:s9+$0xFFFFFF50] =	vst v3;
	v6 =	vadd.f32 v7, v6;
	v3 =	vld [tilespmem:s3+$0x0]  }
0x265: {  	v2 =	vld [tilespmem:s16+$0xFFFFFF60];
	v7 =	vadd.f32 v4, v0  }
0x266: {  	v4 =	vld [tilespmem:s12+$0xFFFFFF60];
	[tilespmem:s15+$0xFFFFFF70] =	vst v6  }
0x267: {  	s16 =	sadd.s32 $0x100, s16;
	v5 =	vadd.f32 v5, v8;
	v0 =	vld [tilespmem:s6+$0xFFFFFF80];
	[tilespmem:s8+$0xFFFFFF80] =	vst v7;
	s8 =	smov.u32 s15;
	s15 =	smov.u32 s9  }
0x268: {  	s5 =	smov.u32 s8  }
0x269: {  	s12 =	smov.u32 s11;
	s8 =	smov.u32 s15;
	s11 =	rddreg [dreg:$0x1e]  }
.LBB2_35:
0x26a: {  	_ = 	snop  }
0x26b: {  	[tilespmem:s9+$0xFFFFFFE0] =	vst v5;
	v2 =	vadd.f32 v4, v2  }
0x26c: {  	v60 =	vld [tilespmem:s12+$0xFFFFFFF0]  }
0x26d: {  	v5 =	vld [tilespmem:s10+$0xFFFFFFF0];
	[tilespmem:s9+$0xFFFFFF60] =	vst v2  }
0x26e: {  	v2 =	vld [tilespmem:s12+$0xFFFFFF70]  }
0x26f: {  	v6 =	vld [tilespmem:s10+$0xFFFFFF70];
	_ =	sdelay $0x2  }
0x270: {  	v4 =	vadd.f32 v5, v60;
	_ =	sdelay $0x1  }
0x271: {  	v5 =	vld @p0 [tilespmem:s3+$0xFFFFFF80];
	[tilespmem:s8+$0xFFFFFFF0] =	vst v4;
	v2 =	vadd.f32 v6, v2  }
0x272: {  	v4 =	vld [tilespmem:s12+$0x0]  }
0x273: {  	v61 =	vld [tilespmem:s10+$0x0];
	[tilespmem:s8+$0xFFFFFF70] =	vst v2  }
0x274: {  	v2 =	vld [tilespmem:s12+$0xFFFFFF80]  }
0x275: {  	v7 =	vld [tilespmem:s10+$0xFFFFFF80];
	_ =	sdelay $0x1  }
0x276: {  	v1 =	vadd.f32 @p0 v3, v1  }
0x277: {  	v0 =	vadd.f32 @p0 v5, v0  }
0x278: {  	[tilespmem:s5+$0x0] =	vst @p0 v1;
	v62 =	vadd.f32 v61, v4  }
0x279: {  	[tilespmem:s5+$0xFFFFFF80] =	vst @p0 v0;
	v63 =	vadd.f32 v7, v2  }
0x27a: {  	[tilespmem:s8+$0x0] =	vst v62  }
0x27b: {  	[tilespmem:s8+$0xFFFFFF80] =	vst v63  }
.LBB2_36:
0x27c: {  	p0 =	seq.s32 s4, s11;
	s3 =	rddreg [dreg:$0x1c]  }
0x27d: {  	s3 =	sadd.s32 @!p0 s3, s4;
	s4 =	sshll.u32 @!p0 s4, $0x7  }
0x27e: {  	v0 =	vld @!p0 [tilespmem:s4+$0xC800];
	s3 =	sshll.u32 @!p0 s3, $0x7  }
0x27f: {  	v1 =	vld @!p0 [tilespmem:s3+$0x6400];
	_ =	sdelay $0x4  }
0x280: {  	v0 =	vadd.f32 @!p0 v1, v0;
	_ =	sdelay $0x1  }
0x281: {  	[tilespmem:s4+$0x14800] =	vst @!p0 v0;
	v0 =	vld @!p0 [tilespmem:s4+$0xC810]  }
0x282: {  	v1 =	vld @!p0 [tilespmem:s3+$0x6410];
	_ =	sdelay $0x4  }
0x283: {  	v0 =	vadd.f32 @!p0 v1, v0;
	_ =	sdelay $0x1  }
0x284: {  	[tilespmem:s4+$0x14810] =	vst @!p0 v0;
	v0 =	vld @!p0 [tilespmem:s4+$0xC820]  }
0x285: {  	v1 =	vld @!p0 [tilespmem:s3+$0x6420];
	_ =	sdelay $0x4  }
0x286: {  	v0 =	vadd.f32 @!p0 v1, v0;
	_ =	sdelay $0x1  }
0x287: {  	[tilespmem:s4+$0x14820] =	vst @!p0 v0;
	v0 =	vld @!p0 [tilespmem:s4+$0xC830]  }
0x288: {  	v1 =	vld @!p0 [tilespmem:s3+$0x6430];
	_ =	sdelay $0x4  }
0x289: {  	s16 =	ssub.s32 $0x80, s11;
	v0 =	vadd.f32 @!p0 v1, v0  }
0x28a: {  	s3 =	sand.u32 $0xFE, s16  }
0x28b: {  	[tilespmem:s4+$0x14830] =	vst @!p0 v0;
	p0 =	seq.s32 s3, $0x0  }
.Ltmp20:
0x28c: {  	_ = 	snop;
	(pc) =	sbr.rel @p0 .LBB2_37-.Ltmp20, $2  }
0x28d: {  	_ =	sdelay $0x2  }
0x28e: {  	s6 =	rddreg [dreg:$0x1d];
	s3 =	sadd.s32 s11, s3  }
0x28f: {  	v0 =	vld [tilespmem:s6+$0x0]  }
0x290: {  	v1 =	vld [tilespmem:s14+$0x0];
	_ =	sdelay $0x3  }
0x291: {  	v2 =	vld [tilespmem:s14+$0xFFFFFF80]  }
0x292: {  	v3 =	vld [tilespmem:s6+$0xFFFFFF80];
	v0 =	vadd.f32 v1, v0;
	_ =	sdelay $0x1  }
0x293: {  	[tilespmem:s0+$0x0] =	vst v0  }
0x294: {  	s5 =	sadd.s32 $0x2, s11;
	v0 =	vld [tilespmem:s6+$0x10]  }
0x295: {  	p1 =	slt.u32 s5, s3;
	v1 =	vld [tilespmem:s14+$0x10]  }
.Ltmp21:
0x296: {  	v2 =	vadd.f32 v2, v3;
	(pc) =	sbr.rel @!p1 .LBB2_40-.Ltmp21, $4  }
0x297: {  	_ = 	snop  }
0x298: {  	[tilespmem:s0+$0xFFFFFF80] =	vst v2  }
0x299: {  	v2 =	vld [tilespmem:s6+$0xFFFFFF90]  }
0x29a: {  	s9 =	sadd.s32 $0x100, s6;
	p0 =	por $0x0, $0x0;
	v4 =	vld [tilespmem:s14+$0xFFFFFF90];
	v5 =	vadd.f32 v1, v0  }
0x29b: {  	_ = 	snop  }
0x29c: {  	v0 =	vld [tilespmem:s9+$0x0];
	s4 =	sadd.s32 $0x100, s14  }
0x29d: {  	v1 =	vld [tilespmem:s4+$0x0];
	[tilespmem:s0+$0x10] =	vst v5  }
0x29e: {  	v3 =	vld [tilespmem:s6+$0x20]  }
0x29f: {  	v2 =	vadd.f32 v4, v2;
	v4 =	vld [tilespmem:s14+$0x20]  }
0x2a0: {  	v6 =	vld [tilespmem:s9+$0xFFFFFF80]  }
0x2a1: {  	v5 =	vld [tilespmem:s4+$0xFFFFFF80];
	[tilespmem:s0+$0xFFFFFF90] =	vst v2  }
0x2a2: {  	v0 =	vadd.f32 v1, v0;
	v2 =	vld [tilespmem:s6+$0xFFFFFFA0]  }
0x2a3: {  	s8 =	sadd.s32 $0x100, s0;
	v7 =	vld [tilespmem:s14+$0xFFFFFFA0]  }
0x2a4: {  	[tilespmem:s8+$0x0] =	vst v0;
	v0 =	vadd.f32 v4, v3  }
0x2a5: {  	s5 =	sadd.s32 $0x2, s5;
	v8 =	vld [tilespmem:s9+$0x10]  }
0x2a6: {  	p1 =	slt.u32 s5, s3;
	v3 =	vadd.f32 v5, v6;
	v5 =	vld [tilespmem:s4+$0x10];
	[tilespmem:s0+$0x20] =	vst v0  }
.Ltmp22:
0x2a7: {  	v1 =	vld [tilespmem:s6+$0x30];
	(pc) =	sbr.rel @!p1 .LBB2_42-.Ltmp22, $4  }
0x2a8: {  	[tilespmem:s8+$0xFFFFFF80] =	vst v3;
	v0 =	vadd.f32 v7, v2;
	v3 =	vld [tilespmem:s14+$0x30]  }
0x2a9: {  	v2 =	vld [tilespmem:s9+$0xFFFFFF90]  }
0x2aa: {  	s10 =	sadd.s32 $0x100, s9;
	v4 =	vld [tilespmem:s4+$0xFFFFFF90];
	[tilespmem:s0+$0xFFFFFFA0] =	vst v0  }
0x2ab: {  	p0 =	por $0x1, $0x1;
	s11 =	smov.u32 s8;
	v5 =	vadd.f32 v5, v8;
	v0 =	vld [tilespmem:s6+$0xFFFFFFB0];
	s6 =	smov.u32 s4  }
.LBB2_43:
0x2ac: {  	v6 =	vld [tilespmem:s10+$0x0];
	s6 =	sadd.s32 $0x100, s6;
	s12 =	smov.u32 s9;
	s9 =	smov.u32 s10  }
0x2ad: {  	v7 =	vld [tilespmem:s6+$0x0];
	[tilespmem:s8+$0x10] =	vst v5;
	v1 =	vadd.f32 v3, v1  }
0x2ae: {  	v3 =	vld [tilespmem:s12+$0x20]  }
0x2af: {  	v2 =	vadd.f32 v4, v2;
	v4 =	vld [tilespmem:s4+$0x20];
	[tilespmem:s0+$0x30] =	vst v1  }
0x2b0: {  	s5 =	sadd.s32 $0x2, s5;
	v1 =	vld [tilespmem:s6+$0xFFFFFF80]  }
0x2b1: {  	p1 =	slt.u32 s5, s3;
	v5 =	vld [tilespmem:s10+$0xFFFFFF80];
	[tilespmem:s8+$0xFFFFFF90] =	vst v2  }
0x2b2: {  	v2 =	vadd.f32 v7, v6;
	v6 =	vld [tilespmem:s12+$0xFFFFFFA0]  }
0x2b3: {  	s8 =	sadd.s32 $0x100, s8;
	v7 =	vld [tilespmem:s4+$0xFFFFFFA0]  }
0x2b4: {  	[tilespmem:s8+$0x0] =	vst v2;
	v2 =	vadd.f32 v4, v3;
	v4 =	vld [tilespmem:s14+$0xFFFFFFB0];
	s14 =	smov.u32 s4;
	s4 =	smov.u32 s6  }
0x2b5: {  	v8 =	vld [tilespmem:s10+$0x10]  }
0x2b6: {  	v3 =	vadd.f32 v1, v5;
	v5 =	vld [tilespmem:s6+$0x10];
	[tilespmem:s11+$0x20] =	vst v2  }
.Ltmp23:
0x2b7: {  	v1 =	vld [tilespmem:s12+$0x30];
	(pc) =	sbr.rel @p1 .LBB2_43-.Ltmp23, $4  }
0x2b8: {  	[tilespmem:s8+$0xFFFFFF80] =	vst v3;
	v6 =	vadd.f32 v7, v6;
	v3 =	vld [tilespmem:s14+$0x30]  }
0x2b9: {  	v2 =	vld [tilespmem:s10+$0xFFFFFF90];
	v7 =	vadd.f32 v4, v0  }
0x2ba: {  	v4 =	vld [tilespmem:s6+$0xFFFFFF90];
	[tilespmem:s11+$0xFFFFFFA0] =	vst v6  }
0x2bb: {  	s10 =	sadd.s32 $0x100, s10;
	v5 =	vadd.f32 v5, v8;
	v0 =	vld [tilespmem:s12+$0xFFFFFFB0];
	[tilespmem:s0+$0xFFFFFFB0] =	vst v7;
	s0 =	smov.u32 s11;
	s11 =	smov.u32 s8  }
0x2bc: {  	s5 =	smov.u32 s0;
	s6 =	smov.u32 s9;
	s0 =	smov.u32 s11  }
.LBB2_45:
0x2bd: {  	_ =	sdelay $0x1  }
0x2be: {  	[tilespmem:s8+$0x10] =	vst v5;
	v2 =	vadd.f32 v4, v2  }
0x2bf: {  	v60 =	vld [tilespmem:s6+$0x20]  }
0x2c0: {  	v5 =	vld [tilespmem:s4+$0x20];
	[tilespmem:s8+$0xFFFFFF90] =	vst v2  }
0x2c1: {  	v2 =	vld [tilespmem:s6+$0xFFFFFFA0]  }
0x2c2: {  	v6 =	vld [tilespmem:s4+$0xFFFFFFA0];
	_ =	sdelay $0x2  }
0x2c3: {  	v4 =	vadd.f32 v5, v60;
	_ =	sdelay $0x1  }
0x2c4: {  	v5 =	vld @p0 [tilespmem:s14+$0xFFFFFFB0];
	[tilespmem:s0+$0x20] =	vst v4;
	v2 =	vadd.f32 v6, v2  }
0x2c5: {  	v4 =	vld [tilespmem:s6+$0x30]  }
0x2c6: {  	v61 =	vld [tilespmem:s4+$0x30];
	[tilespmem:s0+$0xFFFFFFA0] =	vst v2  }
0x2c7: {  	v2 =	vld [tilespmem:s6+$0xFFFFFFB0]  }
0x2c8: {  	v7 =	vld [tilespmem:s4+$0xFFFFFFB0];
	_ =	sdelay $0x1  }
0x2c9: {  	v1 =	vadd.f32 @p0 v3, v1  }
0x2ca: {  	v0 =	vadd.f32 @p0 v5, v0  }
0x2cb: {  	[tilespmem:s5+$0x30] =	vst @p0 v1;
	v62 =	vadd.f32 v61, v4  }
0x2cc: {  	[tilespmem:s5+$0xFFFFFFB0] =	vst @p0 v0;
	v63 =	vadd.f32 v7, v2  }
0x2cd: {  	[tilespmem:s0+$0x30] =	vst v62  }
0x2ce: {  	[tilespmem:s0+$0xFFFFFFB0] =	vst v63  }
.LBB2_37:
0x2cf: {  	p0 =	sgt.u32 s3, $0x7F;
	s0 =	rddreg [dreg:$0x1c]  }
0x2d0: {  	s0 =	sadd.s32 @!p0 s0, s3;
	s3 =	sshll.u32 @!p0 s3, $0x7  }
0x2d1: {  	v0 =	vld @!p0 [tilespmem:s3+$0xC800];
	s0 =	sshll.u32 @!p0 s0, $0x7  }
0x2d2: {  	v1 =	vld @!p0 [tilespmem:s0+$0x0];
	_ =	sdelay $0x4  }
0x2d3: {  	v0 =	vadd.f32 @!p0 v1, v0;
	_ =	sdelay $0x1  }
0x2d4: {  	[tilespmem:s3+$0x14800] =	vst @!p0 v0;
	v0 =	vld @!p0 [tilespmem:s3+$0xC810]  }
0x2d5: {  	v1 =	vld @!p0 [tilespmem:s0+$0x10];
	_ =	sdelay $0x4  }
0x2d6: {  	v0 =	vadd.f32 @!p0 v1, v0;
	_ =	sdelay $0x1  }
0x2d7: {  	[tilespmem:s3+$0x14810] =	vst @!p0 v0;
	v0 =	vld @!p0 [tilespmem:s3+$0xC820]  }
0x2d8: {  	v1 =	vld @!p0 [tilespmem:s0+$0x20];
	_ =	sdelay $0x4  }
0x2d9: {  	v0 =	vadd.f32 @!p0 v1, v0;
	_ =	sdelay $0x1  }
0x2da: {  	[tilespmem:s3+$0x14820] =	vst @!p0 v0;
	v0 =	vld @!p0 [tilespmem:s3+$0xC830]  }
0x2db: {  	v1 =	vld @!p0 [tilespmem:s0+$0x30];
	_ =	sdelay $0x4  }
0x2dc: {  	v0 =	vadd.f32 @!p0 v1, v0  }
0x2dd: {  	s8 =	sadd.s32 $0x240, s31;
	s10 =	sadd.s32 s23, s30  }
0x2de: {  	s9 =	simm.s32 $0xE800;
	s11 =	simm.s32 $0x0;
	s0 =	sshll.u32 s10, $0x4;
	[tilespmem:s3+$0x14830] =	vst @!p0 v0  }
0x2df: {  	[tilespmem:s9], [sflag:$0x3] =	stream.indirect.gather [hbm4b:s18+s25], $0x80, s8, s25, $0xb8;
	[tilespmem:$0x1C800] =	vst v63  }
0x2e0: {  	s5 =	simm.s32 $0x14800;
	s14 =	simm.s32 $0x2;
	s0 =	sadd.s32 s20, s0  }
0x2e1: {  	[hbm4b:s0+s11] =	stream.linear.scatter [tilespmem:s5], [sflag:$0x5], $0x4000, $0x38;
	[tilespmem:$0x1C800] =	vst v63  }
0x2e2: {  	_ =	swait.ge [sflag:s14], $0x2000  }
0x2e3: {  	[sflag:s14] =	ssyncset.done $0x0  }
0x2e4: {  	s6 =	simm.s32 $0x6;
	[sflag:s14] =	ssyncadd.s32 $0xFFFFE000  }
0x2e5: {  	_ =	swait.ge [sflag:s6], $0x4000  }
0x2e6: {  	[sflag:s6] =	ssyncset.done $0x0  }
0x2e7: {  	s10 =	simm.s32 $0x10880;
	[sflag:s6] =	ssyncadd.s32 $0xFFFFC000  }
0x2e8: {  	v0 =	vld [tilespmem:s10+$0x0]  }
0x2e9: {  	s30 =	sadd.s32 $0x180, s31;
	v1 =	vld [tilespmem:s28+$0xFFFFFFD0]  }
0x2ea: {  	s4 =	smulhi.u32 $0x51EB851F, s30;
	_ =	sdelay $0x1  }
0x2eb: {  	s12 =	sshrl.u32 s4, $0x6  }
0x2ec: {  	s0 =	smul.u32 $0xC8, s12;
	v2 =	vld [tilespmem:s28+$0xFFFFFF50]  }
0x2ed: {  	v3 =	vld [tilespmem:s10+$0xFFFFFF80];
	v0 =	vadd.f32 v1, v0  }
0x2ee: {  	s4 =	simm.s32 $0x18880;
	s0 =	ssub.s32 s30, s0  }
0x2ef: {  	s15 =	ssub.s32 $0xC8, s0;
	[tilespmem:s4+$0x0] =	vst v0  }
0x2f0: {  	s3 =	smin.u32 s15, $0x40;
	v0 =	vld [tilespmem:s10+$0x10]  }
0x2f1: {  	p1 =	sgt.u32 s3, $0x2;
	v1 =	vld [tilespmem:s28+$0xFFFFFFE0]  }
.Ltmp24:
0x2f2: {  	v2 =	vadd.f32 v2, v3;
	(pc) =	sbr.rel @!p1 .LBB2_38-.Ltmp24, $4  }
0x2f3: {  	_ = 	snop  }
0x2f4: {  	[tilespmem:s4+$0xFFFFFF80] =	vst v2  }
0x2f5: {  	s16 =	smax.u32 s15, $0x40;
	v2 =	vld [tilespmem:s10+$0xFFFFFF90]  }
0x2f6: {  	p0 =	por $0x0, $0x0;
	s9 =	simm.s32 $0x10980;
	s5 =	smin.u32 s16, $0x80;
	v4 =	vld [tilespmem:s28+$0xFFFFFF60];
	v5 =	vadd.f32 v1, v0  }
0x2f7: {  	_ = 	snop  }
0x2f8: {  	v0 =	vld [tilespmem:s9+$0x0];
	s6 =	sadd.s32 $0x100, s28  }
0x2f9: {  	v1 =	vld [tilespmem:s6+$0xFFFFFFD0];
	[tilespmem:s4+$0x10] =	vst v5  }
0x2fa: {  	v3 =	vld [tilespmem:s10+$0x20]  }
0x2fb: {  	v2 =	vadd.f32 v4, v2;
	v4 =	vld [tilespmem:s28+$0xFFFFFFF0]  }
0x2fc: {  	v6 =	vld [tilespmem:s9+$0xFFFFFF80]  }
0x2fd: {  	v5 =	vld [tilespmem:s6+$0xFFFFFF50];
	[tilespmem:s4+$0xFFFFFF90] =	vst v2  }
0x2fe: {  	v0 =	vadd.f32 v1, v0;
	v2 =	vld [tilespmem:s10+$0xFFFFFFA0]  }
0x2ff: {  	s8 =	simm.s32 $0x18980;
	v7 =	vld [tilespmem:s28+$0xFFFFFF70]  }
0x300: {  	[tilespmem:s8+$0x0] =	vst v0;
	v0 =	vadd.f32 v4, v3  }
0x301: {  	v8 =	vld [tilespmem:s9+$0x10]  }
0x302: {  	p1 =	sgt.u32 s3, $0x4;
	v3 =	vadd.f32 v5, v6;
	v5 =	vld [tilespmem:s6+$0xFFFFFFE0];
	[tilespmem:s4+$0x20] =	vst v0  }
.Ltmp25:
0x303: {  	v1 =	vld [tilespmem:s10+$0x30];
	(pc) =	sbr.rel @!p1 .LBB2_47-.Ltmp25, $4  }
0x304: {  	[tilespmem:s8+$0xFFFFFF80] =	vst v3;
	v0 =	vadd.f32 v7, v2;
	v3 =	vld [tilespmem:s28+$0x0]  }
0x305: {  	v2 =	vld [tilespmem:s9+$0xFFFFFF90]  }
0x306: {  	s11 =	simm.s32 $0x4;
	s12 =	simm.s32 $0x10A80;
	v4 =	vld [tilespmem:s6+$0xFFFFFF60];
	[tilespmem:s4+$0xFFFFFFA0] =	vst v0  }
0x307: {  	p0 =	por $0x1, $0x1;
	s14 =	simm.s32 $0x18980;
	v5 =	vadd.f32 v5, v8;
	v0 =	vld [tilespmem:s10+$0xFFFFFFB0];
	s10 =	smov.u32 s6  }
.LBB2_48:
0x308: {  	v6 =	vld [tilespmem:s12+$0x0];
	s10 =	sadd.s32 $0x100, s10;
	s15 =	smov.u32 s9;
	s9 =	smov.u32 s12  }
0x309: {  	v7 =	vld [tilespmem:s10+$0xFFFFFFD0];
	[tilespmem:s8+$0x10] =	vst v5;
	v1 =	vadd.f32 v3, v1  }
0x30a: {  	v3 =	vld [tilespmem:s15+$0x20]  }
0x30b: {  	v2 =	vadd.f32 v4, v2;
	v4 =	vld [tilespmem:s6+$0xFFFFFFF0];
	[tilespmem:s4+$0x30] =	vst v1  }
0x30c: {  	s11 =	sadd.s32 $0x2, s11;
	v1 =	vld [tilespmem:s10+$0xFFFFFF50]  }
0x30d: {  	p1 =	slt.u32 s11, s3;
	v5 =	vld [tilespmem:s12+$0xFFFFFF80];
	[tilespmem:s8+$0xFFFFFF90] =	vst v2  }
0x30e: {  	v2 =	vadd.f32 v7, v6;
	v6 =	vld [tilespmem:s15+$0xFFFFFFA0]  }
0x30f: {  	s8 =	sadd.s32 $0x100, s8;
	v7 =	vld [tilespmem:s6+$0xFFFFFF70]  }
0x310: {  	[tilespmem:s8+$0x0] =	vst v2;
	v2 =	vadd.f32 v4, v3;
	v4 =	vld [tilespmem:s28+$0xFFFFFF80];
	s28 =	smov.u32 s6;
	s6 =	smov.u32 s10  }
0x311: {  	v8 =	vld [tilespmem:s12+$0x10]  }
0x312: {  	v3 =	vadd.f32 v1, v5;
	v5 =	vld [tilespmem:s10+$0xFFFFFFE0];
	[tilespmem:s14+$0x20] =	vst v2  }
.Ltmp26:
0x313: {  	v1 =	vld [tilespmem:s15+$0x30];
	(pc) =	sbr.rel @p1 .LBB2_48-.Ltmp26, $4  }
0x314: {  	[tilespmem:s8+$0xFFFFFF80] =	vst v3;
	v6 =	vadd.f32 v7, v6;
	v3 =	vld [tilespmem:s28+$0x0]  }
0x315: {  	v2 =	vld [tilespmem:s12+$0xFFFFFF90];
	v7 =	vadd.f32 v4, v0  }
0x316: {  	v4 =	vld [tilespmem:s10+$0xFFFFFF60];
	[tilespmem:s14+$0xFFFFFFA0] =	vst v6  }
0x317: {  	s12 =	sadd.s32 $0x100, s12;
	v5 =	vadd.f32 v5, v8;
	v0 =	vld [tilespmem:s15+$0xFFFFFFB0];
	[tilespmem:s4+$0xFFFFFFB0] =	vst v7;
	s4 =	smov.u32 s14;
	s14 =	smov.u32 s8  }
0x318: {  	s11 =	smov.u32 s4;
	s10 =	smov.u32 s9;
	s4 =	smov.u32 s14  }
.LBB2_50:
0x319: {  	_ =	sdelay $0x1  }
0x31a: {  	[tilespmem:s8+$0x10] =	vst v5;
	v2 =	vadd.f32 v4, v2  }
0x31b: {  	v60 =	vld [tilespmem:s10+$0x20]  }
0x31c: {  	v5 =	vld [tilespmem:s6+$0xFFFFFFF0];
	[tilespmem:s8+$0xFFFFFF90] =	vst v2  }
0x31d: {  	v2 =	vld [tilespmem:s10+$0xFFFFFFA0]  }
0x31e: {  	v6 =	vld [tilespmem:s6+$0xFFFFFF70];
	_ =	sdelay $0x2  }
0x31f: {  	v4 =	vadd.f32 v5, v60;
	_ =	sdelay $0x1  }
0x320: {  	[tilespmem:s4+$0x20] =	vst v4;
	v2 =	vadd.f32 v6, v2  }
0x321: {  	v4 =	vld [tilespmem:s10+$0x30]  }
0x322: {  	v61 =	vld [tilespmem:s6+$0x0];
	[tilespmem:s4+$0xFFFFFFA0] =	vst v2  }
0x323: {  	v2 =	vld [tilespmem:s10+$0xFFFFFFB0]  }
0x324: {  	v7 =	vld [tilespmem:s6+$0xFFFFFF80]  }
0x325: {  	v5 =	vld @p0 [tilespmem:s28+$0xFFFFFF80];
	_ =	sdelay $0x1  }
0x326: {  	v1 =	vadd.f32 @p0 v3, v1  }
0x327: {  	v62 =	vadd.f32 v61, v4  }
0x328: {  	[tilespmem:s11+$0x30] =	vst @p0 v1;
	v63 =	vadd.f32 v7, v2  }
0x329: {  	s16 =	ssub.s32 $0x40, s3;
	v0 =	vadd.f32 @p0 v5, v0;
	[tilespmem:s4+$0x30] =	vst v62  }
0x32a: {  	[tilespmem:s4+$0xFFFFFFB0] =	vst v63;
	s4 =	sand.u32 $0x7E, s16  }
0x32b: {  	[tilespmem:s11+$0xFFFFFFB0] =	vst @p0 v0;
	p0 =	seq.s32 s4, $0x0  }
.Ltmp27:
0x32c: {  	_ = 	snop;
	(pc) =	sbr.rel @p0 .LBB2_51-.Ltmp27, $3  }
0x32d: {  	_ =	sdelay $0x1  }
0x32e: {  	s28 =	rddreg [dreg:$0x12]  }
0x32f: {  	s4 =	sadd.s32 s3, s4;
	s10 =	rddreg [dreg:$0x1a]  }
0x330: {  	v0 =	vld [tilespmem:s10+$0x0]  }
0x331: {  	v1 =	vld [tilespmem:s22+$0x80];
	_ =	sdelay $0x3  }
0x332: {  	v2 =	vld [tilespmem:s22+$0x0]  }
0x333: {  	v3 =	vld [tilespmem:s10+$0xFFFFFF80];
	v0 =	vadd.f32 v1, v0;
	_ =	sdelay $0x1  }
0x334: {  	[tilespmem:s2+$0x0] =	vst v0  }
0x335: {  	s9 =	sadd.s32 $0x2, s3;
	v0 =	vld [tilespmem:s10+$0x10]  }
0x336: {  	p1 =	slt.u32 s9, s4;
	v1 =	vld [tilespmem:s22+$0x90]  }
.Ltmp28:
0x337: {  	v2 =	vadd.f32 v2, v3;
	(pc) =	sbr.rel @!p1 .LBB2_57-.Ltmp28, $4  }
0x338: {  	_ = 	snop  }
0x339: {  	[tilespmem:s2+$0xFFFFFF80] =	vst v2  }
0x33a: {  	v2 =	vld [tilespmem:s10+$0xFFFFFF90]  }
0x33b: {  	s8 =	sadd.s32 $0x100, s10;
	p0 =	por $0x0, $0x0;
	v4 =	vld [tilespmem:s22+$0x10];
	v5 =	vadd.f32 v1, v0  }
0x33c: {  	_ = 	snop  }
0x33d: {  	v0 =	vld [tilespmem:s8+$0x0];
	s3 =	sadd.s32 $0x100, s22  }
0x33e: {  	v1 =	vld [tilespmem:s3+$0x80];
	[tilespmem:s2+$0x10] =	vst v5  }
0x33f: {  	v3 =	vld [tilespmem:s10+$0x20]  }
0x340: {  	v2 =	vadd.f32 v4, v2;
	v4 =	vld [tilespmem:s22+$0xA0]  }
0x341: {  	v6 =	vld [tilespmem:s8+$0xFFFFFF80]  }
0x342: {  	v5 =	vld [tilespmem:s3+$0x0];
	[tilespmem:s2+$0xFFFFFF90] =	vst v2  }
0x343: {  	v0 =	vadd.f32 v1, v0;
	v2 =	vld [tilespmem:s10+$0xFFFFFFA0]  }
0x344: {  	s6 =	sadd.s32 $0x100, s2;
	v7 =	vld [tilespmem:s22+$0x20]  }
0x345: {  	[tilespmem:s6+$0x0] =	vst v0;
	v0 =	vadd.f32 v4, v3  }
0x346: {  	s9 =	sadd.s32 $0x2, s9;
	v8 =	vld [tilespmem:s8+$0x10]  }
0x347: {  	p1 =	slt.u32 s9, s4;
	v3 =	vadd.f32 v5, v6;
	v5 =	vld [tilespmem:s3+$0x90];
	[tilespmem:s2+$0x20] =	vst v0  }
.Ltmp29:
0x348: {  	v1 =	vld [tilespmem:s10+$0x30];
	(pc) =	sbr.rel @!p1 .LBB2_59-.Ltmp29, $4  }
0x349: {  	[tilespmem:s6+$0xFFFFFF80] =	vst v3;
	v0 =	vadd.f32 v7, v2;
	v3 =	vld [tilespmem:s22+$0xB0]  }
0x34a: {  	v2 =	vld [tilespmem:s8+$0xFFFFFF90]  }
0x34b: {  	s11 =	smov.u32 s10;
	p0 =	por $0x1, $0x1;
	v4 =	vld [tilespmem:s3+$0x10];
	[tilespmem:s2+$0xFFFFFFA0] =	vst v0  }
0x34c: {  	s12 =	smov.u32 s3;
	s10 =	sadd.s32 $0x100, s8;
	v5 =	vadd.f32 v5, v8;
	v0 =	vld [tilespmem:s11+$0xFFFFFFB0];
	s11 =	smov.u32 s6  }
.LBB2_60:
0x34d: {  	v6 =	vld [tilespmem:s10+$0x0];
	s12 =	sadd.s32 $0x100, s12;
	s14 =	smov.u32 s8;
	s8 =	smov.u32 s10  }
0x34e: {  	v7 =	vld [tilespmem:s12+$0x80];
	[tilespmem:s6+$0x10] =	vst v5;
	v1 =	vadd.f32 v3, v1  }
0x34f: {  	v3 =	vld [tilespmem:s14+$0x20]  }
0x350: {  	v2 =	vadd.f32 v4, v2;
	v4 =	vld [tilespmem:s3+$0xA0];
	[tilespmem:s2+$0x30] =	vst v1  }
0x351: {  	s9 =	sadd.s32 $0x2, s9;
	v1 =	vld [tilespmem:s12+$0x0]  }
0x352: {  	p1 =	slt.u32 s9, s4;
	v5 =	vld [tilespmem:s10+$0xFFFFFF80];
	[tilespmem:s6+$0xFFFFFF90] =	vst v2  }
0x353: {  	v2 =	vadd.f32 v7, v6;
	v6 =	vld [tilespmem:s14+$0xFFFFFFA0]  }
0x354: {  	s6 =	sadd.s32 $0x100, s6;
	v7 =	vld [tilespmem:s3+$0x20]  }
0x355: {  	[tilespmem:s6+$0x0] =	vst v2;
	v2 =	vadd.f32 v4, v3;
	v4 =	vld [tilespmem:s22+$0x30];
	s22 =	smov.u32 s3;
	s3 =	smov.u32 s12  }
0x356: {  	v8 =	vld [tilespmem:s10+$0x10]  }
0x357: {  	v3 =	vadd.f32 v1, v5;
	v5 =	vld [tilespmem:s12+$0x90];
	[tilespmem:s11+$0x20] =	vst v2  }
.Ltmp30:
0x358: {  	v1 =	vld [tilespmem:s14+$0x30];
	(pc) =	sbr.rel @p1 .LBB2_60-.Ltmp30, $4  }
0x359: {  	[tilespmem:s6+$0xFFFFFF80] =	vst v3;
	v6 =	vadd.f32 v7, v6;
	v3 =	vld [tilespmem:s22+$0xB0]  }
0x35a: {  	v2 =	vld [tilespmem:s10+$0xFFFFFF90];
	v7 =	vadd.f32 v4, v0  }
0x35b: {  	v4 =	vld [tilespmem:s12+$0x10];
	[tilespmem:s11+$0xFFFFFFA0] =	vst v6  }
0x35c: {  	s10 =	sadd.s32 $0x100, s10;
	v5 =	vadd.f32 v5, v8;
	v0 =	vld [tilespmem:s14+$0xFFFFFFB0];
	[tilespmem:s2+$0xFFFFFFB0] =	vst v7;
	s2 =	smov.u32 s11;
	s11 =	smov.u32 s6  }
0x35d: {  	s9 =	smov.u32 s2;
	s10 =	smov.u32 s8;
	s2 =	smov.u32 s11  }
.LBB2_62:
0x35e: {  	_ =	sdelay $0x1  }
0x35f: {  	[tilespmem:s6+$0x10] =	vst v5;
	v2 =	vadd.f32 v4, v2  }
0x360: {  	v60 =	vld [tilespmem:s10+$0x20]  }
0x361: {  	v5 =	vld [tilespmem:s3+$0xA0];
	[tilespmem:s6+$0xFFFFFF90] =	vst v2  }
0x362: {  	v2 =	vld [tilespmem:s10+$0xFFFFFFA0]  }
0x363: {  	v6 =	vld [tilespmem:s3+$0x20];
	_ =	sdelay $0x2  }
0x364: {  	v4 =	vadd.f32 v5, v60;
	_ =	sdelay $0x1  }
0x365: {  	v5 =	vld @p0 [tilespmem:s22+$0x30];
	[tilespmem:s2+$0x20] =	vst v4;
	v2 =	vadd.f32 v6, v2  }
0x366: {  	v4 =	vld [tilespmem:s10+$0x30]  }
0x367: {  	v61 =	vld [tilespmem:s3+$0xB0];
	[tilespmem:s2+$0xFFFFFFA0] =	vst v2  }
0x368: {  	v2 =	vld [tilespmem:s10+$0xFFFFFFB0]  }
0x369: {  	v7 =	vld [tilespmem:s3+$0x30];
	_ =	sdelay $0x1  }
0x36a: {  	v1 =	vadd.f32 @p0 v3, v1  }
0x36b: {  	v0 =	vadd.f32 @p0 v5, v0  }
0x36c: {  	[tilespmem:s9+$0x30] =	vst @p0 v1;
	v62 =	vadd.f32 v61, v4  }
0x36d: {  	[tilespmem:s9+$0xFFFFFFB0] =	vst @p0 v0;
	v63 =	vadd.f32 v7, v2  }
0x36e: {  	[tilespmem:s2+$0x30] =	vst v62  }
0x36f: {  	[tilespmem:s2+$0xFFFFFFB0] =	vst v63  }
.LBB2_51:
0x370: {  	p0 =	sgt.u32 s4, $0x3F  }
.Ltmp31:
0x371: {  	_ = 	snop;
	(pc) =	sbr.rel @p0 .LBB2_53-.Ltmp31, $1  }
0x372: {  	_ =	sdelay $0x3  }
.LBB2_52:
0x373: {  	v0 =	vld [tilespmem:s1+$0xFFFFFFE0]  }
0x374: {  	v1 =	vld [tilespmem:s21+$0x0];
	_ =	sdelay $0x4  }
0x375: {  	v0 =	vadd.f32 v1, v0;
	_ =	sdelay $0x1  }
0x376: {  	[tilespmem:s26+$0xFFFFFFE0] =	vst v0  }
0x377: {  	v0 =	vld [tilespmem:s1+$0xFFFFFFF0]  }
0x378: {  	v61 =	vld [tilespmem:s21+$0x10];
	_ =	sdelay $0x4  }
0x379: {  	v0 =	vadd.f32 v61, v0;
	_ =	sdelay $0x1  }
0x37a: {  	[tilespmem:s26+$0xFFFFFFF0] =	vst v0  }
0x37b: {  	v0 =	vld [tilespmem:s1+$0x0]  }
0x37c: {  	v62 =	vld [tilespmem:s21+$0x20];
	_ =	sdelay $0x4  }
0x37d: {  	v0 =	vadd.f32 v62, v0;
	_ =	sdelay $0x1  }
0x37e: {  	[tilespmem:s26+$0x0] =	vst v0  }
0x37f: {  	v0 =	vld [tilespmem:s1+$0x10]  }
0x380: {  	v63 =	vld [tilespmem:s21+$0x30]  }
0x381: {  	s19 =	sadd.s32 $0x1, s19  }
0x382: {  	p0 =	slt.u32 s19, $0x3F  }
.Ltmp32:
0x383: {  	_ = 	snop;
	(pc) =	sbr.rel @p0 .LBB2_52-.Ltmp32, $3  }
0x384: {  	_ = 	snop  }
0x385: {  	v0 =	vadd.f32 v63, v0;
	_ =	sdelay $0x1  }
0x386: {  	s21 =	sadd.s32 $0x80, s21;
	s1 =	sadd.s32 $0x80, s1;
	[tilespmem:s26+$0x10] =	vst v0;
	s26 =	sadd.s32 $0x80, s26  }
.LBB2_53:
0x387: {  	s1 =	sadd.s32 $0x280, s31;
	s2 =	simm.s32 $0x10800  }
0x388: {  	[tilespmem:s2], [sflag:$0x2] =	stream.indirect.gather [hbm4b:s18+s25], $0x80, s1, s25, $0xb8;
	[tilespmem:$0x1C800] =	vst v63  }
0x389: {  	s1 =	sand.u32 $0xFE, s5  }
0x38a: {  	p0 =	slt.u32 s1, $0x41  }
.Ltmp33:
0x38b: {  	_ = 	snop;
	(pc) =	sbr.rel @p0 .LBB2_68-.Ltmp33, $4  }
0x38c: {  	s26 =	simm.s32 $0x4  }
0x38d: {  	_ =	swait.ge [sflag:s26], $0x2000  }
0x38e: {  	[sflag:s26] =	ssyncset.done $0x0;
	s14 =	rddreg [dreg:$0x10]  }
0x38f: {  	s15 =	rddreg [dreg:$0x19];
	[sflag:s26] =	ssyncadd.s32 $0xFFFFE000  }
0x390: {  	s8 =	simm.s32 $0x128B0;
	v1 =	vld [tilespmem:s17+$0xFFFFFFD0]  }
0x391: {  	v0 =	vld [tilespmem:s8+$0xFFFFFFD0];
	_ =	sdelay $0x3  }
0x392: {  	v2 =	vld [tilespmem:s17+$0xFFFFFF50]  }
0x393: {  	v3 =	vld [tilespmem:s8+$0xFFFFFF50];
	v0 =	vadd.f32 v1, v0  }
0x394: {  	s2 =	simm.s32 $0x1A8B0  }
0x395: {  	[tilespmem:s2+$0xFFFFFFD0] =	vst v0  }
0x396: {  	v0 =	vld [tilespmem:s8+$0xFFFFFFE0]  }
0x397: {  	p1 =	sgt.u32 s1, $0x42;
	v1 =	vld [tilespmem:s17+$0xFFFFFFE0]  }
.Ltmp34:
0x398: {  	v2 =	vadd.f32 v2, v3;
	(pc) =	sbr.rel @!p1 .LBB2_55-.Ltmp34, $4  }
0x399: {  	_ = 	snop  }
0x39a: {  	[tilespmem:s2+$0xFFFFFF50] =	vst v2  }
0x39b: {  	v2 =	vld [tilespmem:s8+$0xFFFFFF60]  }
0x39c: {  	s6 =	simm.s32 $0x129B0;
	p0 =	por $0x0, $0x0;
	v4 =	vld [tilespmem:s17+$0xFFFFFF60];
	v5 =	vadd.f32 v1, v0  }
0x39d: {  	_ = 	snop  }
0x39e: {  	v0 =	vld [tilespmem:s6+$0xFFFFFFD0];
	s3 =	sadd.s32 $0x100, s17  }
0x39f: {  	v1 =	vld [tilespmem:s3+$0xFFFFFFD0];
	[tilespmem:s2+$0xFFFFFFE0] =	vst v5  }
0x3a0: {  	v3 =	vld [tilespmem:s8+$0xFFFFFFF0]  }
0x3a1: {  	v2 =	vadd.f32 v4, v2;
	v4 =	vld [tilespmem:s17+$0xFFFFFFF0]  }
0x3a2: {  	v6 =	vld [tilespmem:s6+$0xFFFFFF50]  }
0x3a3: {  	v5 =	vld [tilespmem:s3+$0xFFFFFF50];
	[tilespmem:s2+$0xFFFFFF60] =	vst v2  }
0x3a4: {  	v0 =	vadd.f32 v1, v0;
	v2 =	vld [tilespmem:s8+$0xFFFFFF70]  }
0x3a5: {  	s4 =	simm.s32 $0x1A9B0;
	v7 =	vld [tilespmem:s17+$0xFFFFFF70]  }
0x3a6: {  	[tilespmem:s4+$0xFFFFFFD0] =	vst v0;
	v0 =	vadd.f32 v4, v3  }
0x3a7: {  	v8 =	vld [tilespmem:s6+$0xFFFFFFE0]  }
0x3a8: {  	p1 =	sgt.u32 s1, $0x44;
	v3 =	vadd.f32 v5, v6;
	v5 =	vld [tilespmem:s3+$0xFFFFFFE0];
	[tilespmem:s2+$0xFFFFFFF0] =	vst v0  }
.Ltmp35:
0x3a9: {  	v1 =	vld [tilespmem:s8+$0x0];
	(pc) =	sbr.rel @!p1 .LBB2_64-.Ltmp35, $4  }
0x3aa: {  	[tilespmem:s4+$0xFFFFFF50] =	vst v3;
	v0 =	vadd.f32 v7, v2;
	v3 =	vld [tilespmem:s17+$0x0]  }
0x3ab: {  	v2 =	vld [tilespmem:s6+$0xFFFFFF60]  }
0x3ac: {  	s9 =	simm.s32 $0x44;
	s10 =	simm.s32 $0x12AB0;
	v4 =	vld [tilespmem:s3+$0xFFFFFF60];
	[tilespmem:s2+$0xFFFFFF70] =	vst v0  }
0x3ad: {  	p0 =	por $0x1, $0x1;
	s11 =	simm.s32 $0x1A9B0;
	v5 =	vadd.f32 v5, v8;
	v0 =	vld [tilespmem:s8+$0xFFFFFF80];
	s8 =	smov.u32 s3  }
.LBB2_65:
0x3ae: {  	v6 =	vld [tilespmem:s10+$0xFFFFFFD0];
	s8 =	sadd.s32 $0x100, s8;
	s12 =	smov.u32 s6;
	s6 =	smov.u32 s10  }
0x3af: {  	v7 =	vld [tilespmem:s8+$0xFFFFFFD0];
	[tilespmem:s4+$0xFFFFFFE0] =	vst v5;
	v1 =	vadd.f32 v3, v1  }
0x3b0: {  	v3 =	vld [tilespmem:s12+$0xFFFFFFF0]  }
0x3b1: {  	v2 =	vadd.f32 v4, v2;
	v4 =	vld [tilespmem:s3+$0xFFFFFFF0];
	[tilespmem:s2+$0x0] =	vst v1  }
0x3b2: {  	s9 =	sadd.s32 $0x2, s9;
	v1 =	vld [tilespmem:s8+$0xFFFFFF50]  }
0x3b3: {  	p1 =	slt.u32 s9, s1;
	v5 =	vld [tilespmem:s10+$0xFFFFFF50];
	[tilespmem:s4+$0xFFFFFF60] =	vst v2  }
0x3b4: {  	v2 =	vadd.f32 v7, v6;
	v6 =	vld [tilespmem:s12+$0xFFFFFF70]  }
0x3b5: {  	s4 =	sadd.s32 $0x100, s4;
	v7 =	vld [tilespmem:s3+$0xFFFFFF70]  }
0x3b6: {  	[tilespmem:s4+$0xFFFFFFD0] =	vst v2;
	v2 =	vadd.f32 v4, v3;
	v4 =	vld [tilespmem:s17+$0xFFFFFF80];
	s17 =	smov.u32 s3;
	s3 =	smov.u32 s8  }
0x3b7: {  	v8 =	vld [tilespmem:s10+$0xFFFFFFE0]  }
0x3b8: {  	v3 =	vadd.f32 v1, v5;
	v5 =	vld [tilespmem:s8+$0xFFFFFFE0];
	[tilespmem:s11+$0xFFFFFFF0] =	vst v2  }
.Ltmp36:
0x3b9: {  	v1 =	vld [tilespmem:s12+$0x0];
	(pc) =	sbr.rel @p1 .LBB2_65-.Ltmp36, $4  }
0x3ba: {  	[tilespmem:s4+$0xFFFFFF50] =	vst v3;
	v6 =	vadd.f32 v7, v6;
	v3 =	vld [tilespmem:s17+$0x0]  }
0x3bb: {  	v2 =	vld [tilespmem:s10+$0xFFFFFF60];
	v7 =	vadd.f32 v4, v0  }
0x3bc: {  	v4 =	vld [tilespmem:s8+$0xFFFFFF60];
	[tilespmem:s11+$0xFFFFFF70] =	vst v6  }
0x3bd: {  	s10 =	sadd.s32 $0x100, s10;
	v5 =	vadd.f32 v5, v8;
	v0 =	vld [tilespmem:s12+$0xFFFFFF80];
	[tilespmem:s2+$0xFFFFFF80] =	vst v7;
	s2 =	smov.u32 s11;
	s11 =	smov.u32 s4  }
0x3be: {  	s9 =	smov.u32 s2;
	s8 =	smov.u32 s6;
	s2 =	smov.u32 s11  }
.LBB2_67:
0x3bf: {  	_ =	sdelay $0x1  }
0x3c0: {  	[tilespmem:s4+$0xFFFFFFE0] =	vst v5;
	v2 =	vadd.f32 v4, v2  }
0x3c1: {  	v60 =	vld [tilespmem:s8+$0xFFFFFFF0]  }
0x3c2: {  	v5 =	vld [tilespmem:s3+$0xFFFFFFF0];
	[tilespmem:s4+$0xFFFFFF60] =	vst v2  }
0x3c3: {  	v2 =	vld [tilespmem:s8+$0xFFFFFF70]  }
0x3c4: {  	v6 =	vld [tilespmem:s3+$0xFFFFFF70];
	_ =	sdelay $0x2  }
0x3c5: {  	v4 =	vadd.f32 v5, v60;
	_ =	sdelay $0x1  }
0x3c6: {  	v5 =	vld @p0 [tilespmem:s17+$0xFFFFFF80];
	[tilespmem:s2+$0xFFFFFFF0] =	vst v4;
	v2 =	vadd.f32 v6, v2  }
0x3c7: {  	v4 =	vld [tilespmem:s8+$0x0]  }
0x3c8: {  	v61 =	vld [tilespmem:s3+$0x0];
	[tilespmem:s2+$0xFFFFFF70] =	vst v2  }
0x3c9: {  	v2 =	vld [tilespmem:s8+$0xFFFFFF80]  }
0x3ca: {  	v7 =	vld [tilespmem:s3+$0xFFFFFF80];
	_ =	sdelay $0x1  }
0x3cb: {  	v1 =	vadd.f32 @p0 v3, v1  }
0x3cc: {  	v0 =	vadd.f32 @p0 v5, v0  }
0x3cd: {  	[tilespmem:s9+$0x0] =	vst @p0 v1;
	v62 =	vadd.f32 v61, v4  }
0x3ce: {  	[tilespmem:s9+$0xFFFFFF80] =	vst @p0 v0;
	v63 =	vadd.f32 v7, v2  }
0x3cf: {  	[tilespmem:s2+$0x0] =	vst v62  }
0x3d0: {  	[tilespmem:s2+$0xFFFFFF80] =	vst v63  }
.LBB2_68:
0x3d1: {  	p0 =	seq.s32 s1, s5  }
0x3d2: {  	s2 =	sadd.s32 @!p0 s0, s1  }
0x3d3: {  	s1 =	sshll.u32 @!p0 s1, $0x7;
	s2 =	sshll.u32 @!p0 s2, $0x7  }
0x3d4: {  	v0 =	vld @!p0 [tilespmem:s1+$0x10800];
	s2 =	sand.u32 @!p0 $0x3FFFFF80, s2  }
0x3d5: {  	v1 =	vld @!p0 [tilespmem:s2+$0x6400];
	_ =	sdelay $0x4  }
0x3d6: {  	v0 =	vadd.f32 @!p0 v1, v0;
	_ =	sdelay $0x1  }
0x3d7: {  	[tilespmem:s1+$0x18800] =	vst @!p0 v0;
	v0 =	vld @!p0 [tilespmem:s1+$0x10810]  }
0x3d8: {  	v1 =	vld @!p0 [tilespmem:s2+$0x6410];
	_ =	sdelay $0x4  }
0x3d9: {  	v0 =	vadd.f32 @!p0 v1, v0;
	_ =	sdelay $0x1  }
0x3da: {  	[tilespmem:s1+$0x18810] =	vst @!p0 v0;
	v0 =	vld @!p0 [tilespmem:s1+$0x10820]  }
0x3db: {  	v1 =	vld @!p0 [tilespmem:s2+$0x6420];
	_ =	sdelay $0x4  }
0x3dc: {  	v0 =	vadd.f32 @!p0 v1, v0;
	_ =	sdelay $0x1  }
0x3dd: {  	[tilespmem:s1+$0x18820] =	vst @!p0 v0;
	v0 =	vld @!p0 [tilespmem:s1+$0x10830]  }
0x3de: {  	v1 =	vld @!p0 [tilespmem:s2+$0x6430];
	_ =	sdelay $0x4  }
0x3df: {  	v0 =	vadd.f32 @!p0 v1, v0  }
0x3e0: {  	s26 =	ssub.s32 $0x80, s5  }
0x3e1: {  	[tilespmem:s1+$0x18830] =	vst @!p0 v0;
	s1 =	sand.u32 $0xFE, s26  }
0x3e2: {  	p0 =	seq.s32 s1, $0x0  }
.Ltmp37:
0x3e3: {  	_ = 	snop;
	(pc) =	sbr.rel @p0 .LBB2_69-.Ltmp37, $3  }
0x3e4: {  	_ =	sdelay $0x1  }
0x3e5: {  	s12 =	rddreg [dreg:$0x14]  }
0x3e6: {  	s17 =	rddreg [dreg:$0x16];
	s1 =	sadd.s32 s5, s1  }
0x3e7: {  	v0 =	vld [tilespmem:s15+$0x0]  }
0x3e8: {  	v1 =	vld [tilespmem:s13+$0x0];
	_ =	sdelay $0x1  }
0x3e9: {  	v2 =	vld [tilespmem:s13+$0xFFFFFF80]  }
0x3ea: {  	v3 =	vld [tilespmem:s15+$0xFFFFFF80];
	_ =	sdelay $0x1  }
0x3eb: {  	v0 =	vadd.f32 v1, v0;
	_ =	sdelay $0x1  }
0x3ec: {  	[tilespmem:s7+$0x0] =	vst v0  }
0x3ed: {  	s5 =	sadd.s32 $0x2, s5;
	v2 =	vadd.f32 v2, v3;
	v0 =	vld [tilespmem:s15+$0x10]  }
0x3ee: {  	p1 =	slt.u32 s5, s1;
	v1 =	vld [tilespmem:s13+$0x10]  }
.Ltmp38:
0x3ef: {  	[tilespmem:s7+$0xFFFFFF80] =	vst v2;
	(pc) =	sbr.rel @!p1 .LBB2_83-.Ltmp38, $3  }
0x3f0: {  	v2 =	vld [tilespmem:s15+$0xFFFFFF90]  }
0x3f1: {  	v4 =	vld [tilespmem:s13+$0xFFFFFF90];
	_ =	sdelay $0x1  }
0x3f2: {  	s4 =	sadd.s32 $0x100, s15;
	p0 =	por $0x0, $0x0;
	v5 =	vadd.f32 v1, v0  }
0x3f3: {  	v0 =	vld [tilespmem:s4+$0x0];
	s2 =	sadd.s32 $0x100, s13  }
0x3f4: {  	v1 =	vld [tilespmem:s2+$0x0];
	[tilespmem:s7+$0x10] =	vst v5  }
0x3f5: {  	v3 =	vld [tilespmem:s15+$0x20]  }
0x3f6: {  	v2 =	vadd.f32 v4, v2;
	v4 =	vld [tilespmem:s13+$0x20]  }
0x3f7: {  	v6 =	vld [tilespmem:s4+$0xFFFFFF80]  }
0x3f8: {  	v5 =	vld [tilespmem:s2+$0xFFFFFF80]  }
0x3f9: {  	[tilespmem:s7+$0xFFFFFF90] =	vst v2;
	v0 =	vadd.f32 v1, v0  }
0x3fa: {  	s3 =	sadd.s32 $0x100, s7;
	v2 =	vld [tilespmem:s15+$0xFFFFFFA0]  }
0x3fb: {  	v7 =	vld [tilespmem:s13+$0xFFFFFFA0];
	[tilespmem:s3+$0x0] =	vst v0;
	v0 =	vadd.f32 v4, v3  }
0x3fc: {  	v8 =	vld [tilespmem:s4+$0x10]  }
0x3fd: {  	s5 =	sadd.s32 $0x2, s5;
	v3 =	vadd.f32 v5, v6;
	v5 =	vld [tilespmem:s2+$0x10];
	[tilespmem:s7+$0x20] =	vst v0  }
0x3fe: {  	p1 =	slt.u32 s5, s1;
	v1 =	vld [tilespmem:s15+$0x30]  }
.Ltmp39:
0x3ff: {  	[tilespmem:s3+$0xFFFFFF80] =	vst v3;
	v3 =	vld [tilespmem:s13+$0x30];
	(pc) =	sbr.rel @!p1 .LBB2_85-.Ltmp39, $4  }
0x400: {  	v0 =	vadd.f32 v7, v2;
	v2 =	vld [tilespmem:s4+$0xFFFFFF90]  }
0x401: {  	v4 =	vld [tilespmem:s2+$0xFFFFFF90]  }
0x402: {  	s6 =	sadd.s32 $0x100, s4;
	[tilespmem:s7+$0xFFFFFFA0] =	vst v0  }
0x403: {  	p0 =	por $0x1, $0x1;
	s9 =	smov.u32 s2;
	s8 =	smov.u32 s3;
	v0 =	vld [tilespmem:s15+$0xFFFFFFB0];
	v5 =	vadd.f32 v5, v8  }
.LBB2_86:
0x404: {  	v6 =	vld [tilespmem:s6+$0x0];
	s9 =	sadd.s32 $0x100, s9;
	s10 =	smov.u32 s4;
	s4 =	smov.u32 s6  }
0x405: {  	v7 =	vld [tilespmem:s9+$0x0];
	[tilespmem:s3+$0x10] =	vst v5;
	v1 =	vadd.f32 v3, v1  }
0x406: {  	v3 =	vld [tilespmem:s10+$0x20]  }
0x407: {  	v2 =	vadd.f32 v4, v2;
	v4 =	vld [tilespmem:s2+$0x20];
	[tilespmem:s7+$0x30] =	vst v1  }
0x408: {  	s5 =	sadd.s32 $0x2, s5;
	v1 =	vld [tilespmem:s9+$0xFFFFFF80]  }
0x409: {  	p1 =	slt.u32 s5, s1;
	v5 =	vld [tilespmem:s6+$0xFFFFFF80];
	[tilespmem:s3+$0xFFFFFF90] =	vst v2  }
0x40a: {  	v2 =	vadd.f32 v7, v6;
	v6 =	vld [tilespmem:s10+$0xFFFFFFA0]  }
0x40b: {  	s3 =	sadd.s32 $0x100, s3;
	v7 =	vld [tilespmem:s2+$0xFFFFFFA0]  }
0x40c: {  	[tilespmem:s3+$0x0] =	vst v2;
	v2 =	vadd.f32 v4, v3;
	v4 =	vld [tilespmem:s13+$0xFFFFFFB0];
	s13 =	smov.u32 s2;
	s2 =	smov.u32 s9  }
0x40d: {  	v8 =	vld [tilespmem:s6+$0x10]  }
0x40e: {  	v3 =	vadd.f32 v1, v5;
	v5 =	vld [tilespmem:s9+$0x10];
	[tilespmem:s8+$0x20] =	vst v2  }
.Ltmp40:
0x40f: {  	v1 =	vld [tilespmem:s10+$0x30];
	(pc) =	sbr.rel @p1 .LBB2_86-.Ltmp40, $4  }
0x410: {  	[tilespmem:s3+$0xFFFFFF80] =	vst v3;
	v6 =	vadd.f32 v7, v6;
	v3 =	vld [tilespmem:s13+$0x30]  }
0x411: {  	v2 =	vld [tilespmem:s6+$0xFFFFFF90];
	v7 =	vadd.f32 v4, v0  }
0x412: {  	v4 =	vld [tilespmem:s9+$0xFFFFFF90];
	[tilespmem:s8+$0xFFFFFFA0] =	vst v6  }
0x413: {  	s6 =	sadd.s32 $0x100, s6;
	v5 =	vadd.f32 v5, v8;
	v0 =	vld [tilespmem:s10+$0xFFFFFFB0];
	[tilespmem:s7+$0xFFFFFFB0] =	vst v7;
	s7 =	smov.u32 s8;
	s8 =	smov.u32 s3  }
.Ltmp41:
0x414: {  	(pc) =	sbr.rel .LBB2_88-.Ltmp41, $2  }
0x415: {  	_ =	sdelay $0x2  }
0x416: {  	s5 =	smov.u32 s7;
	s15 =	smov.u32 s4;
	s7 =	smov.u32 s8  }
.LBB2_13:
.Ltmp42:
0x417: {  	(pc) =	sbr.rel .LBB2_18-.Ltmp42, $2  }
0x418: {  	_ =	sdelay $0x2  }
0x419: {  	s25 =	smov.u32 s20;
	s9 =	simm.s32 $0x14880;
	s30 =	rddreg [dreg:$0x1b]  }
.LBB2_38:
.Ltmp43:
0x41a: {  	(pc) =	sbr.rel .LBB2_50-.Ltmp43, $2  }
0x41b: {  	_ =	sdelay $0x2  }
0x41c: {  	s6 =	smov.u32 s28;
	s8 =	simm.s32 $0x18880  }
.LBB2_15:
.Ltmp44:
0x41d: {  	(pc) =	sbr.rel .LBB2_18-.Ltmp44, $3  }
0x41e: {  	_ =	sdelay $0x1  }
0x41f: {  	s5 =	simm.s32 $0xC980;
	s16 =	simm.s32 $0x14880  }
0x420: {  	s15 =	simm.s32 $0x14980;
	s24 =	simm.s32 $0x0;
	s30 =	rddreg [dreg:$0x1b]  }
.LBB2_47:
.Ltmp45:
0x421: {  	(pc) =	sbr.rel .LBB2_50-.Ltmp45, $2  }
0x422: {  	_ =	sdelay $0x2  }
0x423: {  	s10 =	simm.s32 $0x10980;
	s11 =	simm.s32 $0x18880;
	s4 =	simm.s32 $0x18980  }
.LBB2_25:
.Ltmp46:
0x424: {  	(pc) =	sbr.rel .LBB2_30-.Ltmp46, $2  }
0x425: {  	_ =	sdelay $0x2  }
0x426: {  	s12 =	smov.u32 s10;
	s9 =	smov.u32 s8  }
.LBB2_40:
.Ltmp47:
0x427: {  	(pc) =	sbr.rel .LBB2_45-.Ltmp47, $2  }
0x428: {  	_ =	sdelay $0x2  }
0x429: {  	s4 =	smov.u32 s14;
	s8 =	smov.u32 s0  }
.LBB2_57:
.Ltmp48:
0x42a: {  	(pc) =	sbr.rel .LBB2_62-.Ltmp48, $2  }
0x42b: {  	_ =	sdelay $0x2  }
0x42c: {  	s3 =	smov.u32 s22;
	s6 =	smov.u32 s2  }
.LBB2_27:
.Ltmp49:
0x42d: {  	(pc) =	sbr.rel .LBB2_30-.Ltmp49, $2  }
0x42e: {  	_ =	sdelay $0x2  }
0x42f: {  	s5 =	smov.u32 s8;
	s11 =	smov.u32 s20;
	s8 =	smov.u32 s9  }
.LBB2_42:
.Ltmp50:
0x430: {  	(pc) =	sbr.rel .LBB2_45-.Ltmp50, $2  }
0x431: {  	_ =	sdelay $0x2  }
0x432: {  	s5 =	smov.u32 s0;
	s6 =	smov.u32 s9;
	s0 =	smov.u32 s8  }
.LBB2_59:
.Ltmp51:
0x433: {  	(pc) =	sbr.rel .LBB2_62-.Ltmp51, $2  }
0x434: {  	_ =	sdelay $0x2  }
0x435: {  	s9 =	smov.u32 s2;
	s10 =	smov.u32 s8;
	s2 =	smov.u32 s6  }
.LBB2_85:
.Ltmp52:
0x436: {  	(pc) =	sbr.rel .LBB2_88-.Ltmp52, $2  }
0x437: {  	_ =	sdelay $0x2  }
0x438: {  	s5 =	smov.u32 s7;
	s15 =	smov.u32 s4;
	s7 =	smov.u32 s3  }
.LBB2_23:
.Ltmp53:
0x439: {  	(pc) =	sbr.rel .LBB2_35-.Ltmp53, $2  }
0x43a: {  	_ =	sdelay $0x2  }
0x43b: {  	s10 =	smov.u32 s3;
	s9 =	simm.s32 $0x168B0;
	s11 =	rddreg [dreg:$0x1e]  }
.LBB2_55:
.Ltmp54:
0x43c: {  	(pc) =	sbr.rel .LBB2_67-.Ltmp54, $2  }
0x43d: {  	_ =	sdelay $0x2  }
0x43e: {  	s3 =	smov.u32 s17;
	s4 =	simm.s32 $0x1A8B0  }
.LBB2_32:
.Ltmp55:
0x43f: {  	(pc) =	sbr.rel .LBB2_35-.Ltmp55, $3  }
0x440: {  	_ =	sdelay $0x1  }
0x441: {  	s12 =	simm.s32 $0xE9B0  }
0x442: {  	s5 =	simm.s32 $0x168B0;
	s8 =	simm.s32 $0x169B0;
	s11 =	rddreg [dreg:$0x1e]  }
.LBB2_64:
.Ltmp56:
0x443: {  	(pc) =	sbr.rel .LBB2_67-.Ltmp56, $2  }
0x444: {  	_ =	sdelay $0x2  }
0x445: {  	s8 =	simm.s32 $0x129B0;
	s9 =	simm.s32 $0x1A8B0;
	s2 =	simm.s32 $0x1A9B0  }
.LBB2_70:
0x446: {  	s0 =	simm.s32 $0x1  }
0x447: {  	_ =	swait.ge [sflag:s0], $0x2000  }
0x448: {  	[sflag:s0] =	ssyncset.done $0x0  }
0x449: {  	s31 =	simm.s32 $0x5;
	[sflag:s0] =	ssyncadd.s32 $0xFFFFE000  }
0x44a: {  	_ =	swait.ge [sflag:s31], $0x4000  }
0x44b: {  	[sflag:s31] =	ssyncset.done $0x0  }
0x44c: {  	s2 =	simm.s32 $0x0;
	[sflag:s31] =	ssyncadd.s32 $0xFFFFC000  }
0x44d: {  	v0 =	vld [tilespmem:s2+$0xC8B0]  }
0x44e: {  	v1 =	vld [tilespmem:s2+$0xACB0]  }
0x44f: {  	v2 =	vld [tilespmem:s2+$0xC800]  }
0x450: {  	v3 =	vld [tilespmem:s2+$0xAC00]  }
0x451: {  	v4 =	vld [tilespmem:s2+$0xC810]  }
0x452: {  	v5 =	vld [tilespmem:s2+$0xAC10]  }
0x453: {  	v6 =	vld [tilespmem:s2+$0xC820]  }
0x454: {  	v0 =	vadd.f32 v1, v0;
	v1 =	vld [tilespmem:s2+$0xAC20]  }
0x455: {  	v7 =	vld [tilespmem:s2+$0xC830]  }
0x456: {  	v8 =	vld [tilespmem:s2+$0xAC30]  }
0x457: {  	v3 =	vadd.f32 v3, v2;
	v2 =	vld [tilespmem:s2+$0xAC80]  }
0x458: {  	v4 =	vadd.f32 v5, v4;
	[tilespmem:s2+$0x148B0] =	vst v0;
	v0 =	vld [tilespmem:s2+$0xC880]  }
0x459: {  	[tilespmem:s2+$0x14800] =	vst v3;
	v3 =	vld [tilespmem:s2+$0xAC90];
	v5 =	vadd.f32 v1, v6  }
0x45a: {  	[tilespmem:s2+$0x14810] =	vst v4;
	v1 =	vld [tilespmem:s2+$0xC890]  }
0x45b: {  	s3 =	simm.s32 $0x0;
	s4 =	simm.s32 $0x400;
	s0 =	simm.s32 $0x164B0;
	v4 =	vld [tilespmem:s2+$0xC8A0];
	[tilespmem:s2+$0x14820] =	vst v5;
	v5 =	vadd.f32 v8, v7  }
.LBB2_71:
0x45c: {  	s1 =	sshra.s32 s4, $0x2;
	v6 =	vld [tilespmem:s2+$0xACA0]  }
0x45d: {  	s3 =	sadd.s32 $0x2, s3;
	v7 =	vld [tilespmem:s1+$0xC8B0];
	[tilespmem:s2+$0x14830] =	vst v5;
	v0 =	vadd.f32 v2, v0  }
0x45e: {  	p0 =	slt.u32 s3, $0x36;
	v2 =	vld [tilespmem:s1+$0xACB0]  }
0x45f: {  	v5 =	vld [tilespmem:s1+$0xC800];
	[tilespmem:s2+$0x14880] =	vst v0;
	v0 =	vadd.f32 v3, v1  }
0x460: {  	v1 =	vld [tilespmem:s1+$0xAC00]  }
0x461: {  	v3 =	vld [tilespmem:s1+$0xC810];
	[tilespmem:s2+$0x14890] =	vst v0;
	v0 =	vadd.f32 v6, v4  }
0x462: {  	v4 =	vld [tilespmem:s1+$0xAC10]  }
0x463: {  	v6 =	vld [tilespmem:s1+$0xC820];
	v2 =	vadd.f32 v2, v7;
	[tilespmem:s2+$0x148A0] =	vst v0;
	s2 =	smov.u32 s1  }
0x464: {  	v7 =	vld [tilespmem:s2+$0xAC20]  }
0x465: {  	s5 =	simm.s32 $0xE4B0;
	s1 =	simm.s32 $0x6480;
	v0 =	vadd.f32 v1, v5;
	v5 =	vld [tilespmem:s2+$0xC830];
	[tilespmem:s2+$0x148B0] =	vst v2  }
0x466: {  	v8 =	vld [tilespmem:s2+$0xAC30]  }
.Ltmp57:
0x467: {  	[tilespmem:s2+$0x14800] =	vst v0;
	v1 =	vadd.f32 v4, v3;
	v0 =	vld [tilespmem:s2+$0xC880];
	(pc) =	sbr.rel @p0 .LBB2_71-.Ltmp57, $4  }
0x468: {  	v2 =	vld [tilespmem:s2+$0xAC80]  }
0x469: {  	[tilespmem:s2+$0x14810] =	vst v1;
	v4 =	vadd.f32 v7, v6;
	v1 =	vld [tilespmem:s2+$0xC890]  }
0x46a: {  	v3 =	vld [tilespmem:s2+$0xAC90]  }
0x46b: {  	s4 =	sadd.s32 $0x400, s4;
	[tilespmem:s2+$0x14820] =	vst v4;
	v5 =	vadd.f32 v8, v5;
	v4 =	vld [tilespmem:s2+$0xC8A0]  }
0x46c: {  	v6 =	vld [tilespmem:s2+$0xACA0];
	_ =	sdelay $0x2  }
0x46d: {  	v0 =	vadd.f32 v2, v0  }
0x46e: {  	[tilespmem:s2+$0x14830] =	vst v5;
	v1 =	vadd.f32 v3, v1  }
0x46f: {  	[tilespmem:s2+$0x14880] =	vst v0;
	v0 =	vadd.f32 v6, v4  }
0x470: {  	[tilespmem:s2+$0x14890] =	vst v1  }
0x471: {  	[tilespmem:s2+$0x148A0] =	vst v0  }
0x472: {  	v0 =	vld [tilespmem:s5+$0xFFFFFFD0]  }
0x473: {  	v1 =	vld [tilespmem:s1+$0x0];
	_ =	sdelay $0x2  }
0x474: {  	v2 =	vld [tilespmem:s1+$0xFFFFFF80]  }
0x475: {  	v3 =	vld [tilespmem:s5+$0xFFFFFF50]  }
0x476: {  	v0 =	vadd.f32 v1, v0;
	_ =	sdelay $0x1  }
0x477: {  	[tilespmem:s0+$0xFFFFFFD0] =	vst v0  }
0x478: {  	v0 =	vld [tilespmem:s5+$0xFFFFFFE0]  }
0x479: {  	v1 =	vadd.f32 v2, v3;
	v2 =	vld [tilespmem:s1+$0x10];
	_ =	sdelay $0x1  }
0x47a: {  	[tilespmem:s0+$0xFFFFFF50] =	vst v1  }
0x47b: {  	v1 =	vld [tilespmem:s5+$0xFFFFFF60]  }
0x47c: {  	v3 =	vld [tilespmem:s1+$0xFFFFFF90]  }
0x47d: {  	s3 =	simm.s32 $0x6580;
	v0 =	vadd.f32 v2, v0  }
0x47e: {  	s2 =	simm.s32 $0xE5B0;
	v4 =	vld [tilespmem:s3+$0x0]  }
0x47f: {  	v2 =	vld [tilespmem:s2+$0xFFFFFFD0];
	[tilespmem:s0+$0xFFFFFFE0] =	vst v0  }
0x480: {  	v0 =	vld [tilespmem:s5+$0xFFFFFFF0]  }
0x481: {  	v1 =	vadd.f32 v3, v1;
	v3 =	vld [tilespmem:s1+$0x20]  }
0x482: {  	v5 =	vld [tilespmem:s3+$0xFFFFFF80]  }
0x483: {  	v6 =	vld [tilespmem:s2+$0xFFFFFF50];
	[tilespmem:s0+$0xFFFFFF60] =	vst v1  }
0x484: {  	v1 =	vadd.f32 v4, v2;
	v2 =	vld [tilespmem:s5+$0xFFFFFF70]  }
0x485: {  	s4 =	simm.s32 $0x165B0;
	v4 =	vld [tilespmem:s1+$0xFFFFFFA0]  }
0x486: {  	[tilespmem:s4+$0xFFFFFFD0] =	vst v1;
	v0 =	vadd.f32 v3, v0  }
0x487: {  	v7 =	vld [tilespmem:s2+$0xFFFFFFE0]  }
0x488: {  	v3 =	vadd.f32 v5, v6;
	v5 =	vld [tilespmem:s3+$0x10];
	[tilespmem:s0+$0xFFFFFFF0] =	vst v0  }
0x489: {  	v1 =	vld [tilespmem:s5+$0x0]  }
0x48a: {  	[tilespmem:s4+$0xFFFFFF50] =	vst v3;
	v0 =	vadd.f32 v4, v2;
	v2 =	vld [tilespmem:s1+$0x30]  }
0x48b: {  	v3 =	vld [tilespmem:s2+$0xFFFFFF60]  }
0x48c: {  	s7 =	simm.s32 $0x3A;
	v4 =	vld [tilespmem:s3+$0xFFFFFF90];
	[tilespmem:s0+$0xFFFFFF70] =	vst v0  }
0x48d: {  	s8 =	simm.s32 $0xE6B0;
	s6 =	simm.s32 $0x6580;
	v5 =	vadd.f32 v5, v7;
	v0 =	vld [tilespmem:s5+$0xFFFFFF80];
	s5 =	simm.s32 $0x165B0  }
.LBB2_73:
0x48e: {  	v6 =	vld [tilespmem:s8+$0xFFFFFFD0];
	s3 =	sadd.s32 $0x100, s3;
	s9 =	smov.u32 s2;
	s2 =	smov.u32 s8  }
0x48f: {  	v7 =	vld [tilespmem:s3+$0x0];
	[tilespmem:s4+$0xFFFFFFE0] =	vst v5;
	v1 =	vadd.f32 v2, v1  }
0x490: {  	v2 =	vld [tilespmem:s9+$0xFFFFFFF0]  }
0x491: {  	v3 =	vadd.f32 v4, v3;
	v4 =	vld [tilespmem:s6+$0x20];
	[tilespmem:s0+$0x0] =	vst v1  }
0x492: {  	s7 =	sadd.s32 $0x2, s7;
	v1 =	vld [tilespmem:s3+$0xFFFFFF80]  }
0x493: {  	p0 =	slt.u32 s7, $0x3E;
	v5 =	vld [tilespmem:s8+$0xFFFFFF50];
	[tilespmem:s4+$0xFFFFFF60] =	vst v3  }
0x494: {  	v3 =	vadd.f32 v7, v6;
	v6 =	vld [tilespmem:s9+$0xFFFFFF70]  }
0x495: {  	s4 =	sadd.s32 $0x100, s4;
	v7 =	vld [tilespmem:s6+$0xFFFFFFA0]  }
0x496: {  	[tilespmem:s4+$0xFFFFFFD0] =	vst v3;
	v2 =	vadd.f32 v4, v2;
	v4 =	vld [tilespmem:s1+$0xFFFFFFB0];
	s1 =	smov.u32 s6;
	s6 =	smov.u32 s3  }
0x497: {  	v8 =	vld [tilespmem:s8+$0xFFFFFFE0]  }
0x498: {  	v3 =	vadd.f32 v1, v5;
	v5 =	vld [tilespmem:s3+$0x10];
	[tilespmem:s5+$0xFFFFFFF0] =	vst v2  }
.Ltmp58:
0x499: {  	v1 =	vld [tilespmem:s9+$0x0];
	(pc) =	sbr.rel @p0 .LBB2_73-.Ltmp58, $4  }
0x49a: {  	[tilespmem:s4+$0xFFFFFF50] =	vst v3;
	v6 =	vadd.f32 v7, v6;
	v2 =	vld [tilespmem:s1+$0x30]  }
0x49b: {  	v3 =	vld [tilespmem:s8+$0xFFFFFF60];
	v7 =	vadd.f32 v4, v0  }
0x49c: {  	v4 =	vld [tilespmem:s3+$0xFFFFFF90];
	[tilespmem:s5+$0xFFFFFF70] =	vst v6  }
0x49d: {  	s8 =	sadd.s32 $0x100, s8;
	v5 =	vadd.f32 v5, v8;
	v0 =	vld [tilespmem:s9+$0xFFFFFF80];
	[tilespmem:s0+$0xFFFFFF80] =	vst v7;
	s0 =	smov.u32 s5;
	s5 =	smov.u32 s4  }
0x49e: {  	_ =	sdelay $0x2  }
0x49f: {  	[tilespmem:s4+$0xFFFFFFE0] =	vst v5;
	v3 =	vadd.f32 v4, v3  }
0x4a0: {  	v5 =	vld [tilespmem:s6+$0x20]  }
0x4a1: {  	v4 =	vld [tilespmem:s2+$0xFFFFFFF0];
	[tilespmem:s4+$0xFFFFFF60] =	vst v3  }
0x4a2: {  	v3 =	vld [tilespmem:s2+$0xFFFFFF70]  }
0x4a3: {  	v6 =	vld [tilespmem:s6+$0xFFFFFFA0];
	_ =	sdelay $0x2  }
0x4a4: {  	v4 =	vadd.f32 v5, v4;
	_ =	sdelay $0x1  }
0x4a5: {  	v5 =	vld [tilespmem:s1+$0xFFFFFFB0];
	[tilespmem:s5+$0xFFFFFFF0] =	vst v4;
	v3 =	vadd.f32 v6, v3  }
0x4a6: {  	v4 =	vld [tilespmem:s2+$0x0]  }
0x4a7: {  	v6 =	vld [tilespmem:s6+$0x30];
	[tilespmem:s5+$0xFFFFFF70] =	vst v3  }
0x4a8: {  	v3 =	vld [tilespmem:s2+$0xFFFFFF80]  }
0x4a9: {  	v7 =	vld [tilespmem:s6+$0xFFFFFFB0];
	_ =	sdelay $0x1  }
0x4aa: {  	v1 =	vadd.f32 v2, v1  }
0x4ab: {  	v0 =	vadd.f32 v5, v0  }
0x4ac: {  	[tilespmem:s0+$0x0] =	vst v1;
	v1 =	vadd.f32 v6, v4  }
0x4ad: {  	[tilespmem:s0+$0xFFFFFF80] =	vst v0;
	v0 =	vadd.f32 v7, v3  }
0x4ae: {  	[tilespmem:s5+$0x0] =	vst v1  }
0x4af: {  	s30 =	simm.s32 $0x3;
	[tilespmem:s5+$0xFFFFFF80] =	vst v0  }
0x4b0: {  	_ =	swait.ge [sflag:s30], $0x2000  }
0x4b1: {  	[sflag:s30] =	ssyncset.done $0x0  }
0x4b2: {  	s31 =	simm.s32 $0xE8B0;
	[sflag:s30] =	ssyncadd.s32 $0xFFFFE000  }
0x4b3: {  	s1 =	simm.s32 $0x68B0;
	v0 =	vld [tilespmem:s31+$0xFFFFFFD0]  }
0x4b4: {  	v1 =	vld [tilespmem:s1+$0xFFFFFFD0];
	_ =	sdelay $0x2  }
0x4b5: {  	v2 =	vld [tilespmem:s1+$0xFFFFFF50]  }
0x4b6: {  	v3 =	vld [tilespmem:s31+$0xFFFFFF50]  }
0x4b7: {  	v0 =	vadd.f32 v1, v0  }
0x4b8: {  	s0 =	simm.s32 $0x168B0  }
0x4b9: {  	[tilespmem:s0+$0xFFFFFFD0] =	vst v0  }
0x4ba: {  	v0 =	vld [tilespmem:s31+$0xFFFFFFE0]  }
0x4bb: {  	v1 =	vadd.f32 v2, v3;
	v2 =	vld [tilespmem:s1+$0xFFFFFFE0];
	_ =	sdelay $0x1  }
0x4bc: {  	[tilespmem:s0+$0xFFFFFF50] =	vst v1  }
0x4bd: {  	v1 =	vld [tilespmem:s31+$0xFFFFFF60]  }
0x4be: {  	v3 =	vld [tilespmem:s1+$0xFFFFFF60]  }
0x4bf: {  	s3 =	simm.s32 $0x69B0;
	v0 =	vadd.f32 v2, v0  }
0x4c0: {  	s2 =	simm.s32 $0xE9B0;
	v4 =	vld [tilespmem:s3+$0xFFFFFFD0]  }
0x4c1: {  	v2 =	vld [tilespmem:s2+$0xFFFFFFD0];
	[tilespmem:s0+$0xFFFFFFE0] =	vst v0  }
0x4c2: {  	v0 =	vld [tilespmem:s31+$0xFFFFFFF0]  }
0x4c3: {  	v1 =	vadd.f32 v3, v1;
	v3 =	vld [tilespmem:s1+$0xFFFFFFF0]  }
0x4c4: {  	v5 =	vld [tilespmem:s3+$0xFFFFFF50]  }
0x4c5: {  	v6 =	vld [tilespmem:s2+$0xFFFFFF50];
	[tilespmem:s0+$0xFFFFFF60] =	vst v1  }
0x4c6: {  	v1 =	vadd.f32 v4, v2;
	v2 =	vld [tilespmem:s31+$0xFFFFFF70]  }
0x4c7: {  	s4 =	simm.s32 $0x169B0;
	v4 =	vld [tilespmem:s1+$0xFFFFFF70]  }
0x4c8: {  	[tilespmem:s4+$0xFFFFFFD0] =	vst v1;
	v0 =	vadd.f32 v3, v0  }
0x4c9: {  	v7 =	vld [tilespmem:s2+$0xFFFFFFE0]  }
0x4ca: {  	v3 =	vadd.f32 v5, v6;
	v5 =	vld [tilespmem:s3+$0xFFFFFFE0];
	[tilespmem:s0+$0xFFFFFFF0] =	vst v0  }
0x4cb: {  	v1 =	vld [tilespmem:s31+$0x0]  }
0x4cc: {  	[tilespmem:s4+$0xFFFFFF50] =	vst v3;
	v0 =	vadd.f32 v4, v2;
	v2 =	vld [tilespmem:s1+$0x0]  }
0x4cd: {  	v3 =	vld [tilespmem:s2+$0xFFFFFF60]  }
0x4ce: {  	s7 =	simm.s32 $0x42;
	v4 =	vld [tilespmem:s3+$0xFFFFFF60];
	[tilespmem:s0+$0xFFFFFF70] =	vst v0  }
0x4cf: {  	s8 =	simm.s32 $0xEAB0;
	s6 =	simm.s32 $0x69B0;
	s5 =	simm.s32 $0x169B0;
	v5 =	vadd.f32 v5, v7;
	v0 =	vld [tilespmem:s31+$0xFFFFFF80]  }
.LBB2_75:
0x4d0: {  	v6 =	vld [tilespmem:s8+$0xFFFFFFD0];
	s3 =	sadd.s32 $0x100, s3;
	s9 =	smov.u32 s2;
	s2 =	smov.u32 s8  }
0x4d1: {  	v7 =	vld [tilespmem:s3+$0xFFFFFFD0];
	[tilespmem:s4+$0xFFFFFFE0] =	vst v5;
	v1 =	vadd.f32 v2, v1  }
0x4d2: {  	v2 =	vld [tilespmem:s9+$0xFFFFFFF0]  }
0x4d3: {  	v3 =	vadd.f32 v4, v3;
	v4 =	vld [tilespmem:s6+$0xFFFFFFF0];
	[tilespmem:s0+$0x0] =	vst v1  }
0x4d4: {  	s7 =	sadd.s32 $0x2, s7;
	v1 =	vld [tilespmem:s3+$0xFFFFFF50]  }
0x4d5: {  	p0 =	slt.u32 s7, $0x7E;
	v5 =	vld [tilespmem:s8+$0xFFFFFF50];
	[tilespmem:s4+$0xFFFFFF60] =	vst v3  }
0x4d6: {  	v3 =	vadd.f32 v7, v6;
	v6 =	vld [tilespmem:s9+$0xFFFFFF70]  }
0x4d7: {  	s4 =	sadd.s32 $0x100, s4;
	v7 =	vld [tilespmem:s6+$0xFFFFFF70]  }
0x4d8: {  	[tilespmem:s4+$0xFFFFFFD0] =	vst v3;
	v2 =	vadd.f32 v4, v2;
	v4 =	vld [tilespmem:s1+$0xFFFFFF80];
	s1 =	smov.u32 s6;
	s6 =	smov.u32 s3  }
0x4d9: {  	v8 =	vld [tilespmem:s8+$0xFFFFFFE0]  }
0x4da: {  	v3 =	vadd.f32 v1, v5;
	v5 =	vld [tilespmem:s3+$0xFFFFFFE0];
	[tilespmem:s5+$0xFFFFFFF0] =	vst v2  }
.Ltmp59:
0x4db: {  	v1 =	vld [tilespmem:s9+$0x0];
	(pc) =	sbr.rel @p0 .LBB2_75-.Ltmp59, $4  }
0x4dc: {  	[tilespmem:s4+$0xFFFFFF50] =	vst v3;
	v6 =	vadd.f32 v7, v6;
	v2 =	vld [tilespmem:s1+$0x0]  }
0x4dd: {  	v3 =	vld [tilespmem:s8+$0xFFFFFF60];
	v7 =	vadd.f32 v4, v0  }
0x4de: {  	v4 =	vld [tilespmem:s3+$0xFFFFFF60];
	[tilespmem:s5+$0xFFFFFF70] =	vst v6  }
0x4df: {  	s8 =	sadd.s32 $0x100, s8;
	v5 =	vadd.f32 v5, v8;
	v0 =	vld [tilespmem:s9+$0xFFFFFF80];
	[tilespmem:s0+$0xFFFFFF80] =	vst v7;
	s0 =	smov.u32 s5;
	s5 =	smov.u32 s4  }
0x4e0: {  	_ =	sdelay $0x2  }
0x4e1: {  	[tilespmem:s4+$0xFFFFFFE0] =	vst v5;
	v3 =	vadd.f32 v4, v3  }
0x4e2: {  	v5 =	vld [tilespmem:s6+$0xFFFFFFF0]  }
0x4e3: {  	v4 =	vld [tilespmem:s2+$0xFFFFFFF0];
	[tilespmem:s4+$0xFFFFFF60] =	vst v3  }
0x4e4: {  	v3 =	vld [tilespmem:s2+$0xFFFFFF70]  }
0x4e5: {  	v6 =	vld [tilespmem:s6+$0xFFFFFF70];
	_ =	sdelay $0x2  }
0x4e6: {  	v4 =	vadd.f32 v5, v4;
	_ =	sdelay $0x1  }
0x4e7: {  	v5 =	vld [tilespmem:s1+$0xFFFFFF80];
	[tilespmem:s5+$0xFFFFFFF0] =	vst v4;
	v3 =	vadd.f32 v6, v3  }
0x4e8: {  	v4 =	vld [tilespmem:s2+$0x0]  }
0x4e9: {  	v6 =	vld [tilespmem:s6+$0x0];
	[tilespmem:s5+$0xFFFFFF70] =	vst v3  }
0x4ea: {  	v3 =	vld [tilespmem:s2+$0xFFFFFF80]  }
0x4eb: {  	v7 =	vld [tilespmem:s6+$0xFFFFFF80];
	_ =	sdelay $0x1  }
0x4ec: {  	v1 =	vadd.f32 v2, v1  }
0x4ed: {  	v0 =	vadd.f32 v5, v0  }
0x4ee: {  	[tilespmem:s0+$0x0] =	vst v1;
	v1 =	vadd.f32 v6, v4  }
0x4ef: {  	[tilespmem:s0+$0xFFFFFF80] =	vst v0;
	v0 =	vadd.f32 v7, v3  }
0x4f0: {  	[tilespmem:s5+$0x0] =	vst v1  }
0x4f1: {  	[tilespmem:s5+$0xFFFFFF80] =	vst v0  }
0x4f2: {  	s28 =	simm.s32 $0x14800;
	s29 =	simm.s32 $0x2;
	s0 =	rddreg [dreg:$0x9]  }
0x4f3: {  	[hbm4b:s0+s24] =	stream.linear.scatter [tilespmem:s28], [sflag:$0x5], $0x4000, $0x38;
	[tilespmem:$0x1C800] =	vst v63  }
0x4f4: {  	_ =	swait.ge [sflag:s29], $0x2000  }
0x4f5: {  	[sflag:s29] =	ssyncset.done $0x0  }
0x4f6: {  	s30 =	simm.s32 $0x6;
	[sflag:s29] =	ssyncadd.s32 $0xFFFFE000  }
0x4f7: {  	_ =	swait.ge [sflag:s30], $0x4000  }
0x4f8: {  	[sflag:s30] =	ssyncset.done $0x0  }
0x4f9: {  	s31 =	simm.s32 $0x10880;
	[sflag:s30] =	ssyncadd.s32 $0xFFFFC000  }
0x4fa: {  	s1 =	simm.s32 $0x88B0;
	v0 =	vld [tilespmem:s31+$0x0]  }
0x4fb: {  	v1 =	vld [tilespmem:s1+$0xFFFFFFD0];
	_ =	sdelay $0x2  }
0x4fc: {  	v2 =	vld [tilespmem:s1+$0xFFFFFF50]  }
0x4fd: {  	v3 =	vld [tilespmem:s31+$0xFFFFFF80]  }
0x4fe: {  	v0 =	vadd.f32 v1, v0  }
0x4ff: {  	s0 =	simm.s32 $0x18880  }
0x500: {  	[tilespmem:s0+$0x0] =	vst v0  }
0x501: {  	v0 =	vld [tilespmem:s31+$0x10]  }
0x502: {  	v1 =	vadd.f32 v2, v3;
	v2 =	vld [tilespmem:s1+$0xFFFFFFE0];
	_ =	sdelay $0x1  }
0x503: {  	[tilespmem:s0+$0xFFFFFF80] =	vst v1  }
0x504: {  	v1 =	vld [tilespmem:s31+$0xFFFFFF90]  }
0x505: {  	v3 =	vld [tilespmem:s1+$0xFFFFFF60]  }
0x506: {  	s3 =	simm.s32 $0x89B0;
	v0 =	vadd.f32 v2, v0  }
0x507: {  	s2 =	simm.s32 $0x10980;
	v4 =	vld [tilespmem:s3+$0xFFFFFFD0]  }
0x508: {  	v2 =	vld [tilespmem:s2+$0x0];
	[tilespmem:s0+$0x10] =	vst v0  }
0x509: {  	v0 =	vld [tilespmem:s31+$0x20]  }
0x50a: {  	v1 =	vadd.f32 v3, v1;
	v3 =	vld [tilespmem:s1+$0xFFFFFFF0]  }
0x50b: {  	v5 =	vld [tilespmem:s3+$0xFFFFFF50]  }
0x50c: {  	v6 =	vld [tilespmem:s2+$0xFFFFFF80];
	[tilespmem:s0+$0xFFFFFF90] =	vst v1  }
0x50d: {  	v1 =	vadd.f32 v4, v2;
	v2 =	vld [tilespmem:s31+$0xFFFFFFA0]  }
0x50e: {  	s4 =	simm.s32 $0x18980;
	v4 =	vld [tilespmem:s1+$0xFFFFFF70]  }
0x50f: {  	[tilespmem:s4+$0x0] =	vst v1;
	v0 =	vadd.f32 v3, v0  }
0x510: {  	v7 =	vld [tilespmem:s2+$0x10]  }
0x511: {  	v3 =	vadd.f32 v5, v6;
	v5 =	vld [tilespmem:s3+$0xFFFFFFE0];
	[tilespmem:s0+$0x20] =	vst v0  }
0x512: {  	v1 =	vld [tilespmem:s31+$0x30]  }
0x513: {  	[tilespmem:s4+$0xFFFFFF80] =	vst v3;
	v0 =	vadd.f32 v4, v2;
	v2 =	vld [tilespmem:s1+$0x0]  }
0x514: {  	v3 =	vld [tilespmem:s2+$0xFFFFFF90]  }
0x515: {  	s7 =	simm.s32 $0x2;
	v4 =	vld [tilespmem:s3+$0xFFFFFF60];
	[tilespmem:s0+$0xFFFFFFA0] =	vst v0  }
0x516: {  	s8 =	simm.s32 $0x10A80;
	s6 =	simm.s32 $0x89B0;
	s5 =	simm.s32 $0x18980;
	v5 =	vadd.f32 v5, v7;
	v0 =	vld [tilespmem:s31+$0xFFFFFFB0]  }
.LBB2_77:
0x517: {  	v6 =	vld [tilespmem:s8+$0x0];
	s3 =	sadd.s32 $0x100, s3;
	s9 =	smov.u32 s2;
	s2 =	smov.u32 s8  }
0x518: {  	v7 =	vld [tilespmem:s3+$0xFFFFFFD0];
	[tilespmem:s4+$0x10] =	vst v5;
	v1 =	vadd.f32 v2, v1  }
0x519: {  	v2 =	vld [tilespmem:s9+$0x20]  }
0x51a: {  	v3 =	vadd.f32 v4, v3;
	v4 =	vld [tilespmem:s6+$0xFFFFFFF0];
	[tilespmem:s0+$0x30] =	vst v1  }
0x51b: {  	s7 =	sadd.s32 $0x2, s7;
	v1 =	vld [tilespmem:s3+$0xFFFFFF50]  }
0x51c: {  	p0 =	slt.u32 s7, $0x3E;
	v5 =	vld [tilespmem:s8+$0xFFFFFF80];
	[tilespmem:s4+$0xFFFFFF90] =	vst v3  }
0x51d: {  	v3 =	vadd.f32 v7, v6;
	v6 =	vld [tilespmem:s9+$0xFFFFFFA0]  }
0x51e: {  	s4 =	sadd.s32 $0x100, s4;
	v7 =	vld [tilespmem:s6+$0xFFFFFF70]  }
0x51f: {  	[tilespmem:s4+$0x0] =	vst v3;
	v2 =	vadd.f32 v4, v2;
	v4 =	vld [tilespmem:s1+$0xFFFFFF80];
	s1 =	smov.u32 s6;
	s6 =	smov.u32 s3  }
0x520: {  	v8 =	vld [tilespmem:s8+$0x10]  }
0x521: {  	v3 =	vadd.f32 v1, v5;
	v5 =	vld [tilespmem:s3+$0xFFFFFFE0];
	[tilespmem:s5+$0x20] =	vst v2  }
.Ltmp60:
0x522: {  	v1 =	vld [tilespmem:s9+$0x30];
	(pc) =	sbr.rel @p0 .LBB2_77-.Ltmp60, $4  }
0x523: {  	[tilespmem:s4+$0xFFFFFF80] =	vst v3;
	v6 =	vadd.f32 v7, v6;
	v2 =	vld [tilespmem:s1+$0x0]  }
0x524: {  	v3 =	vld [tilespmem:s8+$0xFFFFFF90];
	v7 =	vadd.f32 v4, v0  }
0x525: {  	v4 =	vld [tilespmem:s3+$0xFFFFFF60];
	[tilespmem:s5+$0xFFFFFFA0] =	vst v6  }
0x526: {  	s8 =	sadd.s32 $0x100, s8;
	v5 =	vadd.f32 v5, v8;
	v0 =	vld [tilespmem:s9+$0xFFFFFFB0];
	[tilespmem:s0+$0xFFFFFFB0] =	vst v7;
	s0 =	smov.u32 s5;
	s5 =	smov.u32 s4  }
0x527: {  	_ =	sdelay $0x2  }
0x528: {  	[tilespmem:s4+$0x10] =	vst v5;
	v3 =	vadd.f32 v4, v3  }
0x529: {  	v5 =	vld [tilespmem:s6+$0xFFFFFFF0]  }
0x52a: {  	v4 =	vld [tilespmem:s2+$0x20];
	[tilespmem:s4+$0xFFFFFF90] =	vst v3  }
0x52b: {  	v3 =	vld [tilespmem:s2+$0xFFFFFFA0]  }
0x52c: {  	v6 =	vld [tilespmem:s6+$0xFFFFFF70];
	_ =	sdelay $0x2  }
0x52d: {  	v4 =	vadd.f32 v5, v4;
	_ =	sdelay $0x1  }
0x52e: {  	v5 =	vld [tilespmem:s1+$0xFFFFFF80];
	[tilespmem:s5+$0x20] =	vst v4;
	v3 =	vadd.f32 v6, v3  }
0x52f: {  	v4 =	vld [tilespmem:s2+$0x30]  }
0x530: {  	v6 =	vld [tilespmem:s6+$0x0];
	[tilespmem:s5+$0xFFFFFFA0] =	vst v3  }
0x531: {  	v3 =	vld [tilespmem:s2+$0xFFFFFFB0]  }
0x532: {  	v7 =	vld [tilespmem:s6+$0xFFFFFF80];
	_ =	sdelay $0x1  }
0x533: {  	v1 =	vadd.f32 v2, v1  }
0x534: {  	v0 =	vadd.f32 v5, v0  }
0x535: {  	[tilespmem:s0+$0x30] =	vst v1;
	v1 =	vadd.f32 v6, v4  }
0x536: {  	[tilespmem:s0+$0xFFFFFFB0] =	vst v0;
	v0 =	vadd.f32 v7, v3  }
0x537: {  	[tilespmem:s5+$0x30] =	vst v1  }
0x538: {  	s31 =	simm.s32 $0x4;
	[tilespmem:s5+$0xFFFFFFB0] =	vst v0  }
0x539: {  	_ =	swait.ge [sflag:s31], $0x2000  }
0x53a: {  	[sflag:s31] =	ssyncset.done $0x0  }
0x53b: {  	s0 =	simm.s32 $0x0;
	[sflag:s31] =	ssyncadd.s32 $0xFFFFE000  }
0x53c: {  	v0 =	vld [tilespmem:s0+$0x128B0]  }
0x53d: {  	v1 =	vld [tilespmem:s0+$0xA8B0]  }
0x53e: {  	v2 =	vld [tilespmem:s0+$0x12800]  }
0x53f: {  	v3 =	vld [tilespmem:s0+$0xA800]  }
0x540: {  	v4 =	vld [tilespmem:s0+$0x12810]  }
0x541: {  	v5 =	vld [tilespmem:s0+$0xA810]  }
0x542: {  	v6 =	vld [tilespmem:s0+$0x12820]  }
0x543: {  	v0 =	vadd.f32 v1, v0;
	v1 =	vld [tilespmem:s0+$0xA820]  }
0x544: {  	v7 =	vld [tilespmem:s0+$0x12830]  }
0x545: {  	v8 =	vld [tilespmem:s0+$0xA830]  }
0x546: {  	v3 =	vadd.f32 v3, v2;
	v2 =	vld [tilespmem:s0+$0xA880]  }
0x547: {  	v4 =	vadd.f32 v5, v4;
	[tilespmem:s0+$0x1A8B0] =	vst v0;
	v0 =	vld [tilespmem:s0+$0x12880]  }
0x548: {  	[tilespmem:s0+$0x1A800] =	vst v3;
	v3 =	vld [tilespmem:s0+$0xA890];
	v5 =	vadd.f32 v1, v6  }
0x549: {  	[tilespmem:s0+$0x1A810] =	vst v4;
	v1 =	vld [tilespmem:s0+$0x12890]  }
0x54a: {  	s1 =	simm.s32 $0x40;
	s2 =	simm.s32 $0x400;
	v4 =	vld [tilespmem:s0+$0x128A0];
	[tilespmem:s0+$0x1A820] =	vst v5;
	v5 =	vadd.f32 v8, v7  }
.LBB2_79:
0x54b: {  	s3 =	sshra.s32 s2, $0x2;
	v6 =	vld [tilespmem:s0+$0xA8A0]  }
0x54c: {  	s1 =	sadd.s32 $0x2, s1;
	v7 =	vld [tilespmem:s3+$0x128B0];
	[tilespmem:s0+$0x1A830] =	vst v5;
	v0 =	vadd.f32 v2, v0  }
0x54d: {  	p0 =	slt.u32 s1, $0x7E;
	v2 =	vld [tilespmem:s3+$0xA8B0]  }
0x54e: {  	v5 =	vld [tilespmem:s3+$0x12800];
	[tilespmem:s0+$0x1A880] =	vst v0;
	v0 =	vadd.f32 v3, v1  }
0x54f: {  	v1 =	vld [tilespmem:s3+$0xA800]  }
0x550: {  	v3 =	vld [tilespmem:s3+$0x12810];
	[tilespmem:s0+$0x1A890] =	vst v0;
	v0 =	vadd.f32 v6, v4  }
0x551: {  	v4 =	vld [tilespmem:s3+$0xA810]  }
0x552: {  	v6 =	vld [tilespmem:s3+$0x12820];
	v2 =	vadd.f32 v2, v7;
	[tilespmem:s0+$0x1A8A0] =	vst v0;
	s0 =	smov.u32 s3  }
0x553: {  	v7 =	vld [tilespmem:s0+$0xA820]  }
0x554: {  	v0 =	vadd.f32 v1, v5;
	v5 =	vld [tilespmem:s0+$0x12830];
	[tilespmem:s0+$0x1A8B0] =	vst v2  }
0x555: {  	v8 =	vld [tilespmem:s0+$0xA830]  }
.Ltmp61:
0x556: {  	[tilespmem:s0+$0x1A800] =	vst v0;
	v1 =	vadd.f32 v4, v3;
	v0 =	vld [tilespmem:s0+$0x12880];
	(pc) =	sbr.rel @p0 .LBB2_79-.Ltmp61, $4  }
0x557: {  	v2 =	vld [tilespmem:s0+$0xA880]  }
0x558: {  	[tilespmem:s0+$0x1A810] =	vst v1;
	v4 =	vadd.f32 v7, v6;
	v1 =	vld [tilespmem:s0+$0x12890]  }
0x559: {  	v3 =	vld [tilespmem:s0+$0xA890]  }
0x55a: {  	s2 =	sadd.s32 $0x400, s2;
	[tilespmem:s0+$0x1A820] =	vst v4;
	v5 =	vadd.f32 v8, v5;
	v4 =	vld [tilespmem:s0+$0x128A0]  }
0x55b: {  	v6 =	vld [tilespmem:s0+$0xA8A0];
	_ =	sdelay $0x2  }
0x55c: {  	v0 =	vadd.f32 v2, v0  }
0x55d: {  	[tilespmem:s0+$0x1A830] =	vst v5;
	v1 =	vadd.f32 v3, v1  }
0x55e: {  	[tilespmem:s0+$0x1A880] =	vst v0;
	v63 =	vadd.f32 v6, v4  }
0x55f: {  	[tilespmem:s0+$0x1A890] =	vst v1  }
0x560: {  	[tilespmem:s0+$0x1A8A0] =	vst v63  }
0x561: {  	s1 =	simm.s32 $0x18800;
	s29 =	simm.s32 $0x5;
	s0 =	rddreg [dreg:$0xa]  }
0x562: {  	[hbm4b:s0+s24] =	stream.linear.scatter [tilespmem:s1], [sflag:$0x6], $0x4000, $0x38;
	[tilespmem:$0x1C800] =	vst v63  }
0x563: {  	_ =	swait.ge [sflag:s29], $0x4000  }
0x564: {  	[sflag:s29] =	ssyncset.done $0x0  }
0x565: {  	s30 =	simm.s32 $0x6;
	[sflag:s29] =	ssyncadd.s32 $0xFFFFC000  }
0x566: {  	_ =	swait.ge [sflag:s30], $0x4000  }
0x567: {  	s2 =	rddreg [dreg:$0xc]  }
0x568: {  	s31 =	rddreg [dreg:$0xb];
	s2 =	sadd.s32 $0x1, s2  }
0x569: {  	p0 =	sne.s32 s2, s31  }
.Ltmp62:
0x56a: {  	_ = 	snop;
	(pc) =	sbr.rel @p0 .LBB2_1-.Ltmp62, $3  }
0x56b: {  	_ =	sdelay $0x1  }
0x56c: {  	[sflag:s30] =	ssyncset.done $0x0  }
0x56d: {  	[sflag:s30] =	ssyncadd.s32 $0xFFFFC000  }
0x56e: {  	_ =	sfence.sel $0x180000  }
0x56f: {  	[bflag:$0x0] =	sbarrier.arrive $0xFFFF  }
0x570: {  	_ =	strace $0x90000047  }
0x571: {  	s0 =	stileid.u32;
	[bflag:$0x2] =	sbarrier.arrive $0xFFFF  }
0x572: {  	p0 =	sne.s32 s0, $0x0;
	s0 =	rddreg [dreg:$0x1]  }
0x573: {  	s0 =	sadd.s32 @!p0 $0x100000, s0  }
0x574: {  	[sflag:s0] =	ssyncadd.tile.s32 @!p0 $0x1;
	_ =	shalt  }
.Lfunc_end2:
_tile_overlayer_lowered:
.L_overlay_start_2:
0x575: {  	(tag) =	ssettag $0x2  }
0x576: {  	s0 =	rddreg [dreg:$0x0];
	s2 =	stileid.u32  }
0x577: {  	s1 =	rddreg [dreg:$0x1];
	p0 =	sne.s32 s2, $0x0  }
0x578: {  	s3 =	rddreg [dreg:$0x2];
	[bflag:$0x3] =	sbarrier.arrive $0xFFFF;
	s2 =	simm.s32 @!p0 $0x1C07  }
0x579: {  	[timem:s3], [sflag:s2] =	dma.local @!p0 [hbm:s0], s1  }
0x57a: {  	s0 =	simm.s32 @!p0 $0x7  }
0x57b: {  	_ =	swait.ge @!p0 [sflag:s0], s1  }
0x57c: {  	s1 =	ssub.s32 @!p0 $0x0, s1;
	[sflag:s0] =	ssyncset.done @!p0 $0x0  }
0x57d: {  	[sflag:s0] =	ssyncadd.s32 @!p0 s1  }
0x57e: {  	[bflag:$0x3] =	sbarrier.arrive $0xFFFF  }
0x57f: {  	_ =	shalt  }

// kernel: sparse-core-data-format-call.cloned.1.call-start
scs
called_computation_lowered:
.L_overlay_start_0:
0x0: {  	s2 =	sld [smem:$0x3FD9]  }
0x1: {  	s3 =	sld [smem:$0x3FFE];
	_ =	sdelay $0x1  }
0x2: {  	s1 =	srdreg.scid  }
0x3: {  	s0 =	sand.u32 $0x1, s1  }
0x4: {  	s18 =	sshll.u32 s0, $0xA;
	s2 =	sadd.s32 s3, s2  }
0x5: {  	s2 =	sadd.s32 s2, s18  }
0x6: {  	[smem:$0x3FC5] =	sst s2  }
0x7: {  	_ = 	snop  }
0x8: {  	s2 =	sld [smem:$0x3FD0];
	(tm) =	ssettm $0x1  }
0x9: {  	s19 =	sld [smem:$0x3FFB];
	_ =	sdelay $0x3  }
0xa: {  	_ =	strace s19  }
0xb: {  	s3 =	sld [smem:$0x3FFC];
	_ =	sdelay $0x3  }
0xc: {  	_ =	strace s3  }
0xd: {  	s3 =	sld [smem:$0x3FFD];
	_ =	sdelay $0x3  }
0xe: {  	_ =	strace s3  }
0xf: {  	_ =	strace $0x8FFFFFFF  }
0x10: {  	s20 =	sld [smem:$0x3FDB];
	_ =	sdelay $0x1  }
0x11: {  	s4 =	simm.s32 $_scs_section_size  }
0x12: {  	s5 =	simm.s32 $_size__tile_overlayer_lowered;
	s6 =	simm.s32 $_tile_overlayer_lowered  }
0x13: {  	s23 =	simm.s32 $0x1BFF;
	s22 =	sshll.u32 s6, $0x1;
	s3 =	sadd.s32 s4, s20  }
0x14: {  	s7 =	simm.s32 $0x0;
	s21 =	sshll.u32 s5, $0x1;
	s5 =	sadd.s32 s22, s3  }
0x15: {  	[timem:s7], [sflag:s23] =	dma.local [hbm:s5], s21  }
0x16: {  	_ =	swait.ge [sflag:s23], s21  }
0x17: {  	s4 =	ssub.s32 $0x0, s21;
	[sflag:s23] =	ssyncset.done $0x0  }
0x18: {  	[sflag:s23] =	ssyncadd.s32 s4;
	_ =	sdelay $0x1  }
0x19: {  	s24 =	simm.s32 $0x1B8B  }
0x1a: {  	_ =	swait.ge [sflag:s24], $0x1  }
0x1b: {  	[sflag:s24] =	ssyncset.done $0x0  }
0x1c: {  	s26 =	simm.s32 $0x1B8E;
	s25 =	sld [smem:$0x3FFE];
	[sflag:s24] =	ssyncadd.s32 $0xFFFFFFFF  }
0x1d: {  	s27 =	simm.s32 $execute0_lowered;
	[smem:$0x3FD2] =	sst s26  }
0x1e: {  	s5 =	sshll.u32 s27, $0x1;
	_ =	strace $0x80000049;
	[dreg:$0x1] =	wrdreg $0xFFFFFFFF  }
0x1f: {  	s28 =	simm.s32 $_size_execute0_lowered;
	s3 =	sadd.s32 s3, s5;
	[dreg:$0x0] =	wrdreg $0x0  }
0x20: {  	s5 =	sshll.u32 s28, $0x1;
	[dreg:$0x2] =	wrdreg s3  }
0x21: {  	[dreg:$0x3] =	wrdreg s5  }
0x22: {  	[dreg:$0x4] =	wrdreg $0xC0  }
0x23: {  	_ =	task [dreg:s7], $0x5FFFF  }
0x24: {  	[dreg:$0x1] =	wrdreg $0xFFFFFFFF  }
0x25: {  	[dreg:$0x0] =	wrdreg $0x60  }
0x26: {  	[dreg:$0x2] =	wrdreg s25  }
0x27: {  	[dreg:$0x3] =	wrdreg s2  }
0x28: {  	[dreg:$0x4] =	wrdreg $0x9  }
0x29: {  	_ =	task.clear_ibuf [dreg:s7], $0x5FFFF;
	_ =	strace $0x90000049  }
0x2a: {  	s29 =	simm.s32 $0x9;
	_ =	strace $0x8000004B  }
0x2b: {  	_ =	swait.ge [sflag:s29], $0x1  }
0x2c: {  	[sflag:s29] =	ssyncadd.s32 $0xFFFFFFFF  }
0x2d: {  	_ =	strace $0x9000004B  }
0x2e: {  	_ =	sfence  }
0x2f: {  	s30 =	sld [smem:$0x0];
	_ =	sdelay $0x2  }
0x30: {  	s31 =	sshll.u32 s1, $0xD;
	s1 =	sshrl.u32 s1, $0x2  }
0x31: {  	s3 =	sand.u32 $0x4000, s31;
	s1 =	sadd.s32 s1, s30  }
0x32: {  	s0 =	sor.u32 s3, s0;
	s1 =	sshll.u32 s1, $0x11  }
0x33: {  	s0 =	sor.u32 s1, s0  }
0x34: {  	s0 =	sadd.s32 $0x8F2B, s0  }
0x35: {  	[sflag:s0] =	ssyncadd.remote.s32 $0x1  }
0x36: {  	_ =	sfence.sel $0xFFFF  }
0x37: {  	[dreg:$0x0] =	wrdreg $0xFFFFFFFF;
	(pc) =	sbr.abs _section_cstart, $3  }
0x38: {  	[dreg:$0x1] =	wrdreg $0xFFFFFFFF  }
0x39: {  	_ =	task.clear_ibuf [dreg:s7], $0x2FFFF;
	_ =	strace $0x9FFFFFFF  }
0x3a: {  	(tm) =	ssettm $0x7FFFFFFF  }
0x3b: {  	_ =	shalt  }
tec
execute0_lowered:
.L_overlay_start_1:
0x0: {  	(tag) =	ssettag $0x1  }
0x1: {  	s0 =	srdreg.scid  }
0x2: {  	s1 =	sshll.u32 s0, $0x4  }
0x3: {  	s0 =	stileid.u32;
	s1 =	sand.u32 $0x10, s1  }
0x4: {  	s1 =	sor.u32 s0, s1  }
0x5: {  	s6 =	rddreg [dreg:$0x0];
	s4 =	simm.s32 $0x1;
	s2 =	sshll.u32 s1, $0x7  }
0x6: {  	s7 =	simm.s32 $0x2;
	s12 =	simm.s32 $0x0;
	s1 =	ssub.s32 $0x1000, s2  }
0x7: {  	s8 =	simm.s32 $0x8000;
	s13 =	simm.s32 $0x0;
	s3 =	sand.u32 $0xF80, s1  }
0x8: {  	s9 =	simm.s32 $0x0;
	s5 =	sshrl.u32 s1, $0xC;
	p0 =	sne.s32 s3, $0x0  }
.Ltmp0:
0x9: {  	s1 =	rddreg [dreg:$0x2];
	s4 =	simm.s32 @!p0 $0x0;
	(pc) =	sbr.rel .LBB1_1-.Ltmp0, $4  }
0xa: {  	s11 =	simm.s32 $0x0;
	s3 =	rddreg [dreg:$0x1];
	s5 =	sadd.s32 s4, s5  }
0xb: {  	_ =	strace $0x8000004A;
	s4 =	simm.s32 $0x1;
	s5 =	smul.u32 $0xC8, s5  }
0xc: {  	s6 =	sadd.s32 $0x1A1000, s6;
	s10 =	smov.u32 s2;
	[sflag:s4] =	ssyncpa.u1 $0x0  }
0xd: {  	p0 =	por $0x0, $0x0;
	[sflag:s7] =	ssyncpa.u1 $0x0;
	s7 =	sor.u32 $0x1, s5  }
.LBB1_4:
0xe: {  	s16 =	sshll.u32 s13, $0x3;
	s17 =	sand.u32 $0x78, s13  }
0xf: {  	s30 =	sand.u32 $0x7E00, s13;
	s12 =	sshll.u32 s12, $0xF;
	s16 =	sand.u32 $0xC00, s16  }
0x10: {  	[tilespmem:s15+$0x810 ss:$0x81] =	vst.msk $0xffff, v2;
	s31 =	sand.u32 $0x7, s13;
	s16 =	sor.u32 s17, s16;
	s17 =	sadd.s32 s3, s30  }
0x11: {  	[tilespmem:s15+$0x1020 ss:$0x81] =	vst.msk $0xffff, v0;
	s13 =	sshll.u32 s31, $0x12;
	s12 =	sadd.s32 s12, s17;
	s16 =	sshrl.u32 s16, $0x3  }
0x12: {  	[tilespmem:s15+$0x0 ss:$0x81] =	vst.msk $0xffff, v1;
	s13 =	sor.u32 $0x400, s13;
	s12 =	sadd.s32 s16, s12  }
0x13: {  	[hbm4b:s12+s13] =	stream.strided.scatter [tilespmem:s14], [sflag:$0x2], $0x2000, s8, s13, $0x20;
	[tilespmem:$0x8080] =	vst v63  }
.LBB1_5:
0x14: {  	s14 =	sadd.s32 $0x1, s9  }
0x15: {  	s12 =	sadd.s32 $0x1000, s10;
	s16 =	smov.u32 s10;
	p2 =	sgt.s32 s14, $0xC7  }
0x16: {  	s16 =	smov.u32 @p2 s12  }
0x17: {  	s14 =	simm.s32 @p2 $0x0;
	p2 =	sgt.s32 s16, $0xFFF  }
0x18: {  	s16 =	smov.u32 @p2 s2;
	p2 =	sne.s32 s11, s7  }
.Ltmp1:
0x19: {  	p1 =	slt.u32 s11, $0x2;
	(pc) =	sbr.rel @!p2 .LBB1_6-.Ltmp1, $4  }
0x1a: {  	s15 =	simm.s32 @!p1 $0x2  }
0x1b: {  	s13 =	smov.u32 s10;
	p0 =	por !p0, !p0;
	_ =	swait.ge @!p1 [sflag:s15], $0x2000  }
0x1c: {  	s12 =	smov.u32 s9;
	[sflag:s15] =	ssyncset.done @!p1 $0x0;
	s9 =	smov.u32 s14  }
0x1d: {  	s11 =	sadd.s32 $0x1, s11;
	[sflag:s15] =	ssyncadd.s32 @!p1 $0xFFFFE000;
	s10 =	smov.u32 s16  }
.LBB1_1:
0x1e: {  	p1 =	sge.u32 s11, s5  }
0x1f: {  	s14 =	sand.u32 @!p1 $0x1FFFFFF, s9  }
0x20: {  	s15 =	smulhi.u32 @!p1 $0x147AE15, s14;
	_ =	sdelay $0x1  }
0x21: {  	s15 =	smul.u32 @!p1 $0xC8, s15  }
0x22: {  	s16 =	sxor.u32 @!p1 $0xFFFFFFFF, s11;
	s17 =	smul.u32 @!p1 $0xC80, s10  }
0x23: {  	s31 =	sadd.s32 $0xFFFFFFFF, s11;
	s16 =	sshll.u32 @!p1 s16, $0xD;
	s14 =	ssub.s32 @!p1 s14, s15  }
0x24: {  	s15 =	sand.u32 @!p1 $0x2000, s16;
	s16 =	sadd.s32 @!p1 s6, s17;
	s14 =	sshll.u32 @!p1 s14, $0x4  }
0x25: {  	s17 =	simm.s32 @!p1 $0x6400;
	s14 =	sadd.s32 @!p1 s14, s16;
	s16 =	simm.s32 @!p1 $0x40  }
0x26: {  	[tilespmem:s15], [sflag:$0x1] =	stream.strided.gather @!p1 [hbm4b:s14+s16], $0x2000, s17, s16, $0x38;
	[tilespmem:$0x8080] =	vst v63  }
0x27: {  	p1 =	sge.u32 s31, s5  }
.Ltmp2:
0x28: {  	_ = 	snop;
	(pc) =	sbr.rel @p1 .LBB1_5-.Ltmp2, $1  }
0x29: {  	_ =	sdelay $0x3  }
0x2a: {  	s14 =	simm.s32 $0x1  }
0x2b: {  	_ =	swait.ge [sflag:s4], $0x2000;
	s14 =	simm.s32 @!p0 $0x0  }
0x2c: {  	[sflag:s4] =	ssyncset.done $0x0;
	s15 =	sshll.u32 s14, $0xD  }
0x2d: {  	[sflag:s4] =	ssyncadd.s32 $0xFFFFE000;
	s18 =	sor.u32 $0x20, s15  }
0x2e: {  	s14 =	smul.u32 $0x8100, s14;
	v3 =	vld [tilespmem:s18+$0x10]  }
0x2f: {  	s30 =	sand.u32 $0x1, s11;
	v2 =	vld [tilespmem:s18+$0xFFFFFFF0]  }
0x30: {  	s15 =	smul.u32 $0x8100, s30;
	s14 =	sshrl.u32 s14, $0x2;
	v0 =	vld [tilespmem:s18+$0x0]  }
0x31: {  	v1 =	vld [tilespmem:s18+$0xFFFFFFE0];
	s16 =	sor.u32 $0x4000, s14  }
0x32: {  	s31 =	sshrl.u32 s15, $0x2;
	s15 =	sadd.s32 $0x0, s16  }
0x33: {  	s17 =	simm.s32 $0x4;
	s18 =	sadd.s32 $0x40, s18;
	s14 =	sor.u32 $0x4000, s31;
	[tilespmem:s15+$0x1830 ss:$0x81] =	vst.msk $0xffff, v3  }
.LBB1_3:
0x34: {  	v3 =	vld [tilespmem:s18+$0x10];
	p1 =	sne.s32 s17, $0x1FC;
	[tilespmem:s15+$0x810 ss:$0x81] =	vst.msk $0xffff, v2;
	s19 =	smov.u32 s17;
	s17 =	sadd.s32 $0x4, s17  }
.Ltmp3:
0x35: {  	v2 =	vld [tilespmem:s18+$0xFFFFFFF0];
	[tilespmem:s15+$0x1020 ss:$0x81] =	vst.msk $0xffff, v0;
	(pc) =	sbr.rel @p1 .LBB1_3-.Ltmp3, $4  }
0x36: {  	v0 =	vld [tilespmem:s18+$0x0];
	[tilespmem:s15+$0x0 ss:$0x81] =	vst.msk $0xffff, v1  }
0x37: {  	s15 =	sshra.s32 s19, $0x2;
	v1 =	vld [tilespmem:s18+$0xFFFFFFE0]  }
0x38: {  	s15 =	sadd.s32 s15, s16  }
0x39: {  	s18 =	sadd.s32 $0x40, s18;
	[tilespmem:s15+$0x1830 ss:$0x81] =	vst.msk $0xffff, v3  }
.Ltmp4:
0x3a: {  	_ = 	snop;
	(pc) =	sbr.rel .LBB1_4-.Ltmp4, $1  }
0x3b: {  	_ =	sdelay $0x3  }
.LBB1_6:
0x3c: {  	_ =	sfence.sel $0x180000  }
0x3d: {  	s2 =	simm.s32 $0x1;
	[bflag:$0x0] =	sbarrier.arrive $0xFFFF  }
0x3e: {  	s31 =	simm.s32 $0x2;
	[sflag:s2] =	ssyncpa.u1 $0x1  }
0x3f: {  	[sflag:s31] =	ssyncpa.u1 $0x1  }
0x40: {  	p0 =	sne.s32 s0, $0x0;
	_ =	strace $0x9000004A  }
0x41: {  	s0 =	sadd.s32 @!p0 $0x100000, s1;
	[bflag:$0x2] =	sbarrier.arrive $0xFFFF  }
0x42: {  	[sflag:s0] =	ssyncadd.tile.s32 @!p0 $0x1;
	_ =	shalt  }
.Lfunc_end1:
_tile_overlayer_lowered:
.L_overlay_start_2:
0x43: {  	(tag) =	ssettag $0x2  }
0x44: {  	s0 =	rddreg [dreg:$0x0];
	s2 =	stileid.u32  }
0x45: {  	s1 =	rddreg [dreg:$0x1];
	p0 =	sne.s32 s2, $0x0  }
0x46: {  	s3 =	rddreg [dreg:$0x2];
	[bflag:$0x3] =	sbarrier.arrive $0xFFFF;
	s2 =	simm.s32 @!p0 $0x1C01  }
0x47: {  	[timem:s3], [sflag:s2] =	dma.local @!p0 [hbm:s0], s1  }
0x48: {  	s0 =	simm.s32 @!p0 $0x1  }
0x49: {  	_ =	swait.ge @!p0 [sflag:s0], s1  }
0x4a: {  	s1 =	ssub.s32 @!p0 $0x0, s1;
	[sflag:s0] =	ssyncset.done @!p0 $0x0  }
0x4b: {  	[sflag:s0] =	ssyncadd.s32 @!p0 s1  }
0x4c: {  	[bflag:$0x3] =	sbarrier.arrive $0xFFFF  }
0x4d: {  	_ =	shalt  }

</sc_bundles>
